<compile_context>
chip_gen: v7x
topology: tpu7x:2x2x1
jax: 0.10.2.dev20260603
libtpu: 0.0.44.dev20260713+nightly
codegen_flags: <defaults>
</compile_context>

<pallas_src>
import functools

import jax
import jax.numpy as jnp
from jax import lax
from jax.experimental import pallas as pl
from jax.experimental.pallas import tpu as pltpu
from jax.experimental.pallas import tpu_sc as plsc

N = 10000
E = 160000
D = 256
H = D // 2
GROUPS = 4
GSZ = D // GROUPS
ROWS_BLK = 400
NBLK = N // ROWS_BLK
RB_PRE = 1000
NBLK_PRE = N // RB_PRE
CHUNK = 64
N_SUBCORES = 16
ROWS_PER_SUB = 640
N_ACC = ROWS_PER_SUB * N_SUBCORES
NBUF = 5
NROUND = 32
CHUNKS_PER_SUB = NBUF * NROUND
E_PAD = CHUNK * N_SUBCORES * CHUNKS_PER_SUB


def _tcpre_body(nb_ref, x_ref, w_ref, gm_ref, gbb_ref, bbb_ref, grel_ref,
                brel_ref, o_ref):
    i = pl.program_id(0)
    x = x_ref[...]
    gm = gm_ref[...]
    m = jnp.dot(x, gm, preferred_element_type=jnp.float32)
    ex2 = jnp.dot(x * x, gm, preferred_element_type=jnp.float32)
    xn = (x - m) * lax.rsqrt(ex2 - m * m + 1e-5)
    rows = RB_PRE * i + lax.broadcasted_iota(jnp.int32, (RB_PRE, 1), 0)
    is_bb = rows < nb_ref[0, 0]
    gamma = jnp.where(is_bb, gbb_ref[...], grel_ref[...])
    beta = jnp.where(is_bb, bbb_ref[...], brel_ref[...])
    xa = jnp.maximum(xn * gamma + beta, 0.0)
    o = jnp.dot(xa, w_ref[...], preferred_element_type=jnp.float32)
    o_ref[0] = o[:, :H]
    o_ref[1] = o[:, H:]


def _tc_support(nb, x, w, gm, gbb, bbb, grel, brel):
    return pl.pallas_call(
        _tcpre_body,
        grid=(NBLK_PRE,),
        in_specs=[
            pl.BlockSpec(memory_space=pltpu.SMEM),
            pl.BlockSpec((RB_PRE, D), lambda i: (i, 0)),
            pl.BlockSpec((D, D), lambda i: (0, 0)),
            pl.BlockSpec((D, D), lambda i: (0, 0)),
            pl.BlockSpec((1, D), lambda i: (0, 0)),
            pl.BlockSpec((1, D), lambda i: (0, 0)),
            pl.BlockSpec((1, D), lambda i: (0, 0)),
            pl.BlockSpec((1, D), lambda i: (0, 0)),
        ],
        out_specs=pl.BlockSpec((2, RB_PRE, H), lambda i: (0, i, 0)),
        out_shape=jax.ShapeDtypeStruct((2, N, H), jnp.float32),
    )(nb, x, w, gm, gbb, bbb, grel, brel)


def _sc_body(sup_hbm, col2_hbm, row_hbm, zeros_hbm, out_hbm,
             colv, rowv, gbuf, acc, semi, semg, sems):
    c = lax.axis_index("c")
    s = lax.axis_index("s")
    base = ROWS_PER_SUB * s
    pltpu.sync_copy(zeros_hbm, acc.at[pl.ds(base, ROWS_PER_SUB)])
    plsc.subcore_barrier()

    def start_idx(k, slot):
        off = CHUNK * (s + N_SUBCORES * k)
        pltpu.async_copy(col2_hbm.at[c, pl.ds(off, CHUNK)], colv.at[slot],
                         semi.at[slot])
        pltpu.async_copy(row_hbm.at[pl.ds(off, CHUNK)], rowv.at[slot],
                         semi.at[slot])

    def wait_idx(slot):
        pltpu.make_async_copy(col2_hbm.at[c, pl.ds(0, CHUNK)], colv.at[slot],
                              semi.at[slot]).wait()
        pltpu.make_async_copy(row_hbm.at[pl.ds(0, CHUNK)], rowv.at[slot],
                              semi.at[slot]).wait()

    def start_gather(b, slot):
        pltpu.async_copy(sup_hbm.at[colv.at[slot]], gbuf.at[b], semg.at[b])

    def wait_gather(b):
        pltpu.make_async_copy(sup_hbm.at[pl.ds(0, CHUNK)], gbuf.at[b],
                              semg.at[b]).wait()

    def start_scatter(b, slot):
        pltpu.async_copy(gbuf.at[b], acc.at[rowv.at[slot]], sems.at[b],
                         add=True)

    def wait_scatter(b):
        pltpu.make_async_copy(sup_hbm.at[pl.ds(0, CHUNK)], gbuf.at[b],
                              sems.at[b]).wait()

    def emit_round(g, g2, parity):
        pslot = parity * NBUF
        nslot = (1 - parity) * NBUF
        for b in range(NBUF):
            if parity == 0:
                @pl.when(g2 > 0)
                def _():
                    wait_scatter(b)
            else:
                wait_scatter(b)
            wait_idx(pslot + b)
            start_gather(b, pslot + b)
        if parity == 0:
            @pl.when(g2 > 0)
            def _():
                for b in range(NBUF):
                    start_idx((g + 1) * NBUF + b, nslot + b)
        else:
            @pl.when(g2 < NROUND // 2 - 1)
            def _():
                for b in range(NBUF):
                    start_idx((g + 1) * NBUF + b, nslot + b)
        for b in range(NBUF):
            wait_gather(b)
            start_scatter(b, pslot + b)

    for b in range(NBUF):
        start_idx(b, b)
    for b in range(NBUF):
        start_idx(NBUF + b, NBUF + b)

    def outer(g2, carry):
        emit_round(2 * g2, g2, 0)
        emit_round(2 * g2 + 1, g2, 1)
        return carry

    lax.fori_loop(0, NROUND // 2, outer, 0)
    for b in range(NBUF):
        wait_scatter(b)
    plsc.subcore_barrier()
    pltpu.sync_copy(acc.at[pl.ds(base, ROWS_PER_SUB)],
                    out_hbm.at[c, pl.ds(base, ROWS_PER_SUB)])


@functools.cache
def _sc_segsum():
    return pl.kernel(
        _sc_body,
        out_type=jax.ShapeDtypeStruct((2, N_ACC, H), jnp.float32),
        mesh=plsc.VectorSubcoreMesh(core_axis_name="c", subcore_axis_name="s"),
        scratch_types=[
            pltpu.VMEM((2 * NBUF, CHUNK), jnp.int32),
            pltpu.VMEM((2 * NBUF, CHUNK), jnp.int32),
            pltpu.VMEM((NBUF, CHUNK, H), jnp.float32),
            pltpu.VMEM_SHARED((N_ACC, H), jnp.float32),
            pltpu.SemaphoreType.DMA((2 * NBUF,)),
            pltpu.SemaphoreType.DMA((NBUF,)),
            pltpu.SemaphoreType.DMA((NBUF,)),
        ],
    )


def _tcpost_body(raw_ref, deg_ref, b_ref, o_ref):
    cat = jnp.concatenate([raw_ref[0], raw_ref[1]], axis=1)
    o_ref[...] = cat / deg_ref[...] + b_ref[...]


def _tc_post(raw, deg, b):
    return pl.pallas_call(
        _tcpost_body,
        grid=(NBLK,),
        in_specs=[
            pl.BlockSpec((2, ROWS_BLK, H), lambda i: (0, i, 0)),
            pl.BlockSpec((ROWS_BLK, 1), lambda i: (i, 0)),
            pl.BlockSpec((1, D), lambda i: (0, 0)),
        ],
        out_specs=pl.BlockSpec((ROWS_BLK, D), lambda i: (i, 0)),
        out_shape=jax.ShapeDtypeStruct((N, D), jnp.float32),
    )(raw, deg, b)


def kernel(node_features, edge_index, deg, numBBs, W, b,
           gamma_bb, beta_bb, gamma_rel, beta_rel):
    nb = jnp.asarray(numBBs, jnp.int32).reshape(1, 1)
    gm = jnp.kron(jnp.eye(GROUPS, dtype=jnp.float32),
                  jnp.full((GSZ, GSZ), 1.0 / GSZ, jnp.float32))
    sup = _tc_support(nb, node_features, W, gm,
                      gamma_bb.reshape(1, D), beta_bb.reshape(1, D),
                      gamma_rel.reshape(1, D), beta_rel.reshape(1, D))
    sup = sup.reshape(2 * N, H)
    row = edge_index[0]
    col = edge_index[1]
    pad = E_PAD - E
    rowp = jnp.concatenate([row, jnp.full((pad,), N, jnp.int32)])
    colp = jnp.concatenate([col, jnp.zeros((pad,), jnp.int32)])
    col2 = jnp.stack([colp, colp + N])
    zeros = jnp.zeros((ROWS_PER_SUB, H), jnp.float32)
    raw = _sc_segsum()(sup, col2, rowp, zeros)
    return _tc_post(raw, deg.reshape(N, 1), b.reshape(1, D))

# --- scband reference (transcript-rebuilt; emitter-appended) ---
"""Pipeline reference for scband-graph-conv-with-act-12043088298492 (READ-ONLY COPY).

The authoritative reference and input builder live on the scoring server;
editing this copy changes nothing except your own understanding.
"""

import jax, jax.numpy as jnp
import numpy as np

N = 10000
E = 160000
D = 256
GROUPS = 4
NUM_BBS = 4000


def group_norm(x, gamma, beta, groups=GROUPS, eps=1e-5):
    n, c = x.shape
    xr = x.reshape(n, groups, c // groups)
    mean = jnp.mean(xr, axis=-1, keepdims=True)
    var = jnp.var(xr, axis=-1, keepdims=True)
    xn = (xr - mean) / jnp.sqrt(var + eps)
    xn = xn.reshape(n, c)
    return xn * gamma + beta


def setup_inputs(seed: int = 0) -> dict:
    key = jax.random.key(seed)
    ks = jax.random.split(key, 6)
    node_features = jax.random.normal(ks[0], (N, D), dtype=jnp.float32)
    edge_index = jax.random.randint(ks[1], (2, E), 0, N, dtype=jnp.int32)
    # adj[1] normalizer: in-degree of each dst node, clamped to >= 1
    deg = jnp.maximum(jnp.bincount(edge_index[0], length=N).astype(jnp.float32), 1.0)
    stdv = 1.0 / np.sqrt(D)
    W = jax.random.uniform(ks[2], (D, D), minval=-stdv, maxval=stdv, dtype=jnp.float32)
    b = jax.random.uniform(ks[3], (D,), minval=-stdv, maxval=stdv, dtype=jnp.float32)
    gamma_bb = jnp.ones((D,), dtype=jnp.float32)
    beta_bb = jnp.zeros((D,), dtype=jnp.float32)
    gamma_rel = jnp.ones((D,), dtype=jnp.float32)
    beta_rel = jnp.zeros((D,), dtype=jnp.float32)
    return {
        'node_features': node_features,
        'edge_index': edge_index,
        'deg': deg,
        'numBBs': NUM_BBS,
        'W': W,
        'b': b,
        'gamma_bb': gamma_bb,
        'beta_bb': beta_bb,
        'gamma_rel': gamma_rel,
        'beta_rel': beta_rel,
    }


def reference(node_features, edge_index, deg, numBBs, W, b, gamma_bb, beta_bb, gamma_rel, beta_rel):
    # split_norm: GroupNorm(4, C) applied separately to BB nodes and Rel nodes.
    # Group-norm statistics are per-row, so normalizing all rows at once with
    # per-row affine parameters (selected by row index < numBBs) is identical.
    n = node_features.shape[0]
    is_bb = (jnp.arange(n) < numBBs)[:, None]
    gamma = jnp.where(is_bb, gamma_bb[None, :], gamma_rel[None, :])
    beta = jnp.where(is_bb, beta_bb[None, :], beta_rel[None, :])
    x = group_norm(node_features, gamma, beta)
    # Dropout is identity in eval/reference mode; then ReLU
    x = jax.nn.relu(x)
    # GraphConvolution: support = x @ W; output = spmm(adj, support) / deg + bias
    support = x @ W
    row = edge_index[0]
    col = edge_index[1]
    out = jax.ops.segment_sum(support[col], row, num_segments=node_features.shape[0])
    out = out / deg[:, None]
    return out + b[None, :]

if __name__ == "__main__":
    import jax
    _d = setup_inputs()
    print(jax.jit(kernel)(*tuple(_d.values())))

</pallas_src>

<mosaic_0001>
#map = affine_map<(d0, d1) -> (0, 0)>
#map1 = affine_map<(d0, d1) -> (0)>
#map2 = affine_map<(d0, d1) -> (0, 0, 0)>
module attributes {stable_mosaic.version = 14 : i64} {
  func.func @_sc_body(%arg0: i32, %arg1: i32, %arg2: memref<20000x128xf32, #tpu.memory_space<hbm>>, %arg3: memref<2x163840xi32, #tpu.memory_space<hbm>>, %arg4: memref<163840xi32, #tpu.memory_space<hbm>>, %arg5: memref<640x128xf32, #tpu.memory_space<hbm>>, %arg6: memref<2x10240x128xf32, #tpu.memory_space<hbm>>, %arg7: memref<10x64xi32, #tpu.memory_space<vmem>>, %arg8: memref<10x64xi32, #tpu.memory_space<vmem>>, %arg9: memref<5x64x128xf32, #tpu.memory_space<vmem>>, %arg10: memref<10240x128xf32, #tpu.memory_space<vmem_shared>>, %arg11: memref<10x!tpu.dma_semaphore, #tpu.memory_space<semaphore_mem>>, %arg12: memref<5x!tpu.dma_semaphore, #tpu.memory_space<semaphore_mem>>, %arg13: memref<5x!tpu.dma_semaphore, #tpu.memory_space<semaphore_mem>>) attributes {dimension_semantics = [#tpu.dimension_semantics<core_parallel>, #tpu.dimension_semantics<subcore_parallel>], iteration_bounds = array<i64: 2, 16>, scalar_prefetch = 0 : i64, scratch_operands = 7 : i64, tpu.core_type = #tpu.core_type<sc_vector_subcore>, window_params = [{transform_indices = #map}, {transform_indices = #map}, {transform_indices = #map1}, {transform_indices = #map}, {transform_indices = #map2}]} {
    %mul3A = arith.constant 640 : i32
    %mul3A_0 = arith.muli %mul3A, %arg1 : i32
    "tpu.region"() ({
      %run_scoped3A = tpu.sem_alloc : memref<!tpu.dma_semaphore, #tpu.memory_space<semaphore_mem>>
      %dma_start3A_394 = arith.constant 0 : i32
      %dma_start3A_395 = tpu.memref_slice %arg10[%mul3A_0, %dma_start3A_394] : memref<10240x128xf32, #tpu.memory_space<vmem_shared>> -> memref<640x128xf32, #tpu.memory_space<vmem_shared>>
      tpu.enqueue_dma source(%arg5 : memref<640x128xf32, #tpu.memory_space<hbm>>) target(%dma_start3A_395 : memref<640x128xf32, #tpu.memory_space<vmem_shared>>) target_semaphore(%run_scoped3A : memref<!tpu.dma_semaphore, #tpu.memory_space<semaphore_mem>>)
      %dma_wait3A_396 = arith.constant 0 : i32
      %dma_wait3A_397 = tpu.memref_slice %arg10[%mul3A_0, %dma_wait3A_396] : memref<10240x128xf32, #tpu.memory_space<vmem_shared>> -> memref<640x128xf32, #tpu.memory_space<vmem_shared>>
      tpu.wait_dma2 semaphore(%run_scoped3A : memref<!tpu.dma_semaphore, #tpu.memory_space<semaphore_mem>>) src(%arg5 : memref<640x128xf32, #tpu.memory_space<hbm>>) dst(%dma_wait3A_397 : memref<640x128xf32, #tpu.memory_space<vmem_shared>>)
      tpu.yield
    }) : () -> ()
    %barrier3A = arith.constant 0 : index
    tpu.barrier barrier_id(%barrier3A)
    %add3A = arith.constant 0 : i32
    %add3A_1 = arith.addi %arg1, %add3A : i32
    %mul3A_2 = arith.constant 64 : i32
    %mul3A_3 = arith.muli %mul3A_2, %add3A_1 : i32
    %dma_start3A = arith.constant 0 : i32
    %dma_start3A_4 = arith.constant 0 : i32
    %dma_start3A_5 = arith.constant 0 : i32
    %dma_start3A_6 = tpu.memref_slice %arg7[%dma_start3A, %dma_start3A_5] : memref<10x64xi32, #tpu.memory_space<vmem>> -> memref<1x64xi32, #tpu.memory_space<vmem>>
    %dma_start3A_7 = tpu.memref_squeeze %dma_start3A_6 : memref<1x64xi32, #tpu.memory_space<vmem>> -> memref<64xi32, #tpu.memory_space<vmem>>
    %dma_start3A_8 = tpu.memref_slice %arg3[%arg0, %mul3A_3] : memref<2x163840xi32, #tpu.memory_space<hbm>> -> memref<1x64xi32, #tpu.memory_space<hbm>>
    %dma_start3A_9 = tpu.memref_squeeze %dma_start3A_8 : memref<1x64xi32, #tpu.memory_space<hbm>> -> memref<64xi32, #tpu.memory_space<hbm>>
    %dma_start3A_10 = tpu.memref_slice %arg11[%dma_start3A_4] : memref<10x!tpu.dma_semaphore, #tpu.memory_space<semaphore_mem>> -> memref<1x!tpu.dma_semaphore, #tpu.memory_space<semaphore_mem>>
    %dma_start3A_11 = tpu.memref_squeeze %dma_start3A_10 : memref<1x!tpu.dma_semaphore, #tpu.memory_space<semaphore_mem>> -> memref<!tpu.dma_semaphore, #tpu.memory_space<semaphore_mem>>
    %dma_start3A_12 = arith.constant 0 : i32
    %dma_start3A_13 = tpu.memref_slice %arg7[%dma_start3A, %dma_start3A_12] : memref<10x64xi32, #tpu.memory_space<vmem>> -> memref<1x64xi32, #tpu.memory_space<vmem>>
    %dma_start3A_14 = tpu.memref_squeeze %dma_start3A_13 : memref<1x64xi32, #tpu.memory_space<vmem>> -> memref<64xi32, #tpu.memory_space<vmem>>
    %dma_start3A_15 = tpu.memref_slice %arg3[%arg0, %mul3A_3] : memref<2x163840xi32, #tpu.memory_space<hbm>> -> memref<1x64xi32, #tpu.memory_space<hbm>>
    %dma_start3A_16 = tpu.memref_squeeze %dma_start3A_15 : memref<1x64xi32, #tpu.memory_space<hbm>> -> memref<64xi32, #tpu.memory_space<hbm>>
    tpu.enqueue_dma source(%dma_start3A_16 : memref<64xi32, #tpu.memory_space<hbm>>) target(%dma_start3A_14 : memref<64xi32, #tpu.memory_space<vmem>>) target_semaphore(%dma_start3A_11 : memref<!tpu.dma_semaphore, #tpu.memory_space<semaphore_mem>>)
    %dma_start3A_17 = arith.constant 0 : i32
    %dma_start3A_18 = arith.constant 0 : i32
    %dma_start3A_19 = arith.constant 0 : i32
    %dma_start3A_20 = tpu.memref_slice %arg8[%dma_start3A_17, %dma_start3A_19] : memref<10x64xi32, #tpu.memory_space<vmem>> -> memref<1x64xi32, #tpu.memory_space<vmem>>
    %dma_start3A_21 = tpu.memref_squeeze %dma_start3A_20 : memref<1x64xi32, #tpu.memory_space<vmem>> -> memref<64xi32, #tpu.memory_space<vmem>>
    %dma_start3A_22 = tpu.memref_slice %arg4[%mul3A_3] : memref<163840xi32, #tpu.memory_space<hbm>> -> memref<64xi32, #tpu.memory_space<hbm>>
    %dma_start3A_23 = tpu.memref_slice %arg11[%dma_start3A_18] : memref<10x!tpu.dma_semaphore, #tpu.memory_space<semaphore_mem>> -> memref<1x!tpu.dma_semaphore, #tpu.memory_space<semaphore_mem>>
    %dma_start3A_24 = tpu.memref_squeeze %dma_start3A_23 : memref<1x!tpu.dma_semaphore, #tpu.memory_space<semaphore_mem>> -> memref<!tpu.dma_semaphore, #tpu.memory_space<semaphore_mem>>
    %dma_start3A_25 = arith.constant 0 : i32
    %dma_start3A_26 = tpu.memref_slice %arg8[%dma_start3A_17, %dma_start3A_25] : memref<10x64xi32, #tpu.memory_space<vmem>> -> memref<1x64xi32, #tpu.memory_space<vmem>>
    %dma_start3A_27 = tpu.memref_squeeze %dma_start3A_26 : memref<1x64xi32, #tpu.memory_space<vmem>> -> memref<64xi32, #tpu.memory_space<vmem>>
    %dma_start3A_28 = tpu.memref_slice %arg4[%mul3A_3] : memref<163840xi32, #tpu.memory_space<hbm>> -> memref<64xi32, #tpu.memory_space<hbm>>
    tpu.enqueue_dma source(%dma_start3A_28 : memref<64xi32, #tpu.memory_space<hbm>>) target(%dma_start3A_27 : memref<64xi32, #tpu.memory_space<vmem>>) target_semaphore(%dma_start3A_24 : memref<!tpu.dma_semaphore, #tpu.memory_space<semaphore_mem>>)
    %add3A_29 = arith.constant 16 : i32
    %add3A_30 = arith.addi %arg1, %add3A_29 : i32
    %mul3A_31 = arith.constant 64 : i32
    %mul3A_32 = arith.muli %mul3A_31, %add3A_30 : i32
    %dma_start3A_33 = arith.constant 1 : i32
    %dma_start3A_34 = arith.constant 1 : i32
    %dma_start3A_35 = arith.constant 0 : i32
    %dma_start3A_36 = tpu.memref_slice %arg7[%dma_start3A_33, %dma_start3A_35] : memref<10x64xi32, #tpu.memory_space<vmem>> -> memref<1x64xi32, #tpu.memory_space<vmem>>
    %dma_start3A_37 = tpu.memref_squeeze %dma_start3A_36 : memref<1x64xi32, #tpu.memory_space<vmem>> -> memref<64xi32, #tpu.memory_space<vmem>>
    %dma_start3A_38 = tpu.memref_slice %arg3[%arg0, %mul3A_32] : memref<2x163840xi32, #tpu.memory_space<hbm>> -> memref<1x64xi32, #tpu.memory_space<hbm>>
    %dma_start3A_39 = tpu.memref_squeeze %dma_start3A_38 : memref<1x64xi32, #tpu.memory_space<hbm>> -> memref<64xi32, #tpu.memory_space<hbm>>
    %dma_start3A_40 = tpu.memref_slice %arg11[%dma_start3A_34] : memref<10x!tpu.dma_semaphore, #tpu.memory_space<semaphore_mem>> -> memref<1x!tpu.dma_semaphore, #tpu.memory_space<semaphore_mem>>
    %dma_start3A_41 = tpu.memref_squeeze %dma_start3A_40 : memref<1x!tpu.dma_semaphore, #tpu.memory_space<semaphore_mem>> -> memref<!tpu.dma_semaphore, #tpu.memory_space<semaphore_mem>>
    %dma_start3A_42 = arith.constant 0 : i32
    %dma_start3A_43 = tpu.memref_slice %arg7[%dma_start3A_33, %dma_start3A_42] : memref<10x64xi32, #tpu.memory_space<vmem>> -> memref<1x64xi32, #tpu.memory_space<vmem>>
    %dma_start3A_44 = tpu.memref_squeeze %dma_start3A_43 : memref<1x64xi32, #tpu.memory_space<vmem>> -> memref<64xi32, #tpu.memory_space<vmem>>
    %dma_start3A_45 = tpu.memref_slice %arg3[%arg0, %mul3A_32] : memref<2x163840xi32, #tpu.memory_space<hbm>> -> memref<1x64xi32, #tpu.memory_space<hbm>>
    %dma_start3A_46 = tpu.memref_squeeze %dma_start3A_45 : memref<1x64xi32, #tpu.memory_space<hbm>> -> memref<64xi32, #tpu.memory_space<hbm>>
    tpu.enqueue_dma source(%dma_start3A_46 : memref<64xi32, #tpu.memory_space<hbm>>) target(%dma_start3A_44 : memref<64xi32, #tpu.memory_space<vmem>>) target_semaphore(%dma_start3A_41 : memref<!tpu.dma_semaphore, #tpu.memory_space<semaphore_mem>>)
    %dma_start3A_47 = arith.constant 1 : i32
    %dma_start3A_48 = arith.constant 1 : i32
    %dma_start3A_49 = arith.constant 0 : i32
    %dma_start3A_50 = tpu.memref_slice %arg8[%dma_start3A_47, %dma_start3A_49] : memref<10x64xi32, #tpu.memory_space<vmem>> -> memref<1x64xi32, #tpu.memory_space<vmem>>
    %dma_start3A_51 = tpu.memref_squeeze %dma_start3A_50 : memref<1x64xi32, #tpu.memory_space<vmem>> -> memref<64xi32, #tpu.memory_space<vmem>>
    %dma_start3A_52 = tpu.memref_slice %arg4[%mul3A_32] : memref<163840xi32, #tpu.memory_space<hbm>> -> memref<64xi32, #tpu.memory_space<hbm>>
    %dma_start3A_53 = tpu.memref_slice %arg11[%dma_start3A_48] : memref<10x!tpu.dma_semaphore, #tpu.memory_space<semaphore_mem>> -> memref<1x!tpu.dma_semaphore, #tpu.memory_space<semaphore_mem>>
    %dma_start3A_54 = tpu.memref_squeeze %dma_start3A_53 : memref<1x!tpu.dma_semaphore, #tpu.memory_space<semaphore_mem>> -> memref<!tpu.dma_semaphore, #tpu.memory_space<semaphore_mem>>
    %dma_start3A_55 = arith.constant 0 : i32
    %dma_start3A_56 = tpu.memref_slice %arg8[%dma_start3A_47, %dma_start3A_55] : memref<10x64xi32, #tpu.memory_space<vmem>> -> memref<1x64xi32, #tpu.memory_space<vmem>>
    %dma_start3A_57 = tpu.memref_squeeze %dma_start3A_56 : memref<1x64xi32, #tpu.memory_space<vmem>> -> memref<64xi32, #tpu.memory_space<vmem>>
    %dma_start3A_58 = tpu.memref_slice %arg4[%mul3A_32] : memref<163840xi32, #tpu.memory_space<hbm>> -> memref<64xi32, #tpu.memory_space<hbm>>
    tpu.enqueue_dma source(%dma_start3A_58 : memref<64xi32, #tpu.memory_space<hbm>>) target(%dma_start3A_57 : memref<64xi32, #tpu.memory_space<vmem>>) target_semaphore(%dma_start3A_54 : memref<!tpu.dma_semaphore, #tpu.memory_space<semaphore_mem>>)
    %add3A_59 = arith.constant 32 : i32
    %add3A_60 = arith.addi %arg1, %add3A_59 : i32
    %mul3A_61 = arith.constant 64 : i32
    %mul3A_62 = arith.muli %mul3A_61, %add3A_60 : i32
    %dma_start3A_63 = arith.constant 2 : i32
    %dma_start3A_64 = arith.constant 2 : i32
    %dma_start3A_65 = arith.constant 0 : i32
    %dma_start3A_66 = tpu.memref_slice %arg7[%dma_start3A_63, %dma_start3A_65] : memref<10x64xi32, #tpu.memory_space<vmem>> -> memref<1x64xi32, #tpu.memory_space<vmem>>
    %dma_start3A_67 = tpu.memref_squeeze %dma_start3A_66 : memref<1x64xi32, #tpu.memory_space<vmem>> -> memref<64xi32, #tpu.memory_space<vmem>>
    %dma_start3A_68 = tpu.memref_slice %arg3[%arg0, %mul3A_62] : memref<2x163840xi32, #tpu.memory_space<hbm>> -> memref<1x64xi32, #tpu.memory_space<hbm>>
    %dma_start3A_69 = tpu.memref_squeeze %dma_start3A_68 : memref<1x64xi32, #tpu.memory_space<hbm>> -> memref<64xi32, #tpu.memory_space<hbm>>
    %dma_start3A_70 = tpu.memref_slice %arg11[%dma_start3A_64] : memref<10x!tpu.dma_semaphore, #tpu.memory_space<semaphore_mem>> -> memref<1x!tpu.dma_semaphore, #tpu.memory_space<semaphore_mem>>
    %dma_start3A_71 = tpu.memref_squeeze %dma_start3A_70 : memref<1x!tpu.dma_semaphore, #tpu.memory_space<semaphore_mem>> -> memref<!tpu.dma_semaphore, #tpu.memory_space<semaphore_mem>>
    %dma_start3A_72 = arith.constant 0 : i32
    %dma_start3A_73 = tpu.memref_slice %arg7[%dma_start3A_63, %dma_start3A_72] : memref<10x64xi32, #tpu.memory_space<vmem>> -> memref<1x64xi32, #tpu.memory_space<vmem>>
    %dma_start3A_74 = tpu.memref_squeeze %dma_start3A_73 : memref<1x64xi32, #tpu.memory_space<vmem>> -> memref<64xi32, #tpu.memory_space<vmem>>
    %dma_start3A_75 = tpu.memref_slice %arg3[%arg0, %mul3A_62] : memref<2x163840xi32, #tpu.memory_space<hbm>> -> memref<1x64xi32, #tpu.memory_space<hbm>>
    %dma_start3A_76 = tpu.memref_squeeze %dma_start3A_75 : memref<1x64xi32, #tpu.memory_space<hbm>> -> memref<64xi32, #tpu.memory_space<hbm>>
    tpu.enqueue_dma source(%dma_start3A_76 : memref<64xi32, #tpu.memory_space<hbm>>) target(%dma_start3A_74 : memref<64xi32, #tpu.memory_space<vmem>>) target_semaphore(%dma_start3A_71 : memref<!tpu.dma_semaphore, #tpu.memory_space<semaphore_mem>>)
    %dma_start3A_77 = arith.constant 2 : i32
    %dma_start3A_78 = arith.constant 2 : i32
    %dma_start3A_79 = arith.constant 0 : i32
    %dma_start3A_80 = tpu.memref_slice %arg8[%dma_start3A_77, %dma_start3A_79] : memref<10x64xi32, #tpu.memory_space<vmem>> -> memref<1x64xi32, #tpu.memory_space<vmem>>
    %dma_start3A_81 = tpu.memref_squeeze %dma_start3A_80 : memref<1x64xi32, #tpu.memory_space<vmem>> -> memref<64xi32, #tpu.memory_space<vmem>>
    %dma_start3A_82 = tpu.memref_slice %arg4[%mul3A_62] : memref<163840xi32, #tpu.memory_space<hbm>> -> memref<64xi32, #tpu.memory_space<hbm>>
    %dma_start3A_83 = tpu.memref_slice %arg11[%dma_start3A_78] : memref<10x!tpu.dma_semaphore, #tpu.memory_space<semaphore_mem>> -> memref<1x!tpu.dma_semaphore, #tpu.memory_space<semaphore_mem>>
    %dma_start3A_84 = tpu.memref_squeeze %dma_start3A_83 : memref<1x!tpu.dma_semaphore, #tpu.memory_space<semaphore_mem>> -> memref<!tpu.dma_semaphore, #tpu.memory_space<semaphore_mem>>
    %dma_start3A_85 = arith.constant 0 : i32
    %dma_start3A_86 = tpu.memref_slice %arg8[%dma_start3A_77, %dma_start3A_85] : memref<10x64xi32, #tpu.memory_space<vmem>> -> memref<1x64xi32, #tpu.memory_space<vmem>>
    %dma_start3A_87 = tpu.memref_squeeze %dma_start3A_86 : memref<1x64xi32, #tpu.memory_space<vmem>> -> memref<64xi32, #tpu.memory_space<vmem>>
    %dma_start3A_88 = tpu.memref_slice %arg4[%mul3A_62] : memref<163840xi32, #tpu.memory_space<hbm>> -> memref<64xi32, #tpu.memory_space<hbm>>
    tpu.enqueue_dma source(%dma_start3A_88 : memref<64xi32, #tpu.memory_space<hbm>>) target(%dma_start3A_87 : memref<64xi32, #tpu.memory_space<vmem>>) target_semaphore(%dma_start3A_84 : memref<!tpu.dma_semaphore, #tpu.memory_space<semaphore_mem>>)
    %add3A_89 = arith.constant 48 : i32
    %add3A_90 = arith.addi %arg1, %add3A_89 : i32
    %mul3A_91 = arith.constant 64 : i32
    %mul3A_92 = arith.muli %mul3A_91, %add3A_90 : i32
    %dma_start3A_93 = arith.constant 3 : i32
    %dma_start3A_94 = arith.constant 3 : i32
    %dma_start3A_95 = arith.constant 0 : i32
    %dma_start3A_96 = tpu.memref_slice %arg7[%dma_start3A_93, %dma_start3A_95] : memref<10x64xi32, #tpu.memory_space<vmem>> -> memref<1x64xi32, #tpu.memory_space<vmem>>
    %dma_start3A_97 = tpu.memref_squeeze %dma_start3A_96 : memref<1x64xi32, #tpu.memory_space<vmem>> -> memref<64xi32, #tpu.memory_space<vmem>>
    %dma_start3A_98 = tpu.memref_slice %arg3[%arg0, %mul3A_92] : memref<2x163840xi32, #tpu.memory_space<hbm>> -> memref<1x64xi32, #tpu.memory_space<hbm>>
    %dma_start3A_99 = tpu.memref_squeeze %dma_start3A_98 : memref<1x64xi32, #tpu.memory_space<hbm>> -> memref<64xi32, #tpu.memory_space<hbm>>
    %dma_start3A_100 = tpu.memref_slice %arg11[%dma_start3A_94] : memref<10x!tpu.dma_semaphore, #tpu.memory_space<semaphore_mem>> -> memref<1x!tpu.dma_semaphore, #tpu.memory_space<semaphore_mem>>
    %dma_start3A_101 = tpu.memref_squeeze %dma_start3A_100 : memref<1x!tpu.dma_semaphore, #tpu.memory_space<semaphore_mem>> -> memref<!tpu.dma_semaphore, #tpu.memory_space<semaphore_mem>>
    %dma_start3A_102 = arith.constant 0 : i32
    %dma_start3A_103 = tpu.memref_slice %arg7[%dma_start3A_93, %dma_start3A_102] : memref<10x64xi32, #tpu.memory_space<vmem>> -> memref<1x64xi32, #tpu.memory_space<vmem>>
    %dma_start3A_104 = tpu.memref_squeeze %dma_start3A_103 : memref<1x64xi32, #tpu.memory_space<vmem>> -> memref<64xi32, #tpu.memory_space<vmem>>
    %dma_start3A_105 = tpu.memref_slice %arg3[%arg0, %mul3A_92] : memref<2x163840xi32, #tpu.memory_space<hbm>> -> memref<1x64xi32, #tpu.memory_space<hbm>>
    %dma_start3A_106 = tpu.memref_squeeze %dma_start3A_105 : memref<1x64xi32, #tpu.memory_space<hbm>> -> memref<64xi32, #tpu.memory_space<hbm>>
    tpu.enqueue_dma source(%dma_start3A_106 : memref<64xi32, #tpu.memory_space<hbm>>) target(%dma_start3A_104 : memref<64xi32, #tpu.memory_space<vmem>>) target_semaphore(%dma_start3A_101 : memref<!tpu.dma_semaphore, #tpu.memory_space<semaphore_mem>>)
    %dma_start3A_107 = arith.constant 3 : i32
    %dma_start3A_108 = arith.constant 3 : i32
    %dma_start3A_109 = arith.constant 0 : i32
    %dma_start3A_110 = tpu.memref_slice %arg8[%dma_start3A_107, %dma_start3A_109] : memref<10x64xi32, #tpu.memory_space<vmem>> -> memref<1x64xi32, #tpu.memory_space<vmem>>
    %dma_start3A_111 = tpu.memref_squeeze %dma_start3A_110 : memref<1x64xi32, #tpu.memory_space<vmem>> -> memref<64xi32, #tpu.memory_space<vmem>>
    %dma_start3A_112 = tpu.memref_slice %arg4[%mul3A_92] : memref<163840xi32, #tpu.memory_space<hbm>> -> memref<64xi32, #tpu.memory_space<hbm>>
    %dma_start3A_113 = tpu.memref_slice %arg11[%dma_start3A_108] : memref<10x!tpu.dma_semaphore, #tpu.memory_space<semaphore_mem>> -> memref<1x!tpu.dma_semaphore, #tpu.memory_space<semaphore_mem>>
    %dma_start3A_114 = tpu.memref_squeeze %dma_start3A_113 : memref<1x!tpu.dma_semaphore, #tpu.memory_space<semaphore_mem>> -> memref<!tpu.dma_semaphore, #tpu.memory_space<semaphore_mem>>
    %dma_start3A_115 = arith.constant 0 : i32
    %dma_start3A_116 = tpu.memref_slice %arg8[%dma_start3A_107, %dma_start3A_115] : memref<10x64xi32, #tpu.memory_space<vmem>> -> memref<1x64xi32, #tpu.memory_space<vmem>>
    %dma_start3A_117 = tpu.memref_squeeze %dma_start3A_116 : memref<1x64xi32, #tpu.memory_space<vmem>> -> memref<64xi32, #tpu.memory_space<vmem>>
    %dma_start3A_118 = tpu.memref_slice %arg4[%mul3A_92] : memref<163840xi32, #tpu.memory_space<hbm>> -> memref<64xi32, #tpu.memory_space<hbm>>
    tpu.enqueue_dma source(%dma_start3A_118 : memref<64xi32, #tpu.memory_space<hbm>>) target(%dma_start3A_117 : memref<64xi32, #tpu.memory_space<vmem>>) target_semaphore(%dma_start3A_114 : memref<!tpu.dma_semaphore, #tpu.memory_space<semaphore_mem>>)
    %add3A_119 = arith.constant 64 : i32
    %add3A_120 = arith.addi %arg1, %add3A_119 : i32
    %mul3A_121 = arith.constant 64 : i32
    %mul3A_122 = arith.muli %mul3A_121, %add3A_120 : i32
    %dma_start3A_123 = arith.constant 4 : i32
    %dma_start3A_124 = arith.constant 4 : i32
    %dma_start3A_125 = arith.constant 0 : i32
    %dma_start3A_126 = tpu.memref_slice %arg7[%dma_start3A_123, %dma_start3A_125] : memref<10x64xi32, #tpu.memory_space<vmem>> -> memref<1x64xi32, #tpu.memory_space<vmem>>
    %dma_start3A_127 = tpu.memref_squeeze %dma_start3A_126 : memref<1x64xi32, #tpu.memory_space<vmem>> -> memref<64xi32, #tpu.memory_space<vmem>>
    %dma_start3A_128 = tpu.memref_slice %arg3[%arg0, %mul3A_122] : memref<2x163840xi32, #tpu.memory_space<hbm>> -> memref<1x64xi32, #tpu.memory_space<hbm>>
    %dma_start3A_129 = tpu.memref_squeeze %dma_start3A_128 : memref<1x64xi32, #tpu.memory_space<hbm>> -> memref<64xi32, #tpu.memory_space<hbm>>
    %dma_start3A_130 = tpu.memref_slice %arg11[%dma_start3A_124] : memref<10x!tpu.dma_semaphore, #tpu.memory_space<semaphore_mem>> -> memref<1x!tpu.dma_semaphore, #tpu.memory_space<semaphore_mem>>
    %dma_start3A_131 = tpu.memref_squeeze %dma_start3A_130 : memref<1x!tpu.dma_semaphore, #tpu.memory_space<semaphore_mem>> -> memref<!tpu.dma_semaphore, #tpu.memory_space<semaphore_mem>>
    %dma_start3A_132 = arith.constant 0 : i32
    %dma_start3A_133 = tpu.memref_slice %arg7[%dma_start3A_123, %dma_start3A_132] : memref<10x64xi32, #tpu.memory_space<vmem>> -> memref<1x64xi32, #tpu.memory_space<vmem>>
    %dma_start3A_134 = tpu.memref_squeeze %dma_start3A_133 : memref<1x64xi32, #tpu.memory_space<vmem>> -> memref<64xi32, #tpu.memory_space<vmem>>
    %dma_start3A_135 = tpu.memref_slice %arg3[%arg0, %mul3A_122] : memref<2x163840xi32, #tpu.memory_space<hbm>> -> memref<1x64xi32, #tpu.memory_space<hbm>>
    %dma_start3A_136 = tpu.memref_squeeze %dma_start3A_135 : memref<1x64xi32, #tpu.memory_space<hbm>> -> memref<64xi32, #tpu.memory_space<hbm>>
    tpu.enqueue_dma source(%dma_start3A_136 : memref<64xi32, #tpu.memory_space<hbm>>) target(%dma_start3A_134 : memref<64xi32, #tpu.memory_space<vmem>>) target_semaphore(%dma_start3A_131 : memref<!tpu.dma_semaphore, #tpu.memory_space<semaphore_mem>>)
    %dma_start3A_137 = arith.constant 4 : i32
    %dma_start3A_138 = arith.constant 4 : i32
    %dma_start3A_139 = arith.constant 0 : i32
    %dma_start3A_140 = tpu.memref_slice %arg8[%dma_start3A_137, %dma_start3A_139] : memref<10x64xi32, #tpu.memory_space<vmem>> -> memref<1x64xi32, #tpu.memory_space<vmem>>
    %dma_start3A_141 = tpu.memref_squeeze %dma_start3A_140 : memref<1x64xi32, #tpu.memory_space<vmem>> -> memref<64xi32, #tpu.memory_space<vmem>>
    %dma_start3A_142 = tpu.memref_slice %arg4[%mul3A_122] : memref<163840xi32, #tpu.memory_space<hbm>> -> memref<64xi32, #tpu.memory_space<hbm>>
    %dma_start3A_143 = tpu.memref_slice %arg11[%dma_start3A_138] : memref<10x!tpu.dma_semaphore, #tpu.memory_space<semaphore_mem>> -> memref<1x!tpu.dma_semaphore, #tpu.memory_space<semaphore_mem>>
    %dma_start3A_144 = tpu.memref_squeeze %dma_start3A_143 : memref<1x!tpu.dma_semaphore, #tpu.memory_space<semaphore_mem>> -> memref<!tpu.dma_semaphore, #tpu.memory_space<semaphore_mem>>
    %dma_start3A_145 = arith.constant 0 : i32
    %dma_start3A_146 = tpu.memref_slice %arg8[%dma_start3A_137, %dma_start3A_145] : memref<10x64xi32, #tpu.memory_space<vmem>> -> memref<1x64xi32, #tpu.memory_space<vmem>>
    %dma_start3A_147 = tpu.memref_squeeze %dma_start3A_146 : memref<1x64xi32, #tpu.memory_space<vmem>> -> memref<64xi32, #tpu.memory_space<vmem>>
    %dma_start3A_148 = tpu.memref_slice %arg4[%mul3A_122] : memref<163840xi32, #tpu.memory_space<hbm>> -> memref<64xi32, #tpu.memory_space<hbm>>
    tpu.enqueue_dma source(%dma_start3A_148 : memref<64xi32, #tpu.memory_space<hbm>>) target(%dma_start3A_147 : memref<64xi32, #tpu.memory_space<vmem>>) target_semaphore(%dma_start3A_144 : memref<!tpu.dma_semaphore, #tpu.memory_space<semaphore_mem>>)
    %add3A_149 = arith.constant 80 : i32
    %add3A_150 = arith.addi %arg1, %add3A_149 : i32
    %mul3A_151 = arith.constant 64 : i32
    %mul3A_152 = arith.muli %mul3A_151, %add3A_150 : i32
    %dma_start3A_153 = arith.constant 5 : i32
    %dma_start3A_154 = arith.constant 5 : i32
    %dma_start3A_155 = arith.constant 0 : i32
    %dma_start3A_156 = tpu.memref_slice %arg7[%dma_start3A_153, %dma_start3A_155] : memref<10x64xi32, #tpu.memory_space<vmem>> -> memref<1x64xi32, #tpu.memory_space<vmem>>
    %dma_start3A_157 = tpu.memref_squeeze %dma_start3A_156 : memref<1x64xi32, #tpu.memory_space<vmem>> -> memref<64xi32, #tpu.memory_space<vmem>>
    %dma_start3A_158 = tpu.memref_slice %arg3[%arg0, %mul3A_152] : memref<2x163840xi32, #tpu.memory_space<hbm>> -> memref<1x64xi32, #tpu.memory_space<hbm>>
    %dma_start3A_159 = tpu.memref_squeeze %dma_start3A_158 : memref<1x64xi32, #tpu.memory_space<hbm>> -> memref<64xi32, #tpu.memory_space<hbm>>
    %dma_start3A_160 = tpu.memref_slice %arg11[%dma_start3A_154] : memref<10x!tpu.dma_semaphore, #tpu.memory_space<semaphore_mem>> -> memref<1x!tpu.dma_semaphore, #tpu.memory_space<semaphore_mem>>
    %dma_start3A_161 = tpu.memref_squeeze %dma_start3A_160 : memref<1x!tpu.dma_semaphore, #tpu.memory_space<semaphore_mem>> -> memref<!tpu.dma_semaphore, #tpu.memory_space<semaphore_mem>>
    %dma_start3A_162 = arith.constant 0 : i32
    %dma_start3A_163 = tpu.memref_slice %arg7[%dma_start3A_153, %dma_start3A_162] : memref<10x64xi32, #tpu.memory_space<vmem>> -> memref<1x64xi32, #tpu.memory_space<vmem>>
    %dma_start3A_164 = tpu.memref_squeeze %dma_start3A_163 : memref<1x64xi32, #tpu.memory_space<vmem>> -> memref<64xi32, #tpu.memory_space<vmem>>
    %dma_start3A_165 = tpu.memref_slice %arg3[%arg0, %mul3A_152] : memref<2x163840xi32, #tpu.memory_space<hbm>> -> memref<1x64xi32, #tpu.memory_space<hbm>>
    %dma_start3A_166 = tpu.memref_squeeze %dma_start3A_165 : memref<1x64xi32, #tpu.memory_space<hbm>> -> memref<64xi32, #tpu.memory_space<hbm>>
    tpu.enqueue_dma source(%dma_start3A_166 : memref<64xi32, #tpu.memory_space<hbm>>) target(%dma_start3A_164 : memref<64xi32, #tpu.memory_space<vmem>>) target_semaphore(%dma_start3A_161 : memref<!tpu.dma_semaphore, #tpu.memory_space<semaphore_mem>>)
    %dma_start3A_167 = arith.constant 5 : i32
    %dma_start3A_168 = arith.constant 5 : i32
    %dma_start3A_169 = arith.constant 0 : i32
    %dma_start3A_170 = tpu.memref_slice %arg8[%dma_start3A_167, %dma_start3A_169] : memref<10x64xi32, #tpu.memory_space<vmem>> -> memref<1x64xi32, #tpu.memory_space<vmem>>
    %dma_start3A_171 = tpu.memref_squeeze %dma_start3A_170 : memref<1x64xi32, #tpu.memory_space<vmem>> -> memref<64xi32, #tpu.memory_space<vmem>>
    %dma_start3A_172 = tpu.memref_slice %arg4[%mul3A_152] : memref<163840xi32, #tpu.memory_space<hbm>> -> memref<64xi32, #tpu.memory_space<hbm>>
    %dma_start3A_173 = tpu.memref_slice %arg11[%dma_start3A_168] : memref<10x!tpu.dma_semaphore, #tpu.memory_space<semaphore_mem>> -> memref<1x!tpu.dma_semaphore, #tpu.memory_space<semaphore_mem>>
    %dma_start3A_174 = tpu.memref_squeeze %dma_start3A_173 : memref<1x!tpu.dma_semaphore, #tpu.memory_space<semaphore_mem>> -> memref<!tpu.dma_semaphore, #tpu.memory_space<semaphore_mem>>
    %dma_start3A_175 = arith.constant 0 : i32
    %dma_start3A_176 = tpu.memref_slice %arg8[%dma_start3A_167, %dma_start3A_175] : memref<10x64xi32, #tpu.memory_space<vmem>> -> memref<1x64xi32, #tpu.memory_space<vmem>>
    %dma_start3A_177 = tpu.memref_squeeze %dma_start3A_176 : memref<1x64xi32, #tpu.memory_space<vmem>> -> memref<64xi32, #tpu.memory_space<vmem>>
    %dma_start3A_178 = tpu.memref_slice %arg4[%mul3A_152] : memref<163840xi32, #tpu.memory_space<hbm>> -> memref<64xi32, #tpu.memory_space<hbm>>
    tpu.enqueue_dma source(%dma_start3A_178 : memref<64xi32, #tpu.memory_space<hbm>>) target(%dma_start3A_177 : memref<64xi32, #tpu.memory_space<vmem>>) target_semaphore(%dma_start3A_174 : memref<!tpu.dma_semaphore, #tpu.memory_space<semaphore_mem>>)
    %add3A_179 = arith.constant 96 : i32
    %add3A_180 = arith.addi %arg1, %add3A_179 : i32
    %mul3A_181 = arith.constant 64 : i32
    %mul3A_182 = arith.muli %mul3A_181, %add3A_180 : i32
    %dma_start3A_183 = arith.constant 6 : i32
    %dma_start3A_184 = arith.constant 6 : i32
    %dma_start3A_185 = arith.constant 0 : i32
    %dma_start3A_186 = tpu.memref_slice %arg7[%dma_start3A_183, %dma_start3A_185] : memref<10x64xi32, #tpu.memory_space<vmem>> -> memref<1x64xi32, #tpu.memory_space<vmem>>
    %dma_start3A_187 = tpu.memref_squeeze %dma_start3A_186 : memref<1x64xi32, #tpu.memory_space<vmem>> -> memref<64xi32, #tpu.memory_space<vmem>>
    %dma_start3A_188 = tpu.memref_slice %arg3[%arg0, %mul3A_182] : memref<2x163840xi32, #tpu.memory_space<hbm>> -> memref<1x64xi32, #tpu.memory_space<hbm>>
    %dma_start3A_189 = tpu.memref_squeeze %dma_start3A_188 : memref<1x64xi32, #tpu.memory_space<hbm>> -> memref<64xi32, #tpu.memory_space<hbm>>
    %dma_start3A_190 = tpu.memref_slice %arg11[%dma_start3A_184] : memref<10x!tpu.dma_semaphore, #tpu.memory_space<semaphore_mem>> -> memref<1x!tpu.dma_semaphore, #tpu.memory_space<semaphore_mem>>
    %dma_start3A_191 = tpu.memref_squeeze %dma_start3A_190 : memref<1x!tpu.dma_semaphore, #tpu.memory_space<semaphore_mem>> -> memref<!tpu.dma_semaphore, #tpu.memory_space<semaphore_mem>>
    %dma_start3A_192 = arith.constant 0 : i32
    %dma_start3A_193 = tpu.memref_slice %arg7[%dma_start3A_183, %dma_start3A_192] : memref<10x64xi32, #tpu.memory_space<vmem>> -> memref<1x64xi32, #tpu.memory_space<vmem>>
    %dma_start3A_194 = tpu.memref_squeeze %dma_start3A_193 : memref<1x64xi32, #tpu.memory_space<vmem>> -> memref<64xi32, #tpu.memory_space<vmem>>
    %dma_start3A_195 = tpu.memref_slice %arg3[%arg0, %mul3A_182] : memref<2x163840xi32, #tpu.memory_space<hbm>> -> memref<1x64xi32, #tpu.memory_space<hbm>>
    %dma_start3A_196 = tpu.memref_squeeze %dma_start3A_195 : memref<1x64xi32, #tpu.memory_space<hbm>> -> memref<64xi32, #tpu.memory_space<hbm>>
    tpu.enqueue_dma source(%dma_start3A_196 : memref<64xi32, #tpu.memory_space<hbm>>) target(%dma_start3A_194 : memref<64xi32, #tpu.memory_space<vmem>>) target_semaphore(%dma_start3A_191 : memref<!tpu.dma_semaphore, #tpu.memory_space<semaphore_mem>>)
    %dma_start3A_197 = arith.constant 6 : i32
    %dma_start3A_198 = arith.constant 6 : i32
    %dma_start3A_199 = arith.constant 0 : i32
    %dma_start3A_200 = tpu.memref_slice %arg8[%dma_start3A_197, %dma_start3A_199] : memref<10x64xi32, #tpu.memory_space<vmem>> -> memref<1x64xi32, #tpu.memory_space<vmem>>
    %dma_start3A_201 = tpu.memref_squeeze %dma_start3A_200 : memref<1x64xi32, #tpu.memory_space<vmem>> -> memref<64xi32, #tpu.memory_space<vmem>>
    %dma_start3A_202 = tpu.memref_slice %arg4[%mul3A_182] : memref<163840xi32, #tpu.memory_space<hbm>> -> memref<64xi32, #tpu.memory_space<hbm>>
    %dma_start3A_203 = tpu.memref_slice %arg11[%dma_start3A_198] : memref<10x!tpu.dma_semaphore, #tpu.memory_space<semaphore_mem>> -> memref<1x!tpu.dma_semaphore, #tpu.memory_space<semaphore_mem>>
    %dma_start3A_204 = tpu.memref_squeeze %dma_start3A_203 : memref<1x!tpu.dma_semaphore, #tpu.memory_space<semaphore_mem>> -> memref<!tpu.dma_semaphore, #tpu.memory_space<semaphore_mem>>
    %dma_start3A_205 = arith.constant 0 : i32
    %dma_start3A_206 = tpu.memref_slice %arg8[%dma_start3A_197, %dma_start3A_205] : memref<10x64xi32, #tpu.memory_space<vmem>> -> memref<1x64xi32, #tpu.memory_space<vmem>>
    %dma_start3A_207 = tpu.memref_squeeze %dma_start3A_206 : memref<1x64xi32, #tpu.memory_space<vmem>> -> memref<64xi32, #tpu.memory_space<vmem>>
    %dma_start3A_208 = tpu.memref_slice %arg4[%mul3A_182] : memref<163840xi32, #tpu.memory_space<hbm>> -> memref<64xi32, #tpu.memory_space<hbm>>
    tpu.enqueue_dma source(%dma_start3A_208 : memref<64xi32, #tpu.memory_space<hbm>>) target(%dma_start3A_207 : memref<64xi32, #tpu.memory_space<vmem>>) target_semaphore(%dma_start3A_204 : memref<!tpu.dma_semaphore, #tpu.memory_space<semaphore_mem>>)
    %add3A_209 = arith.constant 112 : i32
    %add3A_210 = arith.addi %arg1, %add3A_209 : i32
    %mul3A_211 = arith.constant 64 : i32
    %mul3A_212 = arith.muli %mul3A_211, %add3A_210 : i32
    %dma_start3A_213 = arith.constant 7 : i32
    %dma_start3A_214 = arith.constant 7 : i32
    %dma_start3A_215 = arith.constant 0 : i32
    %dma_start3A_216 = tpu.memref_slice %arg7[%dma_start3A_213, %dma_start3A_215] : memref<10x64xi32, #tpu.memory_space<vmem>> -> memref<1x64xi32, #tpu.memory_space<vmem>>
    %dma_start3A_217 = tpu.memref_squeeze %dma_start3A_216 : memref<1x64xi32, #tpu.memory_space<vmem>> -> memref<64xi32, #tpu.memory_space<vmem>>
    %dma_start3A_218 = tpu.memref_slice %arg3[%arg0, %mul3A_212] : memref<2x163840xi32, #tpu.memory_space<hbm>> -> memref<1x64xi32, #tpu.memory_space<hbm>>
    %dma_start3A_219 = tpu.memref_squeeze %dma_start3A_218 : memref<1x64xi32, #tpu.memory_space<hbm>> -> memref<64xi32, #tpu.memory_space<hbm>>
    %dma_start3A_220 = tpu.memref_slice %arg11[%dma_start3A_214] : memref<10x!tpu.dma_semaphore, #tpu.memory_space<semaphore_mem>> -> memref<1x!tpu.dma_semaphore, #tpu.memory_space<semaphore_mem>>
    %dma_start3A_221 = tpu.memref_squeeze %dma_start3A_220 : memref<1x!tpu.dma_semaphore, #tpu.memory_space<semaphore_mem>> -> memref<!tpu.dma_semaphore, #tpu.memory_space<semaphore_mem>>
    %dma_start3A_222 = arith.constant 0 : i32
    %dma_start3A_223 = tpu.memref_slice %arg7[%dma_start3A_213, %dma_start3A_222] : memref<10x64xi32, #tpu.memory_space<vmem>> -> memref<1x64xi32, #tpu.memory_space<vmem>>
    %dma_start3A_224 = tpu.memref_squeeze %dma_start3A_223 : memref<1x64xi32, #tpu.memory_space<vmem>> -> memref<64xi32, #tpu.memory_space<vmem>>
    %dma_start3A_225 = tpu.memref_slice %arg3[%arg0, %mul3A_212] : memref<2x163840xi32, #tpu.memory_space<hbm>> -> memref<1x64xi32, #tpu.memory_space<hbm>>
    %dma_start3A_226 = tpu.memref_squeeze %dma_start3A_225 : memref<1x64xi32, #tpu.memory_space<hbm>> -> memref<64xi32, #tpu.memory_space<hbm>>
    tpu.enqueue_dma source(%dma_start3A_226 : memref<64xi32, #tpu.memory_space<hbm>>) target(%dma_start3A_224 : memref<64xi32, #tpu.memory_space<vmem>>) target_semaphore(%dma_start3A_221 : memref<!tpu.dma_semaphore, #tpu.memory_space<semaphore_mem>>)
    %dma_start3A_227 = arith.constant 7 : i32
    %dma_start3A_228 = arith.constant 7 : i32
    %dma_start3A_229 = arith.constant 0 : i32
    %dma_start3A_230 = tpu.memref_slice %arg8[%dma_start3A_227, %dma_start3A_229] : memref<10x64xi32, #tpu.memory_space<vmem>> -> memref<1x64xi32, #tpu.memory_space<vmem>>
    %dma_start3A_231 = tpu.memref_squeeze %dma_start3A_230 : memref<1x64xi32, #tpu.memory_space<vmem>> -> memref<64xi32, #tpu.memory_space<vmem>>
    %dma_start3A_232 = tpu.memref_slice %arg4[%mul3A_212] : memref<163840xi32, #tpu.memory_space<hbm>> -> memref<64xi32, #tpu.memory_space<hbm>>
    %dma_start3A_233 = tpu.memref_slice %arg11[%dma_start3A_228] : memref<10x!tpu.dma_semaphore, #tpu.memory_space<semaphore_mem>> -> memref<1x!tpu.dma_semaphore, #tpu.memory_space<semaphore_mem>>
    %dma_start3A_234 = tpu.memref_squeeze %dma_start3A_233 : memref<1x!tpu.dma_semaphore, #tpu.memory_space<semaphore_mem>> -> memref<!tpu.dma_semaphore, #tpu.memory_space<semaphore_mem>>
    %dma_start3A_235 = arith.constant 0 : i32
    %dma_start3A_236 = tpu.memref_slice %arg8[%dma_start3A_227, %dma_start3A_235] : memref<10x64xi32, #tpu.memory_space<vmem>> -> memref<1x64xi32, #tpu.memory_space<vmem>>
    %dma_start3A_237 = tpu.memref_squeeze %dma_start3A_236 : memref<1x64xi32, #tpu.memory_space<vmem>> -> memref<64xi32, #tpu.memory_space<vmem>>
    %dma_start3A_238 = tpu.memref_slice %arg4[%mul3A_212] : memref<163840xi32, #tpu.memory_space<hbm>> -> memref<64xi32, #tpu.memory_space<hbm>>
    tpu.enqueue_dma source(%dma_start3A_238 : memref<64xi32, #tpu.memory_space<hbm>>) target(%dma_start3A_237 : memref<64xi32, #tpu.memory_space<vmem>>) target_semaphore(%dma_start3A_234 : memref<!tpu.dma_semaphore, #tpu.memory_space<semaphore_mem>>)
    %add3A_239 = arith.constant 128 : i32
    %add3A_240 = arith.addi %arg1, %add3A_239 : i32
    %mul3A_241 = arith.constant 64 : i32
    %mul3A_242 = arith.muli %mul3A_241, %add3A_240 : i32
    %dma_start3A_243 = arith.constant 8 : i32
    %dma_start3A_244 = arith.constant 8 : i32
    %dma_start3A_245 = arith.constant 0 : i32
    %dma_start3A_246 = tpu.memref_slice %arg7[%dma_start3A_243, %dma_start3A_245] : memref<10x64xi32, #tpu.memory_space<vmem>> -> memref<1x64xi32, #tpu.memory_space<vmem>>
    %dma_start3A_247 = tpu.memref_squeeze %dma_start3A_246 : memref<1x64xi32, #tpu.memory_space<vmem>> -> memref<64xi32, #tpu.memory_space<vmem>>
    %dma_start3A_248 = tpu.memref_slice %arg3[%arg0, %mul3A_242] : memref<2x163840xi32, #tpu.memory_space<hbm>> -> memref<1x64xi32, #tpu.memory_space<hbm>>
    %dma_start3A_249 = tpu.memref_squeeze %dma_start3A_248 : memref<1x64xi32, #tpu.memory_space<hbm>> -> memref<64xi32, #tpu.memory_space<hbm>>
    %dma_start3A_250 = tpu.memref_slice %arg11[%dma_start3A_244] : memref<10x!tpu.dma_semaphore, #tpu.memory_space<semaphore_mem>> -> memref<1x!tpu.dma_semaphore, #tpu.memory_space<semaphore_mem>>
    %dma_start3A_251 = tpu.memref_squeeze %dma_start3A_250 : memref<1x!tpu.dma_semaphore, #tpu.memory_space<semaphore_mem>> -> memref<!tpu.dma_semaphore, #tpu.memory_space<semaphore_mem>>
    %dma_start3A_252 = arith.constant 0 : i32
    %dma_start3A_253 = tpu.memref_slice %arg7[%dma_start3A_243, %dma_start3A_252] : memref<10x64xi32, #tpu.memory_space<vmem>> -> memref<1x64xi32, #tpu.memory_space<vmem>>
    %dma_start3A_254 = tpu.memref_squeeze %dma_start3A_253 : memref<1x64xi32, #tpu.memory_space<vmem>> -> memref<64xi32, #tpu.memory_space<vmem>>
    %dma_start3A_255 = tpu.memref_slice %arg3[%arg0, %mul3A_242] : memref<2x163840xi32, #tpu.memory_space<hbm>> -> memref<1x64xi32, #tpu.memory_space<hbm>>
    %dma_start3A_256 = tpu.memref_squeeze %dma_start3A_255 : memref<1x64xi32, #tpu.memory_space<hbm>> -> memref<64xi32, #tpu.memory_space<hbm>>
    tpu.enqueue_dma source(%dma_start3A_256 : memref<64xi32, #tpu.memory_space<hbm>>) target(%dma_start3A_254 : memref<64xi32, #tpu.memory_space<vmem>>) target_semaphore(%dma_start3A_251 : memref<!tpu.dma_semaphore, #tpu.memory_space<semaphore_mem>>)
    %dma_start3A_257 = arith.constant 8 : i32
    %dma_start3A_258 = arith.constant 8 : i32
    %dma_start3A_259 = arith.constant 0 : i32
    %dma_start3A_260 = tpu.memref_slice %arg8[%dma_start3A_257, %dma_start3A_259] : memref<10x64xi32, #tpu.memory_space<vmem>> -> memref<1x64xi32, #tpu.memory_space<vmem>>
    %dma_start3A_261 = tpu.memref_squeeze %dma_start3A_260 : memref<1x64xi32, #tpu.memory_space<vmem>> -> memref<64xi32, #tpu.memory_space<vmem>>
    %dma_start3A_262 = tpu.memref_slice %arg4[%mul3A_242] : memref<163840xi32, #tpu.memory_space<hbm>> -> memref<64xi32, #tpu.memory_space<hbm>>
    %dma_start3A_263 = tpu.memref_slice %arg11[%dma_start3A_258] : memref<10x!tpu.dma_semaphore, #tpu.memory_space<semaphore_mem>> -> memref<1x!tpu.dma_semaphore, #tpu.memory_space<semaphore_mem>>
    %dma_start3A_264 = tpu.memref_squeeze %dma_start3A_263 : memref<1x!tpu.dma_semaphore, #tpu.memory_space<semaphore_mem>> -> memref<!tpu.dma_semaphore, #tpu.memory_space<semaphore_mem>>
    %dma_start3A_265 = arith.constant 0 : i32
    %dma_start3A_266 = tpu.memref_slice %arg8[%dma_start3A_257, %dma_start3A_265] : memref<10x64xi32, #tpu.memory_space<vmem>> -> memref<1x64xi32, #tpu.memory_space<vmem>>
    %dma_start3A_267 = tpu.memref_squeeze %dma_start3A_266 : memref<1x64xi32, #tpu.memory_space<vmem>> -> memref<64xi32, #tpu.memory_space<vmem>>
    %dma_start3A_268 = tpu.memref_slice %arg4[%mul3A_242] : memref<163840xi32, #tpu.memory_space<hbm>> -> memref<64xi32, #tpu.memory_space<hbm>>
    tpu.enqueue_dma source(%dma_start3A_268 : memref<64xi32, #tpu.memory_space<hbm>>) target(%dma_start3A_267 : memref<64xi32, #tpu.memory_space<vmem>>) target_semaphore(%dma_start3A_264 : memref<!tpu.dma_semaphore, #tpu.memory_space<semaphore_mem>>)
    %add3A_269 = arith.constant 144 : i32
    %add3A_270 = arith.addi %arg1, %add3A_269 : i32
    %mul3A_271 = arith.constant 64 : i32
    %mul3A_272 = arith.muli %mul3A_271, %add3A_270 : i32
    %dma_start3A_273 = arith.constant 9 : i32
    %dma_start3A_274 = arith.constant 9 : i32
    %dma_start3A_275 = arith.constant 0 : i32
    %dma_start3A_276 = tpu.memref_slice %arg7[%dma_start3A_273, %dma_start3A_275] : memref<10x64xi32, #tpu.memory_space<vmem>> -> memref<1x64xi32, #tpu.memory_space<vmem>>
    %dma_start3A_277 = tpu.memref_squeeze %dma_start3A_276 : memref<1x64xi32, #tpu.memory_space<vmem>> -> memref<64xi32, #tpu.memory_space<vmem>>
    %dma_start3A_278 = tpu.memref_slice %arg3[%arg0, %mul3A_272] : memref<2x163840xi32, #tpu.memory_space<hbm>> -> memref<1x64xi32, #tpu.memory_space<hbm>>
    %dma_start3A_279 = tpu.memref_squeeze %dma_start3A_278 : memref<1x64xi32, #tpu.memory_space<hbm>> -> memref<64xi32, #tpu.memory_space<hbm>>
    %dma_start3A_280 = tpu.memref_slice %arg11[%dma_start3A_274] : memref<10x!tpu.dma_semaphore, #tpu.memory_space<semaphore_mem>> -> memref<1x!tpu.dma_semaphore, #tpu.memory_space<semaphore_mem>>
    %dma_start3A_281 = tpu.memref_squeeze %dma_start3A_280 : memref<1x!tpu.dma_semaphore, #tpu.memory_space<semaphore_mem>> -> memref<!tpu.dma_semaphore, #tpu.memory_space<semaphore_mem>>
    %dma_start3A_282 = arith.constant 0 : i32
    %dma_start3A_283 = tpu.memref_slice %arg7[%dma_start3A_273, %dma_start3A_282] : memref<10x64xi32, #tpu.memory_space<vmem>> -> memref<1x64xi32, #tpu.memory_space<vmem>>
    %dma_start3A_284 = tpu.memref_squeeze %dma_start3A_283 : memref<1x64xi32, #tpu.memory_space<vmem>> -> memref<64xi32, #tpu.memory_space<vmem>>
    %dma_start3A_285 = tpu.memref_slice %arg3[%arg0, %mul3A_272] : memref<2x163840xi32, #tpu.memory_space<hbm>> -> memref<1x64xi32, #tpu.memory_space<hbm>>
    %dma_start3A_286 = tpu.memref_squeeze %dma_start3A_285 : memref<1x64xi32, #tpu.memory_space<hbm>> -> memref<64xi32, #tpu.memory_space<hbm>>
    tpu.enqueue_dma source(%dma_start3A_286 : memref<64xi32, #tpu.memory_space<hbm>>) target(%dma_start3A_284 : memref<64xi32, #tpu.memory_space<vmem>>) target_semaphore(%dma_start3A_281 : memref<!tpu.dma_semaphore, #tpu.memory_space<semaphore_mem>>)
    %dma_start3A_287 = arith.constant 9 : i32
    %dma_start3A_288 = arith.constant 9 : i32
    %dma_start3A_289 = arith.constant 0 : i32
    %dma_start3A_290 = tpu.memref_slice %arg8[%dma_start3A_287, %dma_start3A_289] : memref<10x64xi32, #tpu.memory_space<vmem>> -> memref<1x64xi32, #tpu.memory_space<vmem>>
    %dma_start3A_291 = tpu.memref_squeeze %dma_start3A_290 : memref<1x64xi32, #tpu.memory_space<vmem>> -> memref<64xi32, #tpu.memory_space<vmem>>
    %dma_start3A_292 = tpu.memref_slice %arg4[%mul3A_272] : memref<163840xi32, #tpu.memory_space<hbm>> -> memref<64xi32, #tpu.memory_space<hbm>>
    %dma_start3A_293 = tpu.memref_slice %arg11[%dma_start3A_288] : memref<10x!tpu.dma_semaphore, #tpu.memory_space<semaphore_mem>> -> memref<1x!tpu.dma_semaphore, #tpu.memory_space<semaphore_mem>>
    %dma_start3A_294 = tpu.memref_squeeze %dma_start3A_293 : memref<1x!tpu.dma_semaphore, #tpu.memory_space<semaphore_mem>> -> memref<!tpu.dma_semaphore, #tpu.memory_space<semaphore_mem>>
    %dma_start3A_295 = arith.constant 0 : i32
    %dma_start3A_296 = tpu.memref_slice %arg8[%dma_start3A_287, %dma_start3A_295] : memref<10x64xi32, #tpu.memory_space<vmem>> -> memref<1x64xi32, #tpu.memory_space<vmem>>
    %dma_start3A_297 = tpu.memref_squeeze %dma_start3A_296 : memref<1x64xi32, #tpu.memory_space<vmem>> -> memref<64xi32, #tpu.memory_space<vmem>>
    %dma_start3A_298 = tpu.memref_slice %arg4[%mul3A_272] : memref<163840xi32, #tpu.memory_space<hbm>> -> memref<64xi32, #tpu.memory_space<hbm>>
    tpu.enqueue_dma source(%dma_start3A_298 : memref<64xi32, #tpu.memory_space<hbm>>) target(%dma_start3A_297 : memref<64xi32, #tpu.memory_space<vmem>>) target_semaphore(%dma_start3A_294 : memref<!tpu.dma_semaphore, #tpu.memory_space<semaphore_mem>>)
    %scan3A = arith.constant 0 : i32
    %scan3A_299 = arith.constant 0 : i32
    %scan3A_300 = arith.constant 16 : i32
    %scan3A_301 = arith.addi %scan3A_299, %scan3A_300 : i32
    %scan3A_302 = arith.constant 1 : i32
    scf.for %scan3A_394 = %scan3A_299 to %scan3A_301 step %scan3A_302  : i32 {
      %mul3A_395 = arith.constant 2 : i32
      %mul3A_396 = arith.muli %mul3A_395, %scan3A_394 : i32
      %gt3A = arith.constant 0 : i32
      %gt3A_397 = arith.cmpi sgt, %scan3A_394, %gt3A : i32
      %convert_element_type3A = arith.extui %gt3A_397 : i1 to i32
      %cond3A = arith.constant 0 : i32
      %cond3A_398 = arith.cmpi ne, %convert_element_type3A, %cond3A : i32
      scf.if %cond3A_398 {
        %dma_wait3A_1302 = arith.constant 0 : i32
        %dma_wait3A_1303 = arith.constant 0 : i32
        %dma_wait3A_1304 = arith.constant 0 : i32
        %dma_wait3A_1305 = arith.constant 0 : i32
        %dma_wait3A_1306 = tpu.memref_slice %arg9[%dma_wait3A_1302, %dma_wait3A_1304, %dma_wait3A_1305] : memref<5x64x128xf32, #tpu.memory_space<vmem>> -> memref<1x64x128xf32, #tpu.memory_space<vmem>>
        %dma_wait3A_1307 = tpu.memref_squeeze %dma_wait3A_1306 : memref<1x64x128xf32, #tpu.memory_space<vmem>> -> memref<64x128xf32, #tpu.memory_space<vmem>>
        %dma_wait3A_1308 = arith.constant 0 : i32
        %dma_wait3A_1309 = arith.constant 0 : i32
        %dma_wait3A_1310 = tpu.memref_slice %arg2[%dma_wait3A_1308, %dma_wait3A_1309] : memref<20000x128xf32, #tpu.memory_space<hbm>> -> memref<64x128xf32, #tpu.memory_space<hbm>>
        %dma_wait3A_1311 = tpu.memref_slice %arg13[%dma_wait3A_1303] : memref<5x!tpu.dma_semaphore, #tpu.memory_space<semaphore_mem>> -> memref<1x!tpu.dma_semaphore, #tpu.memory_space<semaphore_mem>>
        %dma_wait3A_1312 = tpu.memref_squeeze %dma_wait3A_1311 : memref<1x!tpu.dma_semaphore, #tpu.memory_space<semaphore_mem>> -> memref<!tpu.dma_semaphore, #tpu.memory_space<semaphore_mem>>
        %dma_wait3A_1313 = arith.constant 0 : i32
        %dma_wait3A_1314 = arith.constant 0 : i32
        %dma_wait3A_1315 = tpu.memref_slice %arg9[%dma_wait3A_1302, %dma_wait3A_1313, %dma_wait3A_1314] : memref<5x64x128xf32, #tpu.memory_space<vmem>> -> memref<1x64x128xf32, #tpu.memory_space<vmem>>
        %dma_wait3A_1316 = tpu.memref_squeeze %dma_wait3A_1315 : memref<1x64x128xf32, #tpu.memory_space<vmem>> -> memref<64x128xf32, #tpu.memory_space<vmem>>
        %dma_wait3A_1317 = arith.constant 0 : i32
        %dma_wait3A_1318 = arith.constant 0 : i32
        %dma_wait3A_1319 = tpu.memref_slice %arg2[%dma_wait3A_1317, %dma_wait3A_1318] : memref<20000x128xf32, #tpu.memory_space<hbm>> -> memref<64x128xf32, #tpu.memory_space<hbm>>
        tpu.wait_dma2 semaphore(%dma_wait3A_1312 : memref<!tpu.dma_semaphore, #tpu.memory_space<semaphore_mem>>) src(%dma_wait3A_1319 : memref<64x128xf32, #tpu.memory_space<hbm>>) dst(%dma_wait3A_1316 : memref<64x128xf32, #tpu.memory_space<vmem>>)
      } else {
      }
      %dma_wait3A_399 = arith.constant 0 : i32
      %dma_wait3A_400 = arith.constant 0 : i32
      %dma_wait3A_401 = arith.constant 0 : i32
      %dma_wait3A_402 = tpu.memref_slice %arg7[%dma_wait3A_399, %dma_wait3A_401] : memref<10x64xi32, #tpu.memory_space<vmem>> -> memref<1x64xi32, #tpu.memory_space<vmem>>
      %dma_wait3A_403 = tpu.memref_squeeze %dma_wait3A_402 : memref<1x64xi32, #tpu.memory_space<vmem>> -> memref<64xi32, #tpu.memory_space<vmem>>
      %dma_wait3A_404 = arith.constant 0 : i32
      %dma_wait3A_405 = tpu.memref_slice %arg3[%arg0, %dma_wait3A_404] : memref<2x163840xi32, #tpu.memory_space<hbm>> -> memref<1x64xi32, #tpu.memory_space<hbm>>
      %dma_wait3A_406 = tpu.memref_squeeze %dma_wait3A_405 : memref<1x64xi32, #tpu.memory_space<hbm>> -> memref<64xi32, #tpu.memory_space<hbm>>
      %dma_wait3A_407 = tpu.memref_slice %arg11[%dma_wait3A_400] : memref<10x!tpu.dma_semaphore, #tpu.memory_space<semaphore_mem>> -> memref<1x!tpu.dma_semaphore, #tpu.memory_space<semaphore_mem>>
      %dma_wait3A_408 = tpu.memref_squeeze %dma_wait3A_407 : memref<1x!tpu.dma_semaphore, #tpu.memory_space<semaphore_mem>> -> memref<!tpu.dma_semaphore, #tpu.memory_space<semaphore_mem>>
      %dma_wait3A_409 = arith.constant 0 : i32
      %dma_wait3A_410 = tpu.memref_slice %arg7[%dma_wait3A_399, %dma_wait3A_409] : memref<10x64xi32, #tpu.memory_space<vmem>> -> memref<1x64xi32, #tpu.memory_space<vmem>>
      %dma_wait3A_411 = tpu.memref_squeeze %dma_wait3A_410 : memref<1x64xi32, #tpu.memory_space<vmem>> -> memref<64xi32, #tpu.memory_space<vmem>>
      %dma_wait3A_412 = arith.constant 0 : i32
      %dma_wait3A_413 = tpu.memref_slice %arg3[%arg0, %dma_wait3A_412] : memref<2x163840xi32, #tpu.memory_space<hbm>> -> memref<1x64xi32, #tpu.memory_space<hbm>>
      %dma_wait3A_414 = tpu.memref_squeeze %dma_wait3A_413 : memref<1x64xi32, #tpu.memory_space<hbm>> -> memref<64xi32, #tpu.memory_space<hbm>>
      tpu.wait_dma2 semaphore(%dma_wait3A_408 : memref<!tpu.dma_semaphore, #tpu.memory_space<semaphore_mem>>) src(%dma_wait3A_414 : memref<64xi32, #tpu.memory_space<hbm>>) dst(%dma_wait3A_411 : memref<64xi32, #tpu.memory_space<vmem>>)
      %dma_wait3A_415 = arith.constant 0 : i32
      %dma_wait3A_416 = arith.constant 0 : i32
      %dma_wait3A_417 = arith.constant 0 : i32
      %dma_wait3A_418 = tpu.memref_slice %arg8[%dma_wait3A_415, %dma_wait3A_417] : memref<10x64xi32, #tpu.memory_space<vmem>> -> memref<1x64xi32, #tpu.memory_space<vmem>>
      %dma_wait3A_419 = tpu.memref_squeeze %dma_wait3A_418 : memref<1x64xi32, #tpu.memory_space<vmem>> -> memref<64xi32, #tpu.memory_space<vmem>>
      %dma_wait3A_420 = arith.constant 0 : i32
      %dma_wait3A_421 = tpu.memref_slice %arg4[%dma_wait3A_420] : memref<163840xi32, #tpu.memory_space<hbm>> -> memref<64xi32, #tpu.memory_space<hbm>>
      %dma_wait3A_422 = tpu.memref_slice %arg11[%dma_wait3A_416] : memref<10x!tpu.dma_semaphore, #tpu.memory_space<semaphore_mem>> -> memref<1x!tpu.dma_semaphore, #tpu.memory_space<semaphore_mem>>
      %dma_wait3A_423 = tpu.memref_squeeze %dma_wait3A_422 : memref<1x!tpu.dma_semaphore, #tpu.memory_space<semaphore_mem>> -> memref<!tpu.dma_semaphore, #tpu.memory_space<semaphore_mem>>
      %dma_wait3A_424 = arith.constant 0 : i32
      %dma_wait3A_425 = tpu.memref_slice %arg8[%dma_wait3A_415, %dma_wait3A_424] : memref<10x64xi32, #tpu.memory_space<vmem>> -> memref<1x64xi32, #tpu.memory_space<vmem>>
      %dma_wait3A_426 = tpu.memref_squeeze %dma_wait3A_425 : memref<1x64xi32, #tpu.memory_space<vmem>> -> memref<64xi32, #tpu.memory_space<vmem>>
      %dma_wait3A_427 = arith.constant 0 : i32
      %dma_wait3A_428 = tpu.memref_slice %arg4[%dma_wait3A_427] : memref<163840xi32, #tpu.memory_space<hbm>> -> memref<64xi32, #tpu.memory_space<hbm>>
      tpu.wait_dma2 semaphore(%dma_wait3A_423 : memref<!tpu.dma_semaphore, #tpu.memory_space<semaphore_mem>>) src(%dma_wait3A_428 : memref<64xi32, #tpu.memory_space<hbm>>) dst(%dma_wait3A_426 : memref<64xi32, #tpu.memory_space<vmem>>)
      %dma_start3A_429 = arith.constant 0 : i32
      %dma_start3A_430 = arith.constant 0 : i32
      %dma_start3A_431 = arith.constant 0 : i32
      %dma_start3A_432 = arith.constant 0 : i32
      %dma_start3A_433 = arith.constant 0 : i32
      %dma_start3A_434 = tpu.memref_slice %arg9[%dma_start3A_430, %dma_start3A_432, %dma_start3A_433] : memref<5x64x128xf32, #tpu.memory_space<vmem>> -> memref<1x64x128xf32, #tpu.memory_space<vmem>>
      %dma_start3A_435 = tpu.memref_squeeze %dma_start3A_434 : memref<1x64x128xf32, #tpu.memory_space<vmem>> -> memref<64x128xf32, #tpu.memory_space<vmem>>
      %dma_start3A_436 = arith.constant 0 : i32
      %dma_start3A_437 = tpu.memref_slice %arg7[%dma_start3A_429, %dma_start3A_436] : memref<10x64xi32, #tpu.memory_space<vmem>> -> memref<1x64xi32, #tpu.memory_space<vmem>>
      %dma_start3A_438 = tpu.memref_squeeze %dma_start3A_437 : memref<1x64xi32, #tpu.memory_space<vmem>> -> memref<64xi32, #tpu.memory_space<vmem>>
      %dma_start3A_439 = arith.constant 0 : i32
      %dma_start3A_440 = arith.constant 0 : i32
      %dma_start3A_441 = tpu.memref_slice %arg2[%dma_start3A_439, %dma_start3A_440] : memref<20000x128xf32, #tpu.memory_space<hbm>> -> memref<20000x128xf32, #tpu.memory_space<hbm>>
      %dma_start3A_442 = tpu.memref_slice %arg12[%dma_start3A_431] : memref<5x!tpu.dma_semaphore, #tpu.memory_space<semaphore_mem>> -> memref<1x!tpu.dma_semaphore, #tpu.memory_space<semaphore_mem>>
      %dma_start3A_443 = tpu.memref_squeeze %dma_start3A_442 : memref<1x!tpu.dma_semaphore, #tpu.memory_space<semaphore_mem>> -> memref<!tpu.dma_semaphore, #tpu.memory_space<semaphore_mem>>
      tpu.enqueue_indirect_dma source(%dma_start3A_441 : memref<20000x128xf32, #tpu.memory_space<hbm>>) target(%dma_start3A_435 : memref<64x128xf32, #tpu.memory_space<vmem>>) offsets(%dma_start3A_438 : memref<64xi32, #tpu.memory_space<vmem>>) semaphore(%dma_start3A_443 : memref<!tpu.dma_semaphore, #tpu.memory_space<semaphore_mem>>)
      %gt3A_444 = arith.constant 0 : i32
      %gt3A_445 = arith.cmpi sgt, %scan3A_394, %gt3A_444 : i32
      %convert_element_type3A_446 = arith.extui %gt3A_445 : i1 to i32
      %cond3A_447 = arith.constant 0 : i32
      %cond3A_448 = arith.cmpi ne, %convert_element_type3A_446, %cond3A_447 : i32
      scf.if %cond3A_448 {
        %dma_wait3A_1302 = arith.constant 1 : i32
        %dma_wait3A_1303 = arith.constant 1 : i32
        %dma_wait3A_1304 = arith.constant 0 : i32
        %dma_wait3A_1305 = arith.constant 0 : i32
        %dma_wait3A_1306 = tpu.memref_slice %arg9[%dma_wait3A_1302, %dma_wait3A_1304, %dma_wait3A_1305] : memref<5x64x128xf32, #tpu.memory_space<vmem>> -> memref<1x64x128xf32, #tpu.memory_space<vmem>>
        %dma_wait3A_1307 = tpu.memref_squeeze %dma_wait3A_1306 : memref<1x64x128xf32, #tpu.memory_space<vmem>> -> memref<64x128xf32, #tpu.memory_space<vmem>>
        %dma_wait3A_1308 = arith.constant 0 : i32
        %dma_wait3A_1309 = arith.constant 0 : i32
        %dma_wait3A_1310 = tpu.memref_slice %arg2[%dma_wait3A_1308, %dma_wait3A_1309] : memref<20000x128xf32, #tpu.memory_space<hbm>> -> memref<64x128xf32, #tpu.memory_space<hbm>>
        %dma_wait3A_1311 = tpu.memref_slice %arg13[%dma_wait3A_1303] : memref<5x!tpu.dma_semaphore, #tpu.memory_space<semaphore_mem>> -> memref<1x!tpu.dma_semaphore, #tpu.memory_space<semaphore_mem>>
        %dma_wait3A_1312 = tpu.memref_squeeze %dma_wait3A_1311 : memref<1x!tpu.dma_semaphore, #tpu.memory_space<semaphore_mem>> -> memref<!tpu.dma_semaphore, #tpu.memory_space<semaphore_mem>>
        %dma_wait3A_1313 = arith.constant 0 : i32
        %dma_wait3A_1314 = arith.constant 0 : i32
        %dma_wait3A_1315 = tpu.memref_slice %arg9[%dma_wait3A_1302, %dma_wait3A_1313, %dma_wait3A_1314] : memref<5x64x128xf32, #tpu.memory_space<vmem>> -> memref<1x64x128xf32, #tpu.memory_space<vmem>>
        %dma_wait3A_1316 = tpu.memref_squeeze %dma_wait3A_1315 : memref<1x64x128xf32, #tpu.memory_space<vmem>> -> memref<64x128xf32, #tpu.memory_space<vmem>>
        %dma_wait3A_1317 = arith.constant 0 : i32
        %dma_wait3A_1318 = arith.constant 0 : i32
        %dma_wait3A_1319 = tpu.memref_slice %arg2[%dma_wait3A_1317, %dma_wait3A_1318] : memref<20000x128xf32, #tpu.memory_space<hbm>> -> memref<64x128xf32, #tpu.memory_space<hbm>>
        tpu.wait_dma2 semaphore(%dma_wait3A_1312 : memref<!tpu.dma_semaphore, #tpu.memory_space<semaphore_mem>>) src(%dma_wait3A_1319 : memref<64x128xf32, #tpu.memory_space<hbm>>) dst(%dma_wait3A_1316 : memref<64x128xf32, #tpu.memory_space<vmem>>)
      } else {
      }
      %dma_wait3A_449 = arith.constant 1 : i32
      %dma_wait3A_450 = arith.constant 1 : i32
      %dma_wait3A_451 = arith.constant 0 : i32
      %dma_wait3A_452 = tpu.memref_slice %arg7[%dma_wait3A_449, %dma_wait3A_451] : memref<10x64xi32, #tpu.memory_space<vmem>> -> memref<1x64xi32, #tpu.memory_space<vmem>>
      %dma_wait3A_453 = tpu.memref_squeeze %dma_wait3A_452 : memref<1x64xi32, #tpu.memory_space<vmem>> -> memref<64xi32, #tpu.memory_space<vmem>>
      %dma_wait3A_454 = arith.constant 0 : i32
      %dma_wait3A_455 = tpu.memref_slice %arg3[%arg0, %dma_wait3A_454] : memref<2x163840xi32, #tpu.memory_space<hbm>> -> memref<1x64xi32, #tpu.memory_space<hbm>>
      %dma_wait3A_456 = tpu.memref_squeeze %dma_wait3A_455 : memref<1x64xi32, #tpu.memory_space<hbm>> -> memref<64xi32, #tpu.memory_space<hbm>>
      %dma_wait3A_457 = tpu.memref_slice %arg11[%dma_wait3A_450] : memref<10x!tpu.dma_semaphore, #tpu.memory_space<semaphore_mem>> -> memref<1x!tpu.dma_semaphore, #tpu.memory_space<semaphore_mem>>
      %dma_wait3A_458 = tpu.memref_squeeze %dma_wait3A_457 : memref<1x!tpu.dma_semaphore, #tpu.memory_space<semaphore_mem>> -> memref<!tpu.dma_semaphore, #tpu.memory_space<semaphore_mem>>
      %dma_wait3A_459 = arith.constant 0 : i32
      %dma_wait3A_460 = tpu.memref_slice %arg7[%dma_wait3A_449, %dma_wait3A_459] : memref<10x64xi32, #tpu.memory_space<vmem>> -> memref<1x64xi32, #tpu.memory_space<vmem>>
      %dma_wait3A_461 = tpu.memref_squeeze %dma_wait3A_460 : memref<1x64xi32, #tpu.memory_space<vmem>> -> memref<64xi32, #tpu.memory_space<vmem>>
      %dma_wait3A_462 = arith.constant 0 : i32
      %dma_wait3A_463 = tpu.memref_slice %arg3[%arg0, %dma_wait3A_462] : memref<2x163840xi32, #tpu.memory_space<hbm>> -> memref<1x64xi32, #tpu.memory_space<hbm>>
      %dma_wait3A_464 = tpu.memref_squeeze %dma_wait3A_463 : memref<1x64xi32, #tpu.memory_space<hbm>> -> memref<64xi32, #tpu.memory_space<hbm>>
      tpu.wait_dma2 semaphore(%dma_wait3A_458 : memref<!tpu.dma_semaphore, #tpu.memory_space<semaphore_mem>>) src(%dma_wait3A_464 : memref<64xi32, #tpu.memory_space<hbm>>) dst(%dma_wait3A_461 : memref<64xi32, #tpu.memory_space<vmem>>)
      %dma_wait3A_465 = arith.constant 1 : i32
      %dma_wait3A_466 = arith.constant 1 : i32
      %dma_wait3A_467 = arith.constant 0 : i32
      %dma_wait3A_468 = tpu.memref_slice %arg8[%dma_wait3A_465, %dma_wait3A_467] : memref<10x64xi32, #tpu.memory_space<vmem>> -> memref<1x64xi32, #tpu.memory_space<vmem>>
      %dma_wait3A_469 = tpu.memref_squeeze %dma_wait3A_468 : memref<1x64xi32, #tpu.memory_space<vmem>> -> memref<64xi32, #tpu.memory_space<vmem>>
      %dma_wait3A_470 = arith.constant 0 : i32
      %dma_wait3A_471 = tpu.memref_slice %arg4[%dma_wait3A_470] : memref<163840xi32, #tpu.memory_space<hbm>> -> memref<64xi32, #tpu.memory_space<hbm>>
      %dma_wait3A_472 = tpu.memref_slice %arg11[%dma_wait3A_466] : memref<10x!tpu.dma_semaphore, #tpu.memory_space<semaphore_mem>> -> memref<1x!tpu.dma_semaphore, #tpu.memory_space<semaphore_mem>>
      %dma_wait3A_473 = tpu.memref_squeeze %dma_wait3A_472 : memref<1x!tpu.dma_semaphore, #tpu.memory_space<semaphore_mem>> -> memref<!tpu.dma_semaphore, #tpu.memory_space<semaphore_mem>>
      %dma_wait3A_474 = arith.constant 0 : i32
      %dma_wait3A_475 = tpu.memref_slice %arg8[%dma_wait3A_465, %dma_wait3A_474] : memref<10x64xi32, #tpu.memory_space<vmem>> -> memref<1x64xi32, #tpu.memory_space<vmem>>
      %dma_wait3A_476 = tpu.memref_squeeze %dma_wait3A_475 : memref<1x64xi32, #tpu.memory_space<vmem>> -> memref<64xi32, #tpu.memory_space<vmem>>
      %dma_wait3A_477 = arith.constant 0 : i32
      %dma_wait3A_478 = tpu.memref_slice %arg4[%dma_wait3A_477] : memref<163840xi32, #tpu.memory_space<hbm>> -> memref<64xi32, #tpu.memory_space<hbm>>
      tpu.wait_dma2 semaphore(%dma_wait3A_473 : memref<!tpu.dma_semaphore, #tpu.memory_space<semaphore_mem>>) src(%dma_wait3A_478 : memref<64xi32, #tpu.memory_space<hbm>>) dst(%dma_wait3A_476 : memref<64xi32, #tpu.memory_space<vmem>>)
      %dma_start3A_479 = arith.constant 1 : i32
      %dma_start3A_480 = arith.constant 1 : i32
      %dma_start3A_481 = arith.constant 1 : i32
      %dma_start3A_482 = arith.constant 0 : i32
      %dma_start3A_483 = arith.constant 0 : i32
      %dma_start3A_484 = tpu.memref_slice %arg9[%dma_start3A_480, %dma_start3A_482, %dma_start3A_483] : memref<5x64x128xf32, #tpu.memory_space<vmem>> -> memref<1x64x128xf32, #tpu.memory_space<vmem>>
      %dma_start3A_485 = tpu.memref_squeeze %dma_start3A_484 : memref<1x64x128xf32, #tpu.memory_space<vmem>> -> memref<64x128xf32, #tpu.memory_space<vmem>>
      %dma_start3A_486 = arith.constant 0 : i32
      %dma_start3A_487 = tpu.memref_slice %arg7[%dma_start3A_479, %dma_start3A_486] : memref<10x64xi32, #tpu.memory_space<vmem>> -> memref<1x64xi32, #tpu.memory_space<vmem>>
      %dma_start3A_488 = tpu.memref_squeeze %dma_start3A_487 : memref<1x64xi32, #tpu.memory_space<vmem>> -> memref<64xi32, #tpu.memory_space<vmem>>
      %dma_start3A_489 = arith.constant 0 : i32
      %dma_start3A_490 = arith.constant 0 : i32
      %dma_start3A_491 = tpu.memref_slice %arg2[%dma_start3A_489, %dma_start3A_490] : memref<20000x128xf32, #tpu.memory_space<hbm>> -> memref<20000x128xf32, #tpu.memory_space<hbm>>
      %dma_start3A_492 = tpu.memref_slice %arg12[%dma_start3A_481] : memref<5x!tpu.dma_semaphore, #tpu.memory_space<semaphore_mem>> -> memref<1x!tpu.dma_semaphore, #tpu.memory_space<semaphore_mem>>
      %dma_start3A_493 = tpu.memref_squeeze %dma_start3A_492 : memref<1x!tpu.dma_semaphore, #tpu.memory_space<semaphore_mem>> -> memref<!tpu.dma_semaphore, #tpu.memory_space<semaphore_mem>>
      tpu.enqueue_indirect_dma source(%dma_start3A_491 : memref<20000x128xf32, #tpu.memory_space<hbm>>) target(%dma_start3A_485 : memref<64x128xf32, #tpu.memory_space<vmem>>) offsets(%dma_start3A_488 : memref<64xi32, #tpu.memory_space<vmem>>) semaphore(%dma_start3A_493 : memref<!tpu.dma_semaphore, #tpu.memory_space<semaphore_mem>>)
      %gt3A_494 = arith.constant 0 : i32
      %gt3A_495 = arith.cmpi sgt, %scan3A_394, %gt3A_494 : i32
      %convert_element_type3A_496 = arith.extui %gt3A_495 : i1 to i32
      %cond3A_497 = arith.constant 0 : i32
      %cond3A_498 = arith.cmpi ne, %convert_element_type3A_496, %cond3A_497 : i32
      scf.if %cond3A_498 {
        %dma_wait3A_1302 = arith.constant 2 : i32
        %dma_wait3A_1303 = arith.constant 2 : i32
        %dma_wait3A_1304 = arith.constant 0 : i32
        %dma_wait3A_1305 = arith.constant 0 : i32
        %dma_wait3A_1306 = tpu.memref_slice %arg9[%dma_wait3A_1302, %dma_wait3A_1304, %dma_wait3A_1305] : memref<5x64x128xf32, #tpu.memory_space<vmem>> -> memref<1x64x128xf32, #tpu.memory_space<vmem>>
        %dma_wait3A_1307 = tpu.memref_squeeze %dma_wait3A_1306 : memref<1x64x128xf32, #tpu.memory_space<vmem>> -> memref<64x128xf32, #tpu.memory_space<vmem>>
        %dma_wait3A_1308 = arith.constant 0 : i32
        %dma_wait3A_1309 = arith.constant 0 : i32
        %dma_wait3A_1310 = tpu.memref_slice %arg2[%dma_wait3A_1308, %dma_wait3A_1309] : memref<20000x128xf32, #tpu.memory_space<hbm>> -> memref<64x128xf32, #tpu.memory_space<hbm>>
        %dma_wait3A_1311 = tpu.memref_slice %arg13[%dma_wait3A_1303] : memref<5x!tpu.dma_semaphore, #tpu.memory_space<semaphore_mem>> -> memref<1x!tpu.dma_semaphore, #tpu.memory_space<semaphore_mem>>
        %dma_wait3A_1312 = tpu.memref_squeeze %dma_wait3A_1311 : memref<1x!tpu.dma_semaphore, #tpu.memory_space<semaphore_mem>> -> memref<!tpu.dma_semaphore, #tpu.memory_space<semaphore_mem>>
        %dma_wait3A_1313 = arith.constant 0 : i32
        %dma_wait3A_1314 = arith.constant 0 : i32
        %dma_wait3A_1315 = tpu.memref_slice %arg9[%dma_wait3A_1302, %dma_wait3A_1313, %dma_wait3A_1314] : memref<5x64x128xf32, #tpu.memory_space<vmem>> -> memref<1x64x128xf32, #tpu.memory_space<vmem>>
        %dma_wait3A_1316 = tpu.memref_squeeze %dma_wait3A_1315 : memref<1x64x128xf32, #tpu.memory_space<vmem>> -> memref<64x128xf32, #tpu.memory_space<vmem>>
        %dma_wait3A_1317 = arith.constant 0 : i32
        %dma_wait3A_1318 = arith.constant 0 : i32
        %dma_wait3A_1319 = tpu.memref_slice %arg2[%dma_wait3A_1317, %dma_wait3A_1318] : memref<20000x128xf32, #tpu.memory_space<hbm>> -> memref<64x128xf32, #tpu.memory_space<hbm>>
        tpu.wait_dma2 semaphore(%dma_wait3A_1312 : memref<!tpu.dma_semaphore, #tpu.memory_space<semaphore_mem>>) src(%dma_wait3A_1319 : memref<64x128xf32, #tpu.memory_space<hbm>>) dst(%dma_wait3A_1316 : memref<64x128xf32, #tpu.memory_space<vmem>>)
      } else {
      }
      %dma_wait3A_499 = arith.constant 2 : i32
      %dma_wait3A_500 = arith.constant 2 : i32
      %dma_wait3A_501 = arith.constant 0 : i32
      %dma_wait3A_502 = tpu.memref_slice %arg7[%dma_wait3A_499, %dma_wait3A_501] : memref<10x64xi32, #tpu.memory_space<vmem>> -> memref<1x64xi32, #tpu.memory_space<vmem>>
      %dma_wait3A_503 = tpu.memref_squeeze %dma_wait3A_502 : memref<1x64xi32, #tpu.memory_space<vmem>> -> memref<64xi32, #tpu.memory_space<vmem>>
      %dma_wait3A_504 = arith.constant 0 : i32
      %dma_wait3A_505 = tpu.memref_slice %arg3[%arg0, %dma_wait3A_504] : memref<2x163840xi32, #tpu.memory_space<hbm>> -> memref<1x64xi32, #tpu.memory_space<hbm>>
      %dma_wait3A_506 = tpu.memref_squeeze %dma_wait3A_505 : memref<1x64xi32, #tpu.memory_space<hbm>> -> memref<64xi32, #tpu.memory_space<hbm>>
      %dma_wait3A_507 = tpu.memref_slice %arg11[%dma_wait3A_500] : memref<10x!tpu.dma_semaphore, #tpu.memory_space<semaphore_mem>> -> memref<1x!tpu.dma_semaphore, #tpu.memory_space<semaphore_mem>>
      %dma_wait3A_508 = tpu.memref_squeeze %dma_wait3A_507 : memref<1x!tpu.dma_semaphore, #tpu.memory_space<semaphore_mem>> -> memref<!tpu.dma_semaphore, #tpu.memory_space<semaphore_mem>>
      %dma_wait3A_509 = arith.constant 0 : i32
      %dma_wait3A_510 = tpu.memref_slice %arg7[%dma_wait3A_499, %dma_wait3A_509] : memref<10x64xi32, #tpu.memory_space<vmem>> -> memref<1x64xi32, #tpu.memory_space<vmem>>
      %dma_wait3A_511 = tpu.memref_squeeze %dma_wait3A_510 : memref<1x64xi32, #tpu.memory_space<vmem>> -> memref<64xi32, #tpu.memory_space<vmem>>
      %dma_wait3A_512 = arith.constant 0 : i32
      %dma_wait3A_513 = tpu.memref_slice %arg3[%arg0, %dma_wait3A_512] : memref<2x163840xi32, #tpu.memory_space<hbm>> -> memref<1x64xi32, #tpu.memory_space<hbm>>
      %dma_wait3A_514 = tpu.memref_squeeze %dma_wait3A_513 : memref<1x64xi32, #tpu.memory_space<hbm>> -> memref<64xi32, #tpu.memory_space<hbm>>
      tpu.wait_dma2 semaphore(%dma_wait3A_508 : memref<!tpu.dma_semaphore, #tpu.memory_space<semaphore_mem>>) src(%dma_wait3A_514 : memref<64xi32, #tpu.memory_space<hbm>>) dst(%dma_wait3A_511 : memref<64xi32, #tpu.memory_space<vmem>>)
      %dma_wait3A_515 = arith.constant 2 : i32
      %dma_wait3A_516 = arith.constant 2 : i32
      %dma_wait3A_517 = arith.constant 0 : i32
      %dma_wait3A_518 = tpu.memref_slice %arg8[%dma_wait3A_515, %dma_wait3A_517] : memref<10x64xi32, #tpu.memory_space<vmem>> -> memref<1x64xi32, #tpu.memory_space<vmem>>
      %dma_wait3A_519 = tpu.memref_squeeze %dma_wait3A_518 : memref<1x64xi32, #tpu.memory_space<vmem>> -> memref<64xi32, #tpu.memory_space<vmem>>
      %dma_wait3A_520 = arith.constant 0 : i32
      %dma_wait3A_521 = tpu.memref_slice %arg4[%dma_wait3A_520] : memref<163840xi32, #tpu.memory_space<hbm>> -> memref<64xi32, #tpu.memory_space<hbm>>
      %dma_wait3A_522 = tpu.memref_slice %arg11[%dma_wait3A_516] : memref<10x!tpu.dma_semaphore, #tpu.memory_space<semaphore_mem>> -> memref<1x!tpu.dma_semaphore, #tpu.memory_space<semaphore_mem>>
      %dma_wait3A_523 = tpu.memref_squeeze %dma_wait3A_522 : memref<1x!tpu.dma_semaphore, #tpu.memory_space<semaphore_mem>> -> memref<!tpu.dma_semaphore, #tpu.memory_space<semaphore_mem>>
      %dma_wait3A_524 = arith.constant 0 : i32
      %dma_wait3A_525 = tpu.memref_slice %arg8[%dma_wait3A_515, %dma_wait3A_524] : memref<10x64xi32, #tpu.memory_space<vmem>> -> memref<1x64xi32, #tpu.memory_space<vmem>>
      %dma_wait3A_526 = tpu.memref_squeeze %dma_wait3A_525 : memref<1x64xi32, #tpu.memory_space<vmem>> -> memref<64xi32, #tpu.memory_space<vmem>>
      %dma_wait3A_527 = arith.constant 0 : i32
      %dma_wait3A_528 = tpu.memref_slice %arg4[%dma_wait3A_527] : memref<163840xi32, #tpu.memory_space<hbm>> -> memref<64xi32, #tpu.memory_space<hbm>>
      tpu.wait_dma2 semaphore(%dma_wait3A_523 : memref<!tpu.dma_semaphore, #tpu.memory_space<semaphore_mem>>) src(%dma_wait3A_528 : memref<64xi32, #tpu.memory_space<hbm>>) dst(%dma_wait3A_526 : memref<64xi32, #tpu.memory_space<vmem>>)
      %dma_start3A_529 = arith.constant 2 : i32
      %dma_start3A_530 = arith.constant 2 : i32
      %dma_start3A_531 = arith.constant 2 : i32
      %dma_start3A_532 = arith.constant 0 : i32
      %dma_start3A_533 = arith.constant 0 : i32
      %dma_start3A_534 = tpu.memref_slice %arg9[%dma_start3A_530, %dma_start3A_532, %dma_start3A_533] : memref<5x64x128xf32, #tpu.memory_space<vmem>> -> memref<1x64x128xf32, #tpu.memory_space<vmem>>
      %dma_start3A_535 = tpu.memref_squeeze %dma_start3A_534 : memref<1x64x128xf32, #tpu.memory_space<vmem>> -> memref<64x128xf32, #tpu.memory_space<vmem>>
      %dma_start3A_536 = arith.constant 0 : i32
      %dma_start3A_537 = tpu.memref_slice %arg7[%dma_start3A_529, %dma_start3A_536] : memref<10x64xi32, #tpu.memory_space<vmem>> -> memref<1x64xi32, #tpu.memory_space<vmem>>
      %dma_start3A_538 = tpu.memref_squeeze %dma_start3A_537 : memref<1x64xi32, #tpu.memory_space<vmem>> -> memref<64xi32, #tpu.memory_space<vmem>>
      %dma_start3A_539 = arith.constant 0 : i32
      %dma_start3A_540 = arith.constant 0 : i32
      %dma_start3A_541 = tpu.memref_slice %arg2[%dma_start3A_539, %dma_start3A_540] : memref<20000x128xf32, #tpu.memory_space<hbm>> -> memref<20000x128xf32, #tpu.memory_space<hbm>>
      %dma_start3A_542 = tpu.memref_slice %arg12[%dma_start3A_531] : memref<5x!tpu.dma_semaphore, #tpu.memory_space<semaphore_mem>> -> memref<1x!tpu.dma_semaphore, #tpu.memory_space<semaphore_mem>>
      %dma_start3A_543 = tpu.memref_squeeze %dma_start3A_542 : memref<1x!tpu.dma_semaphore, #tpu.memory_space<semaphore_mem>> -> memref<!tpu.dma_semaphore, #tpu.memory_space<semaphore_mem>>
      tpu.enqueue_indirect_dma source(%dma_start3A_541 : memref<20000x128xf32, #tpu.memory_space<hbm>>) target(%dma_start3A_535 : memref<64x128xf32, #tpu.memory_space<vmem>>) offsets(%dma_start3A_538 : memref<64xi32, #tpu.memory_space<vmem>>) semaphore(%dma_start3A_543 : memref<!tpu.dma_semaphore, #tpu.memory_space<semaphore_mem>>)
      %gt3A_544 = arith.constant 0 : i32
      %gt3A_545 = arith.cmpi sgt, %scan3A_394, %gt3A_544 : i32
      %convert_element_type3A_546 = arith.extui %gt3A_545 : i1 to i32
      %cond3A_547 = arith.constant 0 : i32
      %cond3A_548 = arith.cmpi ne, %convert_element_type3A_546, %cond3A_547 : i32
      scf.if %cond3A_548 {
        %dma_wait3A_1302 = arith.constant 3 : i32
        %dma_wait3A_1303 = arith.constant 3 : i32
        %dma_wait3A_1304 = arith.constant 0 : i32
        %dma_wait3A_1305 = arith.constant 0 : i32
        %dma_wait3A_1306 = tpu.memref_slice %arg9[%dma_wait3A_1302, %dma_wait3A_1304, %dma_wait3A_1305] : memref<5x64x128xf32, #tpu.memory_space<vmem>> -> memref<1x64x128xf32, #tpu.memory_space<vmem>>
        %dma_wait3A_1307 = tpu.memref_squeeze %dma_wait3A_1306 : memref<1x64x128xf32, #tpu.memory_space<vmem>> -> memref<64x128xf32, #tpu.memory_space<vmem>>
        %dma_wait3A_1308 = arith.constant 0 : i32
        %dma_wait3A_1309 = arith.constant 0 : i32
        %dma_wait3A_1310 = tpu.memref_slice %arg2[%dma_wait3A_1308, %dma_wait3A_1309] : memref<20000x128xf32, #tpu.memory_space<hbm>> -> memref<64x128xf32, #tpu.memory_space<hbm>>
        %dma_wait3A_1311 = tpu.memref_slice %arg13[%dma_wait3A_1303] : memref<5x!tpu.dma_semaphore, #tpu.memory_space<semaphore_mem>> -> memref<1x!tpu.dma_semaphore, #tpu.memory_space<semaphore_mem>>
        %dma_wait3A_1312 = tpu.memref_squeeze %dma_wait3A_1311 : memref<1x!tpu.dma_semaphore, #tpu.memory_space<semaphore_mem>> -> memref<!tpu.dma_semaphore, #tpu.memory_space<semaphore_mem>>
        %dma_wait3A_1313 = arith.constant 0 : i32
        %dma_wait3A_1314 = arith.constant 0 : i32
        %dma_wait3A_1315 = tpu.memref_slice %arg9[%dma_wait3A_1302, %dma_wait3A_1313, %dma_wait3A_1314] : memref<5x64x128xf32, #tpu.memory_space<vmem>> -> memref<1x64x128xf32, #tpu.memory_space<vmem>>
        %dma_wait3A_1316 = tpu.memref_squeeze %dma_wait3A_1315 : memref<1x64x128xf32, #tpu.memory_space<vmem>> -> memref<64x128xf32, #tpu.memory_space<vmem>>
        %dma_wait3A_1317 = arith.constant 0 : i32
        %dma_wait3A_1318 = arith.constant 0 : i32
        %dma_wait3A_1319 = tpu.memref_slice %arg2[%dma_wait3A_1317, %dma_wait3A_1318] : memref<20000x128xf32, #tpu.memory_space<hbm>> -> memref<64x128xf32, #tpu.memory_space<hbm>>
        tpu.wait_dma2 semaphore(%dma_wait3A_1312 : memref<!tpu.dma_semaphore, #tpu.memory_space<semaphore_mem>>) src(%dma_wait3A_1319 : memref<64x128xf32, #tpu.memory_space<hbm>>) dst(%dma_wait3A_1316 : memref<64x128xf32, #tpu.memory_space<vmem>>)
      } else {
      }
      %dma_wait3A_549 = arith.constant 3 : i32
      %dma_wait3A_550 = arith.constant 3 : i32
      %dma_wait3A_551 = arith.constant 0 : i32
      %dma_wait3A_552 = tpu.memref_slice %arg7[%dma_wait3A_549, %dma_wait3A_551] : memref<10x64xi32, #tpu.memory_space<vmem>> -> memref<1x64xi32, #tpu.memory_space<vmem>>
      %dma_wait3A_553 = tpu.memref_squeeze %dma_wait3A_552 : memref<1x64xi32, #tpu.memory_space<vmem>> -> memref<64xi32, #tpu.memory_space<vmem>>
      %dma_wait3A_554 = arith.constant 0 : i32
      %dma_wait3A_555 = tpu.memref_slice %arg3[%arg0, %dma_wait3A_554] : memref<2x163840xi32, #tpu.memory_space<hbm>> -> memref<1x64xi32, #tpu.memory_space<hbm>>
      %dma_wait3A_556 = tpu.memref_squeeze %dma_wait3A_555 : memref<1x64xi32, #tpu.memory_space<hbm>> -> memref<64xi32, #tpu.memory_space<hbm>>
      %dma_wait3A_557 = tpu.memref_slice %arg11[%dma_wait3A_550] : memref<10x!tpu.dma_semaphore, #tpu.memory_space<semaphore_mem>> -> memref<1x!tpu.dma_semaphore, #tpu.memory_space<semaphore_mem>>
      %dma_wait3A_558 = tpu.memref_squeeze %dma_wait3A_557 : memref<1x!tpu.dma_semaphore, #tpu.memory_space<semaphore_mem>> -> memref<!tpu.dma_semaphore, #tpu.memory_space<semaphore_mem>>
      %dma_wait3A_559 = arith.constant 0 : i32
      %dma_wait3A_560 = tpu.memref_slice %arg7[%dma_wait3A_549, %dma_wait3A_559] : memref<10x64xi32, #tpu.memory_space<vmem>> -> memref<1x64xi32, #tpu.memory_space<vmem>>
      %dma_wait3A_561 = tpu.memref_squeeze %dma_wait3A_560 : memref<1x64xi32, #tpu.memory_space<vmem>> -> memref<64xi32, #tpu.memory_space<vmem>>
      %dma_wait3A_562 = arith.constant 0 : i32
      %dma_wait3A_563 = tpu.memref_slice %arg3[%arg0, %dma_wait3A_562] : memref<2x163840xi32, #tpu.memory_space<hbm>> -> memref<1x64xi32, #tpu.memory_space<hbm>>
      %dma_wait3A_564 = tpu.memref_squeeze %dma_wait3A_563 : memref<1x64xi32, #tpu.memory_space<hbm>> -> memref<64xi32, #tpu.memory_space<hbm>>
      tpu.wait_dma2 semaphore(%dma_wait3A_558 : memref<!tpu.dma_semaphore, #tpu.memory_space<semaphore_mem>>) src(%dma_wait3A_564 : memref<64xi32, #tpu.memory_space<hbm>>) dst(%dma_wait3A_561 : memref<64xi32, #tpu.memory_space<vmem>>)
      %dma_wait3A_565 = arith.constant 3 : i32
      %dma_wait3A_566 = arith.constant 3 : i32
      %dma_wait3A_567 = arith.constant 0 : i32
      %dma_wait3A_568 = tpu.memref_slice %arg8[%dma_wait3A_565, %dma_wait3A_567] : memref<10x64xi32, #tpu.memory_space<vmem>> -> memref<1x64xi32, #tpu.memory_space<vmem>>
      %dma_wait3A_569 = tpu.memref_squeeze %dma_wait3A_568 : memref<1x64xi32, #tpu.memory_space<vmem>> -> memref<64xi32, #tpu.memory_space<vmem>>
      %dma_wait3A_570 = arith.constant 0 : i32
      %dma_wait3A_571 = tpu.memref_slice %arg4[%dma_wait3A_570] : memref<163840xi32, #tpu.memory_space<hbm>> -> memref<64xi32, #tpu.memory_space<hbm>>
      %dma_wait3A_572 = tpu.memref_slice %arg11[%dma_wait3A_566] : memref<10x!tpu.dma_semaphore, #tpu.memory_space<semaphore_mem>> -> memref<1x!tpu.dma_semaphore, #tpu.memory_space<semaphore_mem>>
      %dma_wait3A_573 = tpu.memref_squeeze %dma_wait3A_572 : memref<1x!tpu.dma_semaphore, #tpu.memory_space<semaphore_mem>> -> memref<!tpu.dma_semaphore, #tpu.memory_space<semaphore_mem>>
      %dma_wait3A_574 = arith.constant 0 : i32
      %dma_wait3A_575 = tpu.memref_slice %arg8[%dma_wait3A_565, %dma_wait3A_574] : memref<10x64xi32, #tpu.memory_space<vmem>> -> memref<1x64xi32, #tpu.memory_space<vmem>>
      %dma_wait3A_576 = tpu.memref_squeeze %dma_wait3A_575 : memref<1x64xi32, #tpu.memory_space<vmem>> -> memref<64xi32, #tpu.memory_space<vmem>>
      %dma_wait3A_577 = arith.constant 0 : i32
      %dma_wait3A_578 = tpu.memref_slice %arg4[%dma_wait3A_577] : memref<163840xi32, #tpu.memory_space<hbm>> -> memref<64xi32, #tpu.memory_space<hbm>>
      tpu.wait_dma2 semaphore(%dma_wait3A_573 : memref<!tpu.dma_semaphore, #tpu.memory_space<semaphore_mem>>) src(%dma_wait3A_578 : memref<64xi32, #tpu.memory_space<hbm>>) dst(%dma_wait3A_576 : memref<64xi32, #tpu.memory_space<vmem>>)
      %dma_start3A_579 = arith.constant 3 : i32
      %dma_start3A_580 = arith.constant 3 : i32
      %dma_start3A_581 = arith.constant 3 : i32
      %dma_start3A_582 = arith.constant 0 : i32
      %dma_start3A_583 = arith.constant 0 : i32
      %dma_start3A_584 = tpu.memref_slice %arg9[%dma_start3A_580, %dma_start3A_582, %dma_start3A_583] : memref<5x64x128xf32, #tpu.memory_space<vmem>> -> memref<1x64x128xf32, #tpu.memory_space<vmem>>
      %dma_start3A_585 = tpu.memref_squeeze %dma_start3A_584 : memref<1x64x128xf32, #tpu.memory_space<vmem>> -> memref<64x128xf32, #tpu.memory_space<vmem>>
      %dma_start3A_586 = arith.constant 0 : i32
      %dma_start3A_587 = tpu.memref_slice %arg7[%dma_start3A_579, %dma_start3A_586] : memref<10x64xi32, #tpu.memory_space<vmem>> -> memref<1x64xi32, #tpu.memory_space<vmem>>
      %dma_start3A_588 = tpu.memref_squeeze %dma_start3A_587 : memref<1x64xi32, #tpu.memory_space<vmem>> -> memref<64xi32, #tpu.memory_space<vmem>>
      %dma_start3A_589 = arith.constant 0 : i32
      %dma_start3A_590 = arith.constant 0 : i32
      %dma_start3A_591 = tpu.memref_slice %arg2[%dma_start3A_589, %dma_start3A_590] : memref<20000x128xf32, #tpu.memory_space<hbm>> -> memref<20000x128xf32, #tpu.memory_space<hbm>>
      %dma_start3A_592 = tpu.memref_slice %arg12[%dma_start3A_581] : memref<5x!tpu.dma_semaphore, #tpu.memory_space<semaphore_mem>> -> memref<1x!tpu.dma_semaphore, #tpu.memory_space<semaphore_mem>>
      %dma_start3A_593 = tpu.memref_squeeze %dma_start3A_592 : memref<1x!tpu.dma_semaphore, #tpu.memory_space<semaphore_mem>> -> memref<!tpu.dma_semaphore, #tpu.memory_space<semaphore_mem>>
      tpu.enqueue_indirect_dma source(%dma_start3A_591 : memref<20000x128xf32, #tpu.memory_space<hbm>>) target(%dma_start3A_585 : memref<64x128xf32, #tpu.memory_space<vmem>>) offsets(%dma_start3A_588 : memref<64xi32, #tpu.memory_space<vmem>>) semaphore(%dma_start3A_593 : memref<!tpu.dma_semaphore, #tpu.memory_space<semaphore_mem>>)
      %gt3A_594 = arith.constant 0 : i32
      %gt3A_595 = arith.cmpi sgt, %scan3A_394, %gt3A_594 : i32
      %convert_element_type3A_596 = arith.extui %gt3A_595 : i1 to i32
      %cond3A_597 = arith.constant 0 : i32
      %cond3A_598 = arith.cmpi ne, %convert_element_type3A_596, %cond3A_597 : i32
      scf.if %cond3A_598 {
        %dma_wait3A_1302 = arith.constant 4 : i32
        %dma_wait3A_1303 = arith.constant 4 : i32
        %dma_wait3A_1304 = arith.constant 0 : i32
        %dma_wait3A_1305 = arith.constant 0 : i32
        %dma_wait3A_1306 = tpu.memref_slice %arg9[%dma_wait3A_1302, %dma_wait3A_1304, %dma_wait3A_1305] : memref<5x64x128xf32, #tpu.memory_space<vmem>> -> memref<1x64x128xf32, #tpu.memory_space<vmem>>
        %dma_wait3A_1307 = tpu.memref_squeeze %dma_wait3A_1306 : memref<1x64x128xf32, #tpu.memory_space<vmem>> -> memref<64x128xf32, #tpu.memory_space<vmem>>
        %dma_wait3A_1308 = arith.constant 0 : i32
        %dma_wait3A_1309 = arith.constant 0 : i32
        %dma_wait3A_1310 = tpu.memref_slice %arg2[%dma_wait3A_1308, %dma_wait3A_1309] : memref<20000x128xf32, #tpu.memory_space<hbm>> -> memref<64x128xf32, #tpu.memory_space<hbm>>
        %dma_wait3A_1311 = tpu.memref_slice %arg13[%dma_wait3A_1303] : memref<5x!tpu.dma_semaphore, #tpu.memory_space<semaphore_mem>> -> memref<1x!tpu.dma_semaphore, #tpu.memory_space<semaphore_mem>>
        %dma_wait3A_1312 = tpu.memref_squeeze %dma_wait3A_1311 : memref<1x!tpu.dma_semaphore, #tpu.memory_space<semaphore_mem>> -> memref<!tpu.dma_semaphore, #tpu.memory_space<semaphore_mem>>
        %dma_wait3A_1313 = arith.constant 0 : i32
        %dma_wait3A_1314 = arith.constant 0 : i32
        %dma_wait3A_1315 = tpu.memref_slice %arg9[%dma_wait3A_1302, %dma_wait3A_1313, %dma_wait3A_1314] : memref<5x64x128xf32, #tpu.memory_space<vmem>> -> memref<1x64x128xf32, #tpu.memory_space<vmem>>
        %dma_wait3A_1316 = tpu.memref_squeeze %dma_wait3A_1315 : memref<1x64x128xf32, #tpu.memory_space<vmem>> -> memref<64x128xf32, #tpu.memory_space<vmem>>
        %dma_wait3A_1317 = arith.constant 0 : i32
        %dma_wait3A_1318 = arith.constant 0 : i32
        %dma_wait3A_1319 = tpu.memref_slice %arg2[%dma_wait3A_1317, %dma_wait3A_1318] : memref<20000x128xf32, #tpu.memory_space<hbm>> -> memref<64x128xf32, #tpu.memory_space<hbm>>
        tpu.wait_dma2 semaphore(%dma_wait3A_1312 : memref<!tpu.dma_semaphore, #tpu.memory_space<semaphore_mem>>) src(%dma_wait3A_1319 : memref<64x128xf32, #tpu.memory_space<hbm>>) dst(%dma_wait3A_1316 : memref<64x128xf32, #tpu.memory_space<vmem>>)
      } else {
      }
      %dma_wait3A_599 = arith.constant 4 : i32
      %dma_wait3A_600 = arith.constant 4 : i32
      %dma_wait3A_601 = arith.constant 0 : i32
      %dma_wait3A_602 = tpu.memref_slice %arg7[%dma_wait3A_599, %dma_wait3A_601] : memref<10x64xi32, #tpu.memory_space<vmem>> -> memref<1x64xi32, #tpu.memory_space<vmem>>
      %dma_wait3A_603 = tpu.memref_squeeze %dma_wait3A_602 : memref<1x64xi32, #tpu.memory_space<vmem>> -> memref<64xi32, #tpu.memory_space<vmem>>
      %dma_wait3A_604 = arith.constant 0 : i32
      %dma_wait3A_605 = tpu.memref_slice %arg3[%arg0, %dma_wait3A_604] : memref<2x163840xi32, #tpu.memory_space<hbm>> -> memref<1x64xi32, #tpu.memory_space<hbm>>
      %dma_wait3A_606 = tpu.memref_squeeze %dma_wait3A_605 : memref<1x64xi32, #tpu.memory_space<hbm>> -> memref<64xi32, #tpu.memory_space<hbm>>
      %dma_wait3A_607 = tpu.memref_slice %arg11[%dma_wait3A_600] : memref<10x!tpu.dma_semaphore, #tpu.memory_space<semaphore_mem>> -> memref<1x!tpu.dma_semaphore, #tpu.memory_space<semaphore_mem>>
      %dma_wait3A_608 = tpu.memref_squeeze %dma_wait3A_607 : memref<1x!tpu.dma_semaphore, #tpu.memory_space<semaphore_mem>> -> memref<!tpu.dma_semaphore, #tpu.memory_space<semaphore_mem>>
      %dma_wait3A_609 = arith.constant 0 : i32
      %dma_wait3A_610 = tpu.memref_slice %arg7[%dma_wait3A_599, %dma_wait3A_609] : memref<10x64xi32, #tpu.memory_space<vmem>> -> memref<1x64xi32, #tpu.memory_space<vmem>>
      %dma_wait3A_611 = tpu.memref_squeeze %dma_wait3A_610 : memref<1x64xi32, #tpu.memory_space<vmem>> -> memref<64xi32, #tpu.memory_space<vmem>>
      %dma_wait3A_612 = arith.constant 0 : i32
      %dma_wait3A_613 = tpu.memref_slice %arg3[%arg0, %dma_wait3A_612] : memref<2x163840xi32, #tpu.memory_space<hbm>> -> memref<1x64xi32, #tpu.memory_space<hbm>>
      %dma_wait3A_614 = tpu.memref_squeeze %dma_wait3A_613 : memref<1x64xi32, #tpu.memory_space<hbm>> -> memref<64xi32, #tpu.memory_space<hbm>>
      tpu.wait_dma2 semaphore(%dma_wait3A_608 : memref<!tpu.dma_semaphore, #tpu.memory_space<semaphore_mem>>) src(%dma_wait3A_614 : memref<64xi32, #tpu.memory_space<hbm>>) dst(%dma_wait3A_611 : memref<64xi32, #tpu.memory_space<vmem>>)
      %dma_wait3A_615 = arith.constant 4 : i32
      %dma_wait3A_616 = arith.constant 4 : i32
      %dma_wait3A_617 = arith.constant 0 : i32
      %dma_wait3A_618 = tpu.memref_slice %arg8[%dma_wait3A_615, %dma_wait3A_617] : memref<10x64xi32, #tpu.memory_space<vmem>> -> memref<1x64xi32, #tpu.memory_space<vmem>>
      %dma_wait3A_619 = tpu.memref_squeeze %dma_wait3A_618 : memref<1x64xi32, #tpu.memory_space<vmem>> -> memref<64xi32, #tpu.memory_space<vmem>>
      %dma_wait3A_620 = arith.constant 0 : i32
      %dma_wait3A_621 = tpu.memref_slice %arg4[%dma_wait3A_620] : memref<163840xi32, #tpu.memory_space<hbm>> -> memref<64xi32, #tpu.memory_space<hbm>>
      %dma_wait3A_622 = tpu.memref_slice %arg11[%dma_wait3A_616] : memref<10x!tpu.dma_semaphore, #tpu.memory_space<semaphore_mem>> -> memref<1x!tpu.dma_semaphore, #tpu.memory_space<semaphore_mem>>
      %dma_wait3A_623 = tpu.memref_squeeze %dma_wait3A_622 : memref<1x!tpu.dma_semaphore, #tpu.memory_space<semaphore_mem>> -> memref<!tpu.dma_semaphore, #tpu.memory_space<semaphore_mem>>
      %dma_wait3A_624 = arith.constant 0 : i32
      %dma_wait3A_625 = tpu.memref_slice %arg8[%dma_wait3A_615, %dma_wait3A_624] : memref<10x64xi32, #tpu.memory_space<vmem>> -> memref<1x64xi32, #tpu.memory_space<vmem>>
      %dma_wait3A_626 = tpu.memref_squeeze %dma_wait3A_625 : memref<1x64xi32, #tpu.memory_space<vmem>> -> memref<64xi32, #tpu.memory_space<vmem>>
      %dma_wait3A_627 = arith.constant 0 : i32
      %dma_wait3A_628 = tpu.memref_slice %arg4[%dma_wait3A_627] : memref<163840xi32, #tpu.memory_space<hbm>> -> memref<64xi32, #tpu.memory_space<hbm>>
      tpu.wait_dma2 semaphore(%dma_wait3A_623 : memref<!tpu.dma_semaphore, #tpu.memory_space<semaphore_mem>>) src(%dma_wait3A_628 : memref<64xi32, #tpu.memory_space<hbm>>) dst(%dma_wait3A_626 : memref<64xi32, #tpu.memory_space<vmem>>)
      %dma_start3A_629 = arith.constant 4 : i32
      %dma_start3A_630 = arith.constant 4 : i32
      %dma_start3A_631 = arith.constant 4 : i32
      %dma_start3A_632 = arith.constant 0 : i32
      %dma_start3A_633 = arith.constant 0 : i32
      %dma_start3A_634 = tpu.memref_slice %arg9[%dma_start3A_630, %dma_start3A_632, %dma_start3A_633] : memref<5x64x128xf32, #tpu.memory_space<vmem>> -> memref<1x64x128xf32, #tpu.memory_space<vmem>>
      %dma_start3A_635 = tpu.memref_squeeze %dma_start3A_634 : memref<1x64x128xf32, #tpu.memory_space<vmem>> -> memref<64x128xf32, #tpu.memory_space<vmem>>
      %dma_start3A_636 = arith.constant 0 : i32
      %dma_start3A_637 = tpu.memref_slice %arg7[%dma_start3A_629, %dma_start3A_636] : memref<10x64xi32, #tpu.memory_space<vmem>> -> memref<1x64xi32, #tpu.memory_space<vmem>>
      %dma_start3A_638 = tpu.memref_squeeze %dma_start3A_637 : memref<1x64xi32, #tpu.memory_space<vmem>> -> memref<64xi32, #tpu.memory_space<vmem>>
      %dma_start3A_639 = arith.constant 0 : i32
      %dma_start3A_640 = arith.constant 0 : i32
      %dma_start3A_641 = tpu.memref_slice %arg2[%dma_start3A_639, %dma_start3A_640] : memref<20000x128xf32, #tpu.memory_space<hbm>> -> memref<20000x128xf32, #tpu.memory_space<hbm>>
      %dma_start3A_642 = tpu.memref_slice %arg12[%dma_start3A_631] : memref<5x!tpu.dma_semaphore, #tpu.memory_space<semaphore_mem>> -> memref<1x!tpu.dma_semaphore, #tpu.memory_space<semaphore_mem>>
      %dma_start3A_643 = tpu.memref_squeeze %dma_start3A_642 : memref<1x!tpu.dma_semaphore, #tpu.memory_space<semaphore_mem>> -> memref<!tpu.dma_semaphore, #tpu.memory_space<semaphore_mem>>
      tpu.enqueue_indirect_dma source(%dma_start3A_641 : memref<20000x128xf32, #tpu.memory_space<hbm>>) target(%dma_start3A_635 : memref<64x128xf32, #tpu.memory_space<vmem>>) offsets(%dma_start3A_638 : memref<64xi32, #tpu.memory_space<vmem>>) semaphore(%dma_start3A_643 : memref<!tpu.dma_semaphore, #tpu.memory_space<semaphore_mem>>)
      %gt3A_644 = arith.constant 0 : i32
      %gt3A_645 = arith.cmpi sgt, %scan3A_394, %gt3A_644 : i32
      %convert_element_type3A_646 = arith.extui %gt3A_645 : i1 to i32
      %cond3A_647 = arith.constant 0 : i32
      %cond3A_648 = arith.cmpi ne, %convert_element_type3A_646, %cond3A_647 : i32
      scf.if %cond3A_648 {
        %add3A_1302 = arith.constant 1 : i32
        %add3A_1303 = arith.addi %mul3A_396, %add3A_1302 : i32
        %mul3A_1304 = arith.constant 5 : i32
        %mul3A_1305 = arith.muli %add3A_1303, %mul3A_1304 : i32
        %add3A_1306 = arith.constant 0 : i32
        %add3A_1307 = arith.addi %mul3A_1305, %add3A_1306 : i32
        %mul3A_1308 = arith.constant 16 : i32
        %mul3A_1309 = arith.muli %mul3A_1308, %add3A_1307 : i32
        %add3A_1310 = arith.addi %arg1, %mul3A_1309 : i32
        %mul3A_1311 = arith.constant 64 : i32
        %mul3A_1312 = arith.muli %mul3A_1311, %add3A_1310 : i32
        %dma_start3A_1313 = arith.constant 5 : i32
        %dma_start3A_1314 = arith.constant 5 : i32
        %dma_start3A_1315 = arith.constant 0 : i32
        %dma_start3A_1316 = tpu.memref_slice %arg7[%dma_start3A_1313, %dma_start3A_1315] : memref<10x64xi32, #tpu.memory_space<vmem>> -> memref<1x64xi32, #tpu.memory_space<vmem>>
        %dma_start3A_1317 = tpu.memref_squeeze %dma_start3A_1316 : memref<1x64xi32, #tpu.memory_space<vmem>> -> memref<64xi32, #tpu.memory_space<vmem>>
        %dma_start3A_1318 = tpu.memref_slice %arg3[%arg0, %mul3A_1312] : memref<2x163840xi32, #tpu.memory_space<hbm>> -> memref<1x64xi32, #tpu.memory_space<hbm>>
        %dma_start3A_1319 = tpu.memref_squeeze %dma_start3A_1318 : memref<1x64xi32, #tpu.memory_space<hbm>> -> memref<64xi32, #tpu.memory_space<hbm>>
        %dma_start3A_1320 = tpu.memref_slice %arg11[%dma_start3A_1314] : memref<10x!tpu.dma_semaphore, #tpu.memory_space<semaphore_mem>> -> memref<1x!tpu.dma_semaphore, #tpu.memory_space<semaphore_mem>>
        %dma_start3A_1321 = tpu.memref_squeeze %dma_start3A_1320 : memref<1x!tpu.dma_semaphore, #tpu.memory_space<semaphore_mem>> -> memref<!tpu.dma_semaphore, #tpu.memory_space<semaphore_mem>>
        %dma_start3A_1322 = arith.constant 0 : i32
        %dma_start3A_1323 = tpu.memref_slice %arg7[%dma_start3A_1313, %dma_start3A_1322] : memref<10x64xi32, #tpu.memory_space<vmem>> -> memref<1x64xi32, #tpu.memory_space<vmem>>
        %dma_start3A_1324 = tpu.memref_squeeze %dma_start3A_1323 : memref<1x64xi32, #tpu.memory_space<vmem>> -> memref<64xi32, #tpu.memory_space<vmem>>
        %dma_start3A_1325 = tpu.memref_slice %arg3[%arg0, %mul3A_1312] : memref<2x163840xi32, #tpu.memory_space<hbm>> -> memref<1x64xi32, #tpu.memory_space<hbm>>
        %dma_start3A_1326 = tpu.memref_squeeze %dma_start3A_1325 : memref<1x64xi32, #tpu.memory_space<hbm>> -> memref<64xi32, #tpu.memory_space<hbm>>
        tpu.enqueue_dma source(%dma_start3A_1326 : memref<64xi32, #tpu.memory_space<hbm>>) target(%dma_start3A_1324 : memref<64xi32, #tpu.memory_space<vmem>>) target_semaphore(%dma_start3A_1321 : memref<!tpu.dma_semaphore, #tpu.memory_space<semaphore_mem>>)
        %dma_start3A_1327 = arith.constant 5 : i32
        %dma_start3A_1328 = arith.constant 5 : i32
        %dma_start3A_1329 = arith.constant 0 : i32
        %dma_start3A_1330 = tpu.memref_slice %arg8[%dma_start3A_1327, %dma_start3A_1329] : memref<10x64xi32, #tpu.memory_space<vmem>> -> memref<1x64xi32, #tpu.memory_space<vmem>>
        %dma_start3A_1331 = tpu.memref_squeeze %dma_start3A_1330 : memref<1x64xi32, #tpu.memory_space<vmem>> -> memref<64xi32, #tpu.memory_space<vmem>>
        %dma_start3A_1332 = tpu.memref_slice %arg4[%mul3A_1312] : memref<163840xi32, #tpu.memory_space<hbm>> -> memref<64xi32, #tpu.memory_space<hbm>>
        %dma_start3A_1333 = tpu.memref_slice %arg11[%dma_start3A_1328] : memref<10x!tpu.dma_semaphore, #tpu.memory_space<semaphore_mem>> -> memref<1x!tpu.dma_semaphore, #tpu.memory_space<semaphore_mem>>
        %dma_start3A_1334 = tpu.memref_squeeze %dma_start3A_1333 : memref<1x!tpu.dma_semaphore, #tpu.memory_space<semaphore_mem>> -> memref<!tpu.dma_semaphore, #tpu.memory_space<semaphore_mem>>
        %dma_start3A_1335 = arith.constant 0 : i32
        %dma_start3A_1336 = tpu.memref_slice %arg8[%dma_start3A_1327, %dma_start3A_1335] : memref<10x64xi32, #tpu.memory_space<vmem>> -> memref<1x64xi32, #tpu.memory_space<vmem>>
        %dma_start3A_1337 = tpu.memref_squeeze %dma_start3A_1336 : memref<1x64xi32, #tpu.memory_space<vmem>> -> memref<64xi32, #tpu.memory_space<vmem>>
        %dma_start3A_1338 = tpu.memref_slice %arg4[%mul3A_1312] : memref<163840xi32, #tpu.memory_space<hbm>> -> memref<64xi32, #tpu.memory_space<hbm>>
        tpu.enqueue_dma source(%dma_start3A_1338 : memref<64xi32, #tpu.memory_space<hbm>>) target(%dma_start3A_1337 : memref<64xi32, #tpu.memory_space<vmem>>) target_semaphore(%dma_start3A_1334 : memref<!tpu.dma_semaphore, #tpu.memory_space<semaphore_mem>>)
        %add3A_1339 = arith.constant 1 : i32
        %add3A_1340 = arith.addi %mul3A_396, %add3A_1339 : i32
        %mul3A_1341 = arith.constant 5 : i32
        %mul3A_1342 = arith.muli %add3A_1340, %mul3A_1341 : i32
        %add3A_1343 = arith.constant 1 : i32
        %add3A_1344 = arith.addi %mul3A_1342, %add3A_1343 : i32
        %mul3A_1345 = arith.constant 16 : i32
        %mul3A_1346 = arith.muli %mul3A_1345, %add3A_1344 : i32
        %add3A_1347 = arith.addi %arg1, %mul3A_1346 : i32
        %mul3A_1348 = arith.constant 64 : i32
        %mul3A_1349 = arith.muli %mul3A_1348, %add3A_1347 : i32
        %dma_start3A_1350 = arith.constant 6 : i32
        %dma_start3A_1351 = arith.constant 6 : i32
        %dma_start3A_1352 = arith.constant 0 : i32
        %dma_start3A_1353 = tpu.memref_slice %arg7[%dma_start3A_1350, %dma_start3A_1352] : memref<10x64xi32, #tpu.memory_space<vmem>> -> memref<1x64xi32, #tpu.memory_space<vmem>>
        %dma_start3A_1354 = tpu.memref_squeeze %dma_start3A_1353 : memref<1x64xi32, #tpu.memory_space<vmem>> -> memref<64xi32, #tpu.memory_space<vmem>>
        %dma_start3A_1355 = tpu.memref_slice %arg3[%arg0, %mul3A_1349] : memref<2x163840xi32, #tpu.memory_space<hbm>> -> memref<1x64xi32, #tpu.memory_space<hbm>>
        %dma_start3A_1356 = tpu.memref_squeeze %dma_start3A_1355 : memref<1x64xi32, #tpu.memory_space<hbm>> -> memref<64xi32, #tpu.memory_space<hbm>>
        %dma_start3A_1357 = tpu.memref_slice %arg11[%dma_start3A_1351] : memref<10x!tpu.dma_semaphore, #tpu.memory_space<semaphore_mem>> -> memref<1x!tpu.dma_semaphore, #tpu.memory_space<semaphore_mem>>
        %dma_start3A_1358 = tpu.memref_squeeze %dma_start3A_1357 : memref<1x!tpu.dma_semaphore, #tpu.memory_space<semaphore_mem>> -> memref<!tpu.dma_semaphore, #tpu.memory_space<semaphore_mem>>
        %dma_start3A_1359 = arith.constant 0 : i32
        %dma_start3A_1360 = tpu.memref_slice %arg7[%dma_start3A_1350, %dma_start3A_1359] : memref<10x64xi32, #tpu.memory_space<vmem>> -> memref<1x64xi32, #tpu.memory_space<vmem>>
        %dma_start3A_1361 = tpu.memref_squeeze %dma_start3A_1360 : memref<1x64xi32, #tpu.memory_space<vmem>> -> memref<64xi32, #tpu.memory_space<vmem>>
        %dma_start3A_1362 = tpu.memref_slice %arg3[%arg0, %mul3A_1349] : memref<2x163840xi32, #tpu.memory_space<hbm>> -> memref<1x64xi32, #tpu.memory_space<hbm>>
        %dma_start3A_1363 = tpu.memref_squeeze %dma_start3A_1362 : memref<1x64xi32, #tpu.memory_space<hbm>> -> memref<64xi32, #tpu.memory_space<hbm>>
        tpu.enqueue_dma source(%dma_start3A_1363 : memref<64xi32, #tpu.memory_space<hbm>>) target(%dma_start3A_1361 : memref<64xi32, #tpu.memory_space<vmem>>) target_semaphore(%dma_start3A_1358 : memref<!tpu.dma_semaphore, #tpu.memory_space<semaphore_mem>>)
        %dma_start3A_1364 = arith.constant 6 : i32
        %dma_start3A_1365 = arith.constant 6 : i32
        %dma_start3A_1366 = arith.constant 0 : i32
        %dma_start3A_1367 = tpu.memref_slice %arg8[%dma_start3A_1364, %dma_start3A_1366] : memref<10x64xi32, #tpu.memory_space<vmem>> -> memref<1x64xi32, #tpu.memory_space<vmem>>
        %dma_start3A_1368 = tpu.memref_squeeze %dma_start3A_1367 : memref<1x64xi32, #tpu.memory_space<vmem>> -> memref<64xi32, #tpu.memory_space<vmem>>
        %dma_start3A_1369 = tpu.memref_slice %arg4[%mul3A_1349] : memref<163840xi32, #tpu.memory_space<hbm>> -> memref<64xi32, #tpu.memory_space<hbm>>
        %dma_start3A_1370 = tpu.memref_slice %arg11[%dma_start3A_1365] : memref<10x!tpu.dma_semaphore, #tpu.memory_space<semaphore_mem>> -> memref<1x!tpu.dma_semaphore, #tpu.memory_space<semaphore_mem>>
        %dma_start3A_1371 = tpu.memref_squeeze %dma_start3A_1370 : memref<1x!tpu.dma_semaphore, #tpu.memory_space<semaphore_mem>> -> memref<!tpu.dma_semaphore, #tpu.memory_space<semaphore_mem>>
        %dma_start3A_1372 = arith.constant 0 : i32
        %dma_start3A_1373 = tpu.memref_slice %arg8[%dma_start3A_1364, %dma_start3A_1372] : memref<10x64xi32, #tpu.memory_space<vmem>> -> memref<1x64xi32, #tpu.memory_space<vmem>>
        %dma_start3A_1374 = tpu.memref_squeeze %dma_start3A_1373 : memref<1x64xi32, #tpu.memory_space<vmem>> -> memref<64xi32, #tpu.memory_space<vmem>>
        %dma_start3A_1375 = tpu.memref_slice %arg4[%mul3A_1349] : memref<163840xi32, #tpu.memory_space<hbm>> -> memref<64xi32, #tpu.memory_space<hbm>>
        tpu.enqueue_dma source(%dma_start3A_1375 : memref<64xi32, #tpu.memory_space<hbm>>) target(%dma_start3A_1374 : memref<64xi32, #tpu.memory_space<vmem>>) target_semaphore(%dma_start3A_1371 : memref<!tpu.dma_semaphore, #tpu.memory_space<semaphore_mem>>)
        %add3A_1376 = arith.constant 1 : i32
        %add3A_1377 = arith.addi %mul3A_396, %add3A_1376 : i32
        %mul3A_1378 = arith.constant 5 : i32
        %mul3A_1379 = arith.muli %add3A_1377, %mul3A_1378 : i32
        %add3A_1380 = arith.constant 2 : i32
        %add3A_1381 = arith.addi %mul3A_1379, %add3A_1380 : i32
        %mul3A_1382 = arith.constant 16 : i32
        %mul3A_1383 = arith.muli %mul3A_1382, %add3A_1381 : i32
        %add3A_1384 = arith.addi %arg1, %mul3A_1383 : i32
        %mul3A_1385 = arith.constant 64 : i32
        %mul3A_1386 = arith.muli %mul3A_1385, %add3A_1384 : i32
        %dma_start3A_1387 = arith.constant 7 : i32
        %dma_start3A_1388 = arith.constant 7 : i32
        %dma_start3A_1389 = arith.constant 0 : i32
        %dma_start3A_1390 = tpu.memref_slice %arg7[%dma_start3A_1387, %dma_start3A_1389] : memref<10x64xi32, #tpu.memory_space<vmem>> -> memref<1x64xi32, #tpu.memory_space<vmem>>
        %dma_start3A_1391 = tpu.memref_squeeze %dma_start3A_1390 : memref<1x64xi32, #tpu.memory_space<vmem>> -> memref<64xi32, #tpu.memory_space<vmem>>
        %dma_start3A_1392 = tpu.memref_slice %arg3[%arg0, %mul3A_1386] : memref<2x163840xi32, #tpu.memory_space<hbm>> -> memref<1x64xi32, #tpu.memory_space<hbm>>
        %dma_start3A_1393 = tpu.memref_squeeze %dma_start3A_1392 : memref<1x64xi32, #tpu.memory_space<hbm>> -> memref<64xi32, #tpu.memory_space<hbm>>
        %dma_start3A_1394 = tpu.memref_slice %arg11[%dma_start3A_1388] : memref<10x!tpu.dma_semaphore, #tpu.memory_space<semaphore_mem>> -> memref<1x!tpu.dma_semaphore, #tpu.memory_space<semaphore_mem>>
        %dma_start3A_1395 = tpu.memref_squeeze %dma_start3A_1394 : memref<1x!tpu.dma_semaphore, #tpu.memory_space<semaphore_mem>> -> memref<!tpu.dma_semaphore, #tpu.memory_space<semaphore_mem>>
        %dma_start3A_1396 = arith.constant 0 : i32
        %dma_start3A_1397 = tpu.memref_slice %arg7[%dma_start3A_1387, %dma_start3A_1396] : memref<10x64xi32, #tpu.memory_space<vmem>> -> memref<1x64xi32, #tpu.memory_space<vmem>>
        %dma_start3A_1398 = tpu.memref_squeeze %dma_start3A_1397 : memref<1x64xi32, #tpu.memory_space<vmem>> -> memref<64xi32, #tpu.memory_space<vmem>>
        %dma_start3A_1399 = tpu.memref_slice %arg3[%arg0, %mul3A_1386] : memref<2x163840xi32, #tpu.memory_space<hbm>> -> memref<1x64xi32, #tpu.memory_space<hbm>>
        %dma_start3A_1400 = tpu.memref_squeeze %dma_start3A_1399 : memref<1x64xi32, #tpu.memory_space<hbm>> -> memref<64xi32, #tpu.memory_space<hbm>>
        tpu.enqueue_dma source(%dma_start3A_1400 : memref<64xi32, #tpu.memory_space<hbm>>) target(%dma_start3A_1398 : memref<64xi32, #tpu.memory_space<vmem>>) target_semaphore(%dma_start3A_1395 : memref<!tpu.dma_semaphore, #tpu.memory_space<semaphore_mem>>)
        %dma_start3A_1401 = arith.constant 7 : i32
        %dma_start3A_1402 = arith.constant 7 : i32
        %dma_start3A_1403 = arith.constant 0 : i32
        %dma_start3A_1404 = tpu.memref_slice %arg8[%dma_start3A_1401, %dma_start3A_1403] : memref<10x64xi32, #tpu.memory_space<vmem>> -> memref<1x64xi32, #tpu.memory_space<vmem>>
        %dma_start3A_1405 = tpu.memref_squeeze %dma_start3A_1404 : memref<1x64xi32, #tpu.memory_space<vmem>> -> memref<64xi32, #tpu.memory_space<vmem>>
        %dma_start3A_1406 = tpu.memref_slice %arg4[%mul3A_1386] : memref<163840xi32, #tpu.memory_space<hbm>> -> memref<64xi32, #tpu.memory_space<hbm>>
        %dma_start3A_1407 = tpu.memref_slice %arg11[%dma_start3A_1402] : memref<10x!tpu.dma_semaphore, #tpu.memory_space<semaphore_mem>> -> memref<1x!tpu.dma_semaphore, #tpu.memory_space<semaphore_mem>>
        %dma_start3A_1408 = tpu.memref_squeeze %dma_start3A_1407 : memref<1x!tpu.dma_semaphore, #tpu.memory_space<semaphore_mem>> -> memref<!tpu.dma_semaphore, #tpu.memory_space<semaphore_mem>>
        %dma_start3A_1409 = arith.constant 0 : i32
        %dma_start3A_1410 = tpu.memref_slice %arg8[%dma_start3A_1401, %dma_start3A_1409] : memref<10x64xi32, #tpu.memory_space<vmem>> -> memref<1x64xi32, #tpu.memory_space<vmem>>
        %dma_start3A_1411 = tpu.memref_squeeze %dma_start3A_1410 : memref<1x64xi32, #tpu.memory_space<vmem>> -> memref<64xi32, #tpu.memory_space<vmem>>
        %dma_start3A_1412 = tpu.memref_slice %arg4[%mul3A_1386] : memref<163840xi32, #tpu.memory_space<hbm>> -> memref<64xi32, #tpu.memory_space<hbm>>
        tpu.enqueue_dma source(%dma_start3A_1412 : memref<64xi32, #tpu.memory_space<hbm>>) target(%dma_start3A_1411 : memref<64xi32, #tpu.memory_space<vmem>>) target_semaphore(%dma_start3A_1408 : memref<!tpu.dma_semaphore, #tpu.memory_space<semaphore_mem>>)
        %add3A_1413 = arith.constant 1 : i32
        %add3A_1414 = arith.addi %mul3A_396, %add3A_1413 : i32
        %mul3A_1415 = arith.constant 5 : i32
        %mul3A_1416 = arith.muli %add3A_1414, %mul3A_1415 : i32
        %add3A_1417 = arith.constant 3 : i32
        %add3A_1418 = arith.addi %mul3A_1416, %add3A_1417 : i32
        %mul3A_1419 = arith.constant 16 : i32
        %mul3A_1420 = arith.muli %mul3A_1419, %add3A_1418 : i32
        %add3A_1421 = arith.addi %arg1, %mul3A_1420 : i32
        %mul3A_1422 = arith.constant 64 : i32
        %mul3A_1423 = arith.muli %mul3A_1422, %add3A_1421 : i32
        %dma_start3A_1424 = arith.constant 8 : i32
        %dma_start3A_1425 = arith.constant 8 : i32
        %dma_start3A_1426 = arith.constant 0 : i32
        %dma_start3A_1427 = tpu.memref_slice %arg7[%dma_start3A_1424, %dma_start3A_1426] : memref<10x64xi32, #tpu.memory_space<vmem>> -> memref<1x64xi32, #tpu.memory_space<vmem>>
        %dma_start3A_1428 = tpu.memref_squeeze %dma_start3A_1427 : memref<1x64xi32, #tpu.memory_space<vmem>> -> memref<64xi32, #tpu.memory_space<vmem>>
        %dma_start3A_1429 = tpu.memref_slice %arg3[%arg0, %mul3A_1423] : memref<2x163840xi32, #tpu.memory_space<hbm>> -> memref<1x64xi32, #tpu.memory_space<hbm>>
        %dma_start3A_1430 = tpu.memref_squeeze %dma_start3A_1429 : memref<1x64xi32, #tpu.memory_space<hbm>> -> memref<64xi32, #tpu.memory_space<hbm>>
        %dma_start3A_1431 = tpu.memref_slice %arg11[%dma_start3A_1425] : memref<10x!tpu.dma_semaphore, #tpu.memory_space<semaphore_mem>> -> memref<1x!tpu.dma_semaphore, #tpu.memory_space<semaphore_mem>>
        %dma_start3A_1432 = tpu.memref_squeeze %dma_start3A_1431 : memref<1x!tpu.dma_semaphore, #tpu.memory_space<semaphore_mem>> -> memref<!tpu.dma_semaphore, #tpu.memory_space<semaphore_mem>>
        %dma_start3A_1433 = arith.constant 0 : i32
        %dma_start3A_1434 = tpu.memref_slice %arg7[%dma_start3A_1424, %dma_start3A_1433] : memref<10x64xi32, #tpu.memory_space<vmem>> -> memref<1x64xi32, #tpu.memory_space<vmem>>
        %dma_start3A_1435 = tpu.memref_squeeze %dma_start3A_1434 : memref<1x64xi32, #tpu.memory_space<vmem>> -> memref<64xi32, #tpu.memory_space<vmem>>
        %dma_start3A_1436 = tpu.memref_slice %arg3[%arg0, %mul3A_1423] : memref<2x163840xi32, #tpu.memory_space<hbm>> -> memref<1x64xi32, #tpu.memory_space<hbm>>
        %dma_start3A_1437 = tpu.memref_squeeze %dma_start3A_1436 : memref<1x64xi32, #tpu.memory_space<hbm>> -> memref<64xi32, #tpu.memory_space<hbm>>
        tpu.enqueue_dma source(%dma_start3A_1437 : memref<64xi32, #tpu.memory_space<hbm>>) target(%dma_start3A_1435 : memref<64xi32, #tpu.memory_space<vmem>>) target_semaphore(%dma_start3A_1432 : memref<!tpu.dma_semaphore, #tpu.memory_space<semaphore_mem>>)
        %dma_start3A_1438 = arith.constant 8 : i32
        %dma_start3A_1439 = arith.constant 8 : i32
        %dma_start3A_1440 = arith.constant 0 : i32
        %dma_start3A_1441 = tpu.memref_slice %arg8[%dma_start3A_1438, %dma_start3A_1440] : memref<10x64xi32, #tpu.memory_space<vmem>> -> memref<1x64xi32, #tpu.memory_space<vmem>>
        %dma_start3A_1442 = tpu.memref_squeeze %dma_start3A_1441 : memref<1x64xi32, #tpu.memory_space<vmem>> -> memref<64xi32, #tpu.memory_space<vmem>>
        %dma_start3A_1443 = tpu.memref_slice %arg4[%mul3A_1423] : memref<163840xi32, #tpu.memory_space<hbm>> -> memref<64xi32, #tpu.memory_space<hbm>>
        %dma_start3A_1444 = tpu.memref_slice %arg11[%dma_start3A_1439] : memref<10x!tpu.dma_semaphore, #tpu.memory_space<semaphore_mem>> -> memref<1x!tpu.dma_semaphore, #tpu.memory_space<semaphore_mem>>
        %dma_start3A_1445 = tpu.memref_squeeze %dma_start3A_1444 : memref<1x!tpu.dma_semaphore, #tpu.memory_space<semaphore_mem>> -> memref<!tpu.dma_semaphore, #tpu.memory_space<semaphore_mem>>
        %dma_start3A_1446 = arith.constant 0 : i32
        %dma_start3A_1447 = tpu.memref_slice %arg8[%dma_start3A_1438, %dma_start3A_1446] : memref<10x64xi32, #tpu.memory_space<vmem>> -> memref<1x64xi32, #tpu.memory_space<vmem>>
        %dma_start3A_1448 = tpu.memref_squeeze %dma_start3A_1447 : memref<1x64xi32, #tpu.memory_space<vmem>> -> memref<64xi32, #tpu.memory_space<vmem>>
        %dma_start3A_1449 = tpu.memref_slice %arg4[%mul3A_1423] : memref<163840xi32, #tpu.memory_space<hbm>> -> memref<64xi32, #tpu.memory_space<hbm>>
        tpu.enqueue_dma source(%dma_start3A_1449 : memref<64xi32, #tpu.memory_space<hbm>>) target(%dma_start3A_1448 : memref<64xi32, #tpu.memory_space<vmem>>) target_semaphore(%dma_start3A_1445 : memref<!tpu.dma_semaphore, #tpu.memory_space<semaphore_mem>>)
        %add3A_1450 = arith.constant 1 : i32
        %add3A_1451 = arith.addi %mul3A_396, %add3A_1450 : i32
        %mul3A_1452 = arith.constant 5 : i32
        %mul3A_1453 = arith.muli %add3A_1451, %mul3A_1452 : i32
        %add3A_1454 = arith.constant 4 : i32
        %add3A_1455 = arith.addi %mul3A_1453, %add3A_1454 : i32
        %mul3A_1456 = arith.constant 16 : i32
        %mul3A_1457 = arith.muli %mul3A_1456, %add3A_1455 : i32
        %add3A_1458 = arith.addi %arg1, %mul3A_1457 : i32
        %mul3A_1459 = arith.constant 64 : i32
        %mul3A_1460 = arith.muli %mul3A_1459, %add3A_1458 : i32
        %dma_start3A_1461 = arith.constant 9 : i32
        %dma_start3A_1462 = arith.constant 9 : i32
        %dma_start3A_1463 = arith.constant 0 : i32
        %dma_start3A_1464 = tpu.memref_slice %arg7[%dma_start3A_1461, %dma_start3A_1463] : memref<10x64xi32, #tpu.memory_space<vmem>> -> memref<1x64xi32, #tpu.memory_space<vmem>>
        %dma_start3A_1465 = tpu.memref_squeeze %dma_start3A_1464 : memref<1x64xi32, #tpu.memory_space<vmem>> -> memref<64xi32, #tpu.memory_space<vmem>>
        %dma_start3A_1466 = tpu.memref_slice %arg3[%arg0, %mul3A_1460] : memref<2x163840xi32, #tpu.memory_space<hbm>> -> memref<1x64xi32, #tpu.memory_space<hbm>>
        %dma_start3A_1467 = tpu.memref_squeeze %dma_start3A_1466 : memref<1x64xi32, #tpu.memory_space<hbm>> -> memref<64xi32, #tpu.memory_space<hbm>>
        %dma_start3A_1468 = tpu.memref_slice %arg11[%dma_start3A_1462] : memref<10x!tpu.dma_semaphore, #tpu.memory_space<semaphore_mem>> -> memref<1x!tpu.dma_semaphore, #tpu.memory_space<semaphore_mem>>
        %dma_start3A_1469 = tpu.memref_squeeze %dma_start3A_1468 : memref<1x!tpu.dma_semaphore, #tpu.memory_space<semaphore_mem>> -> memref<!tpu.dma_semaphore, #tpu.memory_space<semaphore_mem>>
        %dma_start3A_1470 = arith.constant 0 : i32
        %dma_start3A_1471 = tpu.memref_slice %arg7[%dma_start3A_1461, %dma_start3A_1470] : memref<10x64xi32, #tpu.memory_space<vmem>> -> memref<1x64xi32, #tpu.memory_space<vmem>>
        %dma_start3A_1472 = tpu.memref_squeeze %dma_start3A_1471 : memref<1x64xi32, #tpu.memory_space<vmem>> -> memref<64xi32, #tpu.memory_space<vmem>>
        %dma_start3A_1473 = tpu.memref_slice %arg3[%arg0, %mul3A_1460] : memref<2x163840xi32, #tpu.memory_space<hbm>> -> memref<1x64xi32, #tpu.memory_space<hbm>>
        %dma_start3A_1474 = tpu.memref_squeeze %dma_start3A_1473 : memref<1x64xi32, #tpu.memory_space<hbm>> -> memref<64xi32, #tpu.memory_space<hbm>>
        tpu.enqueue_dma source(%dma_start3A_1474 : memref<64xi32, #tpu.memory_space<hbm>>) target(%dma_start3A_1472 : memref<64xi32, #tpu.memory_space<vmem>>) target_semaphore(%dma_start3A_1469 : memref<!tpu.dma_semaphore, #tpu.memory_space<semaphore_mem>>)
        %dma_start3A_1475 = arith.constant 9 : i32
        %dma_start3A_1476 = arith.constant 9 : i32
        %dma_start3A_1477 = arith.constant 0 : i32
        %dma_start3A_1478 = tpu.memref_slice %arg8[%dma_start3A_1475, %dma_start3A_1477] : memref<10x64xi32, #tpu.memory_space<vmem>> -> memref<1x64xi32, #tpu.memory_space<vmem>>
        %dma_start3A_1479 = tpu.memref_squeeze %dma_start3A_1478 : memref<1x64xi32, #tpu.memory_space<vmem>> -> memref<64xi32, #tpu.memory_space<vmem>>
        %dma_start3A_1480 = tpu.memref_slice %arg4[%mul3A_1460] : memref<163840xi32, #tpu.memory_space<hbm>> -> memref<64xi32, #tpu.memory_space<hbm>>
        %dma_start3A_1481 = tpu.memref_slice %arg11[%dma_start3A_1476] : memref<10x!tpu.dma_semaphore, #tpu.memory_space<semaphore_mem>> -> memref<1x!tpu.dma_semaphore, #tpu.memory_space<semaphore_mem>>
        %dma_start3A_1482 = tpu.memref_squeeze %dma_start3A_1481 : memref<1x!tpu.dma_semaphore, #tpu.memory_space<semaphore_mem>> -> memref<!tpu.dma_semaphore, #tpu.memory_space<semaphore_mem>>
        %dma_start3A_1483 = arith.constant 0 : i32
        %dma_start3A_1484 = tpu.memref_slice %arg8[%dma_start3A_1475, %dma_start3A_1483] : memref<10x64xi32, #tpu.memory_space<vmem>> -> memref<1x64xi32, #tpu.memory_space<vmem>>
        %dma_start3A_1485 = tpu.memref_squeeze %dma_start3A_1484 : memref<1x64xi32, #tpu.memory_space<vmem>> -> memref<64xi32, #tpu.memory_space<vmem>>
        %dma_start3A_1486 = tpu.memref_slice %arg4[%mul3A_1460] : memref<163840xi32, #tpu.memory_space<hbm>> -> memref<64xi32, #tpu.memory_space<hbm>>
        tpu.enqueue_dma source(%dma_start3A_1486 : memref<64xi32, #tpu.memory_space<hbm>>) target(%dma_start3A_1485 : memref<64xi32, #tpu.memory_space<vmem>>) target_semaphore(%dma_start3A_1482 : memref<!tpu.dma_semaphore, #tpu.memory_space<semaphore_mem>>)
      } else {
      }
      %dma_wait3A_649 = arith.constant 0 : i32
      %dma_wait3A_650 = arith.constant 0 : i32
      %dma_wait3A_651 = arith.constant 0 : i32
      %dma_wait3A_652 = arith.constant 0 : i32
      %dma_wait3A_653 = tpu.memref_slice %arg9[%dma_wait3A_649, %dma_wait3A_651, %dma_wait3A_652] : memref<5x64x128xf32, #tpu.memory_space<vmem>> -> memref<1x64x128xf32, #tpu.memory_space<vmem>>
      %dma_wait3A_654 = tpu.memref_squeeze %dma_wait3A_653 : memref<1x64x128xf32, #tpu.memory_space<vmem>> -> memref<64x128xf32, #tpu.memory_space<vmem>>
      %dma_wait3A_655 = arith.constant 0 : i32
      %dma_wait3A_656 = arith.constant 0 : i32
      %dma_wait3A_657 = tpu.memref_slice %arg2[%dma_wait3A_655, %dma_wait3A_656] : memref<20000x128xf32, #tpu.memory_space<hbm>> -> memref<64x128xf32, #tpu.memory_space<hbm>>
      %dma_wait3A_658 = tpu.memref_slice %arg12[%dma_wait3A_650] : memref<5x!tpu.dma_semaphore, #tpu.memory_space<semaphore_mem>> -> memref<1x!tpu.dma_semaphore, #tpu.memory_space<semaphore_mem>>
      %dma_wait3A_659 = tpu.memref_squeeze %dma_wait3A_658 : memref<1x!tpu.dma_semaphore, #tpu.memory_space<semaphore_mem>> -> memref<!tpu.dma_semaphore, #tpu.memory_space<semaphore_mem>>
      %dma_wait3A_660 = arith.constant 0 : i32
      %dma_wait3A_661 = arith.constant 0 : i32
      %dma_wait3A_662 = tpu.memref_slice %arg9[%dma_wait3A_649, %dma_wait3A_660, %dma_wait3A_661] : memref<5x64x128xf32, #tpu.memory_space<vmem>> -> memref<1x64x128xf32, #tpu.memory_space<vmem>>
      %dma_wait3A_663 = tpu.memref_squeeze %dma_wait3A_662 : memref<1x64x128xf32, #tpu.memory_space<vmem>> -> memref<64x128xf32, #tpu.memory_space<vmem>>
      %dma_wait3A_664 = arith.constant 0 : i32
      %dma_wait3A_665 = arith.constant 0 : i32
      %dma_wait3A_666 = tpu.memref_slice %arg2[%dma_wait3A_664, %dma_wait3A_665] : memref<20000x128xf32, #tpu.memory_space<hbm>> -> memref<64x128xf32, #tpu.memory_space<hbm>>
      tpu.wait_dma2 semaphore(%dma_wait3A_659 : memref<!tpu.dma_semaphore, #tpu.memory_space<semaphore_mem>>) src(%dma_wait3A_666 : memref<64x128xf32, #tpu.memory_space<hbm>>) dst(%dma_wait3A_663 : memref<64x128xf32, #tpu.memory_space<vmem>>)
      %dma_start3A_667 = arith.constant 0 : i32
      %dma_start3A_668 = arith.constant 0 : i32
      %dma_start3A_669 = arith.constant 0 : i32
      %dma_start3A_670 = arith.constant 0 : i32
      %dma_start3A_671 = arith.constant 0 : i32
      %dma_start3A_672 = tpu.memref_slice %arg9[%dma_start3A_667, %dma_start3A_670, %dma_start3A_671] : memref<5x64x128xf32, #tpu.memory_space<vmem>> -> memref<1x64x128xf32, #tpu.memory_space<vmem>>
      %dma_start3A_673 = tpu.memref_squeeze %dma_start3A_672 : memref<1x64x128xf32, #tpu.memory_space<vmem>> -> memref<64x128xf32, #tpu.memory_space<vmem>>
      %dma_start3A_674 = arith.constant 0 : i32
      %dma_start3A_675 = tpu.memref_slice %arg8[%dma_start3A_668, %dma_start3A_674] : memref<10x64xi32, #tpu.memory_space<vmem>> -> memref<1x64xi32, #tpu.memory_space<vmem>>
      %dma_start3A_676 = tpu.memref_squeeze %dma_start3A_675 : memref<1x64xi32, #tpu.memory_space<vmem>> -> memref<64xi32, #tpu.memory_space<vmem>>
      %dma_start3A_677 = arith.constant 0 : i32
      %dma_start3A_678 = arith.constant 0 : i32
      %dma_start3A_679 = tpu.memref_slice %arg10[%dma_start3A_677, %dma_start3A_678] : memref<10240x128xf32, #tpu.memory_space<vmem_shared>> -> memref<10240x128xf32, #tpu.memory_space<vmem_shared>>
      %dma_start3A_680 = tpu.memref_slice %arg13[%dma_start3A_669] : memref<5x!tpu.dma_semaphore, #tpu.memory_space<semaphore_mem>> -> memref<1x!tpu.dma_semaphore, #tpu.memory_space<semaphore_mem>>
      %dma_start3A_681 = tpu.memref_squeeze %dma_start3A_680 : memref<1x!tpu.dma_semaphore, #tpu.memory_space<semaphore_mem>> -> memref<!tpu.dma_semaphore, #tpu.memory_space<semaphore_mem>>
      tpu.enqueue_indirect_dma source(%dma_start3A_673 : memref<64x128xf32, #tpu.memory_space<vmem>>) target(%dma_start3A_679 : memref<10240x128xf32, #tpu.memory_space<vmem_shared>>) offsets(%dma_start3A_676 : memref<64xi32, #tpu.memory_space<vmem>>) semaphore(%dma_start3A_681 : memref<!tpu.dma_semaphore, #tpu.memory_space<semaphore_mem>>) {add = true}
      %dma_wait3A_682 = arith.constant 1 : i32
      %dma_wait3A_683 = arith.constant 1 : i32
      %dma_wait3A_684 = arith.constant 0 : i32
      %dma_wait3A_685 = arith.constant 0 : i32
      %dma_wait3A_686 = tpu.memref_slice %arg9[%dma_wait3A_682, %dma_wait3A_684, %dma_wait3A_685] : memref<5x64x128xf32, #tpu.memory_space<vmem>> -> memref<1x64x128xf32, #tpu.memory_space<vmem>>
      %dma_wait3A_687 = tpu.memref_squeeze %dma_wait3A_686 : memref<1x64x128xf32, #tpu.memory_space<vmem>> -> memref<64x128xf32, #tpu.memory_space<vmem>>
      %dma_wait3A_688 = arith.constant 0 : i32
      %dma_wait3A_689 = arith.constant 0 : i32
      %dma_wait3A_690 = tpu.memref_slice %arg2[%dma_wait3A_688, %dma_wait3A_689] : memref<20000x128xf32, #tpu.memory_space<hbm>> -> memref<64x128xf32, #tpu.memory_space<hbm>>
      %dma_wait3A_691 = tpu.memref_slice %arg12[%dma_wait3A_683] : memref<5x!tpu.dma_semaphore, #tpu.memory_space<semaphore_mem>> -> memref<1x!tpu.dma_semaphore, #tpu.memory_space<semaphore_mem>>
      %dma_wait3A_692 = tpu.memref_squeeze %dma_wait3A_691 : memref<1x!tpu.dma_semaphore, #tpu.memory_space<semaphore_mem>> -> memref<!tpu.dma_semaphore, #tpu.memory_space<semaphore_mem>>
      %dma_wait3A_693 = arith.constant 0 : i32
      %dma_wait3A_694 = arith.constant 0 : i32
      %dma_wait3A_695 = tpu.memref_slice %arg9[%dma_wait3A_682, %dma_wait3A_693, %dma_wait3A_694] : memref<5x64x128xf32, #tpu.memory_space<vmem>> -> memref<1x64x128xf32, #tpu.memory_space<vmem>>
      %dma_wait3A_696 = tpu.memref_squeeze %dma_wait3A_695 : memref<1x64x128xf32, #tpu.memory_space<vmem>> -> memref<64x128xf32, #tpu.memory_space<vmem>>
      %dma_wait3A_697 = arith.constant 0 : i32
      %dma_wait3A_698 = arith.constant 0 : i32
      %dma_wait3A_699 = tpu.memref_slice %arg2[%dma_wait3A_697, %dma_wait3A_698] : memref<20000x128xf32, #tpu.memory_space<hbm>> -> memref<64x128xf32, #tpu.memory_space<hbm>>
      tpu.wait_dma2 semaphore(%dma_wait3A_692 : memref<!tpu.dma_semaphore, #tpu.memory_space<semaphore_mem>>) src(%dma_wait3A_699 : memref<64x128xf32, #tpu.memory_space<hbm>>) dst(%dma_wait3A_696 : memref<64x128xf32, #tpu.memory_space<vmem>>)
      %dma_start3A_700 = arith.constant 1 : i32
      %dma_start3A_701 = arith.constant 1 : i32
      %dma_start3A_702 = arith.constant 1 : i32
      %dma_start3A_703 = arith.constant 0 : i32
      %dma_start3A_704 = arith.constant 0 : i32
      %dma_start3A_705 = tpu.memref_slice %arg9[%dma_start3A_700, %dma_start3A_703, %dma_start3A_704] : memref<5x64x128xf32, #tpu.memory_space<vmem>> -> memref<1x64x128xf32, #tpu.memory_space<vmem>>
      %dma_start3A_706 = tpu.memref_squeeze %dma_start3A_705 : memref<1x64x128xf32, #tpu.memory_space<vmem>> -> memref<64x128xf32, #tpu.memory_space<vmem>>
      %dma_start3A_707 = arith.constant 0 : i32
      %dma_start3A_708 = tpu.memref_slice %arg8[%dma_start3A_701, %dma_start3A_707] : memref<10x64xi32, #tpu.memory_space<vmem>> -> memref<1x64xi32, #tpu.memory_space<vmem>>
      %dma_start3A_709 = tpu.memref_squeeze %dma_start3A_708 : memref<1x64xi32, #tpu.memory_space<vmem>> -> memref<64xi32, #tpu.memory_space<vmem>>
      %dma_start3A_710 = arith.constant 0 : i32
      %dma_start3A_711 = arith.constant 0 : i32
      %dma_start3A_712 = tpu.memref_slice %arg10[%dma_start3A_710, %dma_start3A_711] : memref<10240x128xf32, #tpu.memory_space<vmem_shared>> -> memref<10240x128xf32, #tpu.memory_space<vmem_shared>>
      %dma_start3A_713 = tpu.memref_slice %arg13[%dma_start3A_702] : memref<5x!tpu.dma_semaphore, #tpu.memory_space<semaphore_mem>> -> memref<1x!tpu.dma_semaphore, #tpu.memory_space<semaphore_mem>>
      %dma_start3A_714 = tpu.memref_squeeze %dma_start3A_713 : memref<1x!tpu.dma_semaphore, #tpu.memory_space<semaphore_mem>> -> memref<!tpu.dma_semaphore, #tpu.memory_space<semaphore_mem>>
      tpu.enqueue_indirect_dma source(%dma_start3A_706 : memref<64x128xf32, #tpu.memory_space<vmem>>) target(%dma_start3A_712 : memref<10240x128xf32, #tpu.memory_space<vmem_shared>>) offsets(%dma_start3A_709 : memref<64xi32, #tpu.memory_space<vmem>>) semaphore(%dma_start3A_714 : memref<!tpu.dma_semaphore, #tpu.memory_space<semaphore_mem>>) {add = true}
      %dma_wait3A_715 = arith.constant 2 : i32
      %dma_wait3A_716 = arith.constant 2 : i32
      %dma_wait3A_717 = arith.constant 0 : i32
      %dma_wait3A_718 = arith.constant 0 : i32
      %dma_wait3A_719 = tpu.memref_slice %arg9[%dma_wait3A_715, %dma_wait3A_717, %dma_wait3A_718] : memref<5x64x128xf32, #tpu.memory_space<vmem>> -> memref<1x64x128xf32, #tpu.memory_space<vmem>>
      %dma_wait3A_720 = tpu.memref_squeeze %dma_wait3A_719 : memref<1x64x128xf32, #tpu.memory_space<vmem>> -> memref<64x128xf32, #tpu.memory_space<vmem>>
      %dma_wait3A_721 = arith.constant 0 : i32
      %dma_wait3A_722 = arith.constant 0 : i32
      %dma_wait3A_723 = tpu.memref_slice %arg2[%dma_wait3A_721, %dma_wait3A_722] : memref<20000x128xf32, #tpu.memory_space<hbm>> -> memref<64x128xf32, #tpu.memory_space<hbm>>
      %dma_wait3A_724 = tpu.memref_slice %arg12[%dma_wait3A_716] : memref<5x!tpu.dma_semaphore, #tpu.memory_space<semaphore_mem>> -> memref<1x!tpu.dma_semaphore, #tpu.memory_space<semaphore_mem>>
      %dma_wait3A_725 = tpu.memref_squeeze %dma_wait3A_724 : memref<1x!tpu.dma_semaphore, #tpu.memory_space<semaphore_mem>> -> memref<!tpu.dma_semaphore, #tpu.memory_space<semaphore_mem>>
      %dma_wait3A_726 = arith.constant 0 : i32
      %dma_wait3A_727 = arith.constant 0 : i32
      %dma_wait3A_728 = tpu.memref_slice %arg9[%dma_wait3A_715, %dma_wait3A_726, %dma_wait3A_727] : memref<5x64x128xf32, #tpu.memory_space<vmem>> -> memref<1x64x128xf32, #tpu.memory_space<vmem>>
      %dma_wait3A_729 = tpu.memref_squeeze %dma_wait3A_728 : memref<1x64x128xf32, #tpu.memory_space<vmem>> -> memref<64x128xf32, #tpu.memory_space<vmem>>
      %dma_wait3A_730 = arith.constant 0 : i32
      %dma_wait3A_731 = arith.constant 0 : i32
      %dma_wait3A_732 = tpu.memref_slice %arg2[%dma_wait3A_730, %dma_wait3A_731] : memref<20000x128xf32, #tpu.memory_space<hbm>> -> memref<64x128xf32, #tpu.memory_space<hbm>>
      tpu.wait_dma2 semaphore(%dma_wait3A_725 : memref<!tpu.dma_semaphore, #tpu.memory_space<semaphore_mem>>) src(%dma_wait3A_732 : memref<64x128xf32, #tpu.memory_space<hbm>>) dst(%dma_wait3A_729 : memref<64x128xf32, #tpu.memory_space<vmem>>)
      %dma_start3A_733 = arith.constant 2 : i32
      %dma_start3A_734 = arith.constant 2 : i32
      %dma_start3A_735 = arith.constant 2 : i32
      %dma_start3A_736 = arith.constant 0 : i32
      %dma_start3A_737 = arith.constant 0 : i32
      %dma_start3A_738 = tpu.memref_slice %arg9[%dma_start3A_733, %dma_start3A_736, %dma_start3A_737] : memref<5x64x128xf32, #tpu.memory_space<vmem>> -> memref<1x64x128xf32, #tpu.memory_space<vmem>>
      %dma_start3A_739 = tpu.memref_squeeze %dma_start3A_738 : memref<1x64x128xf32, #tpu.memory_space<vmem>> -> memref<64x128xf32, #tpu.memory_space<vmem>>
      %dma_start3A_740 = arith.constant 0 : i32
      %dma_start3A_741 = tpu.memref_slice %arg8[%dma_start3A_734, %dma_start3A_740] : memref<10x64xi32, #tpu.memory_space<vmem>> -> memref<1x64xi32, #tpu.memory_space<vmem>>
      %dma_start3A_742 = tpu.memref_squeeze %dma_start3A_741 : memref<1x64xi32, #tpu.memory_space<vmem>> -> memref<64xi32, #tpu.memory_space<vmem>>
      %dma_start3A_743 = arith.constant 0 : i32
      %dma_start3A_744 = arith.constant 0 : i32
      %dma_start3A_745 = tpu.memref_slice %arg10[%dma_start3A_743, %dma_start3A_744] : memref<10240x128xf32, #tpu.memory_space<vmem_shared>> -> memref<10240x128xf32, #tpu.memory_space<vmem_shared>>
      %dma_start3A_746 = tpu.memref_slice %arg13[%dma_start3A_735] : memref<5x!tpu.dma_semaphore, #tpu.memory_space<semaphore_mem>> -> memref<1x!tpu.dma_semaphore, #tpu.memory_space<semaphore_mem>>
      %dma_start3A_747 = tpu.memref_squeeze %dma_start3A_746 : memref<1x!tpu.dma_semaphore, #tpu.memory_space<semaphore_mem>> -> memref<!tpu.dma_semaphore, #tpu.memory_space<semaphore_mem>>
      tpu.enqueue_indirect_dma source(%dma_start3A_739 : memref<64x128xf32, #tpu.memory_space<vmem>>) target(%dma_start3A_745 : memref<10240x128xf32, #tpu.memory_space<vmem_shared>>) offsets(%dma_start3A_742 : memref<64xi32, #tpu.memory_space<vmem>>) semaphore(%dma_start3A_747 : memref<!tpu.dma_semaphore, #tpu.memory_space<semaphore_mem>>) {add = true}
      %dma_wait3A_748 = arith.constant 3 : i32
      %dma_wait3A_749 = arith.constant 3 : i32
      %dma_wait3A_750 = arith.constant 0 : i32
      %dma_wait3A_751 = arith.constant 0 : i32
      %dma_wait3A_752 = tpu.memref_slice %arg9[%dma_wait3A_748, %dma_wait3A_750, %dma_wait3A_751] : memref<5x64x128xf32, #tpu.memory_space<vmem>> -> memref<1x64x128xf32, #tpu.memory_space<vmem>>
      %dma_wait3A_753 = tpu.memref_squeeze %dma_wait3A_752 : memref<1x64x128xf32, #tpu.memory_space<vmem>> -> memref<64x128xf32, #tpu.memory_space<vmem>>
      %dma_wait3A_754 = arith.constant 0 : i32
      %dma_wait3A_755 = arith.constant 0 : i32
      %dma_wait3A_756 = tpu.memref_slice %arg2[%dma_wait3A_754, %dma_wait3A_755] : memref<20000x128xf32, #tpu.memory_space<hbm>> -> memref<64x128xf32, #tpu.memory_space<hbm>>
      %dma_wait3A_757 = tpu.memref_slice %arg12[%dma_wait3A_749] : memref<5x!tpu.dma_semaphore, #tpu.memory_space<semaphore_mem>> -> memref<1x!tpu.dma_semaphore, #tpu.memory_space<semaphore_mem>>
      %dma_wait3A_758 = tpu.memref_squeeze %dma_wait3A_757 : memref<1x!tpu.dma_semaphore, #tpu.memory_space<semaphore_mem>> -> memref<!tpu.dma_semaphore, #tpu.memory_space<semaphore_mem>>
      %dma_wait3A_759 = arith.constant 0 : i32
      %dma_wait3A_760 = arith.constant 0 : i32
      %dma_wait3A_761 = tpu.memref_slice %arg9[%dma_wait3A_748, %dma_wait3A_759, %dma_wait3A_760] : memref<5x64x128xf32, #tpu.memory_space<vmem>> -> memref<1x64x128xf32, #tpu.memory_space<vmem>>
      %dma_wait3A_762 = tpu.memref_squeeze %dma_wait3A_761 : memref<1x64x128xf32, #tpu.memory_space<vmem>> -> memref<64x128xf32, #tpu.memory_space<vmem>>
      %dma_wait3A_763 = arith.constant 0 : i32
      %dma_wait3A_764 = arith.constant 0 : i32
      %dma_wait3A_765 = tpu.memref_slice %arg2[%dma_wait3A_763, %dma_wait3A_764] : memref<20000x128xf32, #tpu.memory_space<hbm>> -> memref<64x128xf32, #tpu.memory_space<hbm>>
      tpu.wait_dma2 semaphore(%dma_wait3A_758 : memref<!tpu.dma_semaphore, #tpu.memory_space<semaphore_mem>>) src(%dma_wait3A_765 : memref<64x128xf32, #tpu.memory_space<hbm>>) dst(%dma_wait3A_762 : memref<64x128xf32, #tpu.memory_space<vmem>>)
      %dma_start3A_766 = arith.constant 3 : i32
      %dma_start3A_767 = arith.constant 3 : i32
      %dma_start3A_768 = arith.constant 3 : i32
      %dma_start3A_769 = arith.constant 0 : i32
      %dma_start3A_770 = arith.constant 0 : i32
      %dma_start3A_771 = tpu.memref_slice %arg9[%dma_start3A_766, %dma_start3A_769, %dma_start3A_770] : memref<5x64x128xf32, #tpu.memory_space<vmem>> -> memref<1x64x128xf32, #tpu.memory_space<vmem>>
      %dma_start3A_772 = tpu.memref_squeeze %dma_start3A_771 : memref<1x64x128xf32, #tpu.memory_space<vmem>> -> memref<64x128xf32, #tpu.memory_space<vmem>>
      %dma_start3A_773 = arith.constant 0 : i32
      %dma_start3A_774 = tpu.memref_slice %arg8[%dma_start3A_767, %dma_start3A_773] : memref<10x64xi32, #tpu.memory_space<vmem>> -> memref<1x64xi32, #tpu.memory_space<vmem>>
      %dma_start3A_775 = tpu.memref_squeeze %dma_start3A_774 : memref<1x64xi32, #tpu.memory_space<vmem>> -> memref<64xi32, #tpu.memory_space<vmem>>
      %dma_start3A_776 = arith.constant 0 : i32
      %dma_start3A_777 = arith.constant 0 : i32
      %dma_start3A_778 = tpu.memref_slice %arg10[%dma_start3A_776, %dma_start3A_777] : memref<10240x128xf32, #tpu.memory_space<vmem_shared>> -> memref<10240x128xf32, #tpu.memory_space<vmem_shared>>
      %dma_start3A_779 = tpu.memref_slice %arg13[%dma_start3A_768] : memref<5x!tpu.dma_semaphore, #tpu.memory_space<semaphore_mem>> -> memref<1x!tpu.dma_semaphore, #tpu.memory_space<semaphore_mem>>
      %dma_start3A_780 = tpu.memref_squeeze %dma_start3A_779 : memref<1x!tpu.dma_semaphore, #tpu.memory_space<semaphore_mem>> -> memref<!tpu.dma_semaphore, #tpu.memory_space<semaphore_mem>>
      tpu.enqueue_indirect_dma source(%dma_start3A_772 : memref<64x128xf32, #tpu.memory_space<vmem>>) target(%dma_start3A_778 : memref<10240x128xf32, #tpu.memory_space<vmem_shared>>) offsets(%dma_start3A_775 : memref<64xi32, #tpu.memory_space<vmem>>) semaphore(%dma_start3A_780 : memref<!tpu.dma_semaphore, #tpu.memory_space<semaphore_mem>>) {add = true}
      %dma_wait3A_781 = arith.constant 4 : i32
      %dma_wait3A_782 = arith.constant 4 : i32
      %dma_wait3A_783 = arith.constant 0 : i32
      %dma_wait3A_784 = arith.constant 0 : i32
      %dma_wait3A_785 = tpu.memref_slice %arg9[%dma_wait3A_781, %dma_wait3A_783, %dma_wait3A_784] : memref<5x64x128xf32, #tpu.memory_space<vmem>> -> memref<1x64x128xf32, #tpu.memory_space<vmem>>
      %dma_wait3A_786 = tpu.memref_squeeze %dma_wait3A_785 : memref<1x64x128xf32, #tpu.memory_space<vmem>> -> memref<64x128xf32, #tpu.memory_space<vmem>>
      %dma_wait3A_787 = arith.constant 0 : i32
      %dma_wait3A_788 = arith.constant 0 : i32
      %dma_wait3A_789 = tpu.memref_slice %arg2[%dma_wait3A_787, %dma_wait3A_788] : memref<20000x128xf32, #tpu.memory_space<hbm>> -> memref<64x128xf32, #tpu.memory_space<hbm>>
      %dma_wait3A_790 = tpu.memref_slice %arg12[%dma_wait3A_782] : memref<5x!tpu.dma_semaphore, #tpu.memory_space<semaphore_mem>> -> memref<1x!tpu.dma_semaphore, #tpu.memory_space<semaphore_mem>>
      %dma_wait3A_791 = tpu.memref_squeeze %dma_wait3A_790 : memref<1x!tpu.dma_semaphore, #tpu.memory_space<semaphore_mem>> -> memref<!tpu.dma_semaphore, #tpu.memory_space<semaphore_mem>>
      %dma_wait3A_792 = arith.constant 0 : i32
      %dma_wait3A_793 = arith.constant 0 : i32
      %dma_wait3A_794 = tpu.memref_slice %arg9[%dma_wait3A_781, %dma_wait3A_792, %dma_wait3A_793] : memref<5x64x128xf32, #tpu.memory_space<vmem>> -> memref<1x64x128xf32, #tpu.memory_space<vmem>>
      %dma_wait3A_795 = tpu.memref_squeeze %dma_wait3A_794 : memref<1x64x128xf32, #tpu.memory_space<vmem>> -> memref<64x128xf32, #tpu.memory_space<vmem>>
      %dma_wait3A_796 = arith.constant 0 : i32
      %dma_wait3A_797 = arith.constant 0 : i32
      %dma_wait3A_798 = tpu.memref_slice %arg2[%dma_wait3A_796, %dma_wait3A_797] : memref<20000x128xf32, #tpu.memory_space<hbm>> -> memref<64x128xf32, #tpu.memory_space<hbm>>
      tpu.wait_dma2 semaphore(%dma_wait3A_791 : memref<!tpu.dma_semaphore, #tpu.memory_space<semaphore_mem>>) src(%dma_wait3A_798 : memref<64x128xf32, #tpu.memory_space<hbm>>) dst(%dma_wait3A_795 : memref<64x128xf32, #tpu.memory_space<vmem>>)
      %dma_start3A_799 = arith.constant 4 : i32
      %dma_start3A_800 = arith.constant 4 : i32
      %dma_start3A_801 = arith.constant 4 : i32
      %dma_start3A_802 = arith.constant 0 : i32
      %dma_start3A_803 = arith.constant 0 : i32
      %dma_start3A_804 = tpu.memref_slice %arg9[%dma_start3A_799, %dma_start3A_802, %dma_start3A_803] : memref<5x64x128xf32, #tpu.memory_space<vmem>> -> memref<1x64x128xf32, #tpu.memory_space<vmem>>
      %dma_start3A_805 = tpu.memref_squeeze %dma_start3A_804 : memref<1x64x128xf32, #tpu.memory_space<vmem>> -> memref<64x128xf32, #tpu.memory_space<vmem>>
      %dma_start3A_806 = arith.constant 0 : i32
      %dma_start3A_807 = tpu.memref_slice %arg8[%dma_start3A_800, %dma_start3A_806] : memref<10x64xi32, #tpu.memory_space<vmem>> -> memref<1x64xi32, #tpu.memory_space<vmem>>
      %dma_start3A_808 = tpu.memref_squeeze %dma_start3A_807 : memref<1x64xi32, #tpu.memory_space<vmem>> -> memref<64xi32, #tpu.memory_space<vmem>>
      %dma_start3A_809 = arith.constant 0 : i32
      %dma_start3A_810 = arith.constant 0 : i32
      %dma_start3A_811 = tpu.memref_slice %arg10[%dma_start3A_809, %dma_start3A_810] : memref<10240x128xf32, #tpu.memory_space<vmem_shared>> -> memref<10240x128xf32, #tpu.memory_space<vmem_shared>>
      %dma_start3A_812 = tpu.memref_slice %arg13[%dma_start3A_801] : memref<5x!tpu.dma_semaphore, #tpu.memory_space<semaphore_mem>> -> memref<1x!tpu.dma_semaphore, #tpu.memory_space<semaphore_mem>>
      %dma_start3A_813 = tpu.memref_squeeze %dma_start3A_812 : memref<1x!tpu.dma_semaphore, #tpu.memory_space<semaphore_mem>> -> memref<!tpu.dma_semaphore, #tpu.memory_space<semaphore_mem>>
      tpu.enqueue_indirect_dma source(%dma_start3A_805 : memref<64x128xf32, #tpu.memory_space<vmem>>) target(%dma_start3A_811 : memref<10240x128xf32, #tpu.memory_space<vmem_shared>>) offsets(%dma_start3A_808 : memref<64xi32, #tpu.memory_space<vmem>>) semaphore(%dma_start3A_813 : memref<!tpu.dma_semaphore, #tpu.memory_space<semaphore_mem>>) {add = true}
      %mul3A_814 = arith.constant 2 : i32
      %mul3A_815 = arith.muli %mul3A_814, %scan3A_394 : i32
      %add3A_816 = arith.constant 1 : i32
      %add3A_817 = arith.addi %mul3A_815, %add3A_816 : i32
      %dma_wait3A_818 = arith.constant 0 : i32
      %dma_wait3A_819 = arith.constant 0 : i32
      %dma_wait3A_820 = arith.constant 0 : i32
      %dma_wait3A_821 = arith.constant 0 : i32
      %dma_wait3A_822 = tpu.memref_slice %arg9[%dma_wait3A_818, %dma_wait3A_820, %dma_wait3A_821] : memref<5x64x128xf32, #tpu.memory_space<vmem>> -> memref<1x64x128xf32, #tpu.memory_space<vmem>>
      %dma_wait3A_823 = tpu.memref_squeeze %dma_wait3A_822 : memref<1x64x128xf32, #tpu.memory_space<vmem>> -> memref<64x128xf32, #tpu.memory_space<vmem>>
      %dma_wait3A_824 = arith.constant 0 : i32
      %dma_wait3A_825 = arith.constant 0 : i32
      %dma_wait3A_826 = tpu.memref_slice %arg2[%dma_wait3A_824, %dma_wait3A_825] : memref<20000x128xf32, #tpu.memory_space<hbm>> -> memref<64x128xf32, #tpu.memory_space<hbm>>
      %dma_wait3A_827 = tpu.memref_slice %arg13[%dma_wait3A_819] : memref<5x!tpu.dma_semaphore, #tpu.memory_space<semaphore_mem>> -> memref<1x!tpu.dma_semaphore, #tpu.memory_space<semaphore_mem>>
      %dma_wait3A_828 = tpu.memref_squeeze %dma_wait3A_827 : memref<1x!tpu.dma_semaphore, #tpu.memory_space<semaphore_mem>> -> memref<!tpu.dma_semaphore, #tpu.memory_space<semaphore_mem>>
      %dma_wait3A_829 = arith.constant 0 : i32
      %dma_wait3A_830 = arith.constant 0 : i32
      %dma_wait3A_831 = tpu.memref_slice %arg9[%dma_wait3A_818, %dma_wait3A_829, %dma_wait3A_830] : memref<5x64x128xf32, #tpu.memory_space<vmem>> -> memref<1x64x128xf32, #tpu.memory_space<vmem>>
      %dma_wait3A_832 = tpu.memref_squeeze %dma_wait3A_831 : memref<1x64x128xf32, #tpu.memory_space<vmem>> -> memref<64x128xf32, #tpu.memory_space<vmem>>
      %dma_wait3A_833 = arith.constant 0 : i32
      %dma_wait3A_834 = arith.constant 0 : i32
      %dma_wait3A_835 = tpu.memref_slice %arg2[%dma_wait3A_833, %dma_wait3A_834] : memref<20000x128xf32, #tpu.memory_space<hbm>> -> memref<64x128xf32, #tpu.memory_space<hbm>>
      tpu.wait_dma2 semaphore(%dma_wait3A_828 : memref<!tpu.dma_semaphore, #tpu.memory_space<semaphore_mem>>) src(%dma_wait3A_835 : memref<64x128xf32, #tpu.memory_space<hbm>>) dst(%dma_wait3A_832 : memref<64x128xf32, #tpu.memory_space<vmem>>)
      %dma_wait3A_836 = arith.constant 5 : i32
      %dma_wait3A_837 = arith.constant 5 : i32
      %dma_wait3A_838 = arith.constant 0 : i32
      %dma_wait3A_839 = tpu.memref_slice %arg7[%dma_wait3A_836, %dma_wait3A_838] : memref<10x64xi32, #tpu.memory_space<vmem>> -> memref<1x64xi32, #tpu.memory_space<vmem>>
      %dma_wait3A_840 = tpu.memref_squeeze %dma_wait3A_839 : memref<1x64xi32, #tpu.memory_space<vmem>> -> memref<64xi32, #tpu.memory_space<vmem>>
      %dma_wait3A_841 = arith.constant 0 : i32
      %dma_wait3A_842 = tpu.memref_slice %arg3[%arg0, %dma_wait3A_841] : memref<2x163840xi32, #tpu.memory_space<hbm>> -> memref<1x64xi32, #tpu.memory_space<hbm>>
      %dma_wait3A_843 = tpu.memref_squeeze %dma_wait3A_842 : memref<1x64xi32, #tpu.memory_space<hbm>> -> memref<64xi32, #tpu.memory_space<hbm>>
      %dma_wait3A_844 = tpu.memref_slice %arg11[%dma_wait3A_837] : memref<10x!tpu.dma_semaphore, #tpu.memory_space<semaphore_mem>> -> memref<1x!tpu.dma_semaphore, #tpu.memory_space<semaphore_mem>>
      %dma_wait3A_845 = tpu.memref_squeeze %dma_wait3A_844 : memref<1x!tpu.dma_semaphore, #tpu.memory_space<semaphore_mem>> -> memref<!tpu.dma_semaphore, #tpu.memory_space<semaphore_mem>>
      %dma_wait3A_846 = arith.constant 0 : i32
      %dma_wait3A_847 = tpu.memref_slice %arg7[%dma_wait3A_836, %dma_wait3A_846] : memref<10x64xi32, #tpu.memory_space<vmem>> -> memref<1x64xi32, #tpu.memory_space<vmem>>
      %dma_wait3A_848 = tpu.memref_squeeze %dma_wait3A_847 : memref<1x64xi32, #tpu.memory_space<vmem>> -> memref<64xi32, #tpu.memory_space<vmem>>
      %dma_wait3A_849 = arith.constant 0 : i32
      %dma_wait3A_850 = tpu.memref_slice %arg3[%arg0, %dma_wait3A_849] : memref<2x163840xi32, #tpu.memory_space<hbm>> -> memref<1x64xi32, #tpu.memory_space<hbm>>
      %dma_wait3A_851 = tpu.memref_squeeze %dma_wait3A_850 : memref<1x64xi32, #tpu.memory_space<hbm>> -> memref<64xi32, #tpu.memory_space<hbm>>
      tpu.wait_dma2 semaphore(%dma_wait3A_845 : memref<!tpu.dma_semaphore, #tpu.memory_space<semaphore_mem>>) src(%dma_wait3A_851 : memref<64xi32, #tpu.memory_space<hbm>>) dst(%dma_wait3A_848 : memref<64xi32, #tpu.memory_space<vmem>>)
      %dma_wait3A_852 = arith.constant 5 : i32
      %dma_wait3A_853 = arith.constant 5 : i32
      %dma_wait3A_854 = arith.constant 0 : i32
      %dma_wait3A_855 = tpu.memref_slice %arg8[%dma_wait3A_852, %dma_wait3A_854] : memref<10x64xi32, #tpu.memory_space<vmem>> -> memref<1x64xi32, #tpu.memory_space<vmem>>
      %dma_wait3A_856 = tpu.memref_squeeze %dma_wait3A_855 : memref<1x64xi32, #tpu.memory_space<vmem>> -> memref<64xi32, #tpu.memory_space<vmem>>
      %dma_wait3A_857 = arith.constant 0 : i32
      %dma_wait3A_858 = tpu.memref_slice %arg4[%dma_wait3A_857] : memref<163840xi32, #tpu.memory_space<hbm>> -> memref<64xi32, #tpu.memory_space<hbm>>
      %dma_wait3A_859 = tpu.memref_slice %arg11[%dma_wait3A_853] : memref<10x!tpu.dma_semaphore, #tpu.memory_space<semaphore_mem>> -> memref<1x!tpu.dma_semaphore, #tpu.memory_space<semaphore_mem>>
      %dma_wait3A_860 = tpu.memref_squeeze %dma_wait3A_859 : memref<1x!tpu.dma_semaphore, #tpu.memory_space<semaphore_mem>> -> memref<!tpu.dma_semaphore, #tpu.memory_space<semaphore_mem>>
      %dma_wait3A_861 = arith.constant 0 : i32
      %dma_wait3A_862 = tpu.memref_slice %arg8[%dma_wait3A_852, %dma_wait3A_861] : memref<10x64xi32, #tpu.memory_space<vmem>> -> memref<1x64xi32, #tpu.memory_space<vmem>>
      %dma_wait3A_863 = tpu.memref_squeeze %dma_wait3A_862 : memref<1x64xi32, #tpu.memory_space<vmem>> -> memref<64xi32, #tpu.memory_space<vmem>>
      %dma_wait3A_864 = arith.constant 0 : i32
      %dma_wait3A_865 = tpu.memref_slice %arg4[%dma_wait3A_864] : memref<163840xi32, #tpu.memory_space<hbm>> -> memref<64xi32, #tpu.memory_space<hbm>>
      tpu.wait_dma2 semaphore(%dma_wait3A_860 : memref<!tpu.dma_semaphore, #tpu.memory_space<semaphore_mem>>) src(%dma_wait3A_865 : memref<64xi32, #tpu.memory_space<hbm>>) dst(%dma_wait3A_863 : memref<64xi32, #tpu.memory_space<vmem>>)
      %dma_start3A_866 = arith.constant 5 : i32
      %dma_start3A_867 = arith.constant 0 : i32
      %dma_start3A_868 = arith.constant 0 : i32
      %dma_start3A_869 = arith.constant 0 : i32
      %dma_start3A_870 = arith.constant 0 : i32
      %dma_start3A_871 = tpu.memref_slice %arg9[%dma_start3A_867, %dma_start3A_869, %dma_start3A_870] : memref<5x64x128xf32, #tpu.memory_space<vmem>> -> memref<1x64x128xf32, #tpu.memory_space<vmem>>
      %dma_start3A_872 = tpu.memref_squeeze %dma_start3A_871 : memref<1x64x128xf32, #tpu.memory_space<vmem>> -> memref<64x128xf32, #tpu.memory_space<vmem>>
      %dma_start3A_873 = arith.constant 0 : i32
      %dma_start3A_874 = tpu.memref_slice %arg7[%dma_start3A_866, %dma_start3A_873] : memref<10x64xi32, #tpu.memory_space<vmem>> -> memref<1x64xi32, #tpu.memory_space<vmem>>
      %dma_start3A_875 = tpu.memref_squeeze %dma_start3A_874 : memref<1x64xi32, #tpu.memory_space<vmem>> -> memref<64xi32, #tpu.memory_space<vmem>>
      %dma_start3A_876 = arith.constant 0 : i32
      %dma_start3A_877 = arith.constant 0 : i32
      %dma_start3A_878 = tpu.memref_slice %arg2[%dma_start3A_876, %dma_start3A_877] : memref<20000x128xf32, #tpu.memory_space<hbm>> -> memref<20000x128xf32, #tpu.memory_space<hbm>>
      %dma_start3A_879 = tpu.memref_slice %arg12[%dma_start3A_868] : memref<5x!tpu.dma_semaphore, #tpu.memory_space<semaphore_mem>> -> memref<1x!tpu.dma_semaphore, #tpu.memory_space<semaphore_mem>>
      %dma_start3A_880 = tpu.memref_squeeze %dma_start3A_879 : memref<1x!tpu.dma_semaphore, #tpu.memory_space<semaphore_mem>> -> memref<!tpu.dma_semaphore, #tpu.memory_space<semaphore_mem>>
      tpu.enqueue_indirect_dma source(%dma_start3A_878 : memref<20000x128xf32, #tpu.memory_space<hbm>>) target(%dma_start3A_872 : memref<64x128xf32, #tpu.memory_space<vmem>>) offsets(%dma_start3A_875 : memref<64xi32, #tpu.memory_space<vmem>>) semaphore(%dma_start3A_880 : memref<!tpu.dma_semaphore, #tpu.memory_space<semaphore_mem>>)
      %dma_wait3A_881 = arith.constant 1 : i32
      %dma_wait3A_882 = arith.constant 1 : i32
      %dma_wait3A_883 = arith.constant 0 : i32
      %dma_wait3A_884 = arith.constant 0 : i32
      %dma_wait3A_885 = tpu.memref_slice %arg9[%dma_wait3A_881, %dma_wait3A_883, %dma_wait3A_884] : memref<5x64x128xf32, #tpu.memory_space<vmem>> -> memref<1x64x128xf32, #tpu.memory_space<vmem>>
      %dma_wait3A_886 = tpu.memref_squeeze %dma_wait3A_885 : memref<1x64x128xf32, #tpu.memory_space<vmem>> -> memref<64x128xf32, #tpu.memory_space<vmem>>
      %dma_wait3A_887 = arith.constant 0 : i32
      %dma_wait3A_888 = arith.constant 0 : i32
      %dma_wait3A_889 = tpu.memref_slice %arg2[%dma_wait3A_887, %dma_wait3A_888] : memref<20000x128xf32, #tpu.memory_space<hbm>> -> memref<64x128xf32, #tpu.memory_space<hbm>>
      %dma_wait3A_890 = tpu.memref_slice %arg13[%dma_wait3A_882] : memref<5x!tpu.dma_semaphore, #tpu.memory_space<semaphore_mem>> -> memref<1x!tpu.dma_semaphore, #tpu.memory_space<semaphore_mem>>
      %dma_wait3A_891 = tpu.memref_squeeze %dma_wait3A_890 : memref<1x!tpu.dma_semaphore, #tpu.memory_space<semaphore_mem>> -> memref<!tpu.dma_semaphore, #tpu.memory_space<semaphore_mem>>
      %dma_wait3A_892 = arith.constant 0 : i32
      %dma_wait3A_893 = arith.constant 0 : i32
      %dma_wait3A_894 = tpu.memref_slice %arg9[%dma_wait3A_881, %dma_wait3A_892, %dma_wait3A_893] : memref<5x64x128xf32, #tpu.memory_space<vmem>> -> memref<1x64x128xf32, #tpu.memory_space<vmem>>
      %dma_wait3A_895 = tpu.memref_squeeze %dma_wait3A_894 : memref<1x64x128xf32, #tpu.memory_space<vmem>> -> memref<64x128xf32, #tpu.memory_space<vmem>>
      %dma_wait3A_896 = arith.constant 0 : i32
      %dma_wait3A_897 = arith.constant 0 : i32
      %dma_wait3A_898 = tpu.memref_slice %arg2[%dma_wait3A_896, %dma_wait3A_897] : memref<20000x128xf32, #tpu.memory_space<hbm>> -> memref<64x128xf32, #tpu.memory_space<hbm>>
      tpu.wait_dma2 semaphore(%dma_wait3A_891 : memref<!tpu.dma_semaphore, #tpu.memory_space<semaphore_mem>>) src(%dma_wait3A_898 : memref<64x128xf32, #tpu.memory_space<hbm>>) dst(%dma_wait3A_895 : memref<64x128xf32, #tpu.memory_space<vmem>>)
      %dma_wait3A_899 = arith.constant 6 : i32
      %dma_wait3A_900 = arith.constant 6 : i32
      %dma_wait3A_901 = arith.constant 0 : i32
      %dma_wait3A_902 = tpu.memref_slice %arg7[%dma_wait3A_899, %dma_wait3A_901] : memref<10x64xi32, #tpu.memory_space<vmem>> -> memref<1x64xi32, #tpu.memory_space<vmem>>
      %dma_wait3A_903 = tpu.memref_squeeze %dma_wait3A_902 : memref<1x64xi32, #tpu.memory_space<vmem>> -> memref<64xi32, #tpu.memory_space<vmem>>
      %dma_wait3A_904 = arith.constant 0 : i32
      %dma_wait3A_905 = tpu.memref_slice %arg3[%arg0, %dma_wait3A_904] : memref<2x163840xi32, #tpu.memory_space<hbm>> -> memref<1x64xi32, #tpu.memory_space<hbm>>
      %dma_wait3A_906 = tpu.memref_squeeze %dma_wait3A_905 : memref<1x64xi32, #tpu.memory_space<hbm>> -> memref<64xi32, #tpu.memory_space<hbm>>
      %dma_wait3A_907 = tpu.memref_slice %arg11[%dma_wait3A_900] : memref<10x!tpu.dma_semaphore, #tpu.memory_space<semaphore_mem>> -> memref<1x!tpu.dma_semaphore, #tpu.memory_space<semaphore_mem>>
      %dma_wait3A_908 = tpu.memref_squeeze %dma_wait3A_907 : memref<1x!tpu.dma_semaphore, #tpu.memory_space<semaphore_mem>> -> memref<!tpu.dma_semaphore, #tpu.memory_space<semaphore_mem>>
      %dma_wait3A_909 = arith.constant 0 : i32
      %dma_wait3A_910 = tpu.memref_slice %arg7[%dma_wait3A_899, %dma_wait3A_909] : memref<10x64xi32, #tpu.memory_space<vmem>> -> memref<1x64xi32, #tpu.memory_space<vmem>>
      %dma_wait3A_911 = tpu.memref_squeeze %dma_wait3A_910 : memref<1x64xi32, #tpu.memory_space<vmem>> -> memref<64xi32, #tpu.memory_space<vmem>>
      %dma_wait3A_912 = arith.constant 0 : i32
      %dma_wait3A_913 = tpu.memref_slice %arg3[%arg0, %dma_wait3A_912] : memref<2x163840xi32, #tpu.memory_space<hbm>> -> memref<1x64xi32, #tpu.memory_space<hbm>>
      %dma_wait3A_914 = tpu.memref_squeeze %dma_wait3A_913 : memref<1x64xi32, #tpu.memory_space<hbm>> -> memref<64xi32, #tpu.memory_space<hbm>>
      tpu.wait_dma2 semaphore(%dma_wait3A_908 : memref<!tpu.dma_semaphore, #tpu.memory_space<semaphore_mem>>) src(%dma_wait3A_914 : memref<64xi32, #tpu.memory_space<hbm>>) dst(%dma_wait3A_911 : memref<64xi32, #tpu.memory_space<vmem>>)
      %dma_wait3A_915 = arith.constant 6 : i32
      %dma_wait3A_916 = arith.constant 6 : i32
      %dma_wait3A_917 = arith.constant 0 : i32
      %dma_wait3A_918 = tpu.memref_slice %arg8[%dma_wait3A_915, %dma_wait3A_917] : memref<10x64xi32, #tpu.memory_space<vmem>> -> memref<1x64xi32, #tpu.memory_space<vmem>>
      %dma_wait3A_919 = tpu.memref_squeeze %dma_wait3A_918 : memref<1x64xi32, #tpu.memory_space<vmem>> -> memref<64xi32, #tpu.memory_space<vmem>>
      %dma_wait3A_920 = arith.constant 0 : i32
      %dma_wait3A_921 = tpu.memref_slice %arg4[%dma_wait3A_920] : memref<163840xi32, #tpu.memory_space<hbm>> -> memref<64xi32, #tpu.memory_space<hbm>>
      %dma_wait3A_922 = tpu.memref_slice %arg11[%dma_wait3A_916] : memref<10x!tpu.dma_semaphore, #tpu.memory_space<semaphore_mem>> -> memref<1x!tpu.dma_semaphore, #tpu.memory_space<semaphore_mem>>
      %dma_wait3A_923 = tpu.memref_squeeze %dma_wait3A_922 : memref<1x!tpu.dma_semaphore, #tpu.memory_space<semaphore_mem>> -> memref<!tpu.dma_semaphore, #tpu.memory_space<semaphore_mem>>
      %dma_wait3A_924 = arith.constant 0 : i32
      %dma_wait3A_925 = tpu.memref_slice %arg8[%dma_wait3A_915, %dma_wait3A_924] : memref<10x64xi32, #tpu.memory_space<vmem>> -> memref<1x64xi32, #tpu.memory_space<vmem>>
      %dma_wait3A_926 = tpu.memref_squeeze %dma_wait3A_925 : memref<1x64xi32, #tpu.memory_space<vmem>> -> memref<64xi32, #tpu.memory_space<vmem>>
      %dma_wait3A_927 = arith.constant 0 : i32
      %dma_wait3A_928 = tpu.memref_slice %arg4[%dma_wait3A_927] : memref<163840xi32, #tpu.memory_space<hbm>> -> memref<64xi32, #tpu.memory_space<hbm>>
      tpu.wait_dma2 semaphore(%dma_wait3A_923 : memref<!tpu.dma_semaphore, #tpu.memory_space<semaphore_mem>>) src(%dma_wait3A_928 : memref<64xi32, #tpu.memory_space<hbm>>) dst(%dma_wait3A_926 : memref<64xi32, #tpu.memory_space<vmem>>)
      %dma_start3A_929 = arith.constant 6 : i32
      %dma_start3A_930 = arith.constant 1 : i32
      %dma_start3A_931 = arith.constant 1 : i32
      %dma_start3A_932 = arith.constant 0 : i32
      %dma_start3A_933 = arith.constant 0 : i32
      %dma_start3A_934 = tpu.memref_slice %arg9[%dma_start3A_930, %dma_start3A_932, %dma_start3A_933] : memref<5x64x128xf32, #tpu.memory_space<vmem>> -> memref<1x64x128xf32, #tpu.memory_space<vmem>>
      %dma_start3A_935 = tpu.memref_squeeze %dma_start3A_934 : memref<1x64x128xf32, #tpu.memory_space<vmem>> -> memref<64x128xf32, #tpu.memory_space<vmem>>
      %dma_start3A_936 = arith.constant 0 : i32
      %dma_start3A_937 = tpu.memref_slice %arg7[%dma_start3A_929, %dma_start3A_936] : memref<10x64xi32, #tpu.memory_space<vmem>> -> memref<1x64xi32, #tpu.memory_space<vmem>>
      %dma_start3A_938 = tpu.memref_squeeze %dma_start3A_937 : memref<1x64xi32, #tpu.memory_space<vmem>> -> memref<64xi32, #tpu.memory_space<vmem>>
      %dma_start3A_939 = arith.constant 0 : i32
      %dma_start3A_940 = arith.constant 0 : i32
      %dma_start3A_941 = tpu.memref_slice %arg2[%dma_start3A_939, %dma_start3A_940] : memref<20000x128xf32, #tpu.memory_space<hbm>> -> memref<20000x128xf32, #tpu.memory_space<hbm>>
      %dma_start3A_942 = tpu.memref_slice %arg12[%dma_start3A_931] : memref<5x!tpu.dma_semaphore, #tpu.memory_space<semaphore_mem>> -> memref<1x!tpu.dma_semaphore, #tpu.memory_space<semaphore_mem>>
      %dma_start3A_943 = tpu.memref_squeeze %dma_start3A_942 : memref<1x!tpu.dma_semaphore, #tpu.memory_space<semaphore_mem>> -> memref<!tpu.dma_semaphore, #tpu.memory_space<semaphore_mem>>
      tpu.enqueue_indirect_dma source(%dma_start3A_941 : memref<20000x128xf32, #tpu.memory_space<hbm>>) target(%dma_start3A_935 : memref<64x128xf32, #tpu.memory_space<vmem>>) offsets(%dma_start3A_938 : memref<64xi32, #tpu.memory_space<vmem>>) semaphore(%dma_start3A_943 : memref<!tpu.dma_semaphore, #tpu.memory_space<semaphore_mem>>)
      %dma_wait3A_944 = arith.constant 2 : i32
      %dma_wait3A_945 = arith.constant 2 : i32
      %dma_wait3A_946 = arith.constant 0 : i32
      %dma_wait3A_947 = arith.constant 0 : i32
      %dma_wait3A_948 = tpu.memref_slice %arg9[%dma_wait3A_944, %dma_wait3A_946, %dma_wait3A_947] : memref<5x64x128xf32, #tpu.memory_space<vmem>> -> memref<1x64x128xf32, #tpu.memory_space<vmem>>
      %dma_wait3A_949 = tpu.memref_squeeze %dma_wait3A_948 : memref<1x64x128xf32, #tpu.memory_space<vmem>> -> memref<64x128xf32, #tpu.memory_space<vmem>>
      %dma_wait3A_950 = arith.constant 0 : i32
      %dma_wait3A_951 = arith.constant 0 : i32
      %dma_wait3A_952 = tpu.memref_slice %arg2[%dma_wait3A_950, %dma_wait3A_951] : memref<20000x128xf32, #tpu.memory_space<hbm>> -> memref<64x128xf32, #tpu.memory_space<hbm>>
      %dma_wait3A_953 = tpu.memref_slice %arg13[%dma_wait3A_945] : memref<5x!tpu.dma_semaphore, #tpu.memory_space<semaphore_mem>> -> memref<1x!tpu.dma_semaphore, #tpu.memory_space<semaphore_mem>>
      %dma_wait3A_954 = tpu.memref_squeeze %dma_wait3A_953 : memref<1x!tpu.dma_semaphore, #tpu.memory_space<semaphore_mem>> -> memref<!tpu.dma_semaphore, #tpu.memory_space<semaphore_mem>>
      %dma_wait3A_955 = arith.constant 0 : i32
      %dma_wait3A_956 = arith.constant 0 : i32
      %dma_wait3A_957 = tpu.memref_slice %arg9[%dma_wait3A_944, %dma_wait3A_955, %dma_wait3A_956] : memref<5x64x128xf32, #tpu.memory_space<vmem>> -> memref<1x64x128xf32, #tpu.memory_space<vmem>>
      %dma_wait3A_958 = tpu.memref_squeeze %dma_wait3A_957 : memref<1x64x128xf32, #tpu.memory_space<vmem>> -> memref<64x128xf32, #tpu.memory_space<vmem>>
      %dma_wait3A_959 = arith.constant 0 : i32
      %dma_wait3A_960 = arith.constant 0 : i32
      %dma_wait3A_961 = tpu.memref_slice %arg2[%dma_wait3A_959, %dma_wait3A_960] : memref<20000x128xf32, #tpu.memory_space<hbm>> -> memref<64x128xf32, #tpu.memory_space<hbm>>
      tpu.wait_dma2 semaphore(%dma_wait3A_954 : memref<!tpu.dma_semaphore, #tpu.memory_space<semaphore_mem>>) src(%dma_wait3A_961 : memref<64x128xf32, #tpu.memory_space<hbm>>) dst(%dma_wait3A_958 : memref<64x128xf32, #tpu.memory_space<vmem>>)
      %dma_wait3A_962 = arith.constant 7 : i32
      %dma_wait3A_963 = arith.constant 7 : i32
      %dma_wait3A_964 = arith.constant 0 : i32
      %dma_wait3A_965 = tpu.memref_slice %arg7[%dma_wait3A_962, %dma_wait3A_964] : memref<10x64xi32, #tpu.memory_space<vmem>> -> memref<1x64xi32, #tpu.memory_space<vmem>>
      %dma_wait3A_966 = tpu.memref_squeeze %dma_wait3A_965 : memref<1x64xi32, #tpu.memory_space<vmem>> -> memref<64xi32, #tpu.memory_space<vmem>>
      %dma_wait3A_967 = arith.constant 0 : i32
      %dma_wait3A_968 = tpu.memref_slice %arg3[%arg0, %dma_wait3A_967] : memref<2x163840xi32, #tpu.memory_space<hbm>> -> memref<1x64xi32, #tpu.memory_space<hbm>>
      %dma_wait3A_969 = tpu.memref_squeeze %dma_wait3A_968 : memref<1x64xi32, #tpu.memory_space<hbm>> -> memref<64xi32, #tpu.memory_space<hbm>>
      %dma_wait3A_970 = tpu.memref_slice %arg11[%dma_wait3A_963] : memref<10x!tpu.dma_semaphore, #tpu.memory_space<semaphore_mem>> -> memref<1x!tpu.dma_semaphore, #tpu.memory_space<semaphore_mem>>
      %dma_wait3A_971 = tpu.memref_squeeze %dma_wait3A_970 : memref<1x!tpu.dma_semaphore, #tpu.memory_space<semaphore_mem>> -> memref<!tpu.dma_semaphore, #tpu.memory_space<semaphore_mem>>
      %dma_wait3A_972 = arith.constant 0 : i32
      %dma_wait3A_973 = tpu.memref_slice %arg7[%dma_wait3A_962, %dma_wait3A_972] : memref<10x64xi32, #tpu.memory_space<vmem>> -> memref<1x64xi32, #tpu.memory_space<vmem>>
      %dma_wait3A_974 = tpu.memref_squeeze %dma_wait3A_973 : memref<1x64xi32, #tpu.memory_space<vmem>> -> memref<64xi32, #tpu.memory_space<vmem>>
      %dma_wait3A_975 = arith.constant 0 : i32
      %dma_wait3A_976 = tpu.memref_slice %arg3[%arg0, %dma_wait3A_975] : memref<2x163840xi32, #tpu.memory_space<hbm>> -> memref<1x64xi32, #tpu.memory_space<hbm>>
      %dma_wait3A_977 = tpu.memref_squeeze %dma_wait3A_976 : memref<1x64xi32, #tpu.memory_space<hbm>> -> memref<64xi32, #tpu.memory_space<hbm>>
      tpu.wait_dma2 semaphore(%dma_wait3A_971 : memref<!tpu.dma_semaphore, #tpu.memory_space<semaphore_mem>>) src(%dma_wait3A_977 : memref<64xi32, #tpu.memory_space<hbm>>) dst(%dma_wait3A_974 : memref<64xi32, #tpu.memory_space<vmem>>)
      %dma_wait3A_978 = arith.constant 7 : i32
      %dma_wait3A_979 = arith.constant 7 : i32
      %dma_wait3A_980 = arith.constant 0 : i32
      %dma_wait3A_981 = tpu.memref_slice %arg8[%dma_wait3A_978, %dma_wait3A_980] : memref<10x64xi32, #tpu.memory_space<vmem>> -> memref<1x64xi32, #tpu.memory_space<vmem>>
      %dma_wait3A_982 = tpu.memref_squeeze %dma_wait3A_981 : memref<1x64xi32, #tpu.memory_space<vmem>> -> memref<64xi32, #tpu.memory_space<vmem>>
      %dma_wait3A_983 = arith.constant 0 : i32
      %dma_wait3A_984 = tpu.memref_slice %arg4[%dma_wait3A_983] : memref<163840xi32, #tpu.memory_space<hbm>> -> memref<64xi32, #tpu.memory_space<hbm>>
      %dma_wait3A_985 = tpu.memref_slice %arg11[%dma_wait3A_979] : memref<10x!tpu.dma_semaphore, #tpu.memory_space<semaphore_mem>> -> memref<1x!tpu.dma_semaphore, #tpu.memory_space<semaphore_mem>>
      %dma_wait3A_986 = tpu.memref_squeeze %dma_wait3A_985 : memref<1x!tpu.dma_semaphore, #tpu.memory_space<semaphore_mem>> -> memref<!tpu.dma_semaphore, #tpu.memory_space<semaphore_mem>>
      %dma_wait3A_987 = arith.constant 0 : i32
      %dma_wait3A_988 = tpu.memref_slice %arg8[%dma_wait3A_978, %dma_wait3A_987] : memref<10x64xi32, #tpu.memory_space<vmem>> -> memref<1x64xi32, #tpu.memory_space<vmem>>
      %dma_wait3A_989 = tpu.memref_squeeze %dma_wait3A_988 : memref<1x64xi32, #tpu.memory_space<vmem>> -> memref<64xi32, #tpu.memory_space<vmem>>
      %dma_wait3A_990 = arith.constant 0 : i32
      %dma_wait3A_991 = tpu.memref_slice %arg4[%dma_wait3A_990] : memref<163840xi32, #tpu.memory_space<hbm>> -> memref<64xi32, #tpu.memory_space<hbm>>
      tpu.wait_dma2 semaphore(%dma_wait3A_986 : memref<!tpu.dma_semaphore, #tpu.memory_space<semaphore_mem>>) src(%dma_wait3A_991 : memref<64xi32, #tpu.memory_space<hbm>>) dst(%dma_wait3A_989 : memref<64xi32, #tpu.memory_space<vmem>>)
      %dma_start3A_992 = arith.constant 7 : i32
      %dma_start3A_993 = arith.constant 2 : i32
      %dma_start3A_994 = arith.constant 2 : i32
      %dma_start3A_995 = arith.constant 0 : i32
      %dma_start3A_996 = arith.constant 0 : i32
      %dma_start3A_997 = tpu.memref_slice %arg9[%dma_start3A_993, %dma_start3A_995, %dma_start3A_996] : memref<5x64x128xf32, #tpu.memory_space<vmem>> -> memref<1x64x128xf32, #tpu.memory_space<vmem>>
      %dma_start3A_998 = tpu.memref_squeeze %dma_start3A_997 : memref<1x64x128xf32, #tpu.memory_space<vmem>> -> memref<64x128xf32, #tpu.memory_space<vmem>>
      %dma_start3A_999 = arith.constant 0 : i32
      %dma_start3A_1000 = tpu.memref_slice %arg7[%dma_start3A_992, %dma_start3A_999] : memref<10x64xi32, #tpu.memory_space<vmem>> -> memref<1x64xi32, #tpu.memory_space<vmem>>
      %dma_start3A_1001 = tpu.memref_squeeze %dma_start3A_1000 : memref<1x64xi32, #tpu.memory_space<vmem>> -> memref<64xi32, #tpu.memory_space<vmem>>
      %dma_start3A_1002 = arith.constant 0 : i32
      %dma_start3A_1003 = arith.constant 0 : i32
      %dma_start3A_1004 = tpu.memref_slice %arg2[%dma_start3A_1002, %dma_start3A_1003] : memref<20000x128xf32, #tpu.memory_space<hbm>> -> memref<20000x128xf32, #tpu.memory_space<hbm>>
      %dma_start3A_1005 = tpu.memref_slice %arg12[%dma_start3A_994] : memref<5x!tpu.dma_semaphore, #tpu.memory_space<semaphore_mem>> -> memref<1x!tpu.dma_semaphore, #tpu.memory_space<semaphore_mem>>
      %dma_start3A_1006 = tpu.memref_squeeze %dma_start3A_1005 : memref<1x!tpu.dma_semaphore, #tpu.memory_space<semaphore_mem>> -> memref<!tpu.dma_semaphore, #tpu.memory_space<semaphore_mem>>
      tpu.enqueue_indirect_dma source(%dma_start3A_1004 : memref<20000x128xf32, #tpu.memory_space<hbm>>) target(%dma_start3A_998 : memref<64x128xf32, #tpu.memory_space<vmem>>) offsets(%dma_start3A_1001 : memref<64xi32, #tpu.memory_space<vmem>>) semaphore(%dma_start3A_1006 : memref<!tpu.dma_semaphore, #tpu.memory_space<semaphore_mem>>)
      %dma_wait3A_1007 = arith.constant 3 : i32
      %dma_wait3A_1008 = arith.constant 3 : i32
      %dma_wait3A_1009 = arith.constant 0 : i32
      %dma_wait3A_1010 = arith.constant 0 : i32
      %dma_wait3A_1011 = tpu.memref_slice %arg9[%dma_wait3A_1007, %dma_wait3A_1009, %dma_wait3A_1010] : memref<5x64x128xf32, #tpu.memory_space<vmem>> -> memref<1x64x128xf32, #tpu.memory_space<vmem>>
      %dma_wait3A_1012 = tpu.memref_squeeze %dma_wait3A_1011 : memref<1x64x128xf32, #tpu.memory_space<vmem>> -> memref<64x128xf32, #tpu.memory_space<vmem>>
      %dma_wait3A_1013 = arith.constant 0 : i32
      %dma_wait3A_1014 = arith.constant 0 : i32
      %dma_wait3A_1015 = tpu.memref_slice %arg2[%dma_wait3A_1013, %dma_wait3A_1014] : memref<20000x128xf32, #tpu.memory_space<hbm>> -> memref<64x128xf32, #tpu.memory_space<hbm>>
      %dma_wait3A_1016 = tpu.memref_slice %arg13[%dma_wait3A_1008] : memref<5x!tpu.dma_semaphore, #tpu.memory_space<semaphore_mem>> -> memref<1x!tpu.dma_semaphore, #tpu.memory_space<semaphore_mem>>
      %dma_wait3A_1017 = tpu.memref_squeeze %dma_wait3A_1016 : memref<1x!tpu.dma_semaphore, #tpu.memory_space<semaphore_mem>> -> memref<!tpu.dma_semaphore, #tpu.memory_space<semaphore_mem>>
      %dma_wait3A_1018 = arith.constant 0 : i32
      %dma_wait3A_1019 = arith.constant 0 : i32
      %dma_wait3A_1020 = tpu.memref_slice %arg9[%dma_wait3A_1007, %dma_wait3A_1018, %dma_wait3A_1019] : memref<5x64x128xf32, #tpu.memory_space<vmem>> -> memref<1x64x128xf32, #tpu.memory_space<vmem>>
      %dma_wait3A_1021 = tpu.memref_squeeze %dma_wait3A_1020 : memref<1x64x128xf32, #tpu.memory_space<vmem>> -> memref<64x128xf32, #tpu.memory_space<vmem>>
      %dma_wait3A_1022 = arith.constant 0 : i32
      %dma_wait3A_1023 = arith.constant 0 : i32
      %dma_wait3A_1024 = tpu.memref_slice %arg2[%dma_wait3A_1022, %dma_wait3A_1023] : memref<20000x128xf32, #tpu.memory_space<hbm>> -> memref<64x128xf32, #tpu.memory_space<hbm>>
      tpu.wait_dma2 semaphore(%dma_wait3A_1017 : memref<!tpu.dma_semaphore, #tpu.memory_space<semaphore_mem>>) src(%dma_wait3A_1024 : memref<64x128xf32, #tpu.memory_space<hbm>>) dst(%dma_wait3A_1021 : memref<64x128xf32, #tpu.memory_space<vmem>>)
      %dma_wait3A_1025 = arith.constant 8 : i32
      %dma_wait3A_1026 = arith.constant 8 : i32
      %dma_wait3A_1027 = arith.constant 0 : i32
      %dma_wait3A_1028 = tpu.memref_slice %arg7[%dma_wait3A_1025, %dma_wait3A_1027] : memref<10x64xi32, #tpu.memory_space<vmem>> -> memref<1x64xi32, #tpu.memory_space<vmem>>
      %dma_wait3A_1029 = tpu.memref_squeeze %dma_wait3A_1028 : memref<1x64xi32, #tpu.memory_space<vmem>> -> memref<64xi32, #tpu.memory_space<vmem>>
      %dma_wait3A_1030 = arith.constant 0 : i32
      %dma_wait3A_1031 = tpu.memref_slice %arg3[%arg0, %dma_wait3A_1030] : memref<2x163840xi32, #tpu.memory_space<hbm>> -> memref<1x64xi32, #tpu.memory_space<hbm>>
      %dma_wait3A_1032 = tpu.memref_squeeze %dma_wait3A_1031 : memref<1x64xi32, #tpu.memory_space<hbm>> -> memref<64xi32, #tpu.memory_space<hbm>>
      %dma_wait3A_1033 = tpu.memref_slice %arg11[%dma_wait3A_1026] : memref<10x!tpu.dma_semaphore, #tpu.memory_space<semaphore_mem>> -> memref<1x!tpu.dma_semaphore, #tpu.memory_space<semaphore_mem>>
      %dma_wait3A_1034 = tpu.memref_squeeze %dma_wait3A_1033 : memref<1x!tpu.dma_semaphore, #tpu.memory_space<semaphore_mem>> -> memref<!tpu.dma_semaphore, #tpu.memory_space<semaphore_mem>>
      %dma_wait3A_1035 = arith.constant 0 : i32
      %dma_wait3A_1036 = tpu.memref_slice %arg7[%dma_wait3A_1025, %dma_wait3A_1035] : memref<10x64xi32, #tpu.memory_space<vmem>> -> memref<1x64xi32, #tpu.memory_space<vmem>>
      %dma_wait3A_1037 = tpu.memref_squeeze %dma_wait3A_1036 : memref<1x64xi32, #tpu.memory_space<vmem>> -> memref<64xi32, #tpu.memory_space<vmem>>
      %dma_wait3A_1038 = arith.constant 0 : i32
      %dma_wait3A_1039 = tpu.memref_slice %arg3[%arg0, %dma_wait3A_1038] : memref<2x163840xi32, #tpu.memory_space<hbm>> -> memref<1x64xi32, #tpu.memory_space<hbm>>
      %dma_wait3A_1040 = tpu.memref_squeeze %dma_wait3A_1039 : memref<1x64xi32, #tpu.memory_space<hbm>> -> memref<64xi32, #tpu.memory_space<hbm>>
      tpu.wait_dma2 semaphore(%dma_wait3A_1034 : memref<!tpu.dma_semaphore, #tpu.memory_space<semaphore_mem>>) src(%dma_wait3A_1040 : memref<64xi32, #tpu.memory_space<hbm>>) dst(%dma_wait3A_1037 : memref<64xi32, #tpu.memory_space<vmem>>)
      %dma_wait3A_1041 = arith.constant 8 : i32
      %dma_wait3A_1042 = arith.constant 8 : i32
      %dma_wait3A_1043 = arith.constant 0 : i32
      %dma_wait3A_1044 = tpu.memref_slice %arg8[%dma_wait3A_1041, %dma_wait3A_1043] : memref<10x64xi32, #tpu.memory_space<vmem>> -> memref<1x64xi32, #tpu.memory_space<vmem>>
      %dma_wait3A_1045 = tpu.memref_squeeze %dma_wait3A_1044 : memref<1x64xi32, #tpu.memory_space<vmem>> -> memref<64xi32, #tpu.memory_space<vmem>>
      %dma_wait3A_1046 = arith.constant 0 : i32
      %dma_wait3A_1047 = tpu.memref_slice %arg4[%dma_wait3A_1046] : memref<163840xi32, #tpu.memory_space<hbm>> -> memref<64xi32, #tpu.memory_space<hbm>>
      %dma_wait3A_1048 = tpu.memref_slice %arg11[%dma_wait3A_1042] : memref<10x!tpu.dma_semaphore, #tpu.memory_space<semaphore_mem>> -> memref<1x!tpu.dma_semaphore, #tpu.memory_space<semaphore_mem>>
      %dma_wait3A_1049 = tpu.memref_squeeze %dma_wait3A_1048 : memref<1x!tpu.dma_semaphore, #tpu.memory_space<semaphore_mem>> -> memref<!tpu.dma_semaphore, #tpu.memory_space<semaphore_mem>>
      %dma_wait3A_1050 = arith.constant 0 : i32
      %dma_wait3A_1051 = tpu.memref_slice %arg8[%dma_wait3A_1041, %dma_wait3A_1050] : memref<10x64xi32, #tpu.memory_space<vmem>> -> memref<1x64xi32, #tpu.memory_space<vmem>>
      %dma_wait3A_1052 = tpu.memref_squeeze %dma_wait3A_1051 : memref<1x64xi32, #tpu.memory_space<vmem>> -> memref<64xi32, #tpu.memory_space<vmem>>
      %dma_wait3A_1053 = arith.constant 0 : i32
      %dma_wait3A_1054 = tpu.memref_slice %arg4[%dma_wait3A_1053] : memref<163840xi32, #tpu.memory_space<hbm>> -> memref<64xi32, #tpu.memory_space<hbm>>
      tpu.wait_dma2 semaphore(%dma_wait3A_1049 : memref<!tpu.dma_semaphore, #tpu.memory_space<semaphore_mem>>) src(%dma_wait3A_1054 : memref<64xi32, #tpu.memory_space<hbm>>) dst(%dma_wait3A_1052 : memref<64xi32, #tpu.memory_space<vmem>>)
      %dma_start3A_1055 = arith.constant 8 : i32
      %dma_start3A_1056 = arith.constant 3 : i32
      %dma_start3A_1057 = arith.constant 3 : i32
      %dma_start3A_1058 = arith.constant 0 : i32
      %dma_start3A_1059 = arith.constant 0 : i32
      %dma_start3A_1060 = tpu.memref_slice %arg9[%dma_start3A_1056, %dma_start3A_1058, %dma_start3A_1059] : memref<5x64x128xf32, #tpu.memory_space<vmem>> -> memref<1x64x128xf32, #tpu.memory_space<vmem>>
      %dma_start3A_1061 = tpu.memref_squeeze %dma_start3A_1060 : memref<1x64x128xf32, #tpu.memory_space<vmem>> -> memref<64x128xf32, #tpu.memory_space<vmem>>
      %dma_start3A_1062 = arith.constant 0 : i32
      %dma_start3A_1063 = tpu.memref_slice %arg7[%dma_start3A_1055, %dma_start3A_1062] : memref<10x64xi32, #tpu.memory_space<vmem>> -> memref<1x64xi32, #tpu.memory_space<vmem>>
      %dma_start3A_1064 = tpu.memref_squeeze %dma_start3A_1063 : memref<1x64xi32, #tpu.memory_space<vmem>> -> memref<64xi32, #tpu.memory_space<vmem>>
      %dma_start3A_1065 = arith.constant 0 : i32
      %dma_start3A_1066 = arith.constant 0 : i32
      %dma_start3A_1067 = tpu.memref_slice %arg2[%dma_start3A_1065, %dma_start3A_1066] : memref<20000x128xf32, #tpu.memory_space<hbm>> -> memref<20000x128xf32, #tpu.memory_space<hbm>>
      %dma_start3A_1068 = tpu.memref_slice %arg12[%dma_start3A_1057] : memref<5x!tpu.dma_semaphore, #tpu.memory_space<semaphore_mem>> -> memref<1x!tpu.dma_semaphore, #tpu.memory_space<semaphore_mem>>
      %dma_start3A_1069 = tpu.memref_squeeze %dma_start3A_1068 : memref<1x!tpu.dma_semaphore, #tpu.memory_space<semaphore_mem>> -> memref<!tpu.dma_semaphore, #tpu.memory_space<semaphore_mem>>
      tpu.enqueue_indirect_dma source(%dma_start3A_1067 : memref<20000x128xf32, #tpu.memory_space<hbm>>) target(%dma_start3A_1061 : memref<64x128xf32, #tpu.memory_space<vmem>>) offsets(%dma_start3A_1064 : memref<64xi32, #tpu.memory_space<vmem>>) semaphore(%dma_start3A_1069 : memref<!tpu.dma_semaphore, #tpu.memory_space<semaphore_mem>>)
      %dma_wait3A_1070 = arith.constant 4 : i32
      %dma_wait3A_1071 = arith.constant 4 : i32
      %dma_wait3A_1072 = arith.constant 0 : i32
      %dma_wait3A_1073 = arith.constant 0 : i32
      %dma_wait3A_1074 = tpu.memref_slice %arg9[%dma_wait3A_1070, %dma_wait3A_1072, %dma_wait3A_1073] : memref<5x64x128xf32, #tpu.memory_space<vmem>> -> memref<1x64x128xf32, #tpu.memory_space<vmem>>
      %dma_wait3A_1075 = tpu.memref_squeeze %dma_wait3A_1074 : memref<1x64x128xf32, #tpu.memory_space<vmem>> -> memref<64x128xf32, #tpu.memory_space<vmem>>
      %dma_wait3A_1076 = arith.constant 0 : i32
      %dma_wait3A_1077 = arith.constant 0 : i32
      %dma_wait3A_1078 = tpu.memref_slice %arg2[%dma_wait3A_1076, %dma_wait3A_1077] : memref<20000x128xf32, #tpu.memory_space<hbm>> -> memref<64x128xf32, #tpu.memory_space<hbm>>
      %dma_wait3A_1079 = tpu.memref_slice %arg13[%dma_wait3A_1071] : memref<5x!tpu.dma_semaphore, #tpu.memory_space<semaphore_mem>> -> memref<1x!tpu.dma_semaphore, #tpu.memory_space<semaphore_mem>>
      %dma_wait3A_1080 = tpu.memref_squeeze %dma_wait3A_1079 : memref<1x!tpu.dma_semaphore, #tpu.memory_space<semaphore_mem>> -> memref<!tpu.dma_semaphore, #tpu.memory_space<semaphore_mem>>
      %dma_wait3A_1081 = arith.constant 0 : i32
      %dma_wait3A_1082 = arith.constant 0 : i32
      %dma_wait3A_1083 = tpu.memref_slice %arg9[%dma_wait3A_1070, %dma_wait3A_1081, %dma_wait3A_1082] : memref<5x64x128xf32, #tpu.memory_space<vmem>> -> memref<1x64x128xf32, #tpu.memory_space<vmem>>
      %dma_wait3A_1084 = tpu.memref_squeeze %dma_wait3A_1083 : memref<1x64x128xf32, #tpu.memory_space<vmem>> -> memref<64x128xf32, #tpu.memory_space<vmem>>
      %dma_wait3A_1085 = arith.constant 0 : i32
      %dma_wait3A_1086 = arith.constant 0 : i32
      %dma_wait3A_1087 = tpu.memref_slice %arg2[%dma_wait3A_1085, %dma_wait3A_1086] : memref<20000x128xf32, #tpu.memory_space<hbm>> -> memref<64x128xf32, #tpu.memory_space<hbm>>
      tpu.wait_dma2 semaphore(%dma_wait3A_1080 : memref<!tpu.dma_semaphore, #tpu.memory_space<semaphore_mem>>) src(%dma_wait3A_1087 : memref<64x128xf32, #tpu.memory_space<hbm>>) dst(%dma_wait3A_1084 : memref<64x128xf32, #tpu.memory_space<vmem>>)
      %dma_wait3A_1088 = arith.constant 9 : i32
      %dma_wait3A_1089 = arith.constant 9 : i32
      %dma_wait3A_1090 = arith.constant 0 : i32
      %dma_wait3A_1091 = tpu.memref_slice %arg7[%dma_wait3A_1088, %dma_wait3A_1090] : memref<10x64xi32, #tpu.memory_space<vmem>> -> memref<1x64xi32, #tpu.memory_space<vmem>>
      %dma_wait3A_1092 = tpu.memref_squeeze %dma_wait3A_1091 : memref<1x64xi32, #tpu.memory_space<vmem>> -> memref<64xi32, #tpu.memory_space<vmem>>
      %dma_wait3A_1093 = arith.constant 0 : i32
      %dma_wait3A_1094 = tpu.memref_slice %arg3[%arg0, %dma_wait3A_1093] : memref<2x163840xi32, #tpu.memory_space<hbm>> -> memref<1x64xi32, #tpu.memory_space<hbm>>
      %dma_wait3A_1095 = tpu.memref_squeeze %dma_wait3A_1094 : memref<1x64xi32, #tpu.memory_space<hbm>> -> memref<64xi32, #tpu.memory_space<hbm>>
      %dma_wait3A_1096 = tpu.memref_slice %arg11[%dma_wait3A_1089] : memref<10x!tpu.dma_semaphore, #tpu.memory_space<semaphore_mem>> -> memref<1x!tpu.dma_semaphore, #tpu.memory_space<semaphore_mem>>
      %dma_wait3A_1097 = tpu.memref_squeeze %dma_wait3A_1096 : memref<1x!tpu.dma_semaphore, #tpu.memory_space<semaphore_mem>> -> memref<!tpu.dma_semaphore, #tpu.memory_space<semaphore_mem>>
      %dma_wait3A_1098 = arith.constant 0 : i32
      %dma_wait3A_1099 = tpu.memref_slice %arg7[%dma_wait3A_1088, %dma_wait3A_1098] : memref<10x64xi32, #tpu.memory_space<vmem>> -> memref<1x64xi32, #tpu.memory_space<vmem>>
      %dma_wait3A_1100 = tpu.memref_squeeze %dma_wait3A_1099 : memref<1x64xi32, #tpu.memory_space<vmem>> -> memref<64xi32, #tpu.memory_space<vmem>>
      %dma_wait3A_1101 = arith.constant 0 : i32
      %dma_wait3A_1102 = tpu.memref_slice %arg3[%arg0, %dma_wait3A_1101] : memref<2x163840xi32, #tpu.memory_space<hbm>> -> memref<1x64xi32, #tpu.memory_space<hbm>>
      %dma_wait3A_1103 = tpu.memref_squeeze %dma_wait3A_1102 : memref<1x64xi32, #tpu.memory_space<hbm>> -> memref<64xi32, #tpu.memory_space<hbm>>
      tpu.wait_dma2 semaphore(%dma_wait3A_1097 : memref<!tpu.dma_semaphore, #tpu.memory_space<semaphore_mem>>) src(%dma_wait3A_1103 : memref<64xi32, #tpu.memory_space<hbm>>) dst(%dma_wait3A_1100 : memref<64xi32, #tpu.memory_space<vmem>>)
      %dma_wait3A_1104 = arith.constant 9 : i32
      %dma_wait3A_1105 = arith.constant 9 : i32
      %dma_wait3A_1106 = arith.constant 0 : i32
      %dma_wait3A_1107 = tpu.memref_slice %arg8[%dma_wait3A_1104, %dma_wait3A_1106] : memref<10x64xi32, #tpu.memory_space<vmem>> -> memref<1x64xi32, #tpu.memory_space<vmem>>
      %dma_wait3A_1108 = tpu.memref_squeeze %dma_wait3A_1107 : memref<1x64xi32, #tpu.memory_space<vmem>> -> memref<64xi32, #tpu.memory_space<vmem>>
      %dma_wait3A_1109 = arith.constant 0 : i32
      %dma_wait3A_1110 = tpu.memref_slice %arg4[%dma_wait3A_1109] : memref<163840xi32, #tpu.memory_space<hbm>> -> memref<64xi32, #tpu.memory_space<hbm>>
      %dma_wait3A_1111 = tpu.memref_slice %arg11[%dma_wait3A_1105] : memref<10x!tpu.dma_semaphore, #tpu.memory_space<semaphore_mem>> -> memref<1x!tpu.dma_semaphore, #tpu.memory_space<semaphore_mem>>
      %dma_wait3A_1112 = tpu.memref_squeeze %dma_wait3A_1111 : memref<1x!tpu.dma_semaphore, #tpu.memory_space<semaphore_mem>> -> memref<!tpu.dma_semaphore, #tpu.memory_space<semaphore_mem>>
      %dma_wait3A_1113 = arith.constant 0 : i32
      %dma_wait3A_1114 = tpu.memref_slice %arg8[%dma_wait3A_1104, %dma_wait3A_1113] : memref<10x64xi32, #tpu.memory_space<vmem>> -> memref<1x64xi32, #tpu.memory_space<vmem>>
      %dma_wait3A_1115 = tpu.memref_squeeze %dma_wait3A_1114 : memref<1x64xi32, #tpu.memory_space<vmem>> -> memref<64xi32, #tpu.memory_space<vmem>>
      %dma_wait3A_1116 = arith.constant 0 : i32
      %dma_wait3A_1117 = tpu.memref_slice %arg4[%dma_wait3A_1116] : memref<163840xi32, #tpu.memory_space<hbm>> -> memref<64xi32, #tpu.memory_space<hbm>>
      tpu.wait_dma2 semaphore(%dma_wait3A_1112 : memref<!tpu.dma_semaphore, #tpu.memory_space<semaphore_mem>>) src(%dma_wait3A_1117 : memref<64xi32, #tpu.memory_space<hbm>>) dst(%dma_wait3A_1115 : memref<64xi32, #tpu.memory_space<vmem>>)
      %dma_start3A_1118 = arith.constant 9 : i32
      %dma_start3A_1119 = arith.constant 4 : i32
      %dma_start3A_1120 = arith.constant 4 : i32
      %dma_start3A_1121 = arith.constant 0 : i32
      %dma_start3A_1122 = arith.constant 0 : i32
      %dma_start3A_1123 = tpu.memref_slice %arg9[%dma_start3A_1119, %dma_start3A_1121, %dma_start3A_1122] : memref<5x64x128xf32, #tpu.memory_space<vmem>> -> memref<1x64x128xf32, #tpu.memory_space<vmem>>
      %dma_start3A_1124 = tpu.memref_squeeze %dma_start3A_1123 : memref<1x64x128xf32, #tpu.memory_space<vmem>> -> memref<64x128xf32, #tpu.memory_space<vmem>>
      %dma_start3A_1125 = arith.constant 0 : i32
      %dma_start3A_1126 = tpu.memref_slice %arg7[%dma_start3A_1118, %dma_start3A_1125] : memref<10x64xi32, #tpu.memory_space<vmem>> -> memref<1x64xi32, #tpu.memory_space<vmem>>
      %dma_start3A_1127 = tpu.memref_squeeze %dma_start3A_1126 : memref<1x64xi32, #tpu.memory_space<vmem>> -> memref<64xi32, #tpu.memory_space<vmem>>
      %dma_start3A_1128 = arith.constant 0 : i32
      %dma_start3A_1129 = arith.constant 0 : i32
      %dma_start3A_1130 = tpu.memref_slice %arg2[%dma_start3A_1128, %dma_start3A_1129] : memref<20000x128xf32, #tpu.memory_space<hbm>> -> memref<20000x128xf32, #tpu.memory_space<hbm>>
      %dma_start3A_1131 = tpu.memref_slice %arg12[%dma_start3A_1120] : memref<5x!tpu.dma_semaphore, #tpu.memory_space<semaphore_mem>> -> memref<1x!tpu.dma_semaphore, #tpu.memory_space<semaphore_mem>>
      %dma_start3A_1132 = tpu.memref_squeeze %dma_start3A_1131 : memref<1x!tpu.dma_semaphore, #tpu.memory_space<semaphore_mem>> -> memref<!tpu.dma_semaphore, #tpu.memory_space<semaphore_mem>>
      tpu.enqueue_indirect_dma source(%dma_start3A_1130 : memref<20000x128xf32, #tpu.memory_space<hbm>>) target(%dma_start3A_1124 : memref<64x128xf32, #tpu.memory_space<vmem>>) offsets(%dma_start3A_1127 : memref<64xi32, #tpu.memory_space<vmem>>) semaphore(%dma_start3A_1132 : memref<!tpu.dma_semaphore, #tpu.memory_space<semaphore_mem>>)
      %lt3A = arith.constant 15 : i32
      %lt3A_1133 = arith.cmpi slt, %scan3A_394, %lt3A : i32
      %convert_element_type3A_1134 = arith.extui %lt3A_1133 : i1 to i32
      %cond3A_1135 = arith.constant 0 : i32
      %cond3A_1136 = arith.cmpi ne, %convert_element_type3A_1134, %cond3A_1135 : i32
      scf.if %cond3A_1136 {
        %add3A_1302 = arith.constant 1 : i32
        %add3A_1303 = arith.addi %add3A_817, %add3A_1302 : i32
        %mul3A_1304 = arith.constant 5 : i32
        %mul3A_1305 = arith.muli %add3A_1303, %mul3A_1304 : i32
        %add3A_1306 = arith.constant 0 : i32
        %add3A_1307 = arith.addi %mul3A_1305, %add3A_1306 : i32
        %mul3A_1308 = arith.constant 16 : i32
        %mul3A_1309 = arith.muli %mul3A_1308, %add3A_1307 : i32
        %add3A_1310 = arith.addi %arg1, %mul3A_1309 : i32
        %mul3A_1311 = arith.constant 64 : i32
        %mul3A_1312 = arith.muli %mul3A_1311, %add3A_1310 : i32
        %dma_start3A_1313 = arith.constant 0 : i32
        %dma_start3A_1314 = arith.constant 0 : i32
        %dma_start3A_1315 = arith.constant 0 : i32
        %dma_start3A_1316 = tpu.memref_slice %arg7[%dma_start3A_1313, %dma_start3A_1315] : memref<10x64xi32, #tpu.memory_space<vmem>> -> memref<1x64xi32, #tpu.memory_space<vmem>>
        %dma_start3A_1317 = tpu.memref_squeeze %dma_start3A_1316 : memref<1x64xi32, #tpu.memory_space<vmem>> -> memref<64xi32, #tpu.memory_space<vmem>>
        %dma_start3A_1318 = tpu.memref_slice %arg3[%arg0, %mul3A_1312] : memref<2x163840xi32, #tpu.memory_space<hbm>> -> memref<1x64xi32, #tpu.memory_space<hbm>>
        %dma_start3A_1319 = tpu.memref_squeeze %dma_start3A_1318 : memref<1x64xi32, #tpu.memory_space<hbm>> -> memref<64xi32, #tpu.memory_space<hbm>>
        %dma_start3A_1320 = tpu.memref_slice %arg11[%dma_start3A_1314] : memref<10x!tpu.dma_semaphore, #tpu.memory_space<semaphore_mem>> -> memref<1x!tpu.dma_semaphore, #tpu.memory_space<semaphore_mem>>
        %dma_start3A_1321 = tpu.memref_squeeze %dma_start3A_1320 : memref<1x!tpu.dma_semaphore, #tpu.memory_space<semaphore_mem>> -> memref<!tpu.dma_semaphore, #tpu.memory_space<semaphore_mem>>
        %dma_start3A_1322 = arith.constant 0 : i32
        %dma_start3A_1323 = tpu.memref_slice %arg7[%dma_start3A_1313, %dma_start3A_1322] : memref<10x64xi32, #tpu.memory_space<vmem>> -> memref<1x64xi32, #tpu.memory_space<vmem>>
        %dma_start3A_1324 = tpu.memref_squeeze %dma_start3A_1323 : memref<1x64xi32, #tpu.memory_space<vmem>> -> memref<64xi32, #tpu.memory_space<vmem>>
        %dma_start3A_1325 = tpu.memref_slice %arg3[%arg0, %mul3A_1312] : memref<2x163840xi32, #tpu.memory_space<hbm>> -> memref<1x64xi32, #tpu.memory_space<hbm>>
        %dma_start3A_1326 = tpu.memref_squeeze %dma_start3A_1325 : memref<1x64xi32, #tpu.memory_space<hbm>> -> memref<64xi32, #tpu.memory_space<hbm>>
        tpu.enqueue_dma source(%dma_start3A_1326 : memref<64xi32, #tpu.memory_space<hbm>>) target(%dma_start3A_1324 : memref<64xi32, #tpu.memory_space<vmem>>) target_semaphore(%dma_start3A_1321 : memref<!tpu.dma_semaphore, #tpu.memory_space<semaphore_mem>>)
        %dma_start3A_1327 = arith.constant 0 : i32
        %dma_start3A_1328 = arith.constant 0 : i32
        %dma_start3A_1329 = arith.constant 0 : i32
        %dma_start3A_1330 = tpu.memref_slice %arg8[%dma_start3A_1327, %dma_start3A_1329] : memref<10x64xi32, #tpu.memory_space<vmem>> -> memref<1x64xi32, #tpu.memory_space<vmem>>
        %dma_start3A_1331 = tpu.memref_squeeze %dma_start3A_1330 : memref<1x64xi32, #tpu.memory_space<vmem>> -> memref<64xi32, #tpu.memory_space<vmem>>
        %dma_start3A_1332 = tpu.memref_slice %arg4[%mul3A_1312] : memref<163840xi32, #tpu.memory_space<hbm>> -> memref<64xi32, #tpu.memory_space<hbm>>
        %dma_start3A_1333 = tpu.memref_slice %arg11[%dma_start3A_1328] : memref<10x!tpu.dma_semaphore, #tpu.memory_space<semaphore_mem>> -> memref<1x!tpu.dma_semaphore, #tpu.memory_space<semaphore_mem>>
        %dma_start3A_1334 = tpu.memref_squeeze %dma_start3A_1333 : memref<1x!tpu.dma_semaphore, #tpu.memory_space<semaphore_mem>> -> memref<!tpu.dma_semaphore, #tpu.memory_space<semaphore_mem>>
        %dma_start3A_1335 = arith.constant 0 : i32
        %dma_start3A_1336 = tpu.memref_slice %arg8[%dma_start3A_1327, %dma_start3A_1335] : memref<10x64xi32, #tpu.memory_space<vmem>> -> memref<1x64xi32, #tpu.memory_space<vmem>>
        %dma_start3A_1337 = tpu.memref_squeeze %dma_start3A_1336 : memref<1x64xi32, #tpu.memory_space<vmem>> -> memref<64xi32, #tpu.memory_space<vmem>>
        %dma_start3A_1338 = tpu.memref_slice %arg4[%mul3A_1312] : memref<163840xi32, #tpu.memory_space<hbm>> -> memref<64xi32, #tpu.memory_space<hbm>>
        tpu.enqueue_dma source(%dma_start3A_1338 : memref<64xi32, #tpu.memory_space<hbm>>) target(%dma_start3A_1337 : memref<64xi32, #tpu.memory_space<vmem>>) target_semaphore(%dma_start3A_1334 : memref<!tpu.dma_semaphore, #tpu.memory_space<semaphore_mem>>)
        %add3A_1339 = arith.constant 1 : i32
        %add3A_1340 = arith.addi %add3A_817, %add3A_1339 : i32
        %mul3A_1341 = arith.constant 5 : i32
        %mul3A_1342 = arith.muli %add3A_1340, %mul3A_1341 : i32
        %add3A_1343 = arith.constant 1 : i32
        %add3A_1344 = arith.addi %mul3A_1342, %add3A_1343 : i32
        %mul3A_1345 = arith.constant 16 : i32
        %mul3A_1346 = arith.muli %mul3A_1345, %add3A_1344 : i32
        %add3A_1347 = arith.addi %arg1, %mul3A_1346 : i32
        %mul3A_1348 = arith.constant 64 : i32
        %mul3A_1349 = arith.muli %mul3A_1348, %add3A_1347 : i32
        %dma_start3A_1350 = arith.constant 1 : i32
        %dma_start3A_1351 = arith.constant 1 : i32
        %dma_start3A_1352 = arith.constant 0 : i32
        %dma_start3A_1353 = tpu.memref_slice %arg7[%dma_start3A_1350, %dma_start3A_1352] : memref<10x64xi32, #tpu.memory_space<vmem>> -> memref<1x64xi32, #tpu.memory_space<vmem>>
        %dma_start3A_1354 = tpu.memref_squeeze %dma_start3A_1353 : memref<1x64xi32, #tpu.memory_space<vmem>> -> memref<64xi32, #tpu.memory_space<vmem>>
        %dma_start3A_1355 = tpu.memref_slice %arg3[%arg0, %mul3A_1349] : memref<2x163840xi32, #tpu.memory_space<hbm>> -> memref<1x64xi32, #tpu.memory_space<hbm>>
        %dma_start3A_1356 = tpu.memref_squeeze %dma_start3A_1355 : memref<1x64xi32, #tpu.memory_space<hbm>> -> memref<64xi32, #tpu.memory_space<hbm>>
        %dma_start3A_1357 = tpu.memref_slice %arg11[%dma_start3A_1351] : memref<10x!tpu.dma_semaphore, #tpu.memory_space<semaphore_mem>> -> memref<1x!tpu.dma_semaphore, #tpu.memory_space<semaphore_mem>>
        %dma_start3A_1358 = tpu.memref_squeeze %dma_start3A_1357 : memref<1x!tpu.dma_semaphore, #tpu.memory_space<semaphore_mem>> -> memref<!tpu.dma_semaphore, #tpu.memory_space<semaphore_mem>>
        %dma_start3A_1359 = arith.constant 0 : i32
        %dma_start3A_1360 = tpu.memref_slice %arg7[%dma_start3A_1350, %dma_start3A_1359] : memref<10x64xi32, #tpu.memory_space<vmem>> -> memref<1x64xi32, #tpu.memory_space<vmem>>
        %dma_start3A_1361 = tpu.memref_squeeze %dma_start3A_1360 : memref<1x64xi32, #tpu.memory_space<vmem>> -> memref<64xi32, #tpu.memory_space<vmem>>
        %dma_start3A_1362 = tpu.memref_slice %arg3[%arg0, %mul3A_1349] : memref<2x163840xi32, #tpu.memory_space<hbm>> -> memref<1x64xi32, #tpu.memory_space<hbm>>
        %dma_start3A_1363 = tpu.memref_squeeze %dma_start3A_1362 : memref<1x64xi32, #tpu.memory_space<hbm>> -> memref<64xi32, #tpu.memory_space<hbm>>
        tpu.enqueue_dma source(%dma_start3A_1363 : memref<64xi32, #tpu.memory_space<hbm>>) target(%dma_start3A_1361 : memref<64xi32, #tpu.memory_space<vmem>>) target_semaphore(%dma_start3A_1358 : memref<!tpu.dma_semaphore, #tpu.memory_space<semaphore_mem>>)
        %dma_start3A_1364 = arith.constant 1 : i32
        %dma_start3A_1365 = arith.constant 1 : i32
        %dma_start3A_1366 = arith.constant 0 : i32
        %dma_start3A_1367 = tpu.memref_slice %arg8[%dma_start3A_1364, %dma_start3A_1366] : memref<10x64xi32, #tpu.memory_space<vmem>> -> memref<1x64xi32, #tpu.memory_space<vmem>>
        %dma_start3A_1368 = tpu.memref_squeeze %dma_start3A_1367 : memref<1x64xi32, #tpu.memory_space<vmem>> -> memref<64xi32, #tpu.memory_space<vmem>>
        %dma_start3A_1369 = tpu.memref_slice %arg4[%mul3A_1349] : memref<163840xi32, #tpu.memory_space<hbm>> -> memref<64xi32, #tpu.memory_space<hbm>>
        %dma_start3A_1370 = tpu.memref_slice %arg11[%dma_start3A_1365] : memref<10x!tpu.dma_semaphore, #tpu.memory_space<semaphore_mem>> -> memref<1x!tpu.dma_semaphore, #tpu.memory_space<semaphore_mem>>
        %dma_start3A_1371 = tpu.memref_squeeze %dma_start3A_1370 : memref<1x!tpu.dma_semaphore, #tpu.memory_space<semaphore_mem>> -> memref<!tpu.dma_semaphore, #tpu.memory_space<semaphore_mem>>
        %dma_start3A_1372 = arith.constant 0 : i32
        %dma_start3A_1373 = tpu.memref_slice %arg8[%dma_start3A_1364, %dma_start3A_1372] : memref<10x64xi32, #tpu.memory_space<vmem>> -> memref<1x64xi32, #tpu.memory_space<vmem>>
        %dma_start3A_1374 = tpu.memref_squeeze %dma_start3A_1373 : memref<1x64xi32, #tpu.memory_space<vmem>> -> memref<64xi32, #tpu.memory_space<vmem>>
        %dma_start3A_1375 = tpu.memref_slice %arg4[%mul3A_1349] : memref<163840xi32, #tpu.memory_space<hbm>> -> memref<64xi32, #tpu.memory_space<hbm>>
        tpu.enqueue_dma source(%dma_start3A_1375 : memref<64xi32, #tpu.memory_space<hbm>>) target(%dma_start3A_1374 : memref<64xi32, #tpu.memory_space<vmem>>) target_semaphore(%dma_start3A_1371 : memref<!tpu.dma_semaphore, #tpu.memory_space<semaphore_mem>>)
        %add3A_1376 = arith.constant 1 : i32
        %add3A_1377 = arith.addi %add3A_817, %add3A_1376 : i32
        %mul3A_1378 = arith.constant 5 : i32
        %mul3A_1379 = arith.muli %add3A_1377, %mul3A_1378 : i32
        %add3A_1380 = arith.constant 2 : i32
        %add3A_1381 = arith.addi %mul3A_1379, %add3A_1380 : i32
        %mul3A_1382 = arith.constant 16 : i32
        %mul3A_1383 = arith.muli %mul3A_1382, %add3A_1381 : i32
        %add3A_1384 = arith.addi %arg1, %mul3A_1383 : i32
        %mul3A_1385 = arith.constant 64 : i32
        %mul3A_1386 = arith.muli %mul3A_1385, %add3A_1384 : i32
        %dma_start3A_1387 = arith.constant 2 : i32
        %dma_start3A_1388 = arith.constant 2 : i32
        %dma_start3A_1389 = arith.constant 0 : i32
        %dma_start3A_1390 = tpu.memref_slice %arg7[%dma_start3A_1387, %dma_start3A_1389] : memref<10x64xi32, #tpu.memory_space<vmem>> -> memref<1x64xi32, #tpu.memory_space<vmem>>
        %dma_start3A_1391 = tpu.memref_squeeze %dma_start3A_1390 : memref<1x64xi32, #tpu.memory_space<vmem>> -> memref<64xi32, #tpu.memory_space<vmem>>
        %dma_start3A_1392 = tpu.memref_slice %arg3[%arg0, %mul3A_1386] : memref<2x163840xi32, #tpu.memory_space<hbm>> -> memref<1x64xi32, #tpu.memory_space<hbm>>
        %dma_start3A_1393 = tpu.memref_squeeze %dma_start3A_1392 : memref<1x64xi32, #tpu.memory_space<hbm>> -> memref<64xi32, #tpu.memory_space<hbm>>
        %dma_start3A_1394 = tpu.memref_slice %arg11[%dma_start3A_1388] : memref<10x!tpu.dma_semaphore, #tpu.memory_space<semaphore_mem>> -> memref<1x!tpu.dma_semaphore, #tpu.memory_space<semaphore_mem>>
        %dma_start3A_1395 = tpu.memref_squeeze %dma_start3A_1394 : memref<1x!tpu.dma_semaphore, #tpu.memory_space<semaphore_mem>> -> memref<!tpu.dma_semaphore, #tpu.memory_space<semaphore_mem>>
        %dma_start3A_1396 = arith.constant 0 : i32
        %dma_start3A_1397 = tpu.memref_slice %arg7[%dma_start3A_1387, %dma_start3A_1396] : memref<10x64xi32, #tpu.memory_space<vmem>> -> memref<1x64xi32, #tpu.memory_space<vmem>>
        %dma_start3A_1398 = tpu.memref_squeeze %dma_start3A_1397 : memref<1x64xi32, #tpu.memory_space<vmem>> -> memref<64xi32, #tpu.memory_space<vmem>>
        %dma_start3A_1399 = tpu.memref_slice %arg3[%arg0, %mul3A_1386] : memref<2x163840xi32, #tpu.memory_space<hbm>> -> memref<1x64xi32, #tpu.memory_space<hbm>>
        %dma_start3A_1400 = tpu.memref_squeeze %dma_start3A_1399 : memref<1x64xi32, #tpu.memory_space<hbm>> -> memref<64xi32, #tpu.memory_space<hbm>>
        tpu.enqueue_dma source(%dma_start3A_1400 : memref<64xi32, #tpu.memory_space<hbm>>) target(%dma_start3A_1398 : memref<64xi32, #tpu.memory_space<vmem>>) target_semaphore(%dma_start3A_1395 : memref<!tpu.dma_semaphore, #tpu.memory_space<semaphore_mem>>)
        %dma_start3A_1401 = arith.constant 2 : i32
        %dma_start3A_1402 = arith.constant 2 : i32
        %dma_start3A_1403 = arith.constant 0 : i32
        %dma_start3A_1404 = tpu.memref_slice %arg8[%dma_start3A_1401, %dma_start3A_1403] : memref<10x64xi32, #tpu.memory_space<vmem>> -> memref<1x64xi32, #tpu.memory_space<vmem>>
        %dma_start3A_1405 = tpu.memref_squeeze %dma_start3A_1404 : memref<1x64xi32, #tpu.memory_space<vmem>> -> memref<64xi32, #tpu.memory_space<vmem>>
        %dma_start3A_1406 = tpu.memref_slice %arg4[%mul3A_1386] : memref<163840xi32, #tpu.memory_space<hbm>> -> memref<64xi32, #tpu.memory_space<hbm>>
        %dma_start3A_1407 = tpu.memref_slice %arg11[%dma_start3A_1402] : memref<10x!tpu.dma_semaphore, #tpu.memory_space<semaphore_mem>> -> memref<1x!tpu.dma_semaphore, #tpu.memory_space<semaphore_mem>>
        %dma_start3A_1408 = tpu.memref_squeeze %dma_start3A_1407 : memref<1x!tpu.dma_semaphore, #tpu.memory_space<semaphore_mem>> -> memref<!tpu.dma_semaphore, #tpu.memory_space<semaphore_mem>>
        %dma_start3A_1409 = arith.constant 0 : i32
        %dma_start3A_1410 = tpu.memref_slice %arg8[%dma_start3A_1401, %dma_start3A_1409] : memref<10x64xi32, #tpu.memory_space<vmem>> -> memref<1x64xi32, #tpu.memory_space<vmem>>
        %dma_start3A_1411 = tpu.memref_squeeze %dma_start3A_1410 : memref<1x64xi32, #tpu.memory_space<vmem>> -> memref<64xi32, #tpu.memory_space<vmem>>
        %dma_start3A_1412 = tpu.memref_slice %arg4[%mul3A_1386] : memref<163840xi32, #tpu.memory_space<hbm>> -> memref<64xi32, #tpu.memory_space<hbm>>
        tpu.enqueue_dma source(%dma_start3A_1412 : memref<64xi32, #tpu.memory_space<hbm>>) target(%dma_start3A_1411 : memref<64xi32, #tpu.memory_space<vmem>>) target_semaphore(%dma_start3A_1408 : memref<!tpu.dma_semaphore, #tpu.memory_space<semaphore_mem>>)
        %add3A_1413 = arith.constant 1 : i32
        %add3A_1414 = arith.addi %add3A_817, %add3A_1413 : i32
        %mul3A_1415 = arith.constant 5 : i32
        %mul3A_1416 = arith.muli %add3A_1414, %mul3A_1415 : i32
        %add3A_1417 = arith.constant 3 : i32
        %add3A_1418 = arith.addi %mul3A_1416, %add3A_1417 : i32
        %mul3A_1419 = arith.constant 16 : i32
        %mul3A_1420 = arith.muli %mul3A_1419, %add3A_1418 : i32
        %add3A_1421 = arith.addi %arg1, %mul3A_1420 : i32
        %mul3A_1422 = arith.constant 64 : i32
        %mul3A_1423 = arith.muli %mul3A_1422, %add3A_1421 : i32
        %dma_start3A_1424 = arith.constant 3 : i32
        %dma_start3A_1425 = arith.constant 3 : i32
        %dma_start3A_1426 = arith.constant 0 : i32
        %dma_start3A_1427 = tpu.memref_slice %arg7[%dma_start3A_1424, %dma_start3A_1426] : memref<10x64xi32, #tpu.memory_space<vmem>> -> memref<1x64xi32, #tpu.memory_space<vmem>>
        %dma_start3A_1428 = tpu.memref_squeeze %dma_start3A_1427 : memref<1x64xi32, #tpu.memory_space<vmem>> -> memref<64xi32, #tpu.memory_space<vmem>>
        %dma_start3A_1429 = tpu.memref_slice %arg3[%arg0, %mul3A_1423] : memref<2x163840xi32, #tpu.memory_space<hbm>> -> memref<1x64xi32, #tpu.memory_space<hbm>>
        %dma_start3A_1430 = tpu.memref_squeeze %dma_start3A_1429 : memref<1x64xi32, #tpu.memory_space<hbm>> -> memref<64xi32, #tpu.memory_space<hbm>>
        %dma_start3A_1431 = tpu.memref_slice %arg11[%dma_start3A_1425] : memref<10x!tpu.dma_semaphore, #tpu.memory_space<semaphore_mem>> -> memref<1x!tpu.dma_semaphore, #tpu.memory_space<semaphore_mem>>
        %dma_start3A_1432 = tpu.memref_squeeze %dma_start3A_1431 : memref<1x!tpu.dma_semaphore, #tpu.memory_space<semaphore_mem>> -> memref<!tpu.dma_semaphore, #tpu.memory_space<semaphore_mem>>
        %dma_start3A_1433 = arith.constant 0 : i32
        %dma_start3A_1434 = tpu.memref_slice %arg7[%dma_start3A_1424, %dma_start3A_1433] : memref<10x64xi32, #tpu.memory_space<vmem>> -> memref<1x64xi32, #tpu.memory_space<vmem>>
        %dma_start3A_1435 = tpu.memref_squeeze %dma_start3A_1434 : memref<1x64xi32, #tpu.memory_space<vmem>> -> memref<64xi32, #tpu.memory_space<vmem>>
        %dma_start3A_1436 = tpu.memref_slice %arg3[%arg0, %mul3A_1423] : memref<2x163840xi32, #tpu.memory_space<hbm>> -> memref<1x64xi32, #tpu.memory_space<hbm>>
        %dma_start3A_1437 = tpu.memref_squeeze %dma_start3A_1436 : memref<1x64xi32, #tpu.memory_space<hbm>> -> memref<64xi32, #tpu.memory_space<hbm>>
        tpu.enqueue_dma source(%dma_start3A_1437 : memref<64xi32, #tpu.memory_space<hbm>>) target(%dma_start3A_1435 : memref<64xi32, #tpu.memory_space<vmem>>) target_semaphore(%dma_start3A_1432 : memref<!tpu.dma_semaphore, #tpu.memory_space<semaphore_mem>>)
        %dma_start3A_1438 = arith.constant 3 : i32
        %dma_start3A_1439 = arith.constant 3 : i32
        %dma_start3A_1440 = arith.constant 0 : i32
        %dma_start3A_1441 = tpu.memref_slice %arg8[%dma_start3A_1438, %dma_start3A_1440] : memref<10x64xi32, #tpu.memory_space<vmem>> -> memref<1x64xi32, #tpu.memory_space<vmem>>
        %dma_start3A_1442 = tpu.memref_squeeze %dma_start3A_1441 : memref<1x64xi32, #tpu.memory_space<vmem>> -> memref<64xi32, #tpu.memory_space<vmem>>
        %dma_start3A_1443 = tpu.memref_slice %arg4[%mul3A_1423] : memref<163840xi32, #tpu.memory_space<hbm>> -> memref<64xi32, #tpu.memory_space<hbm>>
        %dma_start3A_1444 = tpu.memref_slice %arg11[%dma_start3A_1439] : memref<10x!tpu.dma_semaphore, #tpu.memory_space<semaphore_mem>> -> memref<1x!tpu.dma_semaphore, #tpu.memory_space<semaphore_mem>>
        %dma_start3A_1445 = tpu.memref_squeeze %dma_start3A_1444 : memref<1x!tpu.dma_semaphore, #tpu.memory_space<semaphore_mem>> -> memref<!tpu.dma_semaphore, #tpu.memory_space<semaphore_mem>>
        %dma_start3A_1446 = arith.constant 0 : i32
        %dma_start3A_1447 = tpu.memref_slice %arg8[%dma_start3A_1438, %dma_start3A_1446] : memref<10x64xi32, #tpu.memory_space<vmem>> -> memref<1x64xi32, #tpu.memory_space<vmem>>
        %dma_start3A_1448 = tpu.memref_squeeze %dma_start3A_1447 : memref<1x64xi32, #tpu.memory_space<vmem>> -> memref<64xi32, #tpu.memory_space<vmem>>
        %dma_start3A_1449 = tpu.memref_slice %arg4[%mul3A_1423] : memref<163840xi32, #tpu.memory_space<hbm>> -> memref<64xi32, #tpu.memory_space<hbm>>
        tpu.enqueue_dma source(%dma_start3A_1449 : memref<64xi32, #tpu.memory_space<hbm>>) target(%dma_start3A_1448 : memref<64xi32, #tpu.memory_space<vmem>>) target_semaphore(%dma_start3A_1445 : memref<!tpu.dma_semaphore, #tpu.memory_space<semaphore_mem>>)
        %add3A_1450 = arith.constant 1 : i32
        %add3A_1451 = arith.addi %add3A_817, %add3A_1450 : i32
        %mul3A_1452 = arith.constant 5 : i32
        %mul3A_1453 = arith.muli %add3A_1451, %mul3A_1452 : i32
        %add3A_1454 = arith.constant 4 : i32
        %add3A_1455 = arith.addi %mul3A_1453, %add3A_1454 : i32
        %mul3A_1456 = arith.constant 16 : i32
        %mul3A_1457 = arith.muli %mul3A_1456, %add3A_1455 : i32
        %add3A_1458 = arith.addi %arg1, %mul3A_1457 : i32
        %mul3A_1459 = arith.constant 64 : i32
        %mul3A_1460 = arith.muli %mul3A_1459, %add3A_1458 : i32
        %dma_start3A_1461 = arith.constant 4 : i32
        %dma_start3A_1462 = arith.constant 4 : i32
        %dma_start3A_1463 = arith.constant 0 : i32
        %dma_start3A_1464 = tpu.memref_slice %arg7[%dma_start3A_1461, %dma_start3A_1463] : memref<10x64xi32, #tpu.memory_space<vmem>> -> memref<1x64xi32, #tpu.memory_space<vmem>>
        %dma_start3A_1465 = tpu.memref_squeeze %dma_start3A_1464 : memref<1x64xi32, #tpu.memory_space<vmem>> -> memref<64xi32, #tpu.memory_space<vmem>>
        %dma_start3A_1466 = tpu.memref_slice %arg3[%arg0, %mul3A_1460] : memref<2x163840xi32, #tpu.memory_space<hbm>> -> memref<1x64xi32, #tpu.memory_space<hbm>>
        %dma_start3A_1467 = tpu.memref_squeeze %dma_start3A_1466 : memref<1x64xi32, #tpu.memory_space<hbm>> -> memref<64xi32, #tpu.memory_space<hbm>>
        %dma_start3A_1468 = tpu.memref_slice %arg11[%dma_start3A_1462] : memref<10x!tpu.dma_semaphore, #tpu.memory_space<semaphore_mem>> -> memref<1x!tpu.dma_semaphore, #tpu.memory_space<semaphore_mem>>
        %dma_start3A_1469 = tpu.memref_squeeze %dma_start3A_1468 : memref<1x!tpu.dma_semaphore, #tpu.memory_space<semaphore_mem>> -> memref<!tpu.dma_semaphore, #tpu.memory_space<semaphore_mem>>
        %dma_start3A_1470 = arith.constant 0 : i32
        %dma_start3A_1471 = tpu.memref_slice %arg7[%dma_start3A_1461, %dma_start3A_1470] : memref<10x64xi32, #tpu.memory_space<vmem>> -> memref<1x64xi32, #tpu.memory_space<vmem>>
        %dma_start3A_1472 = tpu.memref_squeeze %dma_start3A_1471 : memref<1x64xi32, #tpu.memory_space<vmem>> -> memref<64xi32, #tpu.memory_space<vmem>>
        %dma_start3A_1473 = tpu.memref_slice %arg3[%arg0, %mul3A_1460] : memref<2x163840xi32, #tpu.memory_space<hbm>> -> memref<1x64xi32, #tpu.memory_space<hbm>>
        %dma_start3A_1474 = tpu.memref_squeeze %dma_start3A_1473 : memref<1x64xi32, #tpu.memory_space<hbm>> -> memref<64xi32, #tpu.memory_space<hbm>>
        tpu.enqueue_dma source(%dma_start3A_1474 : memref<64xi32, #tpu.memory_space<hbm>>) target(%dma_start3A_1472 : memref<64xi32, #tpu.memory_space<vmem>>) target_semaphore(%dma_start3A_1469 : memref<!tpu.dma_semaphore, #tpu.memory_space<semaphore_mem>>)
        %dma_start3A_1475 = arith.constant 4 : i32
        %dma_start3A_1476 = arith.constant 4 : i32
        %dma_start3A_1477 = arith.constant 0 : i32
        %dma_start3A_1478 = tpu.memref_slice %arg8[%dma_start3A_1475, %dma_start3A_1477] : memref<10x64xi32, #tpu.memory_space<vmem>> -> memref<1x64xi32, #tpu.memory_space<vmem>>
        %dma_start3A_1479 = tpu.memref_squeeze %dma_start3A_1478 : memref<1x64xi32, #tpu.memory_space<vmem>> -> memref<64xi32, #tpu.memory_space<vmem>>
        %dma_start3A_1480 = tpu.memref_slice %arg4[%mul3A_1460] : memref<163840xi32, #tpu.memory_space<hbm>> -> memref<64xi32, #tpu.memory_space<hbm>>
        %dma_start3A_1481 = tpu.memref_slice %arg11[%dma_start3A_1476] : memref<10x!tpu.dma_semaphore, #tpu.memory_space<semaphore_mem>> -> memref<1x!tpu.dma_semaphore, #tpu.memory_space<semaphore_mem>>
        %dma_start3A_1482 = tpu.memref_squeeze %dma_start3A_1481 : memref<1x!tpu.dma_semaphore, #tpu.memory_space<semaphore_mem>> -> memref<!tpu.dma_semaphore, #tpu.memory_space<semaphore_mem>>
        %dma_start3A_1483 = arith.constant 0 : i32
        %dma_start3A_1484 = tpu.memref_slice %arg8[%dma_start3A_1475, %dma_start3A_1483] : memref<10x64xi32, #tpu.memory_space<vmem>> -> memref<1x64xi32, #tpu.memory_space<vmem>>
        %dma_start3A_1485 = tpu.memref_squeeze %dma_start3A_1484 : memref<1x64xi32, #tpu.memory_space<vmem>> -> memref<64xi32, #tpu.memory_space<vmem>>
        %dma_start3A_1486 = tpu.memref_slice %arg4[%mul3A_1460] : memref<163840xi32, #tpu.memory_space<hbm>> -> memref<64xi32, #tpu.memory_space<hbm>>
        tpu.enqueue_dma source(%dma_start3A_1486 : memref<64xi32, #tpu.memory_space<hbm>>) target(%dma_start3A_1485 : memref<64xi32, #tpu.memory_space<vmem>>) target_semaphore(%dma_start3A_1482 : memref<!tpu.dma_semaphore, #tpu.memory_space<semaphore_mem>>)
      } else {
      }
      %dma_wait3A_1137 = arith.constant 0 : i32
      %dma_wait3A_1138 = arith.constant 0 : i32
      %dma_wait3A_1139 = arith.constant 0 : i32
      %dma_wait3A_1140 = arith.constant 0 : i32
      %dma_wait3A_1141 = tpu.memref_slice %arg9[%dma_wait3A_1137, %dma_wait3A_1139, %dma_wait3A_1140] : memref<5x64x128xf32, #tpu.memory_space<vmem>> -> memref<1x64x128xf32, #tpu.memory_space<vmem>>
      %dma_wait3A_1142 = tpu.memref_squeeze %dma_wait3A_1141 : memref<1x64x128xf32, #tpu.memory_space<vmem>> -> memref<64x128xf32, #tpu.memory_space<vmem>>
      %dma_wait3A_1143 = arith.constant 0 : i32
      %dma_wait3A_1144 = arith.constant 0 : i32
      %dma_wait3A_1145 = tpu.memref_slice %arg2[%dma_wait3A_1143, %dma_wait3A_1144] : memref<20000x128xf32, #tpu.memory_space<hbm>> -> memref<64x128xf32, #tpu.memory_space<hbm>>
      %dma_wait3A_1146 = tpu.memref_slice %arg12[%dma_wait3A_1138] : memref<5x!tpu.dma_semaphore, #tpu.memory_space<semaphore_mem>> -> memref<1x!tpu.dma_semaphore, #tpu.memory_space<semaphore_mem>>
      %dma_wait3A_1147 = tpu.memref_squeeze %dma_wait3A_1146 : memref<1x!tpu.dma_semaphore, #tpu.memory_space<semaphore_mem>> -> memref<!tpu.dma_semaphore, #tpu.memory_space<semaphore_mem>>
      %dma_wait3A_1148 = arith.constant 0 : i32
      %dma_wait3A_1149 = arith.constant 0 : i32
      %dma_wait3A_1150 = tpu.memref_slice %arg9[%dma_wait3A_1137, %dma_wait3A_1148, %dma_wait3A_1149] : memref<5x64x128xf32, #tpu.memory_space<vmem>> -> memref<1x64x128xf32, #tpu.memory_space<vmem>>
      %dma_wait3A_1151 = tpu.memref_squeeze %dma_wait3A_1150 : memref<1x64x128xf32, #tpu.memory_space<vmem>> -> memref<64x128xf32, #tpu.memory_space<vmem>>
      %dma_wait3A_1152 = arith.constant 0 : i32
      %dma_wait3A_1153 = arith.constant 0 : i32
      %dma_wait3A_1154 = tpu.memref_slice %arg2[%dma_wait3A_1152, %dma_wait3A_1153] : memref<20000x128xf32, #tpu.memory_space<hbm>> -> memref<64x128xf32, #tpu.memory_space<hbm>>
      tpu.wait_dma2 semaphore(%dma_wait3A_1147 : memref<!tpu.dma_semaphore, #tpu.memory_space<semaphore_mem>>) src(%dma_wait3A_1154 : memref<64x128xf32, #tpu.memory_space<hbm>>) dst(%dma_wait3A_1151 : memref<64x128xf32, #tpu.memory_space<vmem>>)
      %dma_start3A_1155 = arith.constant 0 : i32
      %dma_start3A_1156 = arith.constant 5 : i32
      %dma_start3A_1157 = arith.constant 0 : i32
      %dma_start3A_1158 = arith.constant 0 : i32
      %dma_start3A_1159 = arith.constant 0 : i32
      %dma_start3A_1160 = tpu.memref_slice %arg9[%dma_start3A_1155, %dma_start3A_1158, %dma_start3A_1159] : memref<5x64x128xf32, #tpu.memory_space<vmem>> -> memref<1x64x128xf32, #tpu.memory_space<vmem>>
      %dma_start3A_1161 = tpu.memref_squeeze %dma_start3A_1160 : memref<1x64x128xf32, #tpu.memory_space<vmem>> -> memref<64x128xf32, #tpu.memory_space<vmem>>
      %dma_start3A_1162 = arith.constant 0 : i32
      %dma_start3A_1163 = tpu.memref_slice %arg8[%dma_start3A_1156, %dma_start3A_1162] : memref<10x64xi32, #tpu.memory_space<vmem>> -> memref<1x64xi32, #tpu.memory_space<vmem>>
      %dma_start3A_1164 = tpu.memref_squeeze %dma_start3A_1163 : memref<1x64xi32, #tpu.memory_space<vmem>> -> memref<64xi32, #tpu.memory_space<vmem>>
      %dma_start3A_1165 = arith.constant 0 : i32
      %dma_start3A_1166 = arith.constant 0 : i32
      %dma_start3A_1167 = tpu.memref_slice %arg10[%dma_start3A_1165, %dma_start3A_1166] : memref<10240x128xf32, #tpu.memory_space<vmem_shared>> -> memref<10240x128xf32, #tpu.memory_space<vmem_shared>>
      %dma_start3A_1168 = tpu.memref_slice %arg13[%dma_start3A_1157] : memref<5x!tpu.dma_semaphore, #tpu.memory_space<semaphore_mem>> -> memref<1x!tpu.dma_semaphore, #tpu.memory_space<semaphore_mem>>
      %dma_start3A_1169 = tpu.memref_squeeze %dma_start3A_1168 : memref<1x!tpu.dma_semaphore, #tpu.memory_space<semaphore_mem>> -> memref<!tpu.dma_semaphore, #tpu.memory_space<semaphore_mem>>
      tpu.enqueue_indirect_dma source(%dma_start3A_1161 : memref<64x128xf32, #tpu.memory_space<vmem>>) target(%dma_start3A_1167 : memref<10240x128xf32, #tpu.memory_space<vmem_shared>>) offsets(%dma_start3A_1164 : memref<64xi32, #tpu.memory_space<vmem>>) semaphore(%dma_start3A_1169 : memref<!tpu.dma_semaphore, #tpu.memory_space<semaphore_mem>>) {add = true}
      %dma_wait3A_1170 = arith.constant 1 : i32
      %dma_wait3A_1171 = arith.constant 1 : i32
      %dma_wait3A_1172 = arith.constant 0 : i32
      %dma_wait3A_1173 = arith.constant 0 : i32
      %dma_wait3A_1174 = tpu.memref_slice %arg9[%dma_wait3A_1170, %dma_wait3A_1172, %dma_wait3A_1173] : memref<5x64x128xf32, #tpu.memory_space<vmem>> -> memref<1x64x128xf32, #tpu.memory_space<vmem>>
      %dma_wait3A_1175 = tpu.memref_squeeze %dma_wait3A_1174 : memref<1x64x128xf32, #tpu.memory_space<vmem>> -> memref<64x128xf32, #tpu.memory_space<vmem>>
      %dma_wait3A_1176 = arith.constant 0 : i32
      %dma_wait3A_1177 = arith.constant 0 : i32
      %dma_wait3A_1178 = tpu.memref_slice %arg2[%dma_wait3A_1176, %dma_wait3A_1177] : memref<20000x128xf32, #tpu.memory_space<hbm>> -> memref<64x128xf32, #tpu.memory_space<hbm>>
      %dma_wait3A_1179 = tpu.memref_slice %arg12[%dma_wait3A_1171] : memref<5x!tpu.dma_semaphore, #tpu.memory_space<semaphore_mem>> -> memref<1x!tpu.dma_semaphore, #tpu.memory_space<semaphore_mem>>
      %dma_wait3A_1180 = tpu.memref_squeeze %dma_wait3A_1179 : memref<1x!tpu.dma_semaphore, #tpu.memory_space<semaphore_mem>> -> memref<!tpu.dma_semaphore, #tpu.memory_space<semaphore_mem>>
      %dma_wait3A_1181 = arith.constant 0 : i32
      %dma_wait3A_1182 = arith.constant 0 : i32
      %dma_wait3A_1183 = tpu.memref_slice %arg9[%dma_wait3A_1170, %dma_wait3A_1181, %dma_wait3A_1182] : memref<5x64x128xf32, #tpu.memory_space<vmem>> -> memref<1x64x128xf32, #tpu.memory_space<vmem>>
      %dma_wait3A_1184 = tpu.memref_squeeze %dma_wait3A_1183 : memref<1x64x128xf32, #tpu.memory_space<vmem>> -> memref<64x128xf32, #tpu.memory_space<vmem>>
      %dma_wait3A_1185 = arith.constant 0 : i32
      %dma_wait3A_1186 = arith.constant 0 : i32
      %dma_wait3A_1187 = tpu.memref_slice %arg2[%dma_wait3A_1185, %dma_wait3A_1186] : memref<20000x128xf32, #tpu.memory_space<hbm>> -> memref<64x128xf32, #tpu.memory_space<hbm>>
      tpu.wait_dma2 semaphore(%dma_wait3A_1180 : memref<!tpu.dma_semaphore, #tpu.memory_space<semaphore_mem>>) src(%dma_wait3A_1187 : memref<64x128xf32, #tpu.memory_space<hbm>>) dst(%dma_wait3A_1184 : memref<64x128xf32, #tpu.memory_space<vmem>>)
      %dma_start3A_1188 = arith.constant 1 : i32
      %dma_start3A_1189 = arith.constant 6 : i32
      %dma_start3A_1190 = arith.constant 1 : i32
      %dma_start3A_1191 = arith.constant 0 : i32
      %dma_start3A_1192 = arith.constant 0 : i32
      %dma_start3A_1193 = tpu.memref_slice %arg9[%dma_start3A_1188, %dma_start3A_1191, %dma_start3A_1192] : memref<5x64x128xf32, #tpu.memory_space<vmem>> -> memref<1x64x128xf32, #tpu.memory_space<vmem>>
      %dma_start3A_1194 = tpu.memref_squeeze %dma_start3A_1193 : memref<1x64x128xf32, #tpu.memory_space<vmem>> -> memref<64x128xf32, #tpu.memory_space<vmem>>
      %dma_start3A_1195 = arith.constant 0 : i32
      %dma_start3A_1196 = tpu.memref_slice %arg8[%dma_start3A_1189, %dma_start3A_1195] : memref<10x64xi32, #tpu.memory_space<vmem>> -> memref<1x64xi32, #tpu.memory_space<vmem>>
      %dma_start3A_1197 = tpu.memref_squeeze %dma_start3A_1196 : memref<1x64xi32, #tpu.memory_space<vmem>> -> memref<64xi32, #tpu.memory_space<vmem>>
      %dma_start3A_1198 = arith.constant 0 : i32
      %dma_start3A_1199 = arith.constant 0 : i32
      %dma_start3A_1200 = tpu.memref_slice %arg10[%dma_start3A_1198, %dma_start3A_1199] : memref<10240x128xf32, #tpu.memory_space<vmem_shared>> -> memref<10240x128xf32, #tpu.memory_space<vmem_shared>>
      %dma_start3A_1201 = tpu.memref_slice %arg13[%dma_start3A_1190] : memref<5x!tpu.dma_semaphore, #tpu.memory_space<semaphore_mem>> -> memref<1x!tpu.dma_semaphore, #tpu.memory_space<semaphore_mem>>
      %dma_start3A_1202 = tpu.memref_squeeze %dma_start3A_1201 : memref<1x!tpu.dma_semaphore, #tpu.memory_space<semaphore_mem>> -> memref<!tpu.dma_semaphore, #tpu.memory_space<semaphore_mem>>
      tpu.enqueue_indirect_dma source(%dma_start3A_1194 : memref<64x128xf32, #tpu.memory_space<vmem>>) target(%dma_start3A_1200 : memref<10240x128xf32, #tpu.memory_space<vmem_shared>>) offsets(%dma_start3A_1197 : memref<64xi32, #tpu.memory_space<vmem>>) semaphore(%dma_start3A_1202 : memref<!tpu.dma_semaphore, #tpu.memory_space<semaphore_mem>>) {add = true}
      %dma_wait3A_1203 = arith.constant 2 : i32
      %dma_wait3A_1204 = arith.constant 2 : i32
      %dma_wait3A_1205 = arith.constant 0 : i32
      %dma_wait3A_1206 = arith.constant 0 : i32
      %dma_wait3A_1207 = tpu.memref_slice %arg9[%dma_wait3A_1203, %dma_wait3A_1205, %dma_wait3A_1206] : memref<5x64x128xf32, #tpu.memory_space<vmem>> -> memref<1x64x128xf32, #tpu.memory_space<vmem>>
      %dma_wait3A_1208 = tpu.memref_squeeze %dma_wait3A_1207 : memref<1x64x128xf32, #tpu.memory_space<vmem>> -> memref<64x128xf32, #tpu.memory_space<vmem>>
      %dma_wait3A_1209 = arith.constant 0 : i32
      %dma_wait3A_1210 = arith.constant 0 : i32
      %dma_wait3A_1211 = tpu.memref_slice %arg2[%dma_wait3A_1209, %dma_wait3A_1210] : memref<20000x128xf32, #tpu.memory_space<hbm>> -> memref<64x128xf32, #tpu.memory_space<hbm>>
      %dma_wait3A_1212 = tpu.memref_slice %arg12[%dma_wait3A_1204] : memref<5x!tpu.dma_semaphore, #tpu.memory_space<semaphore_mem>> -> memref<1x!tpu.dma_semaphore, #tpu.memory_space<semaphore_mem>>
      %dma_wait3A_1213 = tpu.memref_squeeze %dma_wait3A_1212 : memref<1x!tpu.dma_semaphore, #tpu.memory_space<semaphore_mem>> -> memref<!tpu.dma_semaphore, #tpu.memory_space<semaphore_mem>>
      %dma_wait3A_1214 = arith.constant 0 : i32
      %dma_wait3A_1215 = arith.constant 0 : i32
      %dma_wait3A_1216 = tpu.memref_slice %arg9[%dma_wait3A_1203, %dma_wait3A_1214, %dma_wait3A_1215] : memref<5x64x128xf32, #tpu.memory_space<vmem>> -> memref<1x64x128xf32, #tpu.memory_space<vmem>>
      %dma_wait3A_1217 = tpu.memref_squeeze %dma_wait3A_1216 : memref<1x64x128xf32, #tpu.memory_space<vmem>> -> memref<64x128xf32, #tpu.memory_space<vmem>>
      %dma_wait3A_1218 = arith.constant 0 : i32
      %dma_wait3A_1219 = arith.constant 0 : i32
      %dma_wait3A_1220 = tpu.memref_slice %arg2[%dma_wait3A_1218, %dma_wait3A_1219] : memref<20000x128xf32, #tpu.memory_space<hbm>> -> memref<64x128xf32, #tpu.memory_space<hbm>>
      tpu.wait_dma2 semaphore(%dma_wait3A_1213 : memref<!tpu.dma_semaphore, #tpu.memory_space<semaphore_mem>>) src(%dma_wait3A_1220 : memref<64x128xf32, #tpu.memory_space<hbm>>) dst(%dma_wait3A_1217 : memref<64x128xf32, #tpu.memory_space<vmem>>)
      %dma_start3A_1221 = arith.constant 2 : i32
      %dma_start3A_1222 = arith.constant 7 : i32
      %dma_start3A_1223 = arith.constant 2 : i32
      %dma_start3A_1224 = arith.constant 0 : i32
      %dma_start3A_1225 = arith.constant 0 : i32
      %dma_start3A_1226 = tpu.memref_slice %arg9[%dma_start3A_1221, %dma_start3A_1224, %dma_start3A_1225] : memref<5x64x128xf32, #tpu.memory_space<vmem>> -> memref<1x64x128xf32, #tpu.memory_space<vmem>>
      %dma_start3A_1227 = tpu.memref_squeeze %dma_start3A_1226 : memref<1x64x128xf32, #tpu.memory_space<vmem>> -> memref<64x128xf32, #tpu.memory_space<vmem>>
      %dma_start3A_1228 = arith.constant 0 : i32
      %dma_start3A_1229 = tpu.memref_slice %arg8[%dma_start3A_1222, %dma_start3A_1228] : memref<10x64xi32, #tpu.memory_space<vmem>> -> memref<1x64xi32, #tpu.memory_space<vmem>>
      %dma_start3A_1230 = tpu.memref_squeeze %dma_start3A_1229 : memref<1x64xi32, #tpu.memory_space<vmem>> -> memref<64xi32, #tpu.memory_space<vmem>>
      %dma_start3A_1231 = arith.constant 0 : i32
      %dma_start3A_1232 = arith.constant 0 : i32
      %dma_start3A_1233 = tpu.memref_slice %arg10[%dma_start3A_1231, %dma_start3A_1232] : memref<10240x128xf32, #tpu.memory_space<vmem_shared>> -> memref<10240x128xf32, #tpu.memory_space<vmem_shared>>
      %dma_start3A_1234 = tpu.memref_slice %arg13[%dma_start3A_1223] : memref<5x!tpu.dma_semaphore, #tpu.memory_space<semaphore_mem>> -> memref<1x!tpu.dma_semaphore, #tpu.memory_space<semaphore_mem>>
      %dma_start3A_1235 = tpu.memref_squeeze %dma_start3A_1234 : memref<1x!tpu.dma_semaphore, #tpu.memory_space<semaphore_mem>> -> memref<!tpu.dma_semaphore, #tpu.memory_space<semaphore_mem>>
      tpu.enqueue_indirect_dma source(%dma_start3A_1227 : memref<64x128xf32, #tpu.memory_space<vmem>>) target(%dma_start3A_1233 : memref<10240x128xf32, #tpu.memory_space<vmem_shared>>) offsets(%dma_start3A_1230 : memref<64xi32, #tpu.memory_space<vmem>>) semaphore(%dma_start3A_1235 : memref<!tpu.dma_semaphore, #tpu.memory_space<semaphore_mem>>) {add = true}
      %dma_wait3A_1236 = arith.constant 3 : i32
      %dma_wait3A_1237 = arith.constant 3 : i32
      %dma_wait3A_1238 = arith.constant 0 : i32
      %dma_wait3A_1239 = arith.constant 0 : i32
      %dma_wait3A_1240 = tpu.memref_slice %arg9[%dma_wait3A_1236, %dma_wait3A_1238, %dma_wait3A_1239] : memref<5x64x128xf32, #tpu.memory_space<vmem>> -> memref<1x64x128xf32, #tpu.memory_space<vmem>>
      %dma_wait3A_1241 = tpu.memref_squeeze %dma_wait3A_1240 : memref<1x64x128xf32, #tpu.memory_space<vmem>> -> memref<64x128xf32, #tpu.memory_space<vmem>>
      %dma_wait3A_1242 = arith.constant 0 : i32
      %dma_wait3A_1243 = arith.constant 0 : i32
      %dma_wait3A_1244 = tpu.memref_slice %arg2[%dma_wait3A_1242, %dma_wait3A_1243] : memref<20000x128xf32, #tpu.memory_space<hbm>> -> memref<64x128xf32, #tpu.memory_space<hbm>>
      %dma_wait3A_1245 = tpu.memref_slice %arg12[%dma_wait3A_1237] : memref<5x!tpu.dma_semaphore, #tpu.memory_space<semaphore_mem>> -> memref<1x!tpu.dma_semaphore, #tpu.memory_space<semaphore_mem>>
      %dma_wait3A_1246 = tpu.memref_squeeze %dma_wait3A_1245 : memref<1x!tpu.dma_semaphore, #tpu.memory_space<semaphore_mem>> -> memref<!tpu.dma_semaphore, #tpu.memory_space<semaphore_mem>>
      %dma_wait3A_1247 = arith.constant 0 : i32
      %dma_wait3A_1248 = arith.constant 0 : i32
      %dma_wait3A_1249 = tpu.memref_slice %arg9[%dma_wait3A_1236, %dma_wait3A_1247, %dma_wait3A_1248] : memref<5x64x128xf32, #tpu.memory_space<vmem>> -> memref<1x64x128xf32, #tpu.memory_space<vmem>>
      %dma_wait3A_1250 = tpu.memref_squeeze %dma_wait3A_1249 : memref<1x64x128xf32, #tpu.memory_space<vmem>> -> memref<64x128xf32, #tpu.memory_space<vmem>>
      %dma_wait3A_1251 = arith.constant 0 : i32
      %dma_wait3A_1252 = arith.constant 0 : i32
      %dma_wait3A_1253 = tpu.memref_slice %arg2[%dma_wait3A_1251, %dma_wait3A_1252] : memref<20000x128xf32, #tpu.memory_space<hbm>> -> memref<64x128xf32, #tpu.memory_space<hbm>>
      tpu.wait_dma2 semaphore(%dma_wait3A_1246 : memref<!tpu.dma_semaphore, #tpu.memory_space<semaphore_mem>>) src(%dma_wait3A_1253 : memref<64x128xf32, #tpu.memory_space<hbm>>) dst(%dma_wait3A_1250 : memref<64x128xf32, #tpu.memory_space<vmem>>)
      %dma_start3A_1254 = arith.constant 3 : i32
      %dma_start3A_1255 = arith.constant 8 : i32
      %dma_start3A_1256 = arith.constant 3 : i32
      %dma_start3A_1257 = arith.constant 0 : i32
      %dma_start3A_1258 = arith.constant 0 : i32
      %dma_start3A_1259 = tpu.memref_slice %arg9[%dma_start3A_1254, %dma_start3A_1257, %dma_start3A_1258] : memref<5x64x128xf32, #tpu.memory_space<vmem>> -> memref<1x64x128xf32, #tpu.memory_space<vmem>>
      %dma_start3A_1260 = tpu.memref_squeeze %dma_start3A_1259 : memref<1x64x128xf32, #tpu.memory_space<vmem>> -> memref<64x128xf32, #tpu.memory_space<vmem>>
      %dma_start3A_1261 = arith.constant 0 : i32
      %dma_start3A_1262 = tpu.memref_slice %arg8[%dma_start3A_1255, %dma_start3A_1261] : memref<10x64xi32, #tpu.memory_space<vmem>> -> memref<1x64xi32, #tpu.memory_space<vmem>>
      %dma_start3A_1263 = tpu.memref_squeeze %dma_start3A_1262 : memref<1x64xi32, #tpu.memory_space<vmem>> -> memref<64xi32, #tpu.memory_space<vmem>>
      %dma_start3A_1264 = arith.constant 0 : i32
      %dma_start3A_1265 = arith.constant 0 : i32
      %dma_start3A_1266 = tpu.memref_slice %arg10[%dma_start3A_1264, %dma_start3A_1265] : memref<10240x128xf32, #tpu.memory_space<vmem_shared>> -> memref<10240x128xf32, #tpu.memory_space<vmem_shared>>
      %dma_start3A_1267 = tpu.memref_slice %arg13[%dma_start3A_1256] : memref<5x!tpu.dma_semaphore, #tpu.memory_space<semaphore_mem>> -> memref<1x!tpu.dma_semaphore, #tpu.memory_space<semaphore_mem>>
      %dma_start3A_1268 = tpu.memref_squeeze %dma_start3A_1267 : memref<1x!tpu.dma_semaphore, #tpu.memory_space<semaphore_mem>> -> memref<!tpu.dma_semaphore, #tpu.memory_space<semaphore_mem>>
      tpu.enqueue_indirect_dma source(%dma_start3A_1260 : memref<64x128xf32, #tpu.memory_space<vmem>>) target(%dma_start3A_1266 : memref<10240x128xf32, #tpu.memory_space<vmem_shared>>) offsets(%dma_start3A_1263 : memref<64xi32, #tpu.memory_space<vmem>>) semaphore(%dma_start3A_1268 : memref<!tpu.dma_semaphore, #tpu.memory_space<semaphore_mem>>) {add = true}
      %dma_wait3A_1269 = arith.constant 4 : i32
      %dma_wait3A_1270 = arith.constant 4 : i32
      %dma_wait3A_1271 = arith.constant 0 : i32
      %dma_wait3A_1272 = arith.constant 0 : i32
      %dma_wait3A_1273 = tpu.memref_slice %arg9[%dma_wait3A_1269, %dma_wait3A_1271, %dma_wait3A_1272] : memref<5x64x128xf32, #tpu.memory_space<vmem>> -> memref<1x64x128xf32, #tpu.memory_space<vmem>>
      %dma_wait3A_1274 = tpu.memref_squeeze %dma_wait3A_1273 : memref<1x64x128xf32, #tpu.memory_space<vmem>> -> memref<64x128xf32, #tpu.memory_space<vmem>>
      %dma_wait3A_1275 = arith.constant 0 : i32
      %dma_wait3A_1276 = arith.constant 0 : i32
      %dma_wait3A_1277 = tpu.memref_slice %arg2[%dma_wait3A_1275, %dma_wait3A_1276] : memref<20000x128xf32, #tpu.memory_space<hbm>> -> memref<64x128xf32, #tpu.memory_space<hbm>>
      %dma_wait3A_1278 = tpu.memref_slice %arg12[%dma_wait3A_1270] : memref<5x!tpu.dma_semaphore, #tpu.memory_space<semaphore_mem>> -> memref<1x!tpu.dma_semaphore, #tpu.memory_space<semaphore_mem>>
      %dma_wait3A_1279 = tpu.memref_squeeze %dma_wait3A_1278 : memref<1x!tpu.dma_semaphore, #tpu.memory_space<semaphore_mem>> -> memref<!tpu.dma_semaphore, #tpu.memory_space<semaphore_mem>>
      %dma_wait3A_1280 = arith.constant 0 : i32
      %dma_wait3A_1281 = arith.constant 0 : i32
      %dma_wait3A_1282 = tpu.memref_slice %arg9[%dma_wait3A_1269, %dma_wait3A_1280, %dma_wait3A_1281] : memref<5x64x128xf32, #tpu.memory_space<vmem>> -> memref<1x64x128xf32, #tpu.memory_space<vmem>>
      %dma_wait3A_1283 = tpu.memref_squeeze %dma_wait3A_1282 : memref<1x64x128xf32, #tpu.memory_space<vmem>> -> memref<64x128xf32, #tpu.memory_space<vmem>>
      %dma_wait3A_1284 = arith.constant 0 : i32
      %dma_wait3A_1285 = arith.constant 0 : i32
      %dma_wait3A_1286 = tpu.memref_slice %arg2[%dma_wait3A_1284, %dma_wait3A_1285] : memref<20000x128xf32, #tpu.memory_space<hbm>> -> memref<64x128xf32, #tpu.memory_space<hbm>>
      tpu.wait_dma2 semaphore(%dma_wait3A_1279 : memref<!tpu.dma_semaphore, #tpu.memory_space<semaphore_mem>>) src(%dma_wait3A_1286 : memref<64x128xf32, #tpu.memory_space<hbm>>) dst(%dma_wait3A_1283 : memref<64x128xf32, #tpu.memory_space<vmem>>)
      %dma_start3A_1287 = arith.constant 4 : i32
      %dma_start3A_1288 = arith.constant 9 : i32
      %dma_start3A_1289 = arith.constant 4 : i32
      %dma_start3A_1290 = arith.constant 0 : i32
      %dma_start3A_1291 = arith.constant 0 : i32
      %dma_start3A_1292 = tpu.memref_slice %arg9[%dma_start3A_1287, %dma_start3A_1290, %dma_start3A_1291] : memref<5x64x128xf32, #tpu.memory_space<vmem>> -> memref<1x64x128xf32, #tpu.memory_space<vmem>>
      %dma_start3A_1293 = tpu.memref_squeeze %dma_start3A_1292 : memref<1x64x128xf32, #tpu.memory_space<vmem>> -> memref<64x128xf32, #tpu.memory_space<vmem>>
      %dma_start3A_1294 = arith.constant 0 : i32
      %dma_start3A_1295 = tpu.memref_slice %arg8[%dma_start3A_1288, %dma_start3A_1294] : memref<10x64xi32, #tpu.memory_space<vmem>> -> memref<1x64xi32, #tpu.memory_space<vmem>>
      %dma_start3A_1296 = tpu.memref_squeeze %dma_start3A_1295 : memref<1x64xi32, #tpu.memory_space<vmem>> -> memref<64xi32, #tpu.memory_space<vmem>>
      %dma_start3A_1297 = arith.constant 0 : i32
      %dma_start3A_1298 = arith.constant 0 : i32
      %dma_start3A_1299 = tpu.memref_slice %arg10[%dma_start3A_1297, %dma_start3A_1298] : memref<10240x128xf32, #tpu.memory_space<vmem_shared>> -> memref<10240x128xf32, #tpu.memory_space<vmem_shared>>
      %dma_start3A_1300 = tpu.memref_slice %arg13[%dma_start3A_1289] : memref<5x!tpu.dma_semaphore, #tpu.memory_space<semaphore_mem>> -> memref<1x!tpu.dma_semaphore, #tpu.memory_space<semaphore_mem>>
      %dma_start3A_1301 = tpu.memref_squeeze %dma_start3A_1300 : memref<1x!tpu.dma_semaphore, #tpu.memory_space<semaphore_mem>> -> memref<!tpu.dma_semaphore, #tpu.memory_space<semaphore_mem>>
      tpu.enqueue_indirect_dma source(%dma_start3A_1293 : memref<64x128xf32, #tpu.memory_space<vmem>>) target(%dma_start3A_1299 : memref<10240x128xf32, #tpu.memory_space<vmem_shared>>) offsets(%dma_start3A_1296 : memref<64xi32, #tpu.memory_space<vmem>>) semaphore(%dma_start3A_1301 : memref<!tpu.dma_semaphore, #tpu.memory_space<semaphore_mem>>) {add = true}
    }
    %scan3A_303 = arith.constant 16 : i32
    %dma_wait3A = arith.constant 0 : i32
    %dma_wait3A_304 = arith.constant 0 : i32
    %dma_wait3A_305 = arith.constant 0 : i32
    %dma_wait3A_306 = arith.constant 0 : i32
    %dma_wait3A_307 = tpu.memref_slice %arg9[%dma_wait3A, %dma_wait3A_305, %dma_wait3A_306] : memref<5x64x128xf32, #tpu.memory_space<vmem>> -> memref<1x64x128xf32, #tpu.memory_space<vmem>>
    %dma_wait3A_308 = tpu.memref_squeeze %dma_wait3A_307 : memref<1x64x128xf32, #tpu.memory_space<vmem>> -> memref<64x128xf32, #tpu.memory_space<vmem>>
    %dma_wait3A_309 = arith.constant 0 : i32
    %dma_wait3A_310 = arith.constant 0 : i32
    %dma_wait3A_311 = tpu.memref_slice %arg2[%dma_wait3A_309, %dma_wait3A_310] : memref<20000x128xf32, #tpu.memory_space<hbm>> -> memref<64x128xf32, #tpu.memory_space<hbm>>
    %dma_wait3A_312 = tpu.memref_slice %arg13[%dma_wait3A_304] : memref<5x!tpu.dma_semaphore, #tpu.memory_space<semaphore_mem>> -> memref<1x!tpu.dma_semaphore, #tpu.memory_space<semaphore_mem>>
    %dma_wait3A_313 = tpu.memref_squeeze %dma_wait3A_312 : memref<1x!tpu.dma_semaphore, #tpu.memory_space<semaphore_mem>> -> memref<!tpu.dma_semaphore, #tpu.memory_space<semaphore_mem>>
    %dma_wait3A_314 = arith.constant 0 : i32
    %dma_wait3A_315 = arith.constant 0 : i32
    %dma_wait3A_316 = tpu.memref_slice %arg9[%dma_wait3A, %dma_wait3A_314, %dma_wait3A_315] : memref<5x64x128xf32, #tpu.memory_space<vmem>> -> memref<1x64x128xf32, #tpu.memory_space<vmem>>
    %dma_wait3A_317 = tpu.memref_squeeze %dma_wait3A_316 : memref<1x64x128xf32, #tpu.memory_space<vmem>> -> memref<64x128xf32, #tpu.memory_space<vmem>>
    %dma_wait3A_318 = arith.constant 0 : i32
    %dma_wait3A_319 = arith.constant 0 : i32
    %dma_wait3A_320 = tpu.memref_slice %arg2[%dma_wait3A_318, %dma_wait3A_319] : memref<20000x128xf32, #tpu.memory_space<hbm>> -> memref<64x128xf32, #tpu.memory_space<hbm>>
    tpu.wait_dma2 semaphore(%dma_wait3A_313 : memref<!tpu.dma_semaphore, #tpu.memory_space<semaphore_mem>>) src(%dma_wait3A_320 : memref<64x128xf32, #tpu.memory_space<hbm>>) dst(%dma_wait3A_317 : memref<64x128xf32, #tpu.memory_space<vmem>>)
    %dma_wait3A_321 = arith.constant 1 : i32
    %dma_wait3A_322 = arith.constant 1 : i32
    %dma_wait3A_323 = arith.constant 0 : i32
    %dma_wait3A_324 = arith.constant 0 : i32
    %dma_wait3A_325 = tpu.memref_slice %arg9[%dma_wait3A_321, %dma_wait3A_323, %dma_wait3A_324] : memref<5x64x128xf32, #tpu.memory_space<vmem>> -> memref<1x64x128xf32, #tpu.memory_space<vmem>>
    %dma_wait3A_326 = tpu.memref_squeeze %dma_wait3A_325 : memref<1x64x128xf32, #tpu.memory_space<vmem>> -> memref<64x128xf32, #tpu.memory_space<vmem>>
    %dma_wait3A_327 = arith.constant 0 : i32
    %dma_wait3A_328 = arith.constant 0 : i32
    %dma_wait3A_329 = tpu.memref_slice %arg2[%dma_wait3A_327, %dma_wait3A_328] : memref<20000x128xf32, #tpu.memory_space<hbm>> -> memref<64x128xf32, #tpu.memory_space<hbm>>
    %dma_wait3A_330 = tpu.memref_slice %arg13[%dma_wait3A_322] : memref<5x!tpu.dma_semaphore, #tpu.memory_space<semaphore_mem>> -> memref<1x!tpu.dma_semaphore, #tpu.memory_space<semaphore_mem>>
    %dma_wait3A_331 = tpu.memref_squeeze %dma_wait3A_330 : memref<1x!tpu.dma_semaphore, #tpu.memory_space<semaphore_mem>> -> memref<!tpu.dma_semaphore, #tpu.memory_space<semaphore_mem>>
    %dma_wait3A_332 = arith.constant 0 : i32
    %dma_wait3A_333 = arith.constant 0 : i32
    %dma_wait3A_334 = tpu.memref_slice %arg9[%dma_wait3A_321, %dma_wait3A_332, %dma_wait3A_333] : memref<5x64x128xf32, #tpu.memory_space<vmem>> -> memref<1x64x128xf32, #tpu.memory_space<vmem>>
    %dma_wait3A_335 = tpu.memref_squeeze %dma_wait3A_334 : memref<1x64x128xf32, #tpu.memory_space<vmem>> -> memref<64x128xf32, #tpu.memory_space<vmem>>
    %dma_wait3A_336 = arith.constant 0 : i32
    %dma_wait3A_337 = arith.constant 0 : i32
    %dma_wait3A_338 = tpu.memref_slice %arg2[%dma_wait3A_336, %dma_wait3A_337] : memref<20000x128xf32, #tpu.memory_space<hbm>> -> memref<64x128xf32, #tpu.memory_space<hbm>>
    tpu.wait_dma2 semaphore(%dma_wait3A_331 : memref<!tpu.dma_semaphore, #tpu.memory_space<semaphore_mem>>) src(%dma_wait3A_338 : memref<64x128xf32, #tpu.memory_space<hbm>>) dst(%dma_wait3A_335 : memref<64x128xf32, #tpu.memory_space<vmem>>)
    %dma_wait3A_339 = arith.constant 2 : i32
    %dma_wait3A_340 = arith.constant 2 : i32
    %dma_wait3A_341 = arith.constant 0 : i32
    %dma_wait3A_342 = arith.constant 0 : i32
    %dma_wait3A_343 = tpu.memref_slice %arg9[%dma_wait3A_339, %dma_wait3A_341, %dma_wait3A_342] : memref<5x64x128xf32, #tpu.memory_space<vmem>> -> memref<1x64x128xf32, #tpu.memory_space<vmem>>
    %dma_wait3A_344 = tpu.memref_squeeze %dma_wait3A_343 : memref<1x64x128xf32, #tpu.memory_space<vmem>> -> memref<64x128xf32, #tpu.memory_space<vmem>>
    %dma_wait3A_345 = arith.constant 0 : i32
    %dma_wait3A_346 = arith.constant 0 : i32
    %dma_wait3A_347 = tpu.memref_slice %arg2[%dma_wait3A_345, %dma_wait3A_346] : memref<20000x128xf32, #tpu.memory_space<hbm>> -> memref<64x128xf32, #tpu.memory_space<hbm>>
    %dma_wait3A_348 = tpu.memref_slice %arg13[%dma_wait3A_340] : memref<5x!tpu.dma_semaphore, #tpu.memory_space<semaphore_mem>> -> memref<1x!tpu.dma_semaphore, #tpu.memory_space<semaphore_mem>>
    %dma_wait3A_349 = tpu.memref_squeeze %dma_wait3A_348 : memref<1x!tpu.dma_semaphore, #tpu.memory_space<semaphore_mem>> -> memref<!tpu.dma_semaphore, #tpu.memory_space<semaphore_mem>>
    %dma_wait3A_350 = arith.constant 0 : i32
    %dma_wait3A_351 = arith.constant 0 : i32
    %dma_wait3A_352 = tpu.memref_slice %arg9[%dma_wait3A_339, %dma_wait3A_350, %dma_wait3A_351] : memref<5x64x128xf32, #tpu.memory_space<vmem>> -> memref<1x64x128xf32, #tpu.memory_space<vmem>>
    %dma_wait3A_353 = tpu.memref_squeeze %dma_wait3A_352 : memref<1x64x128xf32, #tpu.memory_space<vmem>> -> memref<64x128xf32, #tpu.memory_space<vmem>>
    %dma_wait3A_354 = arith.constant 0 : i32
    %dma_wait3A_355 = arith.constant 0 : i32
    %dma_wait3A_356 = tpu.memref_slice %arg2[%dma_wait3A_354, %dma_wait3A_355] : memref<20000x128xf32, #tpu.memory_space<hbm>> -> memref<64x128xf32, #tpu.memory_space<hbm>>
    tpu.wait_dma2 semaphore(%dma_wait3A_349 : memref<!tpu.dma_semaphore, #tpu.memory_space<semaphore_mem>>) src(%dma_wait3A_356 : memref<64x128xf32, #tpu.memory_space<hbm>>) dst(%dma_wait3A_353 : memref<64x128xf32, #tpu.memory_space<vmem>>)
    %dma_wait3A_357 = arith.constant 3 : i32
    %dma_wait3A_358 = arith.constant 3 : i32
    %dma_wait3A_359 = arith.constant 0 : i32
    %dma_wait3A_360 = arith.constant 0 : i32
    %dma_wait3A_361 = tpu.memref_slice %arg9[%dma_wait3A_357, %dma_wait3A_359, %dma_wait3A_360] : memref<5x64x128xf32, #tpu.memory_space<vmem>> -> memref<1x64x128xf32, #tpu.memory_space<vmem>>
    %dma_wait3A_362 = tpu.memref_squeeze %dma_wait3A_361 : memref<1x64x128xf32, #tpu.memory_space<vmem>> -> memref<64x128xf32, #tpu.memory_space<vmem>>
    %dma_wait3A_363 = arith.constant 0 : i32
    %dma_wait3A_364 = arith.constant 0 : i32
    %dma_wait3A_365 = tpu.memref_slice %arg2[%dma_wait3A_363, %dma_wait3A_364] : memref<20000x128xf32, #tpu.memory_space<hbm>> -> memref<64x128xf32, #tpu.memory_space<hbm>>
    %dma_wait3A_366 = tpu.memref_slice %arg13[%dma_wait3A_358] : memref<5x!tpu.dma_semaphore, #tpu.memory_space<semaphore_mem>> -> memref<1x!tpu.dma_semaphore, #tpu.memory_space<semaphore_mem>>
    %dma_wait3A_367 = tpu.memref_squeeze %dma_wait3A_366 : memref<1x!tpu.dma_semaphore, #tpu.memory_space<semaphore_mem>> -> memref<!tpu.dma_semaphore, #tpu.memory_space<semaphore_mem>>
    %dma_wait3A_368 = arith.constant 0 : i32
    %dma_wait3A_369 = arith.constant 0 : i32
    %dma_wait3A_370 = tpu.memref_slice %arg9[%dma_wait3A_357, %dma_wait3A_368, %dma_wait3A_369] : memref<5x64x128xf32, #tpu.memory_space<vmem>> -> memref<1x64x128xf32, #tpu.memory_space<vmem>>
    %dma_wait3A_371 = tpu.memref_squeeze %dma_wait3A_370 : memref<1x64x128xf32, #tpu.memory_space<vmem>> -> memref<64x128xf32, #tpu.memory_space<vmem>>
    %dma_wait3A_372 = arith.constant 0 : i32
    %dma_wait3A_373 = arith.constant 0 : i32
    %dma_wait3A_374 = tpu.memref_slice %arg2[%dma_wait3A_372, %dma_wait3A_373] : memref<20000x128xf32, #tpu.memory_space<hbm>> -> memref<64x128xf32, #tpu.memory_space<hbm>>
    tpu.wait_dma2 semaphore(%dma_wait3A_367 : memref<!tpu.dma_semaphore, #tpu.memory_space<semaphore_mem>>) src(%dma_wait3A_374 : memref<64x128xf32, #tpu.memory_space<hbm>>) dst(%dma_wait3A_371 : memref<64x128xf32, #tpu.memory_space<vmem>>)
    %dma_wait3A_375 = arith.constant 4 : i32
    %dma_wait3A_376 = arith.constant 4 : i32
    %dma_wait3A_377 = arith.constant 0 : i32
    %dma_wait3A_378 = arith.constant 0 : i32
    %dma_wait3A_379 = tpu.memref_slice %arg9[%dma_wait3A_375, %dma_wait3A_377, %dma_wait3A_378] : memref<5x64x128xf32, #tpu.memory_space<vmem>> -> memref<1x64x128xf32, #tpu.memory_space<vmem>>
    %dma_wait3A_380 = tpu.memref_squeeze %dma_wait3A_379 : memref<1x64x128xf32, #tpu.memory_space<vmem>> -> memref<64x128xf32, #tpu.memory_space<vmem>>
    %dma_wait3A_381 = arith.constant 0 : i32
    %dma_wait3A_382 = arith.constant 0 : i32
    %dma_wait3A_383 = tpu.memref_slice %arg2[%dma_wait3A_381, %dma_wait3A_382] : memref<20000x128xf32, #tpu.memory_space<hbm>> -> memref<64x128xf32, #tpu.memory_space<hbm>>
    %dma_wait3A_384 = tpu.memref_slice %arg13[%dma_wait3A_376] : memref<5x!tpu.dma_semaphore, #tpu.memory_space<semaphore_mem>> -> memref<1x!tpu.dma_semaphore, #tpu.memory_space<semaphore_mem>>
    %dma_wait3A_385 = tpu.memref_squeeze %dma_wait3A_384 : memref<1x!tpu.dma_semaphore, #tpu.memory_space<semaphore_mem>> -> memref<!tpu.dma_semaphore, #tpu.memory_space<semaphore_mem>>
    %dma_wait3A_386 = arith.constant 0 : i32
    %dma_wait3A_387 = arith.constant 0 : i32
    %dma_wait3A_388 = tpu.memref_slice %arg9[%dma_wait3A_375, %dma_wait3A_386, %dma_wait3A_387] : memref<5x64x128xf32, #tpu.memory_space<vmem>> -> memref<1x64x128xf32, #tpu.memory_space<vmem>>
    %dma_wait3A_389 = tpu.memref_squeeze %dma_wait3A_388 : memref<1x64x128xf32, #tpu.memory_space<vmem>> -> memref<64x128xf32, #tpu.memory_space<vmem>>
    %dma_wait3A_390 = arith.constant 0 : i32
    %dma_wait3A_391 = arith.constant 0 : i32
    %dma_wait3A_392 = tpu.memref_slice %arg2[%dma_wait3A_390, %dma_wait3A_391] : memref<20000x128xf32, #tpu.memory_space<hbm>> -> memref<64x128xf32, #tpu.memory_space<hbm>>
    tpu.wait_dma2 semaphore(%dma_wait3A_385 : memref<!tpu.dma_semaphore, #tpu.memory_space<semaphore_mem>>) src(%dma_wait3A_392 : memref<64x128xf32, #tpu.memory_space<hbm>>) dst(%dma_wait3A_389 : memref<64x128xf32, #tpu.memory_space<vmem>>)
    %barrier3A_393 = arith.constant 0 : index
    tpu.barrier barrier_id(%barrier3A_393)
    "tpu.region"() ({
      %run_scoped3A = tpu.sem_alloc : memref<!tpu.dma_semaphore, #tpu.memory_space<semaphore_mem>>
      %dma_start3A_394 = arith.constant 0 : i32
      %dma_start3A_395 = tpu.memref_slice %arg6[%arg0, %mul3A_0, %dma_start3A_394] : memref<2x10240x128xf32, #tpu.memory_space<hbm>> -> memref<1x640x128xf32, #tpu.memory_space<hbm>>
      %dma_start3A_396 = tpu.memref_squeeze %dma_start3A_395 : memref<1x640x128xf32, #tpu.memory_space<hbm>> -> memref<640x128xf32, #tpu.memory_space<hbm>>
      %dma_start3A_397 = arith.constant 0 : i32
      %dma_start3A_398 = tpu.memref_slice %arg10[%mul3A_0, %dma_start3A_397] : memref<10240x128xf32, #tpu.memory_space<vmem_shared>> -> memref<640x128xf32, #tpu.memory_space<vmem_shared>>
      tpu.enqueue_dma source(%dma_start3A_398 : memref<640x128xf32, #tpu.memory_space<vmem_shared>>) target(%dma_start3A_396 : memref<640x128xf32, #tpu.memory_space<hbm>>) target_semaphore(%run_scoped3A : memref<!tpu.dma_semaphore, #tpu.memory_space<semaphore_mem>>)
      %dma_wait3A_399 = arith.constant 0 : i32
      %dma_wait3A_400 = tpu.memref_slice %arg6[%arg0, %mul3A_0, %dma_wait3A_399] : memref<2x10240x128xf32, #tpu.memory_space<hbm>> -> memref<1x640x128xf32, #tpu.memory_space<hbm>>
      %dma_wait3A_401 = tpu.memref_squeeze %dma_wait3A_400 : memref<1x640x128xf32, #tpu.memory_space<hbm>> -> memref<640x128xf32, #tpu.memory_space<hbm>>
      %dma_wait3A_402 = arith.constant 0 : i32
      %dma_wait3A_403 = tpu.memref_slice %arg10[%mul3A_0, %dma_wait3A_402] : memref<10240x128xf32, #tpu.memory_space<vmem_shared>> -> memref<640x128xf32, #tpu.memory_space<vmem_shared>>
      tpu.wait_dma2 semaphore(%run_scoped3A : memref<!tpu.dma_semaphore, #tpu.memory_space<semaphore_mem>>) src(%dma_wait3A_403 : memref<640x128xf32, #tpu.memory_space<vmem_shared>>) dst(%dma_wait3A_401 : memref<640x128xf32, #tpu.memory_space<hbm>>)
      tpu.yield
    }) : () -> ()
    return
  }
}

module attributes {stable_mosaic.version = 14 : i64} {
  func.func @_tcpre_body(%arg0: i32, %arg1: memref<1x1xi32, #tpu.memory_space<smem>>, %arg2: memref<1000x256xf32, #tpu.memory_space<vmem>>, %arg3: memref<256x256xf32, #tpu.memory_space<vmem>>, %arg4: memref<256x256xf32, #tpu.memory_space<vmem>>, %arg5: memref<1x256xf32, #tpu.memory_space<vmem>>, %arg6: memref<1x256xf32, #tpu.memory_space<vmem>>, %arg7: memref<1x256xf32, #tpu.memory_space<vmem>>, %arg8: memref<1x256xf32, #tpu.memory_space<vmem>>, %arg9: memref<2x1000x128xf32, #tpu.memory_space<vmem>>) attributes {dimension_semantics = [#tpu.dimension_semantics<arbitrary>], iteration_bounds = array<i64: 10>, scalar_prefetch = 0 : i64, scratch_operands = 0 : i64, tpu.core_type = #tpu.core_type<tc>, window_params = [{transform_indices = @transform_0, window_bounds = array<i64: 1, 1>}, {transform_indices = @transform_1, window_bounds = array<i64: 1000, 256>}, {pipeline_mode = #tpu.pipeline_mode<synchronous>, transform_indices = @transform_2, window_bounds = array<i64: 256, 256>}, {pipeline_mode = #tpu.pipeline_mode<synchronous>, transform_indices = @transform_3, window_bounds = array<i64: 256, 256>}, {pipeline_mode = #tpu.pipeline_mode<synchronous>, transform_indices = @transform_4, window_bounds = array<i64: 1, 256>}, {pipeline_mode = #tpu.pipeline_mode<synchronous>, transform_indices = @transform_5, window_bounds = array<i64: 1, 256>}, {pipeline_mode = #tpu.pipeline_mode<synchronous>, transform_indices = @transform_6, window_bounds = array<i64: 1, 256>}, {pipeline_mode = #tpu.pipeline_mode<synchronous>, transform_indices = @transform_7, window_bounds = array<i64: 1, 256>}, {transform_indices = @transform_8, window_bounds = array<i64: 2, 1000, 128>}]} {
    %get3A = arith.constant 0 : index
    %get3A_0 = arith.constant 0 : index
    %get3A_1 = vector.load %arg2[%get3A, %get3A_0] : memref<1000x256xf32, #tpu.memory_space<vmem>>, vector<1000x256xf32>
    %get3A_2 = arith.constant 0 : index
    %get3A_3 = arith.constant 0 : index
    %get3A_4 = vector.load %arg4[%get3A_2, %get3A_3] : memref<256x256xf32, #tpu.memory_space<vmem>>, vector<256x256xf32>
    %dot_general3A = arith.constant dense<0.000000e+00> : vector<1000x256xf32>
    %dot_general3A_5 = tpu.matmul %get3A_1, %get3A_4, %dot_general3A {dimension_numbers = #tpu.dot_dimension_numbers<[1], [0], [0], [1], [0, 0, 1, 1], [], []>, transpose_lhs_hint = false} : vector<1000x256xf32>, vector<256x256xf32>, vector<1000x256xf32> -> vector<1000x256xf32>
    %mul3A = arith.mulf %get3A_1, %get3A_1 : vector<1000x256xf32>
    %dot_general3A_6 = arith.constant dense<0.000000e+00> : vector<1000x256xf32>
    %dot_general3A_7 = tpu.matmul %mul3A, %get3A_4, %dot_general3A_6 {dimension_numbers = #tpu.dot_dimension_numbers<[1], [0], [0], [1], [0, 0, 1, 1], [], []>, transpose_lhs_hint = false} : vector<1000x256xf32>, vector<256x256xf32>, vector<1000x256xf32> -> vector<1000x256xf32>
    %sub3A = arith.subf %get3A_1, %dot_general3A_5 : vector<1000x256xf32>
    %mul3A_8 = arith.mulf %dot_general3A_5, %dot_general3A_5 : vector<1000x256xf32>
    %sub3A_9 = arith.subf %dot_general3A_7, %mul3A_8 : vector<1000x256xf32>
    %add3A = arith.constant 9.99999974E-6 : f32
    %add3A_10 = vector.broadcast %add3A : f32 to vector<1000x256xf32>
    %add3A_11 = arith.addf %sub3A_9, %add3A_10 : vector<1000x256xf32>
    %rsqrt3A = math.rsqrt %add3A_11 : vector<1000x256xf32>
    %mul3A_12 = arith.mulf %sub3A, %rsqrt3A : vector<1000x256xf32>
    %mul3A_13 = arith.constant 1000 : i32
    %mul3A_14 = arith.muli %mul3A_13, %arg0 : i32
    %iota3A = tpu.iota {dimensions = array<i32: 0>} : vector<1000x1xi32>
    %add3A_15 = vector.broadcast %mul3A_14 : i32 to vector<1000x1xi32>
    %add3A_16 = arith.addi %add3A_15, %iota3A : vector<1000x1xi32>
    %get3A_17 = arith.constant 0 : index
    %get3A_18 = arith.constant 0 : index
    %get3A_19 = memref.load %arg1[%get3A_17, %get3A_18] : memref<1x1xi32, #tpu.memory_space<smem>>
    %lt3A = vector.broadcast %get3A_19 : i32 to vector<1000x1xi32>
    %lt3A_20 = arith.cmpi slt, %add3A_16, %lt3A : vector<1000x1xi32>
    %get3A_21 = arith.constant 0 : index
    %get3A_22 = arith.constant 0 : index
    %get3A_23 = vector.load %arg5[%get3A_21, %get3A_22] : memref<1x256xf32, #tpu.memory_space<vmem>>, vector<1x256xf32>
    %get3A_24 = arith.constant 0 : index
    %get3A_25 = arith.constant 0 : index
    %get3A_26 = vector.load %arg7[%get3A_24, %get3A_25] : memref<1x256xf32, #tpu.memory_space<vmem>>, vector<1x256xf32>
    %broadcast_in_dim3A = vector.shape_cast %lt3A_20 : vector<1000x1xi1> to vector<1000x1xi1>
    %broadcast_in_dim3A_27 = vector.broadcast %broadcast_in_dim3A : vector<1000x1xi1> to vector<1000x256xi1>
    %broadcast_in_dim3A_28 = vector.shape_cast %get3A_23 : vector<1x256xf32> to vector<1x256xf32>
    %broadcast_in_dim3A_29 = vector.broadcast %broadcast_in_dim3A_28 : vector<1x256xf32> to vector<1000x256xf32>
    %broadcast_in_dim3A_30 = vector.shape_cast %get3A_26 : vector<1x256xf32> to vector<1x256xf32>
    %broadcast_in_dim3A_31 = vector.broadcast %broadcast_in_dim3A_30 : vector<1x256xf32> to vector<1000x256xf32>
    %select_n3A = arith.select %broadcast_in_dim3A_27, %broadcast_in_dim3A_29, %broadcast_in_dim3A_31 : vector<1000x256xi1>, vector<1000x256xf32>
    %get3A_32 = arith.constant 0 : index
    %get3A_33 = arith.constant 0 : index
    %get3A_34 = vector.load %arg6[%get3A_32, %get3A_33] : memref<1x256xf32, #tpu.memory_space<vmem>>, vector<1x256xf32>
    %get3A_35 = arith.constant 0 : index
    %get3A_36 = arith.constant 0 : index
    %get3A_37 = vector.load %arg8[%get3A_35, %get3A_36] : memref<1x256xf32, #tpu.memory_space<vmem>>, vector<1x256xf32>
    %broadcast_in_dim3A_38 = vector.shape_cast %lt3A_20 : vector<1000x1xi1> to vector<1000x1xi1>
    %broadcast_in_dim3A_39 = vector.broadcast %broadcast_in_dim3A_38 : vector<1000x1xi1> to vector<1000x256xi1>
    %broadcast_in_dim3A_40 = vector.shape_cast %get3A_34 : vector<1x256xf32> to vector<1x256xf32>
    %broadcast_in_dim3A_41 = vector.broadcast %broadcast_in_dim3A_40 : vector<1x256xf32> to vector<1000x256xf32>
    %broadcast_in_dim3A_42 = vector.shape_cast %get3A_37 : vector<1x256xf32> to vector<1x256xf32>
    %broadcast_in_dim3A_43 = vector.broadcast %broadcast_in_dim3A_42 : vector<1x256xf32> to vector<1000x256xf32>
    %select_n3A_44 = arith.select %broadcast_in_dim3A_39, %broadcast_in_dim3A_41, %broadcast_in_dim3A_43 : vector<1000x256xi1>, vector<1000x256xf32>
    %mul3A_45 = arith.mulf %mul3A_12, %select_n3A : vector<1000x256xf32>
    %add3A_46 = arith.addf %mul3A_45, %select_n3A_44 : vector<1000x256xf32>
    %max3A = arith.constant 0.000000e+00 : f32
    %max3A_47 = vector.broadcast %max3A : f32 to vector<1000x256xf32>
    %max3A_48 = arith.maximumf %add3A_46, %max3A_47 : vector<1000x256xf32>
    %get3A_49 = arith.constant 0 : index
    %get3A_50 = arith.constant 0 : index
    %get3A_51 = vector.load %arg3[%get3A_49, %get3A_50] : memref<256x256xf32, #tpu.memory_space<vmem>>, vector<256x256xf32>
    %dot_general3A_52 = arith.constant dense<0.000000e+00> : vector<1000x256xf32>
    %dot_general3A_53 = tpu.matmul %max3A_48, %get3A_51, %dot_general3A_52 {dimension_numbers = #tpu.dot_dimension_numbers<[1], [0], [0], [1], [0, 0, 1, 1], [], []>, transpose_lhs_hint = false} : vector<1000x256xf32>, vector<256x256xf32>, vector<1000x256xf32> -> vector<1000x256xf32>
    %slice3A = vector.extract_strided_slice %dot_general3A_53 {offsets = [0, 0], sizes = [1000, 128], strides = [1, 1]} : vector<1000x256xf32> to vector<1000x128xf32>
    %swap3A = arith.constant 0 : index
    %swap3A_54 = arith.constant 0 : index
    %swap3A_55 = arith.constant 0 : index
    %swap3A_56 = vector.load %arg9[%swap3A, %swap3A_54, %swap3A_55] : memref<2x1000x128xf32, #tpu.memory_space<vmem>>, vector<1x1000x128xf32>
    %swap3A_57 = vector.shape_cast %swap3A_56 : vector<1x1000x128xf32> to vector<1000x128xf32>
    %swap3A_58 = vector.shape_cast %slice3A : vector<1000x128xf32> to vector<1x1000x128xf32>
    tpu.vector_store %arg9[%swap3A, %swap3A_54, %swap3A_55], %swap3A_58 {strides = array<i32>} : memref<2x1000x128xf32, #tpu.memory_space<vmem>>, vector<1x1000x128xf32>,
    %slice3A_59 = vector.extract_strided_slice %dot_general3A_53 {offsets = [0, 128], sizes = [1000, 128], strides = [1, 1]} : vector<1000x256xf32> to vector<1000x128xf32>
    %swap3A_60 = arith.constant 1 : index
    %swap3A_61 = arith.constant 0 : index
    %swap3A_62 = arith.constant 0 : index
    %swap3A_63 = vector.load %arg9[%swap3A_60, %swap3A_61, %swap3A_62] : memref<2x1000x128xf32, #tpu.memory_space<vmem>>, vector<1x1000x128xf32>
    %swap3A_64 = vector.shape_cast %swap3A_63 : vector<1x1000x128xf32> to vector<1000x128xf32>
    %swap3A_65 = vector.shape_cast %slice3A_59 : vector<1000x128xf32> to vector<1x1000x128xf32>
    tpu.vector_store %arg9[%swap3A_60, %swap3A_61, %swap3A_62], %swap3A_65 {strides = array<i32>} : memref<2x1000x128xf32, #tpu.memory_space<vmem>>, vector<1x1000x128xf32>,
    return
  }
  func.func @transform_0(%arg0: i32) -> (i32, i32) {
    %c0_i32 = arith.constant 0 : i32
    %c0_i32_0 = arith.constant 0 : i32
    %c0_i32_1 = arith.constant 0 : i32
    return %c0_i32, %c0_i32_0 : i32, i32
  }
  func.func @transform_1(%arg0: i32) -> (i32, i32) {
    %c0_i32 = arith.constant 0 : i32
    %c0_i32_0 = arith.constant 0 : i32
    return %arg0, %c0_i32 : i32, i32
  }
  func.func @transform_2(%arg0: i32) -> (i32, i32) {
    %c0_i32 = arith.constant 0 : i32
    %c0_i32_0 = arith.constant 0 : i32
    %c0_i32_1 = arith.constant 0 : i32
    return %c0_i32, %c0_i32_0 : i32, i32
  }
  func.func @transform_3(%arg0: i32) -> (i32, i32) {
    %c0_i32 = arith.constant 0 : i32
    %c0_i32_0 = arith.constant 0 : i32
    %c0_i32_1 = arith.constant 0 : i32
    return %c0_i32, %c0_i32_0 : i32, i32
  }
  func.func @transform_4(%arg0: i32) -> (i32, i32) {
    %c0_i32 = arith.constant 0 : i32
    %c0_i32_0 = arith.constant 0 : i32
    %c0_i32_1 = arith.constant 0 : i32
    return %c0_i32, %c0_i32_0 : i32, i32
  }
  func.func @transform_5(%arg0: i32) -> (i32, i32) {
    %c0_i32 = arith.constant 0 : i32
    %c0_i32_0 = arith.constant 0 : i32
    %c0_i32_1 = arith.constant 0 : i32
    return %c0_i32, %c0_i32_0 : i32, i32
  }
  func.func @transform_6(%arg0: i32) -> (i32, i32) {
    %c0_i32 = arith.constant 0 : i32
    %c0_i32_0 = arith.constant 0 : i32
    %c0_i32_1 = arith.constant 0 : i32
    return %c0_i32, %c0_i32_0 : i32, i32
  }
  func.func @transform_7(%arg0: i32) -> (i32, i32) {
    %c0_i32 = arith.constant 0 : i32
    %c0_i32_0 = arith.constant 0 : i32
    %c0_i32_1 = arith.constant 0 : i32
    return %c0_i32, %c0_i32_0 : i32, i32
  }
  func.func @transform_8(%arg0: i32) -> (i32, i32, i32) {
    %c0_i32 = arith.constant 0 : i32
    %c0_i32_0 = arith.constant 0 : i32
    %c0_i32_1 = arith.constant 0 : i32
    return %c0_i32, %arg0, %c0_i32_0 : i32, i32, i32
  }
}

module attributes {stable_mosaic.version = 14 : i64} {
  func.func @_tcpost_body(%arg0: i32, %arg1: memref<2x400x128xf32, #tpu.memory_space<vmem>>, %arg2: memref<400x1xf32, #tpu.memory_space<vmem>>, %arg3: memref<1x256xf32, #tpu.memory_space<vmem>>, %arg4: memref<400x256xf32, #tpu.memory_space<vmem>>) attributes {dimension_semantics = [#tpu.dimension_semantics<arbitrary>], iteration_bounds = array<i64: 25>, scalar_prefetch = 0 : i64, scratch_operands = 0 : i64, tpu.core_type = #tpu.core_type<tc>, window_params = [{transform_indices = @transform_0, window_bounds = array<i64: 2, 400, 128>}, {transform_indices = @transform_1, window_bounds = array<i64: 400, 1>}, {pipeline_mode = #tpu.pipeline_mode<synchronous>, transform_indices = @transform_2, window_bounds = array<i64: 1, 256>}, {transform_indices = @transform_3, window_bounds = array<i64: 400, 256>}]} {
    %get3A = arith.constant 0 : index
    %get3A_0 = arith.constant 0 : index
    %get3A_1 = arith.constant 0 : index
    %get3A_2 = vector.load %arg1[%get3A, %get3A_0, %get3A_1] : memref<2x400x128xf32, #tpu.memory_space<vmem>>, vector<1x400x128xf32>
    %get3A_3 = vector.shape_cast %get3A_2 : vector<1x400x128xf32> to vector<400x128xf32>
    %get3A_4 = arith.constant 1 : index
    %get3A_5 = arith.constant 0 : index
    %get3A_6 = arith.constant 0 : index
    %get3A_7 = vector.load %arg1[%get3A_4, %get3A_5, %get3A_6] : memref<2x400x128xf32, #tpu.memory_space<vmem>>, vector<1x400x128xf32>
    %get3A_8 = vector.shape_cast %get3A_7 : vector<1x400x128xf32> to vector<400x128xf32>
    %concatenate3A = tpu.concatenate %get3A_3, %get3A_8 in 1 : vector<400x128xf32>, vector<400x128xf32> -> vector<400x256xf32>
    %get3A_9 = arith.constant 0 : index
    %get3A_10 = arith.constant 0 : index
    %get3A_11 = vector.load %arg2[%get3A_9, %get3A_10] : memref<400x1xf32, #tpu.memory_space<vmem>>, vector<400x1xf32>
    %div3A = vector.broadcast %get3A_11 : vector<400x1xf32> to vector<400x256xf32>
    %div3A_12 = arith.divf %concatenate3A, %div3A : vector<400x256xf32>
    %get3A_13 = arith.constant 0 : index
    %get3A_14 = arith.constant 0 : index
    %get3A_15 = vector.load %arg3[%get3A_13, %get3A_14] : memref<1x256xf32, #tpu.memory_space<vmem>>, vector<1x256xf32>
    %add3A = vector.broadcast %get3A_15 : vector<1x256xf32> to vector<400x256xf32>
    %add3A_16 = arith.addf %div3A_12, %add3A : vector<400x256xf32>
    %swap3A = arith.constant 0 : index
    %swap3A_17 = arith.constant 0 : index
    %swap3A_18 = vector.load %arg4[%swap3A, %swap3A_17] : memref<400x256xf32, #tpu.memory_space<vmem>>, vector<400x256xf32>
    tpu.vector_store %arg4[%swap3A, %swap3A_17], %add3A_16 {strides = array<i32>} : memref<400x256xf32, #tpu.memory_space<vmem>>, vector<400x256xf32>,
    return
  }
  func.func @transform_0(%arg0: i32) -> (i32, i32, i32) {
    %c0_i32 = arith.constant 0 : i32
    %c0_i32_0 = arith.constant 0 : i32
    %c0_i32_1 = arith.constant 0 : i32
    return %c0_i32, %arg0, %c0_i32_0 : i32, i32, i32
  }
  func.func @transform_1(%arg0: i32) -> (i32, i32) {
    %c0_i32 = arith.constant 0 : i32
    %c0_i32_0 = arith.constant 0 : i32
    return %arg0, %c0_i32 : i32, i32
  }
  func.func @transform_2(%arg0: i32) -> (i32, i32) {
    %c0_i32 = arith.constant 0 : i32
    %c0_i32_0 = arith.constant 0 : i32
    %c0_i32_1 = arith.constant 0 : i32
    return %c0_i32, %c0_i32_0 : i32, i32
  }
  func.func @transform_3(%arg0: i32) -> (i32, i32) {
    %c0_i32 = arith.constant 0 : i32
    %c0_i32_0 = arith.constant 0 : i32
    return %arg0, %c0_i32 : i32, i32
  }
}

</mosaic_0001>

<sc_bundles>
// kernel: kernel.5.cloned.1.call-start
scs
__scs_entry_jumppad:
0x0: {  	(pc) =	sbr.rel $0x88, $3  }
0x1: {  	(tag) =	ssettag $0x0;
	lr =	simm.s32 $0x1  }
0x2: {  	[smem:$0x3F97] =	sst lr;
	_ =	strace $0xD0000000  }
0x3: {  	_ = 	snop  }
0x4: {  	_ = 	snop  }
0x5: {  	_ = 	snop  }
0x6: {  	_ = 	snop  }
0x7: {  	_ = 	snop  }
__scs_overlays_trampoline_lowered:
0x8: {  	[smem:$0x3FA6] =	sst s0  }
0x9: {  	[smem:$0x3FA7] =	sst s1  }
0xa: {  	[smem:$0x3FA8] =	sst s2  }
0xb: {  	[smem:$0x3FA9] =	sst s3  }
0xc: {  	[smem:$0x3FAA] =	sst s4  }
0xd: {  	[smem:$0x3FAB] =	sst s5  }
0xe: {  	[smem:$0x3FAC] =	sst s6  }
0xf: {  	[smem:$0x3FAD] =	sst s7  }
0x10: {  	[smem:$0x3FAE] =	sst s8  }
0x11: {  	[smem:$0x3FAF] =	sst s9;
	s0 =	simm.s32 @!p0 $0x0  }
0x12: {  	s1 =	sld [smem:$0x3F95];
	s0 =	simm.s32 @p0 $0x1  }
0x13: {  	[smem:$0x3FB0] =	sst s0;
	s0 =	simm.s32 @!p1 $0x0  }
0x14: {  	s2 =	sld [smem:$0x3F94];
	s0 =	simm.s32 @p1 $0x1  }
0x15: {  	[smem:$0x3FB1] =	sst s0;
	s0 =	simm.s32 @!p2 $0x0  }
0x16: {  	s3 =	sld [smem:$0x3FDB];
	s0 =	simm.s32 @p2 $0x1  }
0x17: {  	s4 =	simm.s32 $0x1BF5;
	[smem:$0x3FB3] =	sst s0  }
0x18: {  	s0 =	sld [smem:$0x3F96];
	_ =	swait.ge [sflag:s4], $0x0  }
0x19: {  	s7 =	sld [smem:$0x3F97]  }
0x1a: {  	s8 =	sadd.s32 $0xFFFFE003, lr  }
0x1b: {  	s9 =	sadd.s32 $0xFFFFFEF7, lr;
	s5 =	simm.s32 $0xFFFFFFFF;
	p2 =	slt.u32 s8, $0xFFFFF086  }
0x1c: {  	p1 =	slt.u32 s9, $0xF7A;
	s5 =	simm.s32 @!p2 $0x0  }
0x1d: {  	s5 =	simm.s32 @p1 $0x1;
	p0 =	seq.s32 s7, s2  }
0x1e: {  	s7 =	smul.u32 @!p0 $0xF7A, s2;
	p2 =	seq.s32 @!p0 s5, $0x0  }
0x1f: {  	s9 =	smul.u32 $0xF7A, s1;
	s8 =	simm.s32 @!p0 $0x1BF5;
	p2 =	por !p2, p0  }
0x20: {  	[sflag:s8] =	ssyncset.s32 @!p0 $0xFFFFF086;
	s6 =	sadd.s32 @!p0 s3, s7;
	s7 =	simm.s32 @!p0 $0x108  }
0x21: {  	s3 =	sadd.s32 s3, s9;
	s6 =	sadd.s32 @!p0 $0x88, s6;
	s7 =	simm.s32 @p2 $0x1082  }
0x22: {  	[simem:s7], [sflag:s8] =	dma.local @!p0 [hbm:s6], $0xF7A  }
0x23: {  	s9 =	sor.u32 $0xD0000000, s2;
	s6 =	simm.s32 $0x108;
	_ =	swait.ge @!p0 [sflag:s8], $0x0  }
0x24: {  	s3 =	sadd.s32 $0x88, s3;
	s6 =	simm.s32 @!p1 $0x1082;
	[sflag:s4] =	ssyncset.s32 $0xFFFFF086  }
0x25: {  	[simem:s6], [sflag:s4] =	dma.local [hbm:s3], $0xF7A  }
0x26: {  	[smem:$0x3F97] =	sst s1;
	(tag) =	ssettag s2;
	_ =	strace s9  }
0x27: {  	s1 =	sld [smem:$0x3FA7]  }
0x28: {  	s2 =	sld [smem:$0x3FA8]  }
0x29: {  	s4 =	sld [smem:$0x3FAA]  }
0x2a: {  	p0 =	seq.s32 s5, $0x0;
	s5 =	sld [smem:$0x3FAB]  }
0x2b: {  	s6 =	sld [smem:$0x3FAC]  }
0x2c: {  	s7 =	sld [smem:$0x3FAD]  }
0x2d: {  	s3 =	simm.s32 $0x108;
	s8 =	sld [smem:$0x3FAE]  }
0x2e: {  	s3 =	simm.s32 @!p0 $0x1082;
	s9 =	sld [smem:$0x3FAF]  }
0x2f: {  	lr =	sadd.s32 s0, s3;
	s0 =	sld [smem:$0x3FA6]  }
0x30: {  	s3 =	sld [smem:$0x3FA9]  }
0x31: {  	[smem:$0x3FB2] =	sst s10  }
0x32: {  	s10 =	sld [smem:$0x3FB0];
	_ =	sdelay $0x3  }
0x33: {  	p0 =	seq.s32 s10, $0x1;
	s10 =	sld [smem:$0x3FB2];
	_ =	sdelay $0x3  }
0x34: {  	[smem:$0x3FB2] =	sst s10  }
0x35: {  	s10 =	sld [smem:$0x3FB1];
	_ =	sdelay $0x3  }
0x36: {  	p1 =	seq.s32 s10, $0x1;
	s10 =	sld [smem:$0x3FB2];
	_ =	sdelay $0x3  }
0x37: {  	[smem:$0x3FB2] =	sst s10  }
0x38: {  	s10 =	sld [smem:$0x3FB3]  }
0x39: {  	_ = 	snop;
	(pc) =	sbr.ind lr, $3  }
0x3a: {  	_ = 	snop  }
0x3b: {  	_ = 	snop  }
0x3c: {  	p2 =	seq.s32 s10, $0x1;
	s10 =	sld [smem:$0x3FB2]  }
0x3d: {  	_ =	shalt  }
0x3e: {  	_ =	shalt  }
0x3f: {  	_ =	shalt  }
0x40: {  	_ =	shalt  }
0x41: {  	_ =	shalt  }
0x42: {  	_ =	shalt  }
0x43: {  	_ =	shalt  }
0x44: {  	_ =	shalt  }
0x45: {  	_ =	shalt  }
0x46: {  	_ =	shalt  }
0x47: {  	_ =	shalt  }
0x48: {  	_ =	shalt  }
0x49: {  	_ =	shalt  }
0x4a: {  	_ =	shalt  }
0x4b: {  	_ =	shalt  }
0x4c: {  	_ =	shalt  }
0x4d: {  	_ =	shalt  }
0x4e: {  	_ =	shalt  }
0x4f: {  	_ =	shalt  }
0x50: {  	_ =	shalt  }
0x51: {  	_ =	shalt  }
0x52: {  	_ =	shalt  }
0x53: {  	_ =	shalt  }
0x54: {  	_ =	shalt  }
0x55: {  	_ =	shalt  }
0x56: {  	_ =	shalt  }
0x57: {  	_ =	shalt  }
0x58: {  	_ =	shalt  }
0x59: {  	_ =	shalt  }
0x5a: {  	_ =	shalt  }
0x5b: {  	_ =	shalt  }
0x5c: {  	_ =	shalt  }
0x5d: {  	_ =	shalt  }
0x5e: {  	_ =	shalt  }
0x5f: {  	_ =	shalt  }
0x60: {  	_ =	shalt  }
0x61: {  	_ =	shalt  }
0x62: {  	_ =	shalt  }
0x63: {  	_ =	shalt  }
0x64: {  	_ =	shalt  }
0x65: {  	_ =	shalt  }
0x66: {  	_ =	shalt  }
0x67: {  	_ =	shalt  }
0x68: {  	_ =	shalt  }
0x69: {  	_ =	shalt  }
0x6a: {  	_ =	shalt  }
0x6b: {  	_ =	shalt  }
0x6c: {  	_ =	shalt  }
0x6d: {  	_ =	shalt  }
0x6e: {  	_ =	shalt  }
0x6f: {  	_ =	shalt  }
0x70: {  	_ =	shalt  }
0x71: {  	_ =	shalt  }
0x72: {  	_ =	shalt  }
0x73: {  	_ =	shalt  }
0x74: {  	_ =	shalt  }
0x75: {  	_ =	shalt  }
0x76: {  	_ =	shalt  }
0x77: {  	_ =	shalt  }
0x78: {  	_ =	shalt  }
0x79: {  	_ =	shalt  }
0x7a: {  	_ =	shalt  }
0x7b: {  	_ =	shalt  }
0x7c: {  	_ =	shalt  }
0x7d: {  	_ =	shalt  }
0x7e: {  	_ =	shalt  }
0x7f: {  	_ =	shalt  }
0x80: {  	_ =	shalt  }
0x81: {  	_ =	shalt  }
0x82: {  	_ =	shalt  }
0x83: {  	_ =	shalt  }
0x84: {  	_ =	shalt  }
0x85: {  	_ =	shalt  }
0x86: {  	_ =	shalt  }
0x87: {  	_ =	shalt  }
.Lfunc_end0:
.L_simem_size_0:
called_computation_lowered:
.L_overlay_start_0:
0x88: {  	s2 =	sld [smem:$0x3FD9]  }
0x89: {  	s3 =	sld [smem:$0x3FFE];
	_ =	sdelay $0x1  }
0x8a: {  	s1 =	srdreg.scid  }
0x8b: {  	s0 =	sand.u32 $0x1, s1  }
0x8c: {  	s17 =	sshll.u32 s0, $0xA;
	s2 =	sadd.s32 s3, s2  }
0x8d: {  	s2 =	sadd.s32 s2, s17  }
0x8e: {  	[smem:$0x3FBE] =	sst s2  }
0x8f: {  	_ = 	snop  }
0x90: {  	s2 =	sld [smem:$0x3FD0];
	(tm) =	ssettm $0x1  }
0x91: {  	s18 =	sld [smem:$0x3FFB];
	_ =	sdelay $0x3  }
0x92: {  	_ =	strace s18  }
0x93: {  	s3 =	sld [smem:$0x3FFC];
	_ =	sdelay $0x3  }
0x94: {  	_ =	strace s3  }
0x95: {  	s3 =	sld [smem:$0x3FFD];
	_ =	sdelay $0x3  }
0x96: {  	_ =	strace s3  }
0x97: {  	_ =	strace $0x8FFFFFFF  }
0x98: {  	s19 =	sld [smem:$0x3FDB];
	_ =	sdelay $0x1  }
0x99: {  	s4 =	simm.s32 $_scs_section_size  }
0x9a: {  	s5 =	simm.s32 $_size__tile_overlayer_lowered;
	s6 =	simm.s32 $_tile_overlayer_lowered  }
0x9b: {  	s22 =	simm.s32 $0x1BFF;
	s21 =	sshll.u32 s6, $0x1;
	s3 =	sadd.s32 s4, s19  }
0x9c: {  	s7 =	simm.s32 $0x0;
	s20 =	sshll.u32 s5, $0x1;
	s5 =	sadd.s32 s21, s3  }
0x9d: {  	[timem:s7], [sflag:s22] =	dma.local [hbm:s5], s20  }
0x9e: {  	_ =	swait.ge [sflag:s22], s20  }
0x9f: {  	s4 =	ssub.s32 $0x0, s20;
	[sflag:s22] =	ssyncset.done $0x0  }
0xa0: {  	[sflag:s22] =	ssyncadd.s32 s4;
	_ =	sdelay $0x1  }
0xa1: {  	s23 =	simm.s32 $0x1B8B  }
0xa2: {  	_ =	swait.ge [sflag:s23], $0x1  }
0xa3: {  	[sflag:s23] =	ssyncset.done $0x0  }
0xa4: {  	s25 =	simm.s32 $0x1B8E;
	s24 =	sld [smem:$0x3FFE];
	[sflag:s23] =	ssyncadd.s32 $0xFFFFFFFF  }
0xa5: {  	s26 =	simm.s32 $execute0_lowered;
	[smem:$0x3FD2] =	sst s25  }
0xa6: {  	s5 =	sshll.u32 s26, $0x1;
	_ =	strace $0x80000046;
	[dreg:$0x1] =	wrdreg $0xFFFFFFFF  }
0xa7: {  	s28 =	simm.s32 $_size_execute0_lowered;
	s3 =	sadd.s32 s3, s5;
	[dreg:$0x0] =	wrdreg $0x0  }
0xa8: {  	s5 =	sshll.u32 s28, $0x1;
	[dreg:$0x2] =	wrdreg s3  }
0xa9: {  	[dreg:$0x3] =	wrdreg s5  }
0xaa: {  	[dreg:$0x4] =	wrdreg $0xC0  }
0xab: {  	_ =	task [dreg:s7], $0x5FFFF  }
0xac: {  	[dreg:$0x1] =	wrdreg $0xFFFFFFFF  }
0xad: {  	[dreg:$0x0] =	wrdreg $0x60  }
0xae: {  	[dreg:$0x2] =	wrdreg s2  }
0xaf: {  	[dreg:$0x3] =	wrdreg s24  }
0xb0: {  	[dreg:$0x4] =	wrdreg $0xB0000  }
0xb1: {  	[dreg:$0x5] =	wrdreg $0x9  }
0xb2: {  	_ =	task.clear_ibuf [dreg:s7], $0x6FFFF;
	_ =	strace $0x90000046  }
0xb3: {  	s29 =	simm.s32 $0x9;
	_ =	strace $0x80000048  }
0xb4: {  	_ =	swait.ge [sflag:s29], $0x1  }
0xb5: {  	[sflag:s29] =	ssyncadd.s32 $0xFFFFFFFF  }
0xb6: {  	_ =	strace $0x90000048  }
0xb7: {  	_ =	sfence  }
0xb8: {  	s30 =	sld [smem:$0x0];
	_ =	sdelay $0x2  }
0xb9: {  	s31 =	sshll.u32 s1, $0xD;
	s1 =	sshrl.u32 s1, $0x2  }
0xba: {  	s3 =	sand.u32 $0x4000, s31;
	s1 =	sadd.s32 s1, s30  }
0xbb: {  	s0 =	sor.u32 s3, s0;
	s1 =	sshll.u32 s1, $0x11  }
0xbc: {  	s0 =	sor.u32 s1, s0  }
0xbd: {  	s0 =	sadd.s32 $0x8F2B, s0  }
0xbe: {  	[sflag:s0] =	ssyncadd.remote.s32 $0x1  }
0xbf: {  	_ =	sfence.sel $0xFFFF  }
0xc0: {  	[dreg:$0x0] =	wrdreg $0xFFFFFFFF;
	(pc) =	sbr.abs _section_cstart, $3  }
0xc1: {  	[dreg:$0x1] =	wrdreg $0xFFFFFFFF  }
0xc2: {  	_ =	task.clear_ibuf [dreg:s7], $0x2FFFF;
	_ =	strace $0x9FFFFFFF  }
0xc3: {  	(tm) =	ssettm $0x7FFFFFFF  }
tec
execute0_lowered:
.L_overlay_start_1:
0x0: {  	(tag) =	ssettag $0x1  }
0x1: {  	s1 =	rddreg [dreg:$0x0]  }
0x2: {  	s3 =	rddreg [dreg:$0x1]  }
0x3: {  	s2 =	rddreg [dreg:$0x2];
	s0 =	srdreg.scid  }
0x4: {  	s4 =	simm.s32 $0x0;
	s29 =	stileid.u32;
	s7 =	sand.u32 $0x1, s0  }
0x5: {  	[smem:$0x7FF] =	sst s4;
	s23 =	smul.u32 $0x14000, s29;
	s4 =	sshll.u32 s29, $0x6  }
0x6: {  	s15 =	sshll.u32 s29, $0x7;
	s0 =	smul.u32 $0x140000, s7;
	_ =	strace $0x80000047  }
0x7: {  	s6 =	ssub.s32 $0x2, s7;
	s12 =	sshll.u32 s7, $0x7;
	s25 =	sand.u32 $0x700, s15  }
0x8: {  	s9 =	sand.u32 $0x40, s4;
	s10 =	sor.u32 $0x800, s4;
	s7 =	sor.u32 $0xC00, s4  }
0x9: {  	s19 =	sor.u32 $0x7000, s15;
	s21 =	sor.u32 $0x6800, s15;
	s22 =	sor.u32 $0x6000, s15  }
0xa: {  	s24 =	sshrl.u32 s6, $0x1;
	s13 =	sor.u32 s25, s12;
	s11 =	sshll.u32 s10, $0x1  }
0xb: {  	s16 =	sshll.u32 s7, $0x1;
	s19 =	sand.u32 $0x7700, s19;
	s21 =	sand.u32 $0x6F00, s21  }
0xc: {  	s22 =	sand.u32 $0x6700, s22;
	s25 =	sor.u32 $0x4800, s15;
	s10 =	sshrl.u32 s10, $0x3  }
0xd: {  	s5 =	sadd.s32 s23, s0;
	s0 =	ssub.s32 s6, s24;
	s6 =	sor.u32 $0x400, s4  }
0xe: {  	s11 =	sand.u32 $0x1700, s11;
	s17 =	sand.u32 $0x1F00, s16;
	s19 =	sor.u32 s12, s19  }
0xf: {  	s21 =	sor.u32 s12, s21;
	s22 =	sor.u32 s12, s22;
	s24 =	sor.u32 $0x5000, s15  }
0x10: {  	s13 =	sor.u32 s9, s13;
	s8 =	sshll.u32 s6, $0x1;
	s16 =	sor.u32 s11, s12  }
0x11: {  	s17 =	sor.u32 s17, s12;
	s11 =	sor.u32 $0x1400, s4;
	s19 =	sor.u32 s9, s19  }
0x12: {  	s21 =	sor.u32 s9, s21;
	s31 =	sor.u32 s9, s22;
	s22 =	sor.u32 $0x5800, s15  }
0x13: {  	s6 =	sshrl.u32 s6, $0x3;
	s0 =	smax.u32 s0, $0x1;
	s26 =	sand.u32 $0xF00, s8  }
0x14: {  	s8 =	sor.u32 $0x1000, s4;
	s20 =	sshll.u32 s11, $0x1;
	s19 =	sshrl.u32 s19, $0x3  }
0x15: {  	s30 =	sshrl.u32 s21, $0x3;
	s21 =	sshrl.u32 s31, $0x3;
	s23 =	sand.u32 $0x5F00, s22  }
0x16: {  	s22 =	sand.u32 $0x4F00, s25;
	s31 =	sor.u32 $0x4000, s15;
	[dreg:$0x4] =	wrdreg s19  }
0x17: {  	s14 =	sor.u32 s26, s12;
	s18 =	sshll.u32 s8, $0x1;
	[dreg:$0x5] =	wrdreg s30  }
0x18: {  	[dreg:$0x6] =	wrdreg s21;
	s19 =	sor.u32 s12, s23;
	s21 =	sand.u32 $0x5700, s24  }
0x19: {  	s22 =	sor.u32 s12, s22;
	s23 =	sor.u32 $0x3800, s15;
	s24 =	sor.u32 $0x3000, s15  }
0x1a: {  	s20 =	sand.u32 $0x2F00, s20;
	s15 =	sor.u32 $0x2800, s15;
	s28 =	sand.u32 $0x2700, s18  }
0x1b: {  	s19 =	sor.u32 s9, s19;
	s21 =	sor.u32 s12, s21;
	s20 =	sor.u32 s20, s12  }
0x1c: {  	s15 =	sand.u32 $0x2F00, s15;
	s14 =	sor.u32 s9, s14;
	s18 =	sor.u32 s28, s12  }
0x1d: {  	s19 =	sshrl.u32 s19, $0x3;
	s21 =	sor.u32 s9, s21;
	s28 =	sor.u32 s9, s22  }
0x1e: {  	s22 =	sand.u32 $0x4700, s31;
	s31 =	sshll.u32 s29, $0x3;
	[dreg:$0x7] =	wrdreg s19  }
0x1f: {  	s26 =	sshrl.u32 s21, $0x3;
	s30 =	sshrl.u32 s28, $0x3;
	s19 =	sor.u32 s12, s22  }
0x20: {  	s21 =	sand.u32 $0x3F00, s23;
	s22 =	sand.u32 $0x3700, s24;
	[dreg:$0x8] =	wrdreg s26  }
0x21: {  	s24 =	sor.u32 $0x2000, s4;
	[dreg:$0x9] =	wrdreg s30;
	s19 =	sor.u32 s9, s19  }
0x22: {  	s21 =	sor.u32 s12, s21;
	s22 =	sor.u32 s12, s22;
	s19 =	sshrl.u32 s19, $0x3  }
0x23: {  	s21 =	sor.u32 s9, s21;
	s26 =	sor.u32 s9, s22;
	s22 =	sor.u32 $0x1800, s4  }
0x24: {  	[dreg:$0xa] =	wrdreg s19;
	s25 =	sshrl.u32 s21, $0x3;
	s28 =	sshrl.u32 s26, $0x3  }
0x25: {  	s30 =	sshll.u32 s22, $0x1;
	s19 =	sor.u32 $0x1C00, s4;
	[dreg:$0xb] =	wrdreg s25  }
0x26: {  	s26 =	sshll.u32 s24, $0x1;
	[dreg:$0xc] =	wrdreg s28;
	s21 =	sand.u32 $0x3700, s30  }
0x27: {  	s23 =	sshll.u32 s19, $0x1;
	s25 =	sor.u32 $0x2400, s4;
	s26 =	sand.u32 $0x4700, s26  }
0x28: {  	s21 =	sor.u32 s21, s12;
	s23 =	sand.u32 $0x3F00, s23;
	s28 =	sshll.u32 s25, $0x1  }
0x29: {  	s26 =	sor.u32 s26, s12;
	s23 =	sor.u32 s23, s12;
	s28 =	sand.u32 $0x4F00, s28  }
0x2a: {  	s28 =	sor.u32 s28, s12;
	s12 =	sor.u32 s12, s15;
	s15 =	sor.u32 s9, s16  }
0x2b: {  	s16 =	sor.u32 s9, s17;
	s17 =	sor.u32 s9, s18;
	s18 =	sor.u32 s9, s20  }
0x2c: {  	s20 =	sor.u32 s9, s21;
	s21 =	sor.u32 s9, s23;
	s23 =	sor.u32 s9, s26  }
0x2d: {  	s26 =	sor.u32 s9, s28;
	s9 =	sor.u32 s9, s12;
	s12 =	sadd.s32 $0xB200, s3  }
0x2e: {  	[smem:$0x7FD] =	sst s0;
	s30 =	sshrl.u32 s8, $0x3;
	s28 =	sadd.s32 s12, s31  }
0x2f: {  	s6 =	sadd.s32 s12, s6;
	s10 =	sadd.s32 s12, s10;
	[dreg:$0xe] =	wrdreg s28  }
0x30: {  	s31 =	sshrl.u32 s11, $0x3;
	s11 =	sshrl.u32 s19, $0x3;
	[dreg:$0xf] =	wrdreg s6  }
0x31: {  	[dreg:$0x10] =	wrdreg s10;
	s28 =	sshrl.u32 s7, $0x3;
	s7 =	sadd.s32 s12, s30  }
0x32: {  	s19 =	sshrl.u32 s24, $0x3;
	s8 =	sadd.s32 s12, s31;
	[dreg:$0x12] =	wrdreg s7  }
0x33: {  	s10 =	sshrl.u32 s22, $0x3;
	s22 =	sadd.s32 s12, s11;
	[dreg:$0x13] =	wrdreg s8  }
0x34: {  	s24 =	sadd.s32 s12, s19;
	[dreg:$0x15] =	wrdreg s22  }
0x35: {  	s5 =	sshrl.u32 s5, $0x3;
	s30 =	sshrl.u32 s9, $0x3;
	[dreg:$0x16] =	wrdreg s24  }
0x36: {  	s5 =	sadd.s32 s5, s3;
	s6 =	sadd.s32 s12, s28;
	[dreg:$0xd] =	wrdreg s30  }
0x37: {  	s31 =	smul.u32 $0x50000, s29;
	[dreg:$0x11] =	wrdreg s6;
	s6 =	sadd.s32 s12, s10  }
0x38: {  	s10 =	sadd.s32 $0x1200, s3;
	s3 =	sadd.s32 $0x10200, s3;
	[dreg:$0x14] =	wrdreg s6  }
0x39: {  	s29 =	sshrl.u32 s26, $0x3;
	s28 =	sshrl.u32 s25, $0x3;
	[dreg:$0x19] =	wrdreg s3  }
0x3a: {  	s9 =	sshrl.u32 s31, $0x2;
	s31 =	sadd.s32 $0x12A00, s5;
	[dreg:$0x18] =	wrdreg s10  }
0x3b: {  	s22 =	sshrl.u32 s20, $0x3;
	s6 =	sadd.s32 s12, s28;
	[smem:$0x7FC] =	sst s31  }
0x3c: {  	s11 =	sadd.s32 s9, s2;
	s12 =	sshrl.u32 s13, $0x3;
	[dreg:$0x17] =	wrdreg s6  }
0x3d: {  	s13 =	sshrl.u32 s14, $0x3;
	s24 =	sadd.s32 s10, s22;
	[dreg:$0x1a] =	wrdreg s11  }
0x3e: {  	s14 =	sshrl.u32 s15, $0x3;
	s30 =	sadd.s32 s10, s29;
	[smem:$0x7F8] =	sst s24  }
0x3f: {  	s15 =	sshrl.u32 s16, $0x3;
	s3 =	sadd.s32 s10, s12;
	[smem:$0x7FB] =	sst s30  }
0x40: {  	s16 =	sadd.s32 s10, s15;
	[dreg:$0x1c] =	wrdreg s3  }
0x41: {  	s6 =	sor.u32 $0x1C15, s4;
	[dreg:$0x1f] =	wrdreg s16  }
0x42: {  	s17 =	sshrl.u32 s17, $0x3;
	s3 =	sadd.s32 s10, s13;
	[dreg:$0x1b] =	wrdreg s6  }
0x43: {  	s19 =	sshrl.u32 s18, $0x3;
	[dreg:$0x1d] =	wrdreg s3;
	s3 =	sadd.s32 s10, s14  }
0x44: {  	s25 =	sshrl.u32 s21, $0x3;
	[dreg:$0x1e] =	wrdreg s3;
	s3 =	sadd.s32 s10, s17  }
0x45: {  	s28 =	sshrl.u32 s23, $0x3;
	[smem:$0x7F6] =	sst s3;
	s3 =	sadd.s32 s10, s19  }
0x46: {  	s4 =	simm.s32 $0x15;
	[smem:$0x7F7] =	sst s3;
	s3 =	sadd.s32 s10, s25  }
0x47: {  	s17 =	simm.s32 $0xA;
	[smem:$0x7F9] =	sst s3;
	s3 =	sadd.s32 s10, s28  }
0x48: {  	s25 =	simm.s32 $0x40;
	[smem:$0x7FA] =	sst s3;
	s3 =	simm.s32 $0x0  }
.LBB2_1:
0x49: {  	[smem:$0x7F4] =	sst s3  }
0x4a: {  	s0 =	rddreg [dreg:$0x1a]  }
0x4b: {  	s26 =	rddreg [dreg:$0x19];
	s24 =	sshrl.u32 s0, $0x3  }
0x4c: {  	[smem:$0x7F5] =	sst s24  }
0x4d: {  	[spmem:s24], [sflag:s6] =	dma.local [hbm:s26], $0x2800  }
0x4e: {  	_ =	swait.ge [sflag:s4], $0x2800  }
0x4f: {  	[sflag:s4] =	ssyncset.done $0x0  }
0x50: {  	[sflag:s4] =	ssyncadd.s32 $0xFFFFD800  }
0x51: {  	[bflag:$0x0] =	sbarrier.arrive $0xFFFF  }
0x52: {  	s28 =	rddreg [dreg:$0x1c]  }
0x53: {  	s0 =	simm.s32 $0x0;
	s15 =	rddreg [dreg:$0xe]  }
0x54: {  	[tilespmem:s0], [sflag:$0x1] =	stream.linear.gather [hbm4b:s28+s0], $0x40, $0x38;
	[tilespmem:$0x1F000] =	vst v63  }
0x55: {  	s16 =	simm.s32 $0x800;
	s29 =	rddreg [dreg:$0x1d]  }
0x56: {  	[tilespmem:s16], [sflag:$0x1] =	stream.linear.gather [hbm4b:s15+s0], $0x40, $0x38;
	[tilespmem:$0x1F000] =	vst v63  }
0x57: {  	s13 =	simm.s32 $0x80;
	s30 =	rddreg [dreg:$0xf]  }
0x58: {  	[tilespmem:s13], [sflag:$0x2] =	stream.linear.gather [hbm4b:s29+s0], $0x40, $0x38;
	[tilespmem:$0x1F000] =	vst v63  }
0x59: {  	s18 =	simm.s32 $0x880;
	s3 =	rddreg [dreg:$0x1e]  }
0x5a: {  	[tilespmem:s18], [sflag:$0x2] =	stream.linear.gather [hbm4b:s30+s0], $0x40, $0x38;
	[tilespmem:$0x1F000] =	vst v63  }
0x5b: {  	s5 =	simm.s32 $0x100;
	s6 =	rddreg [dreg:$0x10]  }
0x5c: {  	[tilespmem:s5], [sflag:$0x3] =	stream.linear.gather [hbm4b:s3+s0], $0x40, $0x38;
	[tilespmem:$0x1F000] =	vst v63  }
0x5d: {  	s19 =	simm.s32 $0x900;
	s7 =	rddreg [dreg:$0x1f]  }
0x5e: {  	[tilespmem:s19], [sflag:$0x3] =	stream.linear.gather [hbm4b:s6+s0], $0x40, $0x38;
	[tilespmem:$0x1F000] =	vst v63  }
0x5f: {  	s20 =	simm.s32 $0x180;
	s8 =	rddreg [dreg:$0x11]  }
0x60: {  	[tilespmem:s20], [sflag:$0x4] =	stream.linear.gather [hbm4b:s7+s0], $0x40, $0x38;
	[tilespmem:$0x1F000] =	vst v63  }
0x61: {  	s21 =	simm.s32 $0x980;
	s9 =	sld [smem:$0x7F6]  }
0x62: {  	[tilespmem:s21], [sflag:$0x4] =	stream.linear.gather [hbm4b:s8+s0], $0x40, $0x38;
	[tilespmem:$0x1F000] =	vst v63  }
0x63: {  	s10 =	simm.s32 $0x200;
	s11 =	rddreg [dreg:$0x12]  }
0x64: {  	[tilespmem:s10], [sflag:$0x5] =	stream.linear.gather [hbm4b:s9+s0], $0x40, $0x38;
	[tilespmem:$0x1F000] =	vst v63  }
0x65: {  	s22 =	simm.s32 $0xA00;
	s12 =	sld [smem:$0x7F7]  }
0x66: {  	[tilespmem:s22], [sflag:$0x5] =	stream.linear.gather [hbm4b:s11+s0], $0x40, $0x38;
	[tilespmem:$0x1F000] =	vst v63  }
0x67: {  	s23 =	simm.s32 $0x280;
	s14 =	rddreg [dreg:$0x13]  }
0x68: {  	[tilespmem:s23], [sflag:$0x6] =	stream.linear.gather [hbm4b:s12+s0], $0x40, $0x38;
	[tilespmem:$0x1F000] =	vst v63  }
0x69: {  	s24 =	sld [smem:$0x7F8];
	s28 =	simm.s32 $0xA80  }
0x6a: {  	[tilespmem:s28], [sflag:$0x6] =	stream.linear.gather [hbm4b:s14+s0], $0x40, $0x38;
	[tilespmem:$0x1F000] =	vst v63  }
0x6b: {  	s26 =	simm.s32 $0x300;
	s29 =	rddreg [dreg:$0x14]  }
0x6c: {  	[tilespmem:s26], [sflag:$0x7] =	stream.linear.gather [hbm4b:s24+s0], $0x40, $0x38;
	[tilespmem:$0x1F000] =	vst v63  }
0x6d: {  	s30 =	simm.s32 $0xB00;
	s3 =	sld [smem:$0x7F9]  }
0x6e: {  	[tilespmem:s30], [sflag:$0x7] =	stream.linear.gather [hbm4b:s29+s0], $0x40, $0x38;
	[tilespmem:$0x1F000] =	vst v63  }
0x6f: {  	s5 =	rddreg [dreg:$0x15];
	s29 =	simm.s32 $0x380  }
0x70: {  	[tilespmem:s29], [sflag:$0x8] =	stream.linear.gather [hbm4b:s3+s0], $0x40, $0x38;
	[tilespmem:$0x1F000] =	vst v63  }
0x71: {  	s6 =	sld [smem:$0x7FA];
	s14 =	simm.s32 $0xB80  }
0x72: {  	[tilespmem:s14], [sflag:$0x8] =	stream.linear.gather [hbm4b:s5+s0], $0x40, $0x38;
	[tilespmem:$0x1F000] =	vst v63  }
0x73: {  	s31 =	simm.s32 $0x400;
	s7 =	rddreg [dreg:$0x16]  }
0x74: {  	[tilespmem:s31], [sflag:$0x9] =	stream.linear.gather [hbm4b:s6+s0], $0x40, $0x38;
	[tilespmem:$0x1F000] =	vst v63  }
0x75: {  	p1 =	por $0x1, $0x1;
	s8 =	sld [smem:$0x7FB];
	s12 =	simm.s32 $0xC00  }
0x76: {  	[tilespmem:s12], [sflag:$0x9] =	stream.linear.gather [hbm4b:s7+s0], $0x40, $0x38;
	[tilespmem:$0x1F000] =	vst v63  }
0x77: {  	p0 =	por p1, p1;
	s24 =	simm.s32 $0x480  }
0x78: {  	[tilespmem:s24], [sflag:$0xA] =	stream.linear.gather [hbm4b:s8+s0], $0x40, $0x38;
	[tilespmem:$0x1F000] =	vst v63  }
0x79: {  	s4 =	simm.s32 @p0 $0x1;
	s9 =	rddreg [dreg:$0x17];
	s10 =	simm.s32 $0xC80  }
0x7a: {  	[tilespmem:s10], [sflag:$0xA] =	stream.linear.gather [hbm4b:s9+s0], $0x40, $0x38;
	[tilespmem:$0x1F000] =	vst v63  }
0x7b: {  	_ =	swait.ge @p0 [sflag:s4], $0x40  }
0x7c: {  	[sflag:s4] =	ssyncset.done @p0 $0x0  }
0x7d: {  	[sflag:s4] =	ssyncadd.s32 @p0 $0xFFFFFFC0  }
0x7e: {  	_ =	swait.ge @p0 [sflag:s4], $0x40  }
0x7f: {  	s5 =	simm.s32 @p0 $0x40;
	s6 =	simm.s32 @p0 $0x1000;
	[sflag:s4] =	ssyncset.done @p0 $0x0  }
0x80: {  	s7 =	simm.s32 @!p0 $0x10;
	s9 =	simm.s32 @p0 $0x0;
	[sflag:s4] =	ssyncadd.s32 @p0 $0xFFFFFFC0  }
0x81: {  	[tilespmem:s6], [sflag:$0xB] =	stream.indirect.gather @p0 [hbm4b:s1+s5], $0x80, s9, s5, $0xb8;
	[tilespmem:$0x1F000] =	vst v63  }
0x82: {  	_ =	swait.ge @!p0 [sflag:s7], $0x2000  }
0x83: {  	[sflag:s7] =	ssyncset.done @!p0 $0x0  }
0x84: {  	s9 =	simm.s32 @!p0 $0x1;
	[sflag:s7] =	ssyncadd.s32 @!p0 $0xFFFFE000  }
0x85: {  	_ =	swait.ge @!p0 [sflag:s9], $0x40  }
0x86: {  	[sflag:s9] =	ssyncset.done @!p0 $0x0  }
0x87: {  	[sflag:s9] =	ssyncadd.s32 @!p0 $0xFFFFFFC0  }
0x88: {  	_ =	swait.ge @!p0 [sflag:s9], $0x40  }
0x89: {  	s11 =	simm.s32 @!p0 $0x11;
	s4 =	simm.s32 @!p0 $0x0;
	[sflag:s9] =	ssyncset.done @!p0 $0x0  }
0x8a: {  	s6 =	simm.s32 @!p0 $0x40;
	s7 =	simm.s32 @!p0 $0x1000;
	[sflag:s9] =	ssyncadd.s32 @!p0 $0xFFFFFFC0  }
0x8b: {  	[tilespmem:s7], [sflag:$0xB] =	stream.indirect.gather @!p0 [hbm4b:s1+s6], $0x80, s4, s6, $0xb8;
	[tilespmem:$0x1F000] =	vst v63  }
0x8c: {  	_ =	swait.ge @!p0 [sflag:s11], $0x2000  }
0x8d: {  	[sflag:s11] =	ssyncset.done @!p0 $0x0  }
0x8e: {  	[sflag:s11] =	ssyncadd.s32 @!p0 $0xFFFFE000;
	s11 =	simm.s32 $0x2  }
0x8f: {  	_ =	swait.ge [sflag:s11], $0x40  }
0x90: {  	[sflag:s11] =	ssyncset.done $0x0  }
0x91: {  	[sflag:s11] =	ssyncadd.s32 $0xFFFFFFC0  }
0x92: {  	_ =	swait.ge [sflag:s11], $0x40  }
0x93: {  	[sflag:s11] =	ssyncset.done $0x0  }
0x94: {  	s3 =	simm.s32 $0x3000;
	s7 =	simm.s32 @p0 $0x3;
	[sflag:s11] =	ssyncadd.s32 $0xFFFFFFC0  }
0x95: {  	[tilespmem:s3], [sflag:$0xC] =	stream.indirect.gather [hbm4b:s1+s25], $0x80, s13, s25, $0xb8;
	[tilespmem:$0x1F000] =	vst v63  }
0x96: {  	_ =	swait.ge @p0 [sflag:s7], $0x40  }
0x97: {  	[sflag:s7] =	ssyncset.done @p0 $0x0  }
0x98: {  	[sflag:s7] =	ssyncadd.s32 @p0 $0xFFFFFFC0  }
0x99: {  	_ =	swait.ge @p0 [sflag:s7], $0x40  }
0x9a: {  	s9 =	simm.s32 @!p0 $0x12;
	[sflag:s7] =	ssyncset.done @p0 $0x0  }
0x9b: {  	s11 =	simm.s32 @p0 $0x100;
	s13 =	simm.s32 @p0 $0x5000;
	[sflag:s7] =	ssyncadd.s32 @p0 $0xFFFFFFC0  }
0x9c: {  	[tilespmem:s13], [sflag:$0xD] =	stream.indirect.gather @p0 [hbm4b:s1+s5], $0x80, s11, s5, $0xb8;
	[tilespmem:$0x1F000] =	vst v63  }
0x9d: {  	_ =	swait.ge @!p0 [sflag:s9], $0x2000  }
0x9e: {  	[sflag:s9] =	ssyncset.done @!p0 $0x0  }
0x9f: {  	s7 =	simm.s32 @!p0 $0x3;
	[sflag:s9] =	ssyncadd.s32 @!p0 $0xFFFFE000  }
0xa0: {  	_ =	swait.ge @!p0 [sflag:s7], $0x40  }
0xa1: {  	[sflag:s7] =	ssyncset.done @!p0 $0x0  }
0xa2: {  	[sflag:s7] =	ssyncadd.s32 @!p0 $0xFFFFFFC0  }
0xa3: {  	_ =	swait.ge @!p0 [sflag:s7], $0x40  }
0xa4: {  	s11 =	simm.s32 @!p0 $0x100;
	[sflag:s7] =	ssyncset.done @!p0 $0x0  }
0xa5: {  	s13 =	simm.s32 @!p0 $0x5000;
	s9 =	simm.s32 @!p0 $0x13;
	[sflag:s7] =	ssyncadd.s32 @!p0 $0xFFFFFFC0  }
0xa6: {  	[tilespmem:s13], [sflag:$0xD] =	stream.indirect.gather @!p0 [hbm4b:s1+s6], $0x80, s11, s6, $0xb8;
	[tilespmem:$0x1F000] =	vst v63  }
0xa7: {  	_ =	swait.ge @!p0 [sflag:s9], $0x2000  }
0xa8: {  	[sflag:s9] =	ssyncset.done @!p0 $0x0  }
0xa9: {  	s13 =	simm.s32 $0x4;
	[sflag:s9] =	ssyncadd.s32 @!p0 $0xFFFFE000  }
0xaa: {  	_ =	swait.ge [sflag:s13], $0x40  }
0xab: {  	[sflag:s13] =	ssyncset.done $0x0  }
0xac: {  	[sflag:s13] =	ssyncadd.s32 $0xFFFFFFC0  }
0xad: {  	_ =	swait.ge [sflag:s13], $0x40  }
0xae: {  	[sflag:s13] =	ssyncset.done $0x0  }
0xaf: {  	s8 =	simm.s32 $0x7000;
	s7 =	simm.s32 @p0 $0x5;
	[sflag:s13] =	ssyncadd.s32 $0xFFFFFFC0  }
0xb0: {  	[tilespmem:s8], [sflag:$0xE] =	stream.indirect.gather [hbm4b:s1+s25], $0x80, s20, s25, $0xb8;
	[tilespmem:$0x1F000] =	vst v63  }
0xb1: {  	_ =	swait.ge @p0 [sflag:s7], $0x40  }
0xb2: {  	[sflag:s7] =	ssyncset.done @p0 $0x0  }
0xb3: {  	[sflag:s7] =	ssyncadd.s32 @p0 $0xFFFFFFC0  }
0xb4: {  	_ =	swait.ge @p0 [sflag:s7], $0x40  }
0xb5: {  	s11 =	simm.s32 @p0 $0x200;
	[sflag:s7] =	ssyncset.done @p0 $0x0  }
0xb6: {  	s9 =	simm.s32 @!p0 $0x14;
	s13 =	simm.s32 @p0 $0x9000;
	[sflag:s7] =	ssyncadd.s32 @p0 $0xFFFFFFC0  }
0xb7: {  	[tilespmem:s13], [sflag:$0xF] =	stream.indirect.gather @p0 [hbm4b:s1+s5], $0x80, s11, s5, $0xb8;
	[tilespmem:$0x1F000] =	vst v63  }
0xb8: {  	_ =	swait.ge @!p0 [sflag:s9], $0x2000  }
0xb9: {  	[sflag:s9] =	ssyncset.done @!p0 $0x0  }
0xba: {  	s5 =	simm.s32 @!p0 $0x5;
	[sflag:s9] =	ssyncadd.s32 @!p0 $0xFFFFE000  }
0xbb: {  	_ =	swait.ge @!p0 [sflag:s5], $0x40  }
0xbc: {  	[sflag:s5] =	ssyncset.done @!p0 $0x0  }
0xbd: {  	[sflag:s5] =	ssyncadd.s32 @!p0 $0xFFFFFFC0  }
0xbe: {  	_ =	swait.ge @!p0 [sflag:s5], $0x40  }
0xbf: {  	s11 =	simm.s32 @!p0 $0x200;
	[sflag:s5] =	ssyncset.done @!p0 $0x0;
	s9 =	rddreg [dreg:$0xd]  }
0xc0: {  	s13 =	simm.s32 @!p0 $0x9000;
	s0 =	rddreg [dreg:$0x18];
	[sflag:s5] =	ssyncadd.s32 @!p0 $0xFFFFFFC0  }
0xc1: {  	[tilespmem:s13], [sflag:$0xF] =	stream.indirect.gather @!p0 [hbm4b:s1+s6], $0x80, s11, s6, $0xb8;
	[tilespmem:$0x1F000] =	vst v63  }
0xc2: {  	s7 =	sadd.s32 @!p1 $0x0, s15;
	s5 =	simm.s32 @!p0 $0x280;
	s9 =	sadd.s32 @!p0 s0, s9  }
0xc3: {  	[tilespmem:s5], [sflag:$0x6] =	stream.linear.gather @!p0 [hbm4b:s9+s4], $0x40, $0x38;
	[tilespmem:$0x1F000] =	vst v63  }
0xc4: {  	s6 =	rddreg [dreg:$0xc];
	s5 =	sadd.s32 @!p1 $0x280, s7;
	s9 =	simm.s32 @!p0 $0xA80  }
0xc5: {  	[tilespmem:s9], [sflag:$0x6] =	stream.linear.gather @!p0 [hbm4b:s5+s4], $0x40, $0x38;
	[tilespmem:$0x1F000] =	vst v63  }
0xc6: {  	s5 =	sadd.s32 @!p0 s0, s6;
	s6 =	simm.s32 @!p0 $0x300  }
0xc7: {  	[tilespmem:s6], [sflag:$0x7] =	stream.linear.gather @!p0 [hbm4b:s5+s4], $0x40, $0x38;
	[tilespmem:$0x1F000] =	vst v63  }
0xc8: {  	s9 =	rddreg [dreg:$0xb];
	s5 =	sadd.s32 @!p1 $0x300, s7;
	s6 =	simm.s32 @!p0 $0xB00  }
0xc9: {  	[tilespmem:s6], [sflag:$0x7] =	stream.linear.gather @!p0 [hbm4b:s5+s4], $0x40, $0x38;
	[tilespmem:$0x1F000] =	vst v63  }
0xca: {  	s5 =	sadd.s32 @!p0 s0, s9;
	s6 =	simm.s32 @!p0 $0x380  }
0xcb: {  	[tilespmem:s6], [sflag:$0x8] =	stream.linear.gather @!p0 [hbm4b:s5+s4], $0x40, $0x38;
	[tilespmem:$0x1F000] =	vst v63  }
0xcc: {  	s9 =	rddreg [dreg:$0xa];
	s5 =	sadd.s32 @!p1 $0x380, s7;
	s6 =	simm.s32 @!p0 $0xB80  }
0xcd: {  	[tilespmem:s6], [sflag:$0x8] =	stream.linear.gather @!p0 [hbm4b:s5+s4], $0x40, $0x38;
	[tilespmem:$0x1F000] =	vst v63  }
0xce: {  	s5 =	sadd.s32 @!p0 s0, s9;
	s6 =	simm.s32 @!p0 $0x400  }
0xcf: {  	[tilespmem:s6], [sflag:$0x9] =	stream.linear.gather @!p0 [hbm4b:s5+s4], $0x40, $0x38;
	[tilespmem:$0x1F000] =	vst v63  }
0xd0: {  	s9 =	rddreg [dreg:$0x9];
	s5 =	sadd.s32 @!p1 $0x400, s7;
	s6 =	simm.s32 @!p0 $0xC00  }
0xd1: {  	[tilespmem:s6], [sflag:$0x9] =	stream.linear.gather @!p0 [hbm4b:s5+s4], $0x40, $0x38;
	[tilespmem:$0x1F000] =	vst v63  }
0xd2: {  	s5 =	sadd.s32 @!p0 s0, s9;
	s6 =	simm.s32 @!p0 $0x480  }
0xd3: {  	[tilespmem:s6], [sflag:$0xA] =	stream.linear.gather @!p0 [hbm4b:s5+s4], $0x40, $0x38;
	[tilespmem:$0x1F000] =	vst v63  }
0xd4: {  	s11 =	simm.s32 $0xB;
	s5 =	sadd.s32 @!p1 $0x480, s7;
	s6 =	simm.s32 @!p0 $0xC80  }
0xd5: {  	[tilespmem:s6], [sflag:$0xA] =	stream.linear.gather @!p0 [hbm4b:s5+s4], $0x40, $0x38;
	[tilespmem:$0x1F000] =	vst v63  }
0xd6: {  	_ =	swait.ge [sflag:s11], $0x2000  }
0xd7: {  	[sflag:s11] =	ssyncset.done $0x0  }
0xd8: {  	s13 =	simm.s32 $0x1000;
	[sflag:s11] =	ssyncadd.s32 $0xFFFFE000  }
0xd9: {  	[spmem:s2] =	stream.indirect.scatter.add.f32 [tilespmem:s13], [sflag:$0x10], $0x80, s16, s25, $0xb8;
	[tilespmem:$0x1F000] =	vst v63  }
0xda: {  	s16 =	simm.s32 $0xC  }
0xdb: {  	_ =	swait.ge [sflag:s16], $0x2000  }
0xdc: {  	[sflag:s16] =	ssyncset.done $0x0  }
0xdd: {  	[sflag:s16] =	ssyncadd.s32 $0xFFFFE000  }
0xde: {  	[spmem:s2] =	stream.indirect.scatter.add.f32 [tilespmem:s3], [sflag:$0x11], $0x80, s18, s25, $0xb8;
	[tilespmem:$0x1F000] =	vst v63  }
0xdf: {  	s18 =	simm.s32 $0xD  }
0xe0: {  	_ =	swait.ge [sflag:s18], $0x2000  }
0xe1: {  	[sflag:s18] =	ssyncset.done $0x0  }
0xe2: {  	s10 =	simm.s32 $0xE;
	s20 =	simm.s32 $0x5000;
	[sflag:s18] =	ssyncadd.s32 $0xFFFFE000  }
0xe3: {  	[spmem:s2] =	stream.indirect.scatter.add.f32 [tilespmem:s20], [sflag:$0x12], $0x80, s19, s25, $0xb8;
	[tilespmem:$0x1F000] =	vst v63  }
0xe4: {  	_ =	swait.ge [sflag:s10], $0x2000  }
0xe5: {  	[sflag:s10] =	ssyncset.done $0x0  }
0xe6: {  	[sflag:s10] =	ssyncadd.s32 $0xFFFFE000  }
0xe7: {  	[spmem:s2] =	stream.indirect.scatter.add.f32 [tilespmem:s8], [sflag:$0x13], $0x80, s21, s25, $0xb8;
	[tilespmem:$0x1F000] =	vst v63  }
0xe8: {  	s21 =	simm.s32 $0xF  }
0xe9: {  	_ =	swait.ge [sflag:s21], $0x2000  }
0xea: {  	[sflag:s21] =	ssyncset.done $0x0  }
0xeb: {  	s6 =	simm.s32 $0x9000;
	s5 =	simm.s32 $0x10;
	[sflag:s21] =	ssyncadd.s32 $0xFFFFE000  }
0xec: {  	[spmem:s2] =	stream.indirect.scatter.add.f32 [tilespmem:s6], [sflag:$0x14], $0x80, s22, s25, $0xb8;
	[tilespmem:$0x1F000] =	vst v63  }
0xed: {  	_ =	swait.ge [sflag:s5], $0x2000  }
0xee: {  	[sflag:s5] =	ssyncset.done $0x0  }
0xef: {  	s7 =	simm.s32 $0x6;
	[sflag:s5] =	ssyncadd.s32 $0xFFFFE000  }
0xf0: {  	_ =	swait.ge [sflag:s7], $0x40  }
0xf1: {  	[sflag:s7] =	ssyncset.done $0x0  }
0xf2: {  	[sflag:s7] =	ssyncadd.s32 $0xFFFFFFC0  }
0xf3: {  	_ =	swait.ge [sflag:s7], $0x40  }
0xf4: {  	[sflag:s7] =	ssyncset.done $0x0  }
0xf5: {  	s9 =	simm.s32 $0x11;
	[sflag:s7] =	ssyncadd.s32 $0xFFFFFFC0  }
0xf6: {  	[tilespmem:s13], [sflag:$0xB] =	stream.indirect.gather [hbm4b:s1+s25], $0x80, s23, s25, $0xb8;
	[tilespmem:$0x1F000] =	vst v63  }
0xf7: {  	_ =	swait.ge [sflag:s9], $0x2000  }
0xf8: {  	[sflag:s9] =	ssyncset.done $0x0  }
0xf9: {  	s19 =	simm.s32 $0x7;
	[sflag:s9] =	ssyncadd.s32 $0xFFFFE000  }
0xfa: {  	_ =	swait.ge [sflag:s19], $0x40  }
0xfb: {  	[sflag:s19] =	ssyncset.done $0x0  }
0xfc: {  	[sflag:s19] =	ssyncadd.s32 $0xFFFFFFC0  }
0xfd: {  	_ =	swait.ge [sflag:s19], $0x40  }
0xfe: {  	[sflag:s19] =	ssyncset.done $0x0  }
0xff: {  	s21 =	simm.s32 $0x12;
	[sflag:s19] =	ssyncadd.s32 $0xFFFFFFC0  }
0x100: {  	[tilespmem:s3], [sflag:$0xC] =	stream.indirect.gather [hbm4b:s1+s25], $0x80, s26, s25, $0xb8;
	[tilespmem:$0x1F000] =	vst v63  }
0x101: {  	_ =	swait.ge [sflag:s21], $0x2000  }
0x102: {  	[sflag:s21] =	ssyncset.done $0x0  }
0x103: {  	s22 =	simm.s32 $0x8;
	[sflag:s21] =	ssyncadd.s32 $0xFFFFE000  }
0x104: {  	_ =	swait.ge [sflag:s22], $0x40  }
0x105: {  	[sflag:s22] =	ssyncset.done $0x0  }
0x106: {  	[sflag:s22] =	ssyncadd.s32 $0xFFFFFFC0  }
0x107: {  	_ =	swait.ge [sflag:s22], $0x40  }
0x108: {  	[sflag:s22] =	ssyncset.done $0x0  }
0x109: {  	s23 =	simm.s32 $0x13;
	[sflag:s22] =	ssyncadd.s32 $0xFFFFFFC0  }
0x10a: {  	[tilespmem:s20], [sflag:$0xD] =	stream.indirect.gather [hbm4b:s1+s25], $0x80, s29, s25, $0xb8;
	[tilespmem:$0x1F000] =	vst v63  }
0x10b: {  	_ =	swait.ge [sflag:s23], $0x2000  }
0x10c: {  	[sflag:s23] =	ssyncset.done $0x0  }
0x10d: {  	s26 =	simm.s32 $0x9;
	[sflag:s23] =	ssyncadd.s32 $0xFFFFE000  }
0x10e: {  	_ =	swait.ge [sflag:s26], $0x40  }
0x10f: {  	[sflag:s26] =	ssyncset.done $0x0  }
0x110: {  	[sflag:s26] =	ssyncadd.s32 $0xFFFFFFC0  }
0x111: {  	_ =	swait.ge [sflag:s26], $0x40  }
0x112: {  	[sflag:s26] =	ssyncset.done $0x0  }
0x113: {  	s29 =	simm.s32 $0x14;
	[sflag:s26] =	ssyncadd.s32 $0xFFFFFFC0  }
0x114: {  	[tilespmem:s8], [sflag:$0xE] =	stream.indirect.gather [hbm4b:s1+s25], $0x80, s31, s25, $0xb8;
	[tilespmem:$0x1F000] =	vst v63  }
0x115: {  	_ =	swait.ge [sflag:s29], $0x2000  }
0x116: {  	[sflag:s29] =	ssyncset.done $0x0  }
0x117: {  	[sflag:s29] =	ssyncadd.s32 $0xFFFFE000  }
0x118: {  	_ =	swait.ge [sflag:s17], $0x40  }
0x119: {  	[sflag:s17] =	ssyncset.done $0x0  }
0x11a: {  	[sflag:s17] =	ssyncadd.s32 $0xFFFFFFC0  }
0x11b: {  	_ =	swait.ge [sflag:s17], $0x40  }
0x11c: {  	[sflag:s17] =	ssyncset.done $0x0  }
0x11d: {  	p0 =	por $0x0, $0x0;
	s4 =	rddreg [dreg:$0x8];
	[sflag:s17] =	ssyncadd.s32 $0xFFFFFFC0  }
0x11e: {  	[tilespmem:s6], [sflag:$0xF] =	stream.indirect.gather [hbm4b:s1+s25], $0x80, s24, s25, $0xb8;
	[tilespmem:$0x1F000] =	vst v63  }
0x11f: {  	s5 =	simm.s32 @!p0 $0x0;
	s7 =	sadd.s32 @!p0 $0x0, s15;
	s4 =	sadd.s32 @!p0 s0, s4  }
0x120: {  	[tilespmem:s5], [sflag:$0x1] =	stream.linear.gather @!p0 [hbm4b:s4+s5], $0x40, $0x38;
	[tilespmem:$0x1F000] =	vst v63  }
0x121: {  	s9 =	simm.s32 @!p0 $0x800;
	s6 =	rddreg [dreg:$0x7];
	s4 =	sadd.s32 @!p0 $0x500, s7  }
0x122: {  	[tilespmem:s9], [sflag:$0x1] =	stream.linear.gather @!p0 [hbm4b:s4+s5], $0x40, $0x38;
	[tilespmem:$0x1F000] =	vst v63  }
0x123: {  	s4 =	sadd.s32 @!p0 s0, s6;
	s6 =	simm.s32 @!p0 $0x80  }
0x124: {  	[tilespmem:s6], [sflag:$0x2] =	stream.linear.gather @!p0 [hbm4b:s4+s5], $0x40, $0x38;
	[tilespmem:$0x1F000] =	vst v63  }
0x125: {  	s9 =	rddreg [dreg:$0x6];
	s4 =	sadd.s32 @!p0 $0x580, s7;
	s6 =	simm.s32 @!p0 $0x880  }
0x126: {  	[tilespmem:s6], [sflag:$0x2] =	stream.linear.gather @!p0 [hbm4b:s4+s5], $0x40, $0x38;
	[tilespmem:$0x1F000] =	vst v63  }
0x127: {  	s4 =	sadd.s32 @!p0 s0, s9;
	s6 =	simm.s32 @!p0 $0x100  }
0x128: {  	[tilespmem:s6], [sflag:$0x3] =	stream.linear.gather @!p0 [hbm4b:s4+s5], $0x40, $0x38;
	[tilespmem:$0x1F000] =	vst v63  }
0x129: {  	s9 =	rddreg [dreg:$0x5];
	s4 =	sadd.s32 @!p0 $0x600, s7;
	s6 =	simm.s32 @!p0 $0x900  }
0x12a: {  	[tilespmem:s6], [sflag:$0x3] =	stream.linear.gather @!p0 [hbm4b:s4+s5], $0x40, $0x38;
	[tilespmem:$0x1F000] =	vst v63  }
0x12b: {  	s4 =	sadd.s32 @!p0 s0, s9;
	s6 =	simm.s32 @!p0 $0x180  }
0x12c: {  	[tilespmem:s6], [sflag:$0x4] =	stream.linear.gather @!p0 [hbm4b:s4+s5], $0x40, $0x38;
	[tilespmem:$0x1F000] =	vst v63  }
0x12d: {  	s9 =	rddreg [dreg:$0x4];
	s4 =	sadd.s32 @!p0 $0x680, s7;
	s6 =	simm.s32 @!p0 $0x980  }
0x12e: {  	[tilespmem:s6], [sflag:$0x4] =	stream.linear.gather @!p0 [hbm4b:s4+s5], $0x40, $0x38;
	[tilespmem:$0x1F000] =	vst v63  }
0x12f: {  	s4 =	sadd.s32 @!p0 s0, s9;
	s6 =	simm.s32 @!p0 $0x200  }
0x130: {  	[tilespmem:s6], [sflag:$0x5] =	stream.linear.gather @!p0 [hbm4b:s4+s5], $0x40, $0x38;
	[tilespmem:$0x1F000] =	vst v63  }
0x131: {  	s4 =	sadd.s32 @!p0 $0x700, s7;
	s6 =	simm.s32 @!p0 $0xA00  }
0x132: {  	[tilespmem:s6], [sflag:$0x5] =	stream.linear.gather @!p0 [hbm4b:s4+s5], $0x40, $0x38;
	[tilespmem:$0x1F000] =	vst v63  }
0x133: {  	_ =	swait.ge [sflag:s11], $0x2000  }
0x134: {  	[sflag:s11] =	ssyncset.done $0x0  }
0x135: {  	[sflag:s11] =	ssyncadd.s32 $0xFFFFE000  }
0x136: {  	[spmem:s2] =	stream.indirect.scatter.add.f32 [tilespmem:s13], [sflag:$0x10], $0x80, s28, s25, $0xb8;
	[tilespmem:$0x1F000] =	vst v63  }
0x137: {  	_ =	swait.ge [sflag:s16], $0x2000  }
0x138: {  	[sflag:s16] =	ssyncset.done $0x0  }
0x139: {  	[sflag:s16] =	ssyncadd.s32 $0xFFFFE000  }
0x13a: {  	[spmem:s2] =	stream.indirect.scatter.add.f32 [tilespmem:s3], [sflag:$0x11], $0x80, s30, s25, $0xb8;
	[tilespmem:$0x1F000] =	vst v63  }
0x13b: {  	p0 =	por $0x0, $0x0;
	_ =	swait.ge [sflag:s18], $0x2000  }
0x13c: {  	s19 =	simm.s32 $0x500;
	s4 =	sadd.s32 @!p0 $0x500, s15;
	[sflag:s18] =	ssyncset.done $0x0  }
0x13d: {  	s6 =	simm.s32 $0xA00;
	s22 =	sadd.s32 @!p0 $0x380, s4;
	[sflag:s18] =	ssyncadd.s32 $0xFFFFE000  }
0x13e: {  	[spmem:s2] =	stream.indirect.scatter.add.f32 [tilespmem:s20], [sflag:$0x12], $0x80, s14, s25, $0xb8;
	[tilespmem:$0x1F000] =	vst v63  }
0x13f: {  	s21 =	sadd.s32 @!p0 $0x400, s4;
	s31 =	sadd.s32 @!p0 $0x280, s4;
	_ =	swait.ge [sflag:s10], $0x2000  }
0x140: {  	s23 =	sadd.s32 @!p0 $0x300, s4;
	s20 =	sadd.s32 @!p0 $0x480, s4;
	[sflag:s10] =	ssyncset.done $0x0  }
0x141: {  	p0 =	por p0, p0;
	s4 =	smov.u32 s0;
	[sflag:s10] =	ssyncadd.s32 $0xFFFFE000  }
0x142: {  	[spmem:s2] =	stream.indirect.scatter.add.f32 [tilespmem:s8], [sflag:$0x13], $0x80, s12, s25, $0xb8;
	[tilespmem:$0x1F000] =	vst v63  }
.LBB2_2:
0x143: {  	s12 =	simm.s32 $0xF  }
0x144: {  	_ =	swait.ge [sflag:s12], $0x2000  }
0x145: {  	s24 =	simm.s32 @p0 $0x1;
	[sflag:s12] =	ssyncset.done $0x0  }
0x146: {  	s0 =	simm.s32 $0xC80;
	s14 =	simm.s32 $0x9000;
	[sflag:s12] =	ssyncadd.s32 $0xFFFFE000  }
0x147: {  	[spmem:s2] =	stream.indirect.scatter.add.f32 [tilespmem:s14], [sflag:$0x14], $0x80, s0, s25, $0xb8;
	[tilespmem:$0x1F000] =	vst v63  }
0x148: {  	s15 =	rddreg [dreg:$0xe];
	_ =	swait.ge @p0 [sflag:s24], $0x40  }
0x149: {  	[sflag:s24] =	ssyncset.done @p0 $0x0  }
0x14a: {  	[sflag:s24] =	ssyncadd.s32 @p0 $0xFFFFFFC0  }
0x14b: {  	_ =	swait.ge @p0 [sflag:s24], $0x40  }
0x14c: {  	s28 =	simm.s32 @p0 $0x1000;
	s30 =	simm.s32 @!p0 $0x10;
	[sflag:s24] =	ssyncset.done @p0 $0x0  }
0x14d: {  	s29 =	simm.s32 @p0 $0x40;
	s18 =	simm.s32 @p0 $0x0;
	[sflag:s24] =	ssyncadd.s32 @p0 $0xFFFFFFC0  }
0x14e: {  	[tilespmem:s28], [sflag:$0xB] =	stream.indirect.gather @p0 [hbm4b:s1+s29], $0x80, s18, s29, $0xb8;
	[tilespmem:$0x1F000] =	vst v63  }
0x14f: {  	_ =	swait.ge @!p0 [sflag:s30], $0x2000  }
0x150: {  	s7 =	smov.u32 s6;
	[sflag:s30] =	ssyncset.done @!p0 $0x0  }
0x151: {  	p2 =	seq.s32 s7, $0x0;
	s18 =	simm.s32 @!p0 $0x1;
	[sflag:s30] =	ssyncadd.s32 @!p0 $0xFFFFE000  }
0x152: {  	s16 =	sadd.s32 @!p2 s7, s15;
	_ =	swait.ge @!p0 [sflag:s18], $0x40  }
0x153: {  	s13 =	sadd.s32 @!p2 $0x380, s16;
	[sflag:s18] =	ssyncset.done @!p0 $0x0  }
0x154: {  	s11 =	sadd.s32 @!p2 $0x400, s16;
	s5 =	sadd.s32 @!p2 $0x280, s16;
	[sflag:s18] =	ssyncadd.s32 @!p0 $0xFFFFFFC0  }
0x155: {  	s9 =	sadd.s32 @!p2 $0x480, s16;
	s26 =	sadd.s32 @!p2 $0x300, s16;
	_ =	swait.ge @!p0 [sflag:s18], $0x40  }
0x156: {  	s16 =	simm.s32 @!p0 $0x0;
	s24 =	simm.s32 @!p0 $0x40;
	[sflag:s18] =	ssyncset.done @!p0 $0x0  }
0x157: {  	s28 =	simm.s32 @!p0 $0x1000;
	s30 =	simm.s32 @!p0 $0x11;
	[sflag:s18] =	ssyncadd.s32 @!p0 $0xFFFFFFC0  }
0x158: {  	[tilespmem:s28], [sflag:$0xB] =	stream.indirect.gather @!p0 [hbm4b:s1+s24], $0x80, s16, s24, $0xb8;
	[tilespmem:$0x1F000] =	vst v63  }
0x159: {  	_ =	swait.ge @!p0 [sflag:s30], $0x2000  }
0x15a: {  	[sflag:s30] =	ssyncset.done @!p0 $0x0  }
0x15b: {  	s8 =	simm.s32 $0x2;
	[sflag:s30] =	ssyncadd.s32 @!p0 $0xFFFFE000  }
0x15c: {  	_ =	swait.ge [sflag:s8], $0x40  }
0x15d: {  	[sflag:s8] =	ssyncset.done $0x0  }
0x15e: {  	[sflag:s8] =	ssyncadd.s32 $0xFFFFFFC0  }
0x15f: {  	_ =	swait.ge [sflag:s8], $0x40  }
0x160: {  	s10 =	simm.s32 $0x80;
	[sflag:s8] =	ssyncset.done $0x0  }
0x161: {  	s3 =	simm.s32 $0x3000;
	s18 =	simm.s32 @p0 $0x3;
	[sflag:s8] =	ssyncadd.s32 $0xFFFFFFC0  }
0x162: {  	[tilespmem:s3], [sflag:$0xC] =	stream.indirect.gather [hbm4b:s1+s25], $0x80, s10, s25, $0xb8;
	[tilespmem:$0x1F000] =	vst v63  }
0x163: {  	_ =	swait.ge @p0 [sflag:s18], $0x40  }
0x164: {  	[sflag:s18] =	ssyncset.done @p0 $0x0  }
0x165: {  	[sflag:s18] =	ssyncadd.s32 @p0 $0xFFFFFFC0  }
0x166: {  	_ =	swait.ge @p0 [sflag:s18], $0x40  }
0x167: {  	s0 =	simm.s32 @p0 $0x5000;
	[sflag:s18] =	ssyncset.done @p0 $0x0  }
0x168: {  	s28 =	simm.s32 @!p0 $0x12;
	s30 =	simm.s32 @p0 $0x100;
	[sflag:s18] =	ssyncadd.s32 @p0 $0xFFFFFFC0  }
0x169: {  	[tilespmem:s0], [sflag:$0xD] =	stream.indirect.gather @p0 [hbm4b:s1+s29], $0x80, s30, s29, $0xb8;
	[tilespmem:$0x1F000] =	vst v63  }
0x16a: {  	_ =	swait.ge @!p0 [sflag:s28], $0x2000  }
0x16b: {  	[sflag:s28] =	ssyncset.done @!p0 $0x0  }
0x16c: {  	s0 =	simm.s32 @!p0 $0x3;
	[sflag:s28] =	ssyncadd.s32 @!p0 $0xFFFFE000  }
0x16d: {  	_ =	swait.ge @!p0 [sflag:s0], $0x40  }
0x16e: {  	[sflag:s0] =	ssyncset.done @!p0 $0x0  }
0x16f: {  	[sflag:s0] =	ssyncadd.s32 @!p0 $0xFFFFFFC0  }
0x170: {  	_ =	swait.ge @!p0 [sflag:s0], $0x40  }
0x171: {  	s18 =	simm.s32 @!p0 $0x13;
	[sflag:s0] =	ssyncset.done @!p0 $0x0  }
0x172: {  	s30 =	simm.s32 @!p0 $0x5000;
	s28 =	simm.s32 @!p0 $0x100;
	[sflag:s0] =	ssyncadd.s32 @!p0 $0xFFFFFFC0  }
0x173: {  	[tilespmem:s30], [sflag:$0xD] =	stream.indirect.gather @!p0 [hbm4b:s1+s24], $0x80, s28, s24, $0xb8;
	[tilespmem:$0x1F000] =	vst v63  }
0x174: {  	_ =	swait.ge @!p0 [sflag:s18], $0x2000  }
0x175: {  	[sflag:s18] =	ssyncset.done @!p0 $0x0  }
0x176: {  	s28 =	simm.s32 $0x4;
	[sflag:s18] =	ssyncadd.s32 @!p0 $0xFFFFE000  }
0x177: {  	_ =	swait.ge [sflag:s28], $0x40  }
0x178: {  	[sflag:s28] =	ssyncset.done $0x0  }
0x179: {  	[sflag:s28] =	ssyncadd.s32 $0xFFFFFFC0  }
0x17a: {  	_ =	swait.ge [sflag:s28], $0x40  }
0x17b: {  	s8 =	simm.s32 $0x7000;
	[sflag:s28] =	ssyncset.done $0x0  }
0x17c: {  	s0 =	simm.s32 @p0 $0x5;
	s30 =	simm.s32 $0x180;
	[sflag:s28] =	ssyncadd.s32 $0xFFFFFFC0  }
0x17d: {  	[tilespmem:s8], [sflag:$0xE] =	stream.indirect.gather [hbm4b:s1+s25], $0x80, s30, s25, $0xb8;
	[tilespmem:$0x1F000] =	vst v63  }
0x17e: {  	_ =	swait.ge @p0 [sflag:s0], $0x40  }
0x17f: {  	[sflag:s0] =	ssyncset.done @p0 $0x0  }
0x180: {  	[sflag:s0] =	ssyncadd.s32 @p0 $0xFFFFFFC0  }
0x181: {  	_ =	swait.ge @p0 [sflag:s0], $0x40  }
0x182: {  	s18 =	simm.s32 @!p0 $0x14;
	[sflag:s0] =	ssyncset.done @p0 $0x0  }
0x183: {  	s28 =	simm.s32 @p0 $0x200;
	s30 =	simm.s32 @p0 $0x9000;
	[sflag:s0] =	ssyncadd.s32 @p0 $0xFFFFFFC0  }
0x184: {  	[tilespmem:s30], [sflag:$0xF] =	stream.indirect.gather @p0 [hbm4b:s1+s29], $0x80, s28, s29, $0xb8;
	[tilespmem:$0x1F000] =	vst v63  }
0x185: {  	_ =	swait.ge @!p0 [sflag:s18], $0x2000  }
0x186: {  	[sflag:s18] =	ssyncset.done @!p0 $0x0  }
0x187: {  	s0 =	simm.s32 @!p0 $0x5;
	[sflag:s18] =	ssyncadd.s32 @!p0 $0xFFFFE000  }
0x188: {  	_ =	swait.ge @!p0 [sflag:s0], $0x40  }
0x189: {  	[sflag:s0] =	ssyncset.done @!p0 $0x0  }
0x18a: {  	[sflag:s0] =	ssyncadd.s32 @!p0 $0xFFFFFFC0  }
0x18b: {  	_ =	swait.ge @!p0 [sflag:s0], $0x40  }
0x18c: {  	s4 =	sadd.s32 $0xA00, s4;
	s28 =	simm.s32 @!p0 $0x9000;
	[sflag:s0] =	ssyncset.done @!p0 $0x0  }
0x18d: {  	s18 =	simm.s32 @!p0 $0x200;
	s29 =	rddreg [dreg:$0xd];
	[sflag:s0] =	ssyncadd.s32 @!p0 $0xFFFFFFC0  }
0x18e: {  	[tilespmem:s28], [sflag:$0xF] =	stream.indirect.gather @!p0 [hbm4b:s1+s24], $0x80, s18, s24, $0xb8;
	[tilespmem:$0x1F000] =	vst v63  }
0x18f: {  	s0 =	simm.s32 @!p0 $0x280;
	s18 =	sadd.s32 @!p0 s4, s29  }
0x190: {  	[tilespmem:s0], [sflag:$0x6] =	stream.linear.gather @!p0 [hbm4b:s18+s16], $0x40, $0x38;
	[tilespmem:$0x1F000] =	vst v63  }
0x191: {  	s30 =	rddreg [dreg:$0xc];
	s24 =	simm.s32 @!p0 $0xA80  }
0x192: {  	[tilespmem:s24], [sflag:$0x6] =	stream.linear.gather @!p0 [hbm4b:s31+s16], $0x40, $0x38;
	[tilespmem:$0x1F000] =	vst v63  }
0x193: {  	s0 =	sadd.s32 @!p0 s4, s30;
	s18 =	simm.s32 @!p0 $0x300  }
0x194: {  	[tilespmem:s18], [sflag:$0x7] =	stream.linear.gather @!p0 [hbm4b:s0+s16], $0x40, $0x38;
	[tilespmem:$0x1F000] =	vst v63  }
0x195: {  	s28 =	rddreg [dreg:$0xb];
	s24 =	simm.s32 @!p0 $0xB00  }
0x196: {  	[tilespmem:s24], [sflag:$0x7] =	stream.linear.gather @!p0 [hbm4b:s23+s16], $0x40, $0x38;
	[tilespmem:$0x1F000] =	vst v63  }
0x197: {  	s31 =	smov.u32 s5;
	s5 =	simm.s32 @!p0 $0x380;
	s0 =	sadd.s32 @!p0 s4, s28  }
0x198: {  	[tilespmem:s5], [sflag:$0x8] =	stream.linear.gather @!p0 [hbm4b:s0+s16], $0x40, $0x38;
	[tilespmem:$0x1F000] =	vst v63  }
0x199: {  	s18 =	rddreg [dreg:$0xa];
	s24 =	simm.s32 @!p0 $0xB80  }
0x19a: {  	[tilespmem:s24], [sflag:$0x8] =	stream.linear.gather @!p0 [hbm4b:s22+s16], $0x40, $0x38;
	[tilespmem:$0x1F000] =	vst v63  }
0x19b: {  	s0 =	sadd.s32 @!p0 s4, s18;
	s5 =	simm.s32 @!p0 $0x400  }
0x19c: {  	[tilespmem:s5], [sflag:$0x9] =	stream.linear.gather @!p0 [hbm4b:s0+s16], $0x40, $0x38;
	[tilespmem:$0x1F000] =	vst v63  }
0x19d: {  	s18 =	rddreg [dreg:$0x9];
	s24 =	simm.s32 @!p0 $0xC00  }
0x19e: {  	[tilespmem:s24], [sflag:$0x9] =	stream.linear.gather @!p0 [hbm4b:s21+s16], $0x40, $0x38;
	[tilespmem:$0x1F000] =	vst v63  }
0x19f: {  	s0 =	sadd.s32 @!p0 s4, s18;
	s5 =	simm.s32 @!p0 $0x480  }
0x1a0: {  	[tilespmem:s5], [sflag:$0xA] =	stream.linear.gather @!p0 [hbm4b:s0+s16], $0x40, $0x38;
	[tilespmem:$0x1F000] =	vst v63  }
0x1a1: {  	s22 =	smov.u32 s13;
	s13 =	simm.s32 @!p0 $0xC80;
	s24 =	simm.s32 $0xB  }
0x1a2: {  	[tilespmem:s13], [sflag:$0xA] =	stream.linear.gather @!p0 [hbm4b:s20+s16], $0x40, $0x38;
	[tilespmem:$0x1F000] =	vst v63  }
0x1a3: {  	_ =	swait.ge [sflag:s24], $0x2000  }
0x1a4: {  	s10 =	simm.s32 $0x800;
	s28 =	simm.s32 $0xC;
	[sflag:s24] =	ssyncset.done $0x0  }
0x1a5: {  	s23 =	smov.u32 s26;
	s26 =	simm.s32 $0x1000;
	[sflag:s24] =	ssyncadd.s32 $0xFFFFE000  }
0x1a6: {  	[spmem:s2] =	stream.indirect.scatter.add.f32 [tilespmem:s26], [sflag:$0x10], $0x80, s10, s25, $0xb8;
	[tilespmem:$0x1F000] =	vst v63  }
0x1a7: {  	_ =	swait.ge [sflag:s28], $0x2000  }
0x1a8: {  	s29 =	simm.s32 $0xD;
	[sflag:s28] =	ssyncset.done $0x0  }
0x1a9: {  	s21 =	smov.u32 s11;
	s11 =	simm.s32 $0x880;
	[sflag:s28] =	ssyncadd.s32 $0xFFFFE000  }
0x1aa: {  	[spmem:s2] =	stream.indirect.scatter.add.f32 [tilespmem:s3], [sflag:$0x11], $0x80, s11, s25, $0xb8;
	[tilespmem:$0x1F000] =	vst v63  }
0x1ab: {  	_ =	swait.ge [sflag:s29], $0x2000  }
0x1ac: {  	s30 =	simm.s32 $0x5000;
	[sflag:s29] =	ssyncset.done $0x0  }
0x1ad: {  	s13 =	simm.s32 $0x900;
	s10 =	simm.s32 $0xE;
	[sflag:s29] =	ssyncadd.s32 $0xFFFFE000  }
0x1ae: {  	[spmem:s2] =	stream.indirect.scatter.add.f32 [tilespmem:s30], [sflag:$0x12], $0x80, s13, s25, $0xb8;
	[tilespmem:$0x1F000] =	vst v63  }
0x1af: {  	_ =	swait.ge [sflag:s10], $0x2000  }
0x1b0: {  	[sflag:s10] =	ssyncset.done $0x0  }
0x1b1: {  	s16 =	simm.s32 $0x980;
	[sflag:s10] =	ssyncadd.s32 $0xFFFFE000  }
0x1b2: {  	[spmem:s2] =	stream.indirect.scatter.add.f32 [tilespmem:s8], [sflag:$0x13], $0x80, s16, s25, $0xb8;
	[tilespmem:$0x1F000] =	vst v63  }
0x1b3: {  	_ =	swait.ge [sflag:s12], $0x2000  }
0x1b4: {  	[sflag:s12] =	ssyncset.done $0x0  }
0x1b5: {  	s18 =	simm.s32 $0xA00;
	s5 =	simm.s32 $0x10;
	[sflag:s12] =	ssyncadd.s32 $0xFFFFE000  }
0x1b6: {  	[spmem:s2] =	stream.indirect.scatter.add.f32 [tilespmem:s14], [sflag:$0x14], $0x80, s18, s25, $0xb8;
	[tilespmem:$0x1F000] =	vst v63  }
0x1b7: {  	_ =	swait.ge [sflag:s5], $0x2000  }
0x1b8: {  	[sflag:s5] =	ssyncset.done $0x0  }
0x1b9: {  	s20 =	smov.u32 s9;
	s9 =	simm.s32 $0x6;
	[sflag:s5] =	ssyncadd.s32 $0xFFFFE000  }
0x1ba: {  	_ =	swait.ge [sflag:s9], $0x40  }
0x1bb: {  	[sflag:s9] =	ssyncset.done $0x0  }
0x1bc: {  	[sflag:s9] =	ssyncadd.s32 $0xFFFFFFC0  }
0x1bd: {  	_ =	swait.ge [sflag:s9], $0x40  }
0x1be: {  	[sflag:s9] =	ssyncset.done $0x0  }
0x1bf: {  	s11 =	simm.s32 $0x280;
	s12 =	simm.s32 $0x11;
	[sflag:s9] =	ssyncadd.s32 $0xFFFFFFC0  }
0x1c0: {  	[tilespmem:s26], [sflag:$0xB] =	stream.indirect.gather [hbm4b:s1+s25], $0x80, s11, s25, $0xb8;
	[tilespmem:$0x1F000] =	vst v63  }
0x1c1: {  	_ =	swait.ge [sflag:s12], $0x2000  }
0x1c2: {  	[sflag:s12] =	ssyncset.done $0x0  }
0x1c3: {  	s13 =	simm.s32 $0x7;
	[sflag:s12] =	ssyncadd.s32 $0xFFFFE000  }
0x1c4: {  	_ =	swait.ge [sflag:s13], $0x40  }
0x1c5: {  	[sflag:s13] =	ssyncset.done $0x0  }
0x1c6: {  	[sflag:s13] =	ssyncadd.s32 $0xFFFFFFC0  }
0x1c7: {  	_ =	swait.ge [sflag:s13], $0x40  }
0x1c8: {  	[sflag:s13] =	ssyncset.done $0x0  }
0x1c9: {  	s16 =	simm.s32 $0x300;
	s18 =	simm.s32 $0x12;
	[sflag:s13] =	ssyncadd.s32 $0xFFFFFFC0  }
0x1ca: {  	[tilespmem:s3], [sflag:$0xC] =	stream.indirect.gather [hbm4b:s1+s25], $0x80, s16, s25, $0xb8;
	[tilespmem:$0x1F000] =	vst v63  }
0x1cb: {  	_ =	swait.ge [sflag:s18], $0x2000  }
0x1cc: {  	[sflag:s18] =	ssyncset.done $0x0  }
0x1cd: {  	s5 =	simm.s32 $0x8;
	[sflag:s18] =	ssyncadd.s32 $0xFFFFE000  }
0x1ce: {  	_ =	swait.ge [sflag:s5], $0x40  }
0x1cf: {  	[sflag:s5] =	ssyncset.done $0x0  }
0x1d0: {  	[sflag:s5] =	ssyncadd.s32 $0xFFFFFFC0  }
0x1d1: {  	_ =	swait.ge [sflag:s5], $0x40  }
0x1d2: {  	[sflag:s5] =	ssyncset.done $0x0  }
0x1d3: {  	s9 =	simm.s32 $0x380;
	s11 =	simm.s32 $0x13;
	[sflag:s5] =	ssyncadd.s32 $0xFFFFFFC0  }
0x1d4: {  	[tilespmem:s30], [sflag:$0xD] =	stream.indirect.gather [hbm4b:s1+s25], $0x80, s9, s25, $0xb8;
	[tilespmem:$0x1F000] =	vst v63  }
0x1d5: {  	_ =	swait.ge [sflag:s11], $0x2000  }
0x1d6: {  	[sflag:s11] =	ssyncset.done $0x0  }
0x1d7: {  	s12 =	simm.s32 $0x9;
	[sflag:s11] =	ssyncadd.s32 $0xFFFFE000  }
0x1d8: {  	_ =	swait.ge [sflag:s12], $0x40  }
0x1d9: {  	[sflag:s12] =	ssyncset.done $0x0  }
0x1da: {  	[sflag:s12] =	ssyncadd.s32 $0xFFFFFFC0  }
0x1db: {  	_ =	swait.ge [sflag:s12], $0x40  }
0x1dc: {  	[sflag:s12] =	ssyncset.done $0x0  }
0x1dd: {  	s13 =	simm.s32 $0x400;
	s16 =	simm.s32 $0x14;
	[sflag:s12] =	ssyncadd.s32 $0xFFFFFFC0  }
0x1de: {  	[tilespmem:s8], [sflag:$0xE] =	stream.indirect.gather [hbm4b:s1+s25], $0x80, s13, s25, $0xb8;
	[tilespmem:$0x1F000] =	vst v63  }
0x1df: {  	_ =	swait.ge [sflag:s16], $0x2000  }
0x1e0: {  	[sflag:s16] =	ssyncset.done $0x0  }
0x1e1: {  	[sflag:s16] =	ssyncadd.s32 $0xFFFFE000  }
0x1e2: {  	_ =	swait.ge [sflag:s17], $0x40  }
0x1e3: {  	[sflag:s17] =	ssyncset.done $0x0  }
0x1e4: {  	[sflag:s17] =	ssyncadd.s32 $0xFFFFFFC0  }
0x1e5: {  	p0 =	por p2, p2;
	p2 =	seq.s32 s19, $0x4B00;
	_ =	swait.ge [sflag:s17], $0x40  }
0x1e6: {  	s0 =	simm.s32 @!p2 $0x0;
	[sflag:s17] =	ssyncset.done $0x0  }
0x1e7: {  	s18 =	simm.s32 $0x480;
	s9 =	rddreg [dreg:$0x8];
	[sflag:s17] =	ssyncadd.s32 $0xFFFFFFC0  }
0x1e8: {  	[tilespmem:s14], [sflag:$0xF] =	stream.indirect.gather [hbm4b:s1+s25], $0x80, s18, s25, $0xb8;
	[tilespmem:$0x1F000] =	vst v63  }
0x1e9: {  	s11 =	sadd.s32 @!p2 s19, s15;
	s19 =	smov.u32 s7;
	s9 =	sadd.s32 @!p2 s4, s9  }
0x1ea: {  	[tilespmem:s0], [sflag:$0x1] =	stream.linear.gather @!p2 [hbm4b:s9+s0], $0x40, $0x38;
	[tilespmem:$0x1F000] =	vst v63  }
0x1eb: {  	s7 =	sadd.s32 @!p2 $0x500, s11;
	s5 =	rddreg [dreg:$0x7];
	s9 =	simm.s32 @!p2 $0x800  }
0x1ec: {  	[tilespmem:s9], [sflag:$0x1] =	stream.linear.gather @!p2 [hbm4b:s7+s0], $0x40, $0x38;
	[tilespmem:$0x1F000] =	vst v63  }
0x1ed: {  	s5 =	sadd.s32 @!p2 s4, s5;
	s7 =	simm.s32 @!p2 $0x80  }
0x1ee: {  	[tilespmem:s7], [sflag:$0x2] =	stream.linear.gather @!p2 [hbm4b:s5+s0], $0x40, $0x38;
	[tilespmem:$0x1F000] =	vst v63  }
0x1ef: {  	s13 =	sadd.s32 @!p2 $0x580, s11;
	s9 =	rddreg [dreg:$0x6];
	s5 =	simm.s32 @!p2 $0x880  }
0x1f0: {  	[tilespmem:s5], [sflag:$0x2] =	stream.linear.gather @!p2 [hbm4b:s13+s0], $0x40, $0x38;
	[tilespmem:$0x1F000] =	vst v63  }
0x1f1: {  	s7 =	simm.s32 @!p2 $0x100;
	s5 =	sadd.s32 @!p2 s4, s9  }
0x1f2: {  	[tilespmem:s7], [sflag:$0x3] =	stream.linear.gather @!p2 [hbm4b:s5+s0], $0x40, $0x38;
	[tilespmem:$0x1F000] =	vst v63  }
0x1f3: {  	s16 =	sadd.s32 @!p2 $0x600, s11;
	s9 =	rddreg [dreg:$0x5];
	s5 =	simm.s32 @!p2 $0x900  }
0x1f4: {  	[tilespmem:s5], [sflag:$0x3] =	stream.linear.gather @!p2 [hbm4b:s16+s0], $0x40, $0x38;
	[tilespmem:$0x1F000] =	vst v63  }
0x1f5: {  	s7 =	simm.s32 @!p2 $0x180;
	s5 =	sadd.s32 @!p2 s4, s9  }
0x1f6: {  	[tilespmem:s7], [sflag:$0x4] =	stream.linear.gather @!p2 [hbm4b:s5+s0], $0x40, $0x38;
	[tilespmem:$0x1F000] =	vst v63  }
0x1f7: {  	s18 =	sadd.s32 @!p2 $0x680, s11;
	s9 =	rddreg [dreg:$0x4];
	s5 =	simm.s32 @!p2 $0x980  }
0x1f8: {  	[tilespmem:s5], [sflag:$0x4] =	stream.linear.gather @!p2 [hbm4b:s18+s0], $0x40, $0x38;
	[tilespmem:$0x1F000] =	vst v63  }
0x1f9: {  	s7 =	simm.s32 @!p2 $0x200;
	s5 =	sadd.s32 @!p2 s4, s9  }
0x1fa: {  	[tilespmem:s7], [sflag:$0x5] =	stream.linear.gather @!p2 [hbm4b:s5+s0], $0x40, $0x38;
	[tilespmem:$0x1F000] =	vst v63  }
0x1fb: {  	s11 =	sadd.s32 @!p2 $0x700, s11;
	s5 =	simm.s32 @!p2 $0xA00  }
0x1fc: {  	[tilespmem:s5], [sflag:$0x5] =	stream.linear.gather @!p2 [hbm4b:s11+s0], $0x40, $0x38;
	[tilespmem:$0x1F000] =	vst v63  }
0x1fd: {  	_ =	swait.ge [sflag:s24], $0x2000  }
0x1fe: {  	[sflag:s24] =	ssyncset.done $0x0  }
0x1ff: {  	[sflag:s24] =	ssyncadd.s32 $0xFFFFE000;
	s24 =	simm.s32 $0xA80  }
0x200: {  	[spmem:s2] =	stream.indirect.scatter.add.f32 [tilespmem:s26], [sflag:$0x10], $0x80, s24, s25, $0xb8;
	[tilespmem:$0x1F000] =	vst v63  }
0x201: {  	_ =	swait.ge [sflag:s28], $0x2000  }
0x202: {  	[sflag:s28] =	ssyncset.done $0x0  }
0x203: {  	[sflag:s28] =	ssyncadd.s32 $0xFFFFE000;
	s28 =	simm.s32 $0xB00  }
0x204: {  	[spmem:s2] =	stream.indirect.scatter.add.f32 [tilespmem:s3], [sflag:$0x11], $0x80, s28, s25, $0xb8;
	[tilespmem:$0x1F000] =	vst v63  }
0x205: {  	_ =	swait.ge [sflag:s29], $0x2000  }
0x206: {  	s6 =	sadd.s32 $0x500, s6;
	[sflag:s29] =	ssyncset.done $0x0  }
0x207: {  	p1 =	sne.s32 s6, $0x5000;
	[sflag:s29] =	ssyncadd.s32 $0xFFFFE000;
	s29 =	simm.s32 $0xB80  }
0x208: {  	[spmem:s2] =	stream.indirect.scatter.add.f32 [tilespmem:s30], [sflag:$0x12], $0x80, s29, s25, $0xb8;
	[tilespmem:$0x1F000] =	vst v63  }
.Ltmp0:
0x209: {  	_ = 	snop;
	(pc) =	sbr.rel @p1 .LBB2_2-.Ltmp0, $4  }
0x20a: {  	_ =	swait.ge [sflag:s10], $0x2000  }
0x20b: {  	[sflag:s10] =	ssyncset.done $0x0  }
0x20c: {  	s30 =	simm.s32 $0xC00;
	[sflag:s10] =	ssyncadd.s32 $0xFFFFE000  }
0x20d: {  	[spmem:s2] =	stream.indirect.scatter.add.f32 [tilespmem:s8], [sflag:$0x13], $0x80, s30, s25, $0xb8;
	[tilespmem:$0x1F000] =	vst v63  }
0x20e: {  	s12 =	simm.s32 $0xF  }
0x20f: {  	_ =	swait.ge [sflag:s12], $0x2000  }
0x210: {  	s0 =	simm.s32 @p0 $0x1;
	[sflag:s12] =	ssyncset.done $0x0  }
0x211: {  	s13 =	simm.s32 $0xC80;
	s14 =	simm.s32 $0x9000;
	[sflag:s12] =	ssyncadd.s32 $0xFFFFE000  }
0x212: {  	[spmem:s2] =	stream.indirect.scatter.add.f32 [tilespmem:s14], [sflag:$0x14], $0x80, s13, s25, $0xb8;
	[tilespmem:$0x1F000] =	vst v63  }
0x213: {  	_ =	swait.ge @p0 [sflag:s0], $0x40  }
0x214: {  	[sflag:s0] =	ssyncset.done @p0 $0x0  }
0x215: {  	[sflag:s0] =	ssyncadd.s32 @p0 $0xFFFFFFC0  }
0x216: {  	_ =	swait.ge @p0 [sflag:s0], $0x40  }
0x217: {  	s5 =	simm.s32 @p0 $0x1000;
	s7 =	simm.s32 @!p0 $0x10;
	[sflag:s0] =	ssyncset.done @p0 $0x0  }
0x218: {  	s6 =	simm.s32 @p0 $0x40;
	s9 =	simm.s32 @p0 $0x0;
	[sflag:s0] =	ssyncadd.s32 @p0 $0xFFFFFFC0  }
0x219: {  	[tilespmem:s5], [sflag:$0xB] =	stream.indirect.gather @p0 [hbm4b:s1+s6], $0x80, s9, s6, $0xb8;
	[tilespmem:$0x1F000] =	vst v63  }
0x21a: {  	_ =	swait.ge @!p0 [sflag:s7], $0x2000  }
0x21b: {  	[sflag:s7] =	ssyncset.done @!p0 $0x0  }
0x21c: {  	s0 =	simm.s32 @!p0 $0x1;
	[sflag:s7] =	ssyncadd.s32 @!p0 $0xFFFFE000  }
0x21d: {  	_ =	swait.ge @!p0 [sflag:s0], $0x40  }
0x21e: {  	[sflag:s0] =	ssyncset.done @!p0 $0x0  }
0x21f: {  	[sflag:s0] =	ssyncadd.s32 @!p0 $0xFFFFFFC0  }
0x220: {  	_ =	swait.ge @!p0 [sflag:s0], $0x40  }
0x221: {  	s11 =	simm.s32 @!p0 $0x11;
	s9 =	simm.s32 @!p0 $0x1000;
	[sflag:s0] =	ssyncset.done @!p0 $0x0  }
0x222: {  	s5 =	simm.s32 @!p0 $0x0;
	s7 =	simm.s32 @!p0 $0x40;
	[sflag:s0] =	ssyncadd.s32 @!p0 $0xFFFFFFC0  }
0x223: {  	[tilespmem:s9], [sflag:$0xB] =	stream.indirect.gather @!p0 [hbm4b:s1+s7], $0x80, s5, s7, $0xb8;
	[tilespmem:$0x1F000] =	vst v63  }
0x224: {  	_ =	swait.ge @!p0 [sflag:s11], $0x2000  }
0x225: {  	[sflag:s11] =	ssyncset.done @!p0 $0x0  }
0x226: {  	s24 =	simm.s32 $0x2;
	[sflag:s11] =	ssyncadd.s32 @!p0 $0xFFFFE000  }
0x227: {  	_ =	swait.ge [sflag:s24], $0x40  }
0x228: {  	[sflag:s24] =	ssyncset.done $0x0  }
0x229: {  	[sflag:s24] =	ssyncadd.s32 $0xFFFFFFC0  }
0x22a: {  	_ =	swait.ge [sflag:s24], $0x40  }
0x22b: {  	s26 =	simm.s32 $0x80;
	[sflag:s24] =	ssyncset.done $0x0  }
0x22c: {  	s3 =	simm.s32 $0x3000;
	s0 =	simm.s32 @p0 $0x3;
	[sflag:s24] =	ssyncadd.s32 $0xFFFFFFC0  }
0x22d: {  	[tilespmem:s3], [sflag:$0xC] =	stream.indirect.gather [hbm4b:s1+s25], $0x80, s26, s25, $0xb8;
	[tilespmem:$0x1F000] =	vst v63  }
0x22e: {  	_ =	swait.ge @p0 [sflag:s0], $0x40  }
0x22f: {  	[sflag:s0] =	ssyncset.done @p0 $0x0  }
0x230: {  	[sflag:s0] =	ssyncadd.s32 @p0 $0xFFFFFFC0  }
0x231: {  	_ =	swait.ge @p0 [sflag:s0], $0x40  }
0x232: {  	[sflag:s0] =	ssyncset.done @p0 $0x0  }
0x233: {  	s9 =	simm.s32 @p0 $0x100;
	[sflag:s0] =	ssyncadd.s32 @p0 $0xFFFFFFC0;
	s0 =	simm.s32 @p0 $0x5000  }
0x234: {  	[tilespmem:s0], [sflag:$0xD] =	stream.indirect.gather @p0 [hbm4b:s1+s6], $0x80, s9, s6, $0xb8;
	[tilespmem:$0x1F000] =	vst v63  }
0x235: {  	s0 =	simm.s32 @!p0 $0x12  }
0x236: {  	_ =	swait.ge @!p0 [sflag:s0], $0x2000  }
0x237: {  	[sflag:s0] =	ssyncset.done @!p0 $0x0  }
0x238: {  	s9 =	simm.s32 @!p0 $0x3;
	[sflag:s0] =	ssyncadd.s32 @!p0 $0xFFFFE000  }
0x239: {  	_ =	swait.ge @!p0 [sflag:s9], $0x40  }
0x23a: {  	[sflag:s9] =	ssyncset.done @!p0 $0x0  }
0x23b: {  	[sflag:s9] =	ssyncadd.s32 @!p0 $0xFFFFFFC0  }
0x23c: {  	_ =	swait.ge @!p0 [sflag:s9], $0x40  }
0x23d: {  	[sflag:s9] =	ssyncset.done @!p0 $0x0  }
0x23e: {  	s0 =	simm.s32 @!p0 $0x100;
	[sflag:s9] =	ssyncadd.s32 @!p0 $0xFFFFFFC0;
	s9 =	simm.s32 @!p0 $0x5000  }
0x23f: {  	[tilespmem:s9], [sflag:$0xD] =	stream.indirect.gather @!p0 [hbm4b:s1+s7], $0x80, s0, s7, $0xb8;
	[tilespmem:$0x1F000] =	vst v63  }
0x240: {  	s0 =	simm.s32 @!p0 $0x13  }
0x241: {  	_ =	swait.ge @!p0 [sflag:s0], $0x2000  }
0x242: {  	[sflag:s0] =	ssyncset.done @!p0 $0x0  }
0x243: {  	s28 =	simm.s32 $0x4;
	[sflag:s0] =	ssyncadd.s32 @!p0 $0xFFFFE000  }
0x244: {  	_ =	swait.ge [sflag:s28], $0x40  }
0x245: {  	[sflag:s28] =	ssyncset.done $0x0  }
0x246: {  	[sflag:s28] =	ssyncadd.s32 $0xFFFFFFC0  }
0x247: {  	_ =	swait.ge [sflag:s28], $0x40  }
0x248: {  	s29 =	simm.s32 $0x180;
	[sflag:s28] =	ssyncset.done $0x0  }
0x249: {  	s8 =	simm.s32 $0x7000;
	s0 =	simm.s32 @p0 $0x5;
	[sflag:s28] =	ssyncadd.s32 $0xFFFFFFC0  }
0x24a: {  	[tilespmem:s8], [sflag:$0xE] =	stream.indirect.gather [hbm4b:s1+s25], $0x80, s29, s25, $0xb8;
	[tilespmem:$0x1F000] =	vst v63  }
0x24b: {  	_ =	swait.ge @p0 [sflag:s0], $0x40  }
0x24c: {  	[sflag:s0] =	ssyncset.done @p0 $0x0  }
0x24d: {  	[sflag:s0] =	ssyncadd.s32 @p0 $0xFFFFFFC0  }
0x24e: {  	_ =	swait.ge @p0 [sflag:s0], $0x40  }
0x24f: {  	[sflag:s0] =	ssyncset.done @p0 $0x0  }
0x250: {  	s9 =	simm.s32 @p0 $0x200;
	[sflag:s0] =	ssyncadd.s32 @p0 $0xFFFFFFC0;
	s0 =	simm.s32 @p0 $0x9000  }
0x251: {  	[tilespmem:s0], [sflag:$0xF] =	stream.indirect.gather @p0 [hbm4b:s1+s6], $0x80, s9, s6, $0xb8;
	[tilespmem:$0x1F000] =	vst v63  }
0x252: {  	s0 =	simm.s32 @!p0 $0x14  }
0x253: {  	_ =	swait.ge @!p0 [sflag:s0], $0x2000  }
0x254: {  	[sflag:s0] =	ssyncset.done @!p0 $0x0  }
0x255: {  	s6 =	simm.s32 @!p0 $0x5;
	[sflag:s0] =	ssyncadd.s32 @!p0 $0xFFFFE000  }
0x256: {  	_ =	swait.ge @!p0 [sflag:s6], $0x40  }
0x257: {  	[sflag:s6] =	ssyncset.done @!p0 $0x0  }
0x258: {  	[sflag:s6] =	ssyncadd.s32 @!p0 $0xFFFFFFC0  }
0x259: {  	_ =	swait.ge @!p0 [sflag:s6], $0x40  }
0x25a: {  	s4 =	sadd.s32 $0xA00, s4;
	s9 =	simm.s32 @!p0 $0x9000;
	[sflag:s6] =	ssyncset.done @!p0 $0x0  }
0x25b: {  	s0 =	simm.s32 @!p0 $0x200;
	[sflag:s6] =	ssyncadd.s32 @!p0 $0xFFFFFFC0;
	s6 =	rddreg [dreg:$0xd]  }
0x25c: {  	[tilespmem:s9], [sflag:$0xF] =	stream.indirect.gather @!p0 [hbm4b:s1+s7], $0x80, s0, s7, $0xb8;
	[tilespmem:$0x1F000] =	vst v63  }
0x25d: {  	s0 =	simm.s32 @!p0 $0x280;
	s6 =	sadd.s32 @!p0 s4, s6  }
0x25e: {  	[tilespmem:s0], [sflag:$0x6] =	stream.linear.gather @!p0 [hbm4b:s6+s5], $0x40, $0x38;
	[tilespmem:$0x1F000] =	vst v63  }
0x25f: {  	s0 =	rddreg [dreg:$0xc];
	s6 =	simm.s32 @!p0 $0xA80  }
0x260: {  	[tilespmem:s6], [sflag:$0x6] =	stream.linear.gather @!p0 [hbm4b:s31+s5], $0x40, $0x38;
	[tilespmem:$0x1F000] =	vst v63  }
0x261: {  	s0 =	sadd.s32 @!p0 s4, s0;
	s6 =	simm.s32 @!p0 $0x300  }
0x262: {  	[tilespmem:s6], [sflag:$0x7] =	stream.linear.gather @!p0 [hbm4b:s0+s5], $0x40, $0x38;
	[tilespmem:$0x1F000] =	vst v63  }
0x263: {  	s0 =	rddreg [dreg:$0xb];
	s6 =	simm.s32 @!p0 $0xB00  }
0x264: {  	[tilespmem:s6], [sflag:$0x7] =	stream.linear.gather @!p0 [hbm4b:s23+s5], $0x40, $0x38;
	[tilespmem:$0x1F000] =	vst v63  }
0x265: {  	s0 =	sadd.s32 @!p0 s4, s0;
	s6 =	simm.s32 @!p0 $0x380  }
0x266: {  	[tilespmem:s6], [sflag:$0x8] =	stream.linear.gather @!p0 [hbm4b:s0+s5], $0x40, $0x38;
	[tilespmem:$0x1F000] =	vst v63  }
0x267: {  	s0 =	rddreg [dreg:$0xa];
	s6 =	simm.s32 @!p0 $0xB80  }
0x268: {  	[tilespmem:s6], [sflag:$0x8] =	stream.linear.gather @!p0 [hbm4b:s22+s5], $0x40, $0x38;
	[tilespmem:$0x1F000] =	vst v63  }
0x269: {  	s0 =	sadd.s32 @!p0 s4, s0;
	s6 =	simm.s32 @!p0 $0x400  }
0x26a: {  	[tilespmem:s6], [sflag:$0x9] =	stream.linear.gather @!p0 [hbm4b:s0+s5], $0x40, $0x38;
	[tilespmem:$0x1F000] =	vst v63  }
0x26b: {  	s0 =	rddreg [dreg:$0x9];
	s6 =	simm.s32 @!p0 $0xC00  }
0x26c: {  	[tilespmem:s6], [sflag:$0x9] =	stream.linear.gather @!p0 [hbm4b:s21+s5], $0x40, $0x38;
	[tilespmem:$0x1F000] =	vst v63  }
0x26d: {  	s0 =	sadd.s32 @!p0 s4, s0;
	s6 =	simm.s32 @!p0 $0x480  }
0x26e: {  	[tilespmem:s6], [sflag:$0xA] =	stream.linear.gather @!p0 [hbm4b:s0+s5], $0x40, $0x38;
	[tilespmem:$0x1F000] =	vst v63  }
0x26f: {  	s11 =	simm.s32 $0xB;
	s0 =	simm.s32 @!p0 $0xC80  }
0x270: {  	[tilespmem:s0], [sflag:$0xA] =	stream.linear.gather @!p0 [hbm4b:s20+s5], $0x40, $0x38;
	[tilespmem:$0x1F000] =	vst v63  }
0x271: {  	_ =	swait.ge [sflag:s11], $0x2000  }
0x272: {  	s30 =	simm.s32 $0x800;
	[sflag:s11] =	ssyncset.done $0x0  }
0x273: {  	s15 =	simm.s32 $0x1000;
	s16 =	simm.s32 $0xC;
	[sflag:s11] =	ssyncadd.s32 $0xFFFFE000  }
0x274: {  	[spmem:s2] =	stream.indirect.scatter.add.f32 [tilespmem:s15], [sflag:$0x10], $0x80, s30, s25, $0xb8;
	[tilespmem:$0x1F000] =	vst v63  }
0x275: {  	_ =	swait.ge [sflag:s16], $0x2000  }
0x276: {  	[sflag:s16] =	ssyncset.done $0x0  }
0x277: {  	s18 =	simm.s32 $0xD;
	s31 =	simm.s32 $0x880;
	[sflag:s16] =	ssyncadd.s32 $0xFFFFE000  }
0x278: {  	[spmem:s2] =	stream.indirect.scatter.add.f32 [tilespmem:s3], [sflag:$0x11], $0x80, s31, s25, $0xb8;
	[tilespmem:$0x1F000] =	vst v63  }
0x279: {  	_ =	swait.ge [sflag:s18], $0x2000  }
0x27a: {  	s10 =	simm.s32 $0xE;
	[sflag:s18] =	ssyncset.done $0x0  }
0x27b: {  	s5 =	simm.s32 $0x900;
	s20 =	simm.s32 $0x5000;
	[sflag:s18] =	ssyncadd.s32 $0xFFFFE000  }
0x27c: {  	[spmem:s2] =	stream.indirect.scatter.add.f32 [tilespmem:s20], [sflag:$0x12], $0x80, s5, s25, $0xb8;
	[tilespmem:$0x1F000] =	vst v63  }
0x27d: {  	_ =	swait.ge [sflag:s10], $0x2000  }
0x27e: {  	[sflag:s10] =	ssyncset.done $0x0  }
0x27f: {  	s6 =	simm.s32 $0x980;
	[sflag:s10] =	ssyncadd.s32 $0xFFFFE000  }
0x280: {  	[spmem:s2] =	stream.indirect.scatter.add.f32 [tilespmem:s8], [sflag:$0x13], $0x80, s6, s25, $0xb8;
	[tilespmem:$0x1F000] =	vst v63  }
0x281: {  	_ =	swait.ge [sflag:s12], $0x2000  }
0x282: {  	[sflag:s12] =	ssyncset.done $0x0  }
0x283: {  	s7 =	simm.s32 $0xA00;
	s21 =	simm.s32 $0x10;
	[sflag:s12] =	ssyncadd.s32 $0xFFFFE000  }
0x284: {  	[spmem:s2] =	stream.indirect.scatter.add.f32 [tilespmem:s14], [sflag:$0x14], $0x80, s7, s25, $0xb8;
	[tilespmem:$0x1F000] =	vst v63  }
0x285: {  	_ =	swait.ge [sflag:s21], $0x2000  }
0x286: {  	[sflag:s21] =	ssyncset.done $0x0  }
0x287: {  	s9 =	simm.s32 $0x6;
	[sflag:s21] =	ssyncadd.s32 $0xFFFFE000  }
0x288: {  	_ =	swait.ge [sflag:s9], $0x40  }
0x289: {  	[sflag:s9] =	ssyncset.done $0x0  }
0x28a: {  	[sflag:s9] =	ssyncadd.s32 $0xFFFFFFC0  }
0x28b: {  	_ =	swait.ge [sflag:s9], $0x40  }
0x28c: {  	[sflag:s9] =	ssyncset.done $0x0  }
0x28d: {  	s23 =	simm.s32 $0x11;
	s22 =	simm.s32 $0x280;
	[sflag:s9] =	ssyncadd.s32 $0xFFFFFFC0  }
0x28e: {  	[tilespmem:s15], [sflag:$0xB] =	stream.indirect.gather [hbm4b:s1+s25], $0x80, s22, s25, $0xb8;
	[tilespmem:$0x1F000] =	vst v63  }
0x28f: {  	_ =	swait.ge [sflag:s23], $0x2000  }
0x290: {  	[sflag:s23] =	ssyncset.done $0x0  }
0x291: {  	s28 =	simm.s32 $0x7;
	[sflag:s23] =	ssyncadd.s32 $0xFFFFE000  }
0x292: {  	_ =	swait.ge [sflag:s28], $0x40  }
0x293: {  	[sflag:s28] =	ssyncset.done $0x0  }
0x294: {  	[sflag:s28] =	ssyncadd.s32 $0xFFFFFFC0  }
0x295: {  	_ =	swait.ge [sflag:s28], $0x40  }
0x296: {  	[sflag:s28] =	ssyncset.done $0x0  }
0x297: {  	s29 =	simm.s32 $0x300;
	s30 =	simm.s32 $0x12;
	[sflag:s28] =	ssyncadd.s32 $0xFFFFFFC0  }
0x298: {  	[tilespmem:s3], [sflag:$0xC] =	stream.indirect.gather [hbm4b:s1+s25], $0x80, s29, s25, $0xb8;
	[tilespmem:$0x1F000] =	vst v63  }
0x299: {  	_ =	swait.ge [sflag:s30], $0x2000  }
0x29a: {  	[sflag:s30] =	ssyncset.done $0x0  }
0x29b: {  	s31 =	simm.s32 $0x8;
	[sflag:s30] =	ssyncadd.s32 $0xFFFFE000  }
0x29c: {  	_ =	swait.ge [sflag:s31], $0x40  }
0x29d: {  	[sflag:s31] =	ssyncset.done $0x0  }
0x29e: {  	[sflag:s31] =	ssyncadd.s32 $0xFFFFFFC0  }
0x29f: {  	_ =	swait.ge [sflag:s31], $0x40  }
0x2a0: {  	[sflag:s31] =	ssyncset.done $0x0  }
0x2a1: {  	s24 =	simm.s32 $0x13;
	s5 =	simm.s32 $0x380;
	[sflag:s31] =	ssyncadd.s32 $0xFFFFFFC0  }
0x2a2: {  	[tilespmem:s20], [sflag:$0xD] =	stream.indirect.gather [hbm4b:s1+s25], $0x80, s5, s25, $0xb8;
	[tilespmem:$0x1F000] =	vst v63  }
0x2a3: {  	_ =	swait.ge [sflag:s24], $0x2000  }
0x2a4: {  	[sflag:s24] =	ssyncset.done $0x0  }
0x2a5: {  	s6 =	simm.s32 $0x9;
	[sflag:s24] =	ssyncadd.s32 $0xFFFFE000  }
0x2a6: {  	_ =	swait.ge [sflag:s6], $0x40  }
0x2a7: {  	[sflag:s6] =	ssyncset.done $0x0  }
0x2a8: {  	[sflag:s6] =	ssyncadd.s32 $0xFFFFFFC0  }
0x2a9: {  	_ =	swait.ge [sflag:s6], $0x40  }
0x2aa: {  	[sflag:s6] =	ssyncset.done $0x0  }
0x2ab: {  	s26 =	simm.s32 $0x14;
	s7 =	simm.s32 $0x400;
	[sflag:s6] =	ssyncadd.s32 $0xFFFFFFC0  }
0x2ac: {  	[tilespmem:s8], [sflag:$0xE] =	stream.indirect.gather [hbm4b:s1+s25], $0x80, s7, s25, $0xb8;
	[tilespmem:$0x1F000] =	vst v63  }
0x2ad: {  	_ =	swait.ge [sflag:s26], $0x2000  }
0x2ae: {  	[sflag:s26] =	ssyncset.done $0x0  }
0x2af: {  	[sflag:s26] =	ssyncadd.s32 $0xFFFFE000  }
0x2b0: {  	_ =	swait.ge [sflag:s17], $0x40  }
0x2b1: {  	[sflag:s17] =	ssyncset.done $0x0  }
0x2b2: {  	[sflag:s17] =	ssyncadd.s32 $0xFFFFFFC0  }
0x2b3: {  	_ =	swait.ge [sflag:s17], $0x40  }
0x2b4: {  	p0 =	seq.s32 s19, $0x4B00;
	[sflag:s17] =	ssyncset.done $0x0;
	s0 =	rddreg [dreg:$0x8]  }
0x2b5: {  	s9 =	simm.s32 $0x480;
	s7 =	rddreg [dreg:$0xe];
	[sflag:s17] =	ssyncadd.s32 $0xFFFFFFC0  }
0x2b6: {  	[tilespmem:s14], [sflag:$0xF] =	stream.indirect.gather [hbm4b:s1+s25], $0x80, s9, s25, $0xb8;
	[tilespmem:$0x1F000] =	vst v63  }
0x2b7: {  	s5 =	simm.s32 @!p0 $0x0;
	s7 =	sadd.s32 @!p0 s19, s7;
	s0 =	sadd.s32 @!p0 s4, s0  }
0x2b8: {  	[tilespmem:s5], [sflag:$0x1] =	stream.linear.gather @!p0 [hbm4b:s0+s5], $0x40, $0x38;
	[tilespmem:$0x1F000] =	vst v63  }
0x2b9: {  	s6 =	rddreg [dreg:$0x7];
	s9 =	simm.s32 @!p0 $0x800;
	s0 =	sadd.s32 @!p0 $0x500, s7  }
0x2ba: {  	[tilespmem:s9], [sflag:$0x1] =	stream.linear.gather @!p0 [hbm4b:s0+s5], $0x40, $0x38;
	[tilespmem:$0x1F000] =	vst v63  }
0x2bb: {  	s0 =	sadd.s32 @!p0 s4, s6;
	s6 =	simm.s32 @!p0 $0x80  }
0x2bc: {  	[tilespmem:s6], [sflag:$0x2] =	stream.linear.gather @!p0 [hbm4b:s0+s5], $0x40, $0x38;
	[tilespmem:$0x1F000] =	vst v63  }
0x2bd: {  	s9 =	rddreg [dreg:$0x6];
	s0 =	sadd.s32 @!p0 $0x580, s7;
	s6 =	simm.s32 @!p0 $0x880  }
0x2be: {  	[tilespmem:s6], [sflag:$0x2] =	stream.linear.gather @!p0 [hbm4b:s0+s5], $0x40, $0x38;
	[tilespmem:$0x1F000] =	vst v63  }
0x2bf: {  	s0 =	sadd.s32 @!p0 s4, s9;
	s6 =	simm.s32 @!p0 $0x100  }
0x2c0: {  	[tilespmem:s6], [sflag:$0x3] =	stream.linear.gather @!p0 [hbm4b:s0+s5], $0x40, $0x38;
	[tilespmem:$0x1F000] =	vst v63  }
0x2c1: {  	s9 =	rddreg [dreg:$0x5];
	s0 =	sadd.s32 @!p0 $0x600, s7;
	s6 =	simm.s32 @!p0 $0x900  }
0x2c2: {  	[tilespmem:s6], [sflag:$0x3] =	stream.linear.gather @!p0 [hbm4b:s0+s5], $0x40, $0x38;
	[tilespmem:$0x1F000] =	vst v63  }
0x2c3: {  	s0 =	sadd.s32 @!p0 s4, s9;
	s6 =	simm.s32 @!p0 $0x180  }
0x2c4: {  	[tilespmem:s6], [sflag:$0x4] =	stream.linear.gather @!p0 [hbm4b:s0+s5], $0x40, $0x38;
	[tilespmem:$0x1F000] =	vst v63  }
0x2c5: {  	s9 =	rddreg [dreg:$0x4];
	s0 =	sadd.s32 @!p0 $0x680, s7;
	s6 =	simm.s32 @!p0 $0x980  }
0x2c6: {  	[tilespmem:s6], [sflag:$0x4] =	stream.linear.gather @!p0 [hbm4b:s0+s5], $0x40, $0x38;
	[tilespmem:$0x1F000] =	vst v63  }
0x2c7: {  	s0 =	sadd.s32 @!p0 s4, s9;
	s4 =	simm.s32 @!p0 $0x200  }
0x2c8: {  	[tilespmem:s4], [sflag:$0x5] =	stream.linear.gather @!p0 [hbm4b:s0+s5], $0x40, $0x38;
	[tilespmem:$0x1F000] =	vst v63  }
0x2c9: {  	s0 =	sadd.s32 @!p0 $0x700, s7;
	s4 =	simm.s32 @!p0 $0xA00  }
0x2ca: {  	[tilespmem:s4], [sflag:$0x5] =	stream.linear.gather @!p0 [hbm4b:s0+s5], $0x40, $0x38;
	[tilespmem:$0x1F000] =	vst v63  }
0x2cb: {  	_ =	swait.ge [sflag:s11], $0x2000  }
0x2cc: {  	[sflag:s11] =	ssyncset.done $0x0  }
0x2cd: {  	[sflag:s11] =	ssyncadd.s32 $0xFFFFE000;
	s11 =	simm.s32 $0xA80  }
0x2ce: {  	[spmem:s2] =	stream.indirect.scatter.add.f32 [tilespmem:s15], [sflag:$0x10], $0x80, s11, s25, $0xb8;
	[tilespmem:$0x1F000] =	vst v63  }
0x2cf: {  	_ =	swait.ge [sflag:s16], $0x2000  }
0x2d0: {  	[sflag:s16] =	ssyncset.done $0x0  }
0x2d1: {  	[sflag:s16] =	ssyncadd.s32 $0xFFFFE000;
	s16 =	simm.s32 $0xB00  }
0x2d2: {  	[spmem:s2] =	stream.indirect.scatter.add.f32 [tilespmem:s3], [sflag:$0x11], $0x80, s16, s25, $0xb8;
	[tilespmem:$0x1F000] =	vst v63  }
0x2d3: {  	_ =	swait.ge [sflag:s18], $0x2000  }
0x2d4: {  	[sflag:s18] =	ssyncset.done $0x0  }
0x2d5: {  	s19 =	simm.s32 $0xB80;
	[sflag:s18] =	ssyncadd.s32 $0xFFFFE000  }
0x2d6: {  	[spmem:s2] =	stream.indirect.scatter.add.f32 [tilespmem:s20], [sflag:$0x12], $0x80, s19, s25, $0xb8;
	[tilespmem:$0x1F000] =	vst v63  }
0x2d7: {  	_ =	swait.ge [sflag:s10], $0x2000  }
0x2d8: {  	[sflag:s10] =	ssyncset.done $0x0  }
0x2d9: {  	s20 =	simm.s32 $0xC00;
	[sflag:s10] =	ssyncadd.s32 $0xFFFFE000  }
0x2da: {  	[spmem:s2] =	stream.indirect.scatter.add.f32 [tilespmem:s8], [sflag:$0x13], $0x80, s20, s25, $0xb8;
	[tilespmem:$0x1F000] =	vst v63  }
0x2db: {  	_ =	swait.ge [sflag:s12], $0x2000  }
0x2dc: {  	[sflag:s12] =	ssyncset.done $0x0  }
0x2dd: {  	[sflag:s12] =	ssyncadd.s32 $0xFFFFE000  }
0x2de: {  	[spmem:s2] =	stream.indirect.scatter.add.f32 [tilespmem:s14], [sflag:$0x14], $0x80, s13, s25, $0xb8;
	[tilespmem:$0x1F000] =	vst v63  }
0x2df: {  	_ =	swait.ge [sflag:s21], $0x2000  }
0x2e0: {  	[sflag:s21] =	ssyncset.done $0x0  }
0x2e1: {  	[sflag:s21] =	ssyncadd.s32 $0xFFFFE000  }
0x2e2: {  	_ =	swait.ge [sflag:s23], $0x2000  }
0x2e3: {  	[sflag:s23] =	ssyncset.done $0x0  }
0x2e4: {  	[sflag:s23] =	ssyncadd.s32 $0xFFFFE000  }
0x2e5: {  	_ =	swait.ge [sflag:s30], $0x2000  }
0x2e6: {  	[sflag:s30] =	ssyncset.done $0x0  }
0x2e7: {  	[sflag:s30] =	ssyncadd.s32 $0xFFFFE000  }
0x2e8: {  	_ =	swait.ge [sflag:s24], $0x2000  }
0x2e9: {  	[sflag:s24] =	ssyncset.done $0x0  }
0x2ea: {  	[sflag:s24] =	ssyncadd.s32 $0xFFFFE000  }
0x2eb: {  	_ =	swait.ge [sflag:s26], $0x2000  }
0x2ec: {  	[sflag:s26] =	ssyncset.done $0x0  }
0x2ed: {  	[sflag:s26] =	ssyncadd.s32 $0xFFFFE000  }
0x2ee: {  	[bflag:$0x0] =	sbarrier.arrive $0xFFFF  }
0x2ef: {  	s28 =	sld [smem:$0x7FC]  }
0x2f0: {  	s29 =	sld [smem:$0x7F5];
	_ =	sdelay $0x1  }
0x2f1: {  	s4 =	simm.s32 $0x15;
	s6 =	rddreg [dreg:$0x1b]  }
0x2f2: {  	[hbm:s28], [sflag:s6] =	dma.local [spmem:s29], $0x2800  }
0x2f3: {  	_ =	swait.ge [sflag:s4], $0x2800  }
0x2f4: {  	s30 =	sld [smem:$0x7F4]  }
0x2f5: {  	s31 =	sld [smem:$0x7FD];
	_ =	sdelay $0x1  }
0x2f6: {  	s3 =	sadd.s32 $0x1, s30  }
0x2f7: {  	p0 =	sne.s32 s3, s31  }
.Ltmp1:
0x2f8: {  	_ = 	snop;
	(pc) =	sbr.rel @p0 .LBB2_1-.Ltmp1, $3  }
0x2f9: {  	_ =	sdelay $0x1  }
0x2fa: {  	[sflag:s4] =	ssyncset.done $0x0  }
0x2fb: {  	[sflag:s4] =	ssyncadd.s32 $0xFFFFD800  }
0x2fc: {  	_ =	sfence.sel $0x180000  }
0x2fd: {  	[bflag:$0x0] =	sbarrier.arrive $0xFFFF  }
0x2fe: {  	_ =	strace $0x90000047  }
0x2ff: {  	s0 =	stileid.u32;
	[bflag:$0x2] =	sbarrier.arrive $0xFFFF  }
0x300: {  	p0 =	sne.s32 s0, $0x0;
	s0 =	rddreg [dreg:$0x3]  }
0x301: {  	s0 =	sadd.s32 @!p0 $0x100000, s0  }
0x302: {  	[sflag:s0] =	ssyncadd.tile.s32 @!p0 $0x1;
	_ =	shalt  }
.Lfunc_end2:
_tile_overlayer_lowered:
.L_overlay_start_2:
0x303: {  	(tag) =	ssettag $0x2  }
0x304: {  	s0 =	rddreg [dreg:$0x0];
	s2 =	stileid.u32  }
0x305: {  	s1 =	rddreg [dreg:$0x1];
	p0 =	sne.s32 s2, $0x0  }
0x306: {  	s3 =	rddreg [dreg:$0x2];
	[bflag:$0x3] =	sbarrier.arrive $0xFFFF;
	s2 =	simm.s32 @!p0 $0x1C15  }
0x307: {  	[timem:s3], [sflag:s2] =	dma.local @!p0 [hbm:s0], s1  }
0x308: {  	s0 =	simm.s32 @!p0 $0x15  }
0x309: {  	_ =	swait.ge @!p0 [sflag:s0], s1  }
0x30a: {  	s1 =	ssub.s32 @!p0 $0x0, s1;
	[sflag:s0] =	ssyncset.done @!p0 $0x0  }
0x30b: {  	[sflag:s0] =	ssyncadd.s32 @!p0 s1  }
0x30c: {  	[bflag:$0x3] =	sbarrier.arrive $0xFFFF  }
0x30d: {  	_ =	shalt  }

</sc_bundles>
